<compile_context>
chip_gen: v7x
topology: tpu7x:2x2x1
jax: 0.10.2.dev20260603
libtpu: 0.0.44.dev20260713+nightly
codegen_flags: <defaults>
</compile_context>

<pallas_src>
import functools

import jax
import jax.numpy as jnp
from jax import lax
from jax.experimental import pallas as pl
from jax.experimental.pallas import tpu as pltpu
from jax.experimental.pallas import tpu_sc as plsc

N_BLK = 256

_SC_NC = 2
_SC_NS = 16
_SC_CH = 128


def _seg_sum_sc_build(n_nodes, n_edges, h):
    mesh = plsc.VectorSubcoreMesh(core_axis_name="c", subcore_axis_name="s")
    n_chunks = n_edges // _SC_CH
    n_g = (n_chunks + _SC_NS - 1) // _SC_NS
    half = n_nodes // _SC_NC
    acc_rows = half // 8 * 8 + 128
    dump = acc_rows - 8
    stripe = (half // _SC_NS) // 8 * 8
    tail = half - _SC_NS * stripe
    zstripe = acc_rows // _SC_NS // 8 * 8
    ztail = acc_rows - _SC_NS * zstripe

    @functools.partial(
        pl.kernel, mesh=mesh,
        out_type=jax.ShapeDtypeStruct((n_nodes, h), jnp.float32),
        scratch_types=[
            pltpu.VMEM((_SC_CH,), jnp.int32),
            pltpu.VMEM((_SC_CH,), jnp.int32),
            pltpu.VMEM((_SC_CH,), jnp.int32),
            pltpu.VMEM((_SC_CH, 16), jnp.float32),
            pltpu.VMEM((_SC_CH, h), jnp.float32),
            pltpu.VMEM((16, h), jnp.float32),
            pltpu.VMEM_SHARED((acc_rows, h), jnp.float32),
            pltpu.SemaphoreType.DMA,
            pltpu.SemaphoreType.DMA,
        ],
    )
    def seg_sum(f_hbm, src_hbm, dst_hbm, w_hbm, out_hbm,
                src_v, dst_v, dsti_v, w_v, rows_v, zrow_v, acc_sh, sem, sem2):
        c = lax.axis_index("c")
        s = lax.axis_index("s")
        lo = c * half
        zv = jnp.zeros((16,), jnp.float32)
        for r16 in range(16):
            for j in range(h // 16):
                zrow_v[r16, pl.ds(j * 16, 16)] = zv

        def _zero(i, carry):
            pltpu.sync_copy(zrow_v, acc_sh.at[pl.ds(s * zstripe + i * 16, 16)])
            return carry

        lax.fori_loop(0, zstripe // 16, _zero, 0)

        @pl.when(s == _SC_NS - 1)
        def _():
            for t16 in range(ztail // 16):
                pltpu.sync_copy(
                    zrow_v,
                    acc_sh.at[pl.ds(_SC_NS * zstripe + t16 * 16, 16)])

        plsc.subcore_barrier()

        def _chunk(g, carry):
            cid = g * _SC_NS + s

            @pl.when(cid < n_chunks)
            def _():
                base = cid * _SC_CH
                a1 = pltpu.async_copy(src_hbm.at[pl.ds(base, _SC_CH)], src_v,
                                      sem)
                a2 = pltpu.async_copy(dst_hbm.at[pl.ds(base, _SC_CH)], dst_v,
                                      sem)
                a3 = pltpu.async_copy(w_hbm.at[pl.ds(base, _SC_CH)], w_v, sem)
                a1.wait()
                g_cp = pltpu.async_copy(f_hbm.at[src_v], rows_v, sem2)
                a2.wait()
                a3.wait()
                for b in range(_SC_CH // 16):
                    sl = pl.ds(b * 16, 16)
                    dl = dst_v[sl] - lo
                    inb = (dl >= 0) & (dl < half)
                    dsti_v[sl] = jnp.where(inb, dl, dump)
                g_cp.wait()

                def _wmul(e, wcarry):
                    wb = w_v[e]
                    for j in range(h // 16):
                        wsl = pl.ds(j * 16, 16)
                        rows_v[e, wsl] = rows_v[e, wsl] * wb
                    return wcarry

                lax.fori_loop(0, _SC_CH, _wmul, 0)
                pltpu.sync_copy(rows_v, acc_sh.at[dsti_v], add=True)

            return carry

        lax.fori_loop(0, n_g, _chunk, 0)
        plsc.subcore_barrier()
        pltpu.sync_copy(acc_sh.at[pl.ds(s * stripe, stripe)],
                        out_hbm.at[pl.ds(lo + s * stripe, stripe)])

        @pl.when(s == _SC_NS - 1)
        def _():
            pltpu.sync_copy(
                acc_sh.at[pl.ds(_SC_NS * stripe, tail)],
                out_hbm.at[pl.ds(lo + _SC_NS * stripe, tail)])

    return seg_sum


def _seg_sum_sc(f, src, dst, w):
    n_nodes, h = f.shape
    n_edges = src.shape[0]
    w16 = jnp.broadcast_to(w[:, None], (n_edges, 16))
    fn = _seg_sum_sc_build(n_nodes, n_edges, h)
    return fn(f, src, dst, w16)


def _prompt_body(f_ref, pt_ref, gt_ref, pre_ref, cw_ref, o_ref):
    f = f_ref[...]
    pt = pt_ref[...]
    x = jax.nn.relu(pt * f)
    x = gt_ref[...] * x
    x1 = pre_ref[...] * f
    hid = cw_ref[0, 0] * x + cw_ref[0, 1] * x1
    o_ref[...] = jnp.where(hid > 0, hid, jnp.exp(jnp.minimum(hid, 0.0)) - 1.0)


def _prompt_stage(features, pt, global_token, pre_token, combine_weight):
    n, h = features.shape
    grid = (pl.cdiv(n, N_BLK),)
    return pl.pallas_call(
        _prompt_body,
        grid=grid,
        in_specs=[
            pl.BlockSpec((N_BLK, h), lambda i: (i, 0)),
            pl.BlockSpec((1, h), lambda i: (0, 0)),
            pl.BlockSpec((1, h), lambda i: (0, 0)),
            pl.BlockSpec((1, h), lambda i: (0, 0)),
            pl.BlockSpec((1, 2), lambda i: (0, 0), memory_space=pltpu.SMEM),
        ],
        out_specs=pl.BlockSpec((N_BLK, h), lambda i: (i, 0)),
        out_shape=jax.ShapeDtypeStruct((n, h), jnp.float32),
    )(features, pt, global_token, pre_token, combine_weight)


def _znorm_body(f1_ref, agg_ref, bt_ref, z_ref):
    r = jnp.concatenate([f1_ref[...], agg_ref[...]], axis=1) * bt_ref[...]
    nrm = jnp.sqrt(jnp.sum(r * r, axis=1, keepdims=True))
    z_ref[...] = r / (nrm + 1e-8)


def _znorm_stage(features1, agg, balance_token, n_pad):
    n, h = features1.shape
    grid = (pl.cdiv(n_pad, N_BLK),)
    return pl.pallas_call(
        _znorm_body,
        grid=grid,
        in_specs=[
            pl.BlockSpec((N_BLK, h), lambda i: (i, 0)),
            pl.BlockSpec((N_BLK, h), lambda i: (i, 0)),
            pl.BlockSpec((1, 2 * h), lambda i: (0, 0)),
        ],
        out_specs=pl.BlockSpec((N_BLK, 2 * h), lambda i: (i, 0)),
        out_shape=jax.ShapeDtypeStruct((n_pad, 2 * h), jnp.float32),
    )(features1, agg, balance_token)


def _simtopk_body(n_valid_ref, zb_ref, zall_ref, vals_ref, idx_ref, cur_ref,
                  *, k, n_pad):
    rblk = zb_ref.shape[0]
    sim = jax.lax.dot_general(
        zb_ref[...], zall_ref[...], (((1,), (1,)), ((), ())),
        preferred_element_type=jnp.float32, precision=jax.lax.Precision.DEFAULT)
    ii = jax.lax.broadcasted_iota(jnp.int32, (rblk, n_pad), 1)
    n_valid = n_valid_ref[0]
    cur_ref[...] = jnp.where(ii < n_valid, sim, -jnp.inf)
    vals_l, idx_l = [], []
    v = cur_ref[...]
    m = jnp.max(v, axis=1)
    am = jnp.min(jnp.where(v == m[:, None], ii, n_pad), axis=1)
    vals_l.append(m)
    idx_l.append(am)
    for _ in range(k - 1):
        v = jnp.where(ii == am[:, None], -jnp.inf, cur_ref[...])
        cur_ref[...] = v
        m = jnp.max(v, axis=1)
        am = jnp.min(jnp.where(v == m[:, None], ii, n_pad), axis=1)
        vals_l.append(m)
        idx_l.append(am)
    vals = jnp.stack(vals_l, axis=1)
    idx = jnp.stack(idx_l, axis=1)
    vals = jax.nn.relu(vals)
    vals = vals / (jnp.sum(vals, axis=1, keepdims=True) + 1e-8)
    vals_ref[...] = vals
    idx_ref[...] = idx


def _simtopk_stage(z, n_valid, k=10, rblk=256):
    n_pad, h2 = z.shape
    grid = (n_pad // rblk,)
    nv = jnp.full((1,), n_valid, dtype=jnp.int32)
    return pl.pallas_call(
        functools.partial(_simtopk_body, k=k, n_pad=n_pad),
        grid=grid,
        in_specs=[
            pl.BlockSpec(memory_space=pltpu.SMEM),
            pl.BlockSpec((rblk, h2), lambda i: (i, 0)),
            pl.BlockSpec((n_pad, h2), lambda i: (0, 0)),
        ],
        out_specs=[
            pl.BlockSpec((rblk, k), lambda i: (i, 0)),
            pl.BlockSpec((rblk, k), lambda i: (i, 0)),
        ],
        out_shape=[
            jax.ShapeDtypeStruct((n_pad, k), jnp.float32),
            jax.ShapeDtypeStruct((n_pad, k), jnp.int32),
        ],
        scratch_shapes=[pltpu.VMEM((rblk, n_pad), jnp.float32)],
    )(nv, z, z)


def kernel(features, adj_indices, adj_values, down_k, tokens, wp_weight,
           global_token, pre_token, combine_weight, balance_token,
           W1, b1, W2, b2):
    n = features.shape[0]
    src = adj_indices[0]
    dst = adj_indices[1]
    pt = wp_weight @ tokens
    features1 = _prompt_stage(features, pt, global_token, pre_token,
                              combine_weight)

    agg = _seg_sum_sc(features1, src, dst, adj_values)
    n_pad = 10240
    f1_pad = jnp.pad(features1, ((0, n_pad - n), (0, 0)))
    agg_pad = jnp.pad(agg, ((0, n_pad - n), (0, 0)))
    z = _znorm_stage(f1_pad, agg_pad, balance_token, n_pad)
    vals, idx = _simtopk_stage(z, n)
    vals = vals[:n]
    idx = idx[:n]
    alpha = 0.5

    def spmm_re(h):
        return jnp.sum(vals[:, :, None] * h[idx], axis=1)

    h1 = jax.nn.relu((alpha * agg + (1.0 - alpha) * spmm_re(features1)) @ W1 + b1)
    h1W2 = h1 @ W2
    h1W2_p = jnp.pad(h1W2, ((0, 0), (0, 128 - h1W2.shape[1])))
    agg2 = _seg_sum_sc(h1W2_p, src, dst, adj_values)[:, :h1W2.shape[1]]
    out = alpha * agg2 + (1.0 - alpha) * spmm_re(h1W2) + b2
    return out

# --- scband reference (transcript-rebuilt; emitter-appended) ---
"""Pipeline reference for scband-down-model-11888469475771 (READ-ONLY COPY).

The authoritative reference and input builder live on the scoring server;
editing this copy changes nothing except your own understanding.
"""

import jax, jax.numpy as jnp
import numpy as np

N_NODES = 10000
N_EDGES = 320000
HIDDEN = 128
NUM_TOKENS = 4
NUM_CLASSES = 7
DOWN_K = 10


def setup_inputs(seed: int = 0):
    key = jax.random.key(seed)
    ks = jax.random.split(key, 12)
    features = jax.random.normal(ks[0], (N_NODES, HIDDEN), dtype=jnp.float32)
    adj_indices = jax.random.randint(ks[1], (2, N_EDGES), 0, N_NODES)
    adj_values = jax.random.uniform(ks[2], (N_EDGES,), dtype=jnp.float32)
    tokens = jax.random.normal(ks[3], (NUM_TOKENS, HIDDEN), dtype=jnp.float32) * 0.1
    wp_weight = jax.random.normal(ks[4], (1, NUM_TOKENS), dtype=jnp.float32) * 0.5
    global_token = jax.random.normal(ks[5], (1, HIDDEN), dtype=jnp.float32) * 0.1
    pre_token = jax.random.normal(ks[6], (1, HIDDEN), dtype=jnp.float32) * 0.1
    combine_weight = jnp.full((1, 2), 0.5, dtype=jnp.float32)
    balance_token = jax.random.normal(ks[7], (1, 2 * HIDDEN), dtype=jnp.float32) * 0.1
    W1 = jax.random.normal(ks[8], (HIDDEN, HIDDEN), dtype=jnp.float32) * (1.0 / np.sqrt(HIDDEN))
    b1 = jnp.zeros((HIDDEN,), dtype=jnp.float32)
    W2 = jax.random.normal(ks[9], (HIDDEN, NUM_CLASSES), dtype=jnp.float32) * (1.0 / np.sqrt(HIDDEN))
    b2 = jnp.zeros((NUM_CLASSES,), dtype=jnp.float32)
    return {"features": features, "adj_indices": adj_indices, "adj_values": adj_values, "down_k": DOWN_K, "tokens": tokens, "wp_weight": wp_weight, "global_token": global_token, "pre_token": pre_token, "combine_weight": combine_weight, "balance_token": balance_token, "W1": W1, "b1": b1, "W2": W2, "b2": b2}


def reference(features, adj_indices, adj_values, down_k, tokens, wp_weight, global_token, pre_token, combine_weight, balance_token, W1, b1, W2, b2):
    n = features.shape[0]
    src = adj_indices[0]
    dst = adj_indices[1]
    # PrePrompt: WeightedPrompt -> elementwise prompt -> CombinePrompt
    pt = wp_weight @ tokens  # [1, H]
    x = jax.nn.relu(pt * features)
    x = global_token * x
    x1 = pre_token * features  # TokenPrompt: learned token elementwise scale
    hid = combine_weight[0, 0] * x + combine_weight[0, 1] * x1
    features1 = jax.nn.elu(hid)
    # sparse mm: adj @ features1 (scatter-add over edges)
    agg = jax.ops.segment_sum(adj_values[:, None] * features1[src], dst, num_segments=n)
    reseq1 = jnp.concatenate([features1, agg], axis=1)
    reseq111 = balance_token * reseq1  # TokenPrompt(2*hidden)
    # StructureLearner.graph_process: cosine-sim kNN graph, row-normalized
    z = reseq111 / (jnp.linalg.norm(reseq111, axis=1, keepdims=True) + 1e-8)
    sim = z @ z.T
    sim = sim + jnp.zeros((), sim.dtype) * down_k
    _, idx = jax.lax.top_k(sim, DOWN_K)
    vals = jnp.take_along_axis(sim, idx, axis=1)
    vals = jax.nn.relu(vals)
    vals = vals / (vals.sum(axis=1, keepdims=True) + 1e-8)
    alpha = 0.5

    def spmm_adj(h):
        return jax.ops.segment_sum(adj_values[:, None] * h[src], dst, num_segments=n)

    def spmm_re(h):
        return jnp.sum(vals[:, :, None] * h[idx], axis=1)

    def agg_new(h):
        return alpha * spmm_adj(h) + (1.0 - alpha) * spmm_re(h)

    # 2-layer GCN on (features1, new_adj)
    h1 = jax.nn.relu(agg_new(features1) @ W1 + b1)
    out = agg_new(h1) @ W2 + b2
    return out

if __name__ == "__main__":
    import jax
    _d = setup_inputs()
    print(jax.jit(kernel)(*tuple(_d.values())))

</pallas_src>

<mosaic_0001>
#map = affine_map<(d0, d1) -> (0, 0)>
#map1 = affine_map<(d0, d1) -> (0)>
module attributes {stable_mosaic.version = 14 : i64} {
  func.func @seg_sum(%arg0: i32, %arg1: i32, %arg2: memref<10000x128xf32, #tpu.memory_space<hbm>>, %arg3: memref<320000xi32, #tpu.memory_space<hbm>>, %arg4: memref<320000xi32, #tpu.memory_space<hbm>>, %arg5: memref<320000x16xf32, #tpu.memory_space<hbm>>, %arg6: memref<10000x128xf32, #tpu.memory_space<hbm>>, %arg7: memref<128xi32, #tpu.memory_space<vmem>>, %arg8: memref<128xi32, #tpu.memory_space<vmem>>, %arg9: memref<128xi32, #tpu.memory_space<vmem>>, %arg10: memref<128x16xf32, #tpu.memory_space<vmem>>, %arg11: memref<128x128xf32, #tpu.memory_space<vmem>>, %arg12: memref<16x128xf32, #tpu.memory_space<vmem>>, %arg13: memref<5128x128xf32, #tpu.memory_space<vmem_shared>>, %arg14: memref<!tpu.dma_semaphore, #tpu.memory_space<semaphore_mem>>, %arg15: memref<!tpu.dma_semaphore, #tpu.memory_space<semaphore_mem>>) attributes {dimension_semantics = [#tpu.dimension_semantics<core_parallel>, #tpu.dimension_semantics<subcore_parallel>], iteration_bounds = array<i64: 2, 16>, scalar_prefetch = 0 : i64, scratch_operands = 9 : i64, tpu.core_type = #tpu.core_type<sc_vector_subcore>, window_params = [{transform_indices = #map}, {transform_indices = #map1}, {transform_indices = #map1}, {transform_indices = #map}, {transform_indices = #map}]} {
    %mul3A = arith.constant 5000 : i32
    %mul3A_0 = arith.muli %arg0, %mul3A : i32
    %broadcast_in_dim3A = arith.constant 0.000000e+00 : f32
    %broadcast_in_dim3A_1 = vector.broadcast %broadcast_in_dim3A : f32 to vector<16xf32>
    %swap3A = arith.constant 0 : i32
    %swap3A_2 = arith.index_cast %swap3A : i32 to index
    %swap3A_3 = arith.constant 0 : index
    %swap3A_4 = tpu.vector_load %arg12[%swap3A_2, %swap3A_3] {strides = array<i32>} : memref<16x128xf32, #tpu.memory_space<vmem>>, vector<1x16xf32>,
    %swap3A_5 = vector.shape_cast %swap3A_4 : vector<1x16xf32> to vector<16xf32>
    %swap3A_6 = vector.shape_cast %broadcast_in_dim3A_1 : vector<16xf32> to vector<1x16xf32>
    tpu.vector_store %arg12[%swap3A_2, %swap3A_3], %swap3A_6 {strides = array<i32>} : memref<16x128xf32, #tpu.memory_space<vmem>>, vector<1x16xf32>,
    %swap3A_7 = arith.constant 0 : i32
    %swap3A_8 = arith.index_cast %swap3A_7 : i32 to index
    %swap3A_9 = arith.constant 16 : index
    %swap3A_10 = tpu.vector_load %arg12[%swap3A_8, %swap3A_9] {strides = array<i32>} : memref<16x128xf32, #tpu.memory_space<vmem>>, vector<1x16xf32>,
    %swap3A_11 = vector.shape_cast %swap3A_10 : vector<1x16xf32> to vector<16xf32>
    %swap3A_12 = vector.shape_cast %broadcast_in_dim3A_1 : vector<16xf32> to vector<1x16xf32>
    tpu.vector_store %arg12[%swap3A_8, %swap3A_9], %swap3A_12 {strides = array<i32>} : memref<16x128xf32, #tpu.memory_space<vmem>>, vector<1x16xf32>,
    %swap3A_13 = arith.constant 0 : i32
    %swap3A_14 = arith.index_cast %swap3A_13 : i32 to index
    %swap3A_15 = arith.constant 32 : index
    %swap3A_16 = tpu.vector_load %arg12[%swap3A_14, %swap3A_15] {strides = array<i32>} : memref<16x128xf32, #tpu.memory_space<vmem>>, vector<1x16xf32>,
    %swap3A_17 = vector.shape_cast %swap3A_16 : vector<1x16xf32> to vector<16xf32>
    %swap3A_18 = vector.shape_cast %broadcast_in_dim3A_1 : vector<16xf32> to vector<1x16xf32>
    tpu.vector_store %arg12[%swap3A_14, %swap3A_15], %swap3A_18 {strides = array<i32>} : memref<16x128xf32, #tpu.memory_space<vmem>>, vector<1x16xf32>,
    %swap3A_19 = arith.constant 0 : i32
    %swap3A_20 = arith.index_cast %swap3A_19 : i32 to index
    %swap3A_21 = arith.constant 48 : index
    %swap3A_22 = tpu.vector_load %arg12[%swap3A_20, %swap3A_21] {strides = array<i32>} : memref<16x128xf32, #tpu.memory_space<vmem>>, vector<1x16xf32>,
    %swap3A_23 = vector.shape_cast %swap3A_22 : vector<1x16xf32> to vector<16xf32>
    %swap3A_24 = vector.shape_cast %broadcast_in_dim3A_1 : vector<16xf32> to vector<1x16xf32>
    tpu.vector_store %arg12[%swap3A_20, %swap3A_21], %swap3A_24 {strides = array<i32>} : memref<16x128xf32, #tpu.memory_space<vmem>>, vector<1x16xf32>,
    %swap3A_25 = arith.constant 0 : i32
    %swap3A_26 = arith.index_cast %swap3A_25 : i32 to index
    %swap3A_27 = arith.constant 64 : index
    %swap3A_28 = tpu.vector_load %arg12[%swap3A_26, %swap3A_27] {strides = array<i32>} : memref<16x128xf32, #tpu.memory_space<vmem>>, vector<1x16xf32>,
    %swap3A_29 = vector.shape_cast %swap3A_28 : vector<1x16xf32> to vector<16xf32>
    %swap3A_30 = vector.shape_cast %broadcast_in_dim3A_1 : vector<16xf32> to vector<1x16xf32>
    tpu.vector_store %arg12[%swap3A_26, %swap3A_27], %swap3A_30 {strides = array<i32>} : memref<16x128xf32, #tpu.memory_space<vmem>>, vector<1x16xf32>,
    %swap3A_31 = arith.constant 0 : i32
    %swap3A_32 = arith.index_cast %swap3A_31 : i32 to index
    %swap3A_33 = arith.constant 80 : index
    %swap3A_34 = tpu.vector_load %arg12[%swap3A_32, %swap3A_33] {strides = array<i32>} : memref<16x128xf32, #tpu.memory_space<vmem>>, vector<1x16xf32>,
    %swap3A_35 = vector.shape_cast %swap3A_34 : vector<1x16xf32> to vector<16xf32>
    %swap3A_36 = vector.shape_cast %broadcast_in_dim3A_1 : vector<16xf32> to vector<1x16xf32>
    tpu.vector_store %arg12[%swap3A_32, %swap3A_33], %swap3A_36 {strides = array<i32>} : memref<16x128xf32, #tpu.memory_space<vmem>>, vector<1x16xf32>,
    %swap3A_37 = arith.constant 0 : i32
    %swap3A_38 = arith.index_cast %swap3A_37 : i32 to index
    %swap3A_39 = arith.constant 96 : index
    %swap3A_40 = tpu.vector_load %arg12[%swap3A_38, %swap3A_39] {strides = array<i32>} : memref<16x128xf32, #tpu.memory_space<vmem>>, vector<1x16xf32>,
    %swap3A_41 = vector.shape_cast %swap3A_40 : vector<1x16xf32> to vector<16xf32>
    %swap3A_42 = vector.shape_cast %broadcast_in_dim3A_1 : vector<16xf32> to vector<1x16xf32>
    tpu.vector_store %arg12[%swap3A_38, %swap3A_39], %swap3A_42 {strides = array<i32>} : memref<16x128xf32, #tpu.memory_space<vmem>>, vector<1x16xf32>,
    %swap3A_43 = arith.constant 0 : i32
    %swap3A_44 = arith.index_cast %swap3A_43 : i32 to index
    %swap3A_45 = arith.constant 112 : index
    %swap3A_46 = tpu.vector_load %arg12[%swap3A_44, %swap3A_45] {strides = array<i32>} : memref<16x128xf32, #tpu.memory_space<vmem>>, vector<1x16xf32>,
    %swap3A_47 = vector.shape_cast %swap3A_46 : vector<1x16xf32> to vector<16xf32>
    %swap3A_48 = vector.shape_cast %broadcast_in_dim3A_1 : vector<16xf32> to vector<1x16xf32>
    tpu.vector_store %arg12[%swap3A_44, %swap3A_45], %swap3A_48 {strides = array<i32>} : memref<16x128xf32, #tpu.memory_space<vmem>>, vector<1x16xf32>,
    %swap3A_49 = arith.constant 1 : i32
    %swap3A_50 = arith.index_cast %swap3A_49 : i32 to index
    %swap3A_51 = arith.constant 0 : index
    %swap3A_52 = tpu.vector_load %arg12[%swap3A_50, %swap3A_51] {strides = array<i32>} : memref<16x128xf32, #tpu.memory_space<vmem>>, vector<1x16xf32>,
    %swap3A_53 = vector.shape_cast %swap3A_52 : vector<1x16xf32> to vector<16xf32>
    %swap3A_54 = vector.shape_cast %broadcast_in_dim3A_1 : vector<16xf32> to vector<1x16xf32>
    tpu.vector_store %arg12[%swap3A_50, %swap3A_51], %swap3A_54 {strides = array<i32>} : memref<16x128xf32, #tpu.memory_space<vmem>>, vector<1x16xf32>,
    %swap3A_55 = arith.constant 1 : i32
    %swap3A_56 = arith.index_cast %swap3A_55 : i32 to index
    %swap3A_57 = arith.constant 16 : index
    %swap3A_58 = tpu.vector_load %arg12[%swap3A_56, %swap3A_57] {strides = array<i32>} : memref<16x128xf32, #tpu.memory_space<vmem>>, vector<1x16xf32>,
    %swap3A_59 = vector.shape_cast %swap3A_58 : vector<1x16xf32> to vector<16xf32>
    %swap3A_60 = vector.shape_cast %broadcast_in_dim3A_1 : vector<16xf32> to vector<1x16xf32>
    tpu.vector_store %arg12[%swap3A_56, %swap3A_57], %swap3A_60 {strides = array<i32>} : memref<16x128xf32, #tpu.memory_space<vmem>>, vector<1x16xf32>,
    %swap3A_61 = arith.constant 1 : i32
    %swap3A_62 = arith.index_cast %swap3A_61 : i32 to index
    %swap3A_63 = arith.constant 32 : index
    %swap3A_64 = tpu.vector_load %arg12[%swap3A_62, %swap3A_63] {strides = array<i32>} : memref<16x128xf32, #tpu.memory_space<vmem>>, vector<1x16xf32>,
    %swap3A_65 = vector.shape_cast %swap3A_64 : vector<1x16xf32> to vector<16xf32>
    %swap3A_66 = vector.shape_cast %broadcast_in_dim3A_1 : vector<16xf32> to vector<1x16xf32>
    tpu.vector_store %arg12[%swap3A_62, %swap3A_63], %swap3A_66 {strides = array<i32>} : memref<16x128xf32, #tpu.memory_space<vmem>>, vector<1x16xf32>,
    %swap3A_67 = arith.constant 1 : i32
    %swap3A_68 = arith.index_cast %swap3A_67 : i32 to index
    %swap3A_69 = arith.constant 48 : index
    %swap3A_70 = tpu.vector_load %arg12[%swap3A_68, %swap3A_69] {strides = array<i32>} : memref<16x128xf32, #tpu.memory_space<vmem>>, vector<1x16xf32>,
    %swap3A_71 = vector.shape_cast %swap3A_70 : vector<1x16xf32> to vector<16xf32>
    %swap3A_72 = vector.shape_cast %broadcast_in_dim3A_1 : vector<16xf32> to vector<1x16xf32>
    tpu.vector_store %arg12[%swap3A_68, %swap3A_69], %swap3A_72 {strides = array<i32>} : memref<16x128xf32, #tpu.memory_space<vmem>>, vector<1x16xf32>,
    %swap3A_73 = arith.constant 1 : i32
    %swap3A_74 = arith.index_cast %swap3A_73 : i32 to index
    %swap3A_75 = arith.constant 64 : index
    %swap3A_76 = tpu.vector_load %arg12[%swap3A_74, %swap3A_75] {strides = array<i32>} : memref<16x128xf32, #tpu.memory_space<vmem>>, vector<1x16xf32>,
    %swap3A_77 = vector.shape_cast %swap3A_76 : vector<1x16xf32> to vector<16xf32>
    %swap3A_78 = vector.shape_cast %broadcast_in_dim3A_1 : vector<16xf32> to vector<1x16xf32>
    tpu.vector_store %arg12[%swap3A_74, %swap3A_75], %swap3A_78 {strides = array<i32>} : memref<16x128xf32, #tpu.memory_space<vmem>>, vector<1x16xf32>,
    %swap3A_79 = arith.constant 1 : i32
    %swap3A_80 = arith.index_cast %swap3A_79 : i32 to index
    %swap3A_81 = arith.constant 80 : index
    %swap3A_82 = tpu.vector_load %arg12[%swap3A_80, %swap3A_81] {strides = array<i32>} : memref<16x128xf32, #tpu.memory_space<vmem>>, vector<1x16xf32>,
    %swap3A_83 = vector.shape_cast %swap3A_82 : vector<1x16xf32> to vector<16xf32>
    %swap3A_84 = vector.shape_cast %broadcast_in_dim3A_1 : vector<16xf32> to vector<1x16xf32>
    tpu.vector_store %arg12[%swap3A_80, %swap3A_81], %swap3A_84 {strides = array<i32>} : memref<16x128xf32, #tpu.memory_space<vmem>>, vector<1x16xf32>,
    %swap3A_85 = arith.constant 1 : i32
    %swap3A_86 = arith.index_cast %swap3A_85 : i32 to index
    %swap3A_87 = arith.constant 96 : index
    %swap3A_88 = tpu.vector_load %arg12[%swap3A_86, %swap3A_87] {strides = array<i32>} : memref<16x128xf32, #tpu.memory_space<vmem>>, vector<1x16xf32>,
    %swap3A_89 = vector.shape_cast %swap3A_88 : vector<1x16xf32> to vector<16xf32>
    %swap3A_90 = vector.shape_cast %broadcast_in_dim3A_1 : vector<16xf32> to vector<1x16xf32>
    tpu.vector_store %arg12[%swap3A_86, %swap3A_87], %swap3A_90 {strides = array<i32>} : memref<16x128xf32, #tpu.memory_space<vmem>>, vector<1x16xf32>,
    %swap3A_91 = arith.constant 1 : i32
    %swap3A_92 = arith.index_cast %swap3A_91 : i32 to index
    %swap3A_93 = arith.constant 112 : index
    %swap3A_94 = tpu.vector_load %arg12[%swap3A_92, %swap3A_93] {strides = array<i32>} : memref<16x128xf32, #tpu.memory_space<vmem>>, vector<1x16xf32>,
    %swap3A_95 = vector.shape_cast %swap3A_94 : vector<1x16xf32> to vector<16xf32>
    %swap3A_96 = vector.shape_cast %broadcast_in_dim3A_1 : vector<16xf32> to vector<1x16xf32>
    tpu.vector_store %arg12[%swap3A_92, %swap3A_93], %swap3A_96 {strides = array<i32>} : memref<16x128xf32, #tpu.memory_space<vmem>>, vector<1x16xf32>,
    %swap3A_97 = arith.constant 2 : i32
    %swap3A_98 = arith.index_cast %swap3A_97 : i32 to index
    %swap3A_99 = arith.constant 0 : index
    %swap3A_100 = tpu.vector_load %arg12[%swap3A_98, %swap3A_99] {strides = array<i32>} : memref<16x128xf32, #tpu.memory_space<vmem>>, vector<1x16xf32>,
    %swap3A_101 = vector.shape_cast %swap3A_100 : vector<1x16xf32> to vector<16xf32>
    %swap3A_102 = vector.shape_cast %broadcast_in_dim3A_1 : vector<16xf32> to vector<1x16xf32>
    tpu.vector_store %arg12[%swap3A_98, %swap3A_99], %swap3A_102 {strides = array<i32>} : memref<16x128xf32, #tpu.memory_space<vmem>>, vector<1x16xf32>,
    %swap3A_103 = arith.constant 2 : i32
    %swap3A_104 = arith.index_cast %swap3A_103 : i32 to index
    %swap3A_105 = arith.constant 16 : index
    %swap3A_106 = tpu.vector_load %arg12[%swap3A_104, %swap3A_105] {strides = array<i32>} : memref<16x128xf32, #tpu.memory_space<vmem>>, vector<1x16xf32>,
    %swap3A_107 = vector.shape_cast %swap3A_106 : vector<1x16xf32> to vector<16xf32>
    %swap3A_108 = vector.shape_cast %broadcast_in_dim3A_1 : vector<16xf32> to vector<1x16xf32>
    tpu.vector_store %arg12[%swap3A_104, %swap3A_105], %swap3A_108 {strides = array<i32>} : memref<16x128xf32, #tpu.memory_space<vmem>>, vector<1x16xf32>,
    %swap3A_109 = arith.constant 2 : i32
    %swap3A_110 = arith.index_cast %swap3A_109 : i32 to index
    %swap3A_111 = arith.constant 32 : index
    %swap3A_112 = tpu.vector_load %arg12[%swap3A_110, %swap3A_111] {strides = array<i32>} : memref<16x128xf32, #tpu.memory_space<vmem>>, vector<1x16xf32>,
    %swap3A_113 = vector.shape_cast %swap3A_112 : vector<1x16xf32> to vector<16xf32>
    %swap3A_114 = vector.shape_cast %broadcast_in_dim3A_1 : vector<16xf32> to vector<1x16xf32>
    tpu.vector_store %arg12[%swap3A_110, %swap3A_111], %swap3A_114 {strides = array<i32>} : memref<16x128xf32, #tpu.memory_space<vmem>>, vector<1x16xf32>,
    %swap3A_115 = arith.constant 2 : i32
    %swap3A_116 = arith.index_cast %swap3A_115 : i32 to index
    %swap3A_117 = arith.constant 48 : index
    %swap3A_118 = tpu.vector_load %arg12[%swap3A_116, %swap3A_117] {strides = array<i32>} : memref<16x128xf32, #tpu.memory_space<vmem>>, vector<1x16xf32>,
    %swap3A_119 = vector.shape_cast %swap3A_118 : vector<1x16xf32> to vector<16xf32>
    %swap3A_120 = vector.shape_cast %broadcast_in_dim3A_1 : vector<16xf32> to vector<1x16xf32>
    tpu.vector_store %arg12[%swap3A_116, %swap3A_117], %swap3A_120 {strides = array<i32>} : memref<16x128xf32, #tpu.memory_space<vmem>>, vector<1x16xf32>,
    %swap3A_121 = arith.constant 2 : i32
    %swap3A_122 = arith.index_cast %swap3A_121 : i32 to index
    %swap3A_123 = arith.constant 64 : index
    %swap3A_124 = tpu.vector_load %arg12[%swap3A_122, %swap3A_123] {strides = array<i32>} : memref<16x128xf32, #tpu.memory_space<vmem>>, vector<1x16xf32>,
    %swap3A_125 = vector.shape_cast %swap3A_124 : vector<1x16xf32> to vector<16xf32>
    %swap3A_126 = vector.shape_cast %broadcast_in_dim3A_1 : vector<16xf32> to vector<1x16xf32>
    tpu.vector_store %arg12[%swap3A_122, %swap3A_123], %swap3A_126 {strides = array<i32>} : memref<16x128xf32, #tpu.memory_space<vmem>>, vector<1x16xf32>,
    %swap3A_127 = arith.constant 2 : i32
    %swap3A_128 = arith.index_cast %swap3A_127 : i32 to index
    %swap3A_129 = arith.constant 80 : index
    %swap3A_130 = tpu.vector_load %arg12[%swap3A_128, %swap3A_129] {strides = array<i32>} : memref<16x128xf32, #tpu.memory_space<vmem>>, vector<1x16xf32>,
    %swap3A_131 = vector.shape_cast %swap3A_130 : vector<1x16xf32> to vector<16xf32>
    %swap3A_132 = vector.shape_cast %broadcast_in_dim3A_1 : vector<16xf32> to vector<1x16xf32>
    tpu.vector_store %arg12[%swap3A_128, %swap3A_129], %swap3A_132 {strides = array<i32>} : memref<16x128xf32, #tpu.memory_space<vmem>>, vector<1x16xf32>,
    %swap3A_133 = arith.constant 2 : i32
    %swap3A_134 = arith.index_cast %swap3A_133 : i32 to index
    %swap3A_135 = arith.constant 96 : index
    %swap3A_136 = tpu.vector_load %arg12[%swap3A_134, %swap3A_135] {strides = array<i32>} : memref<16x128xf32, #tpu.memory_space<vmem>>, vector<1x16xf32>,
    %swap3A_137 = vector.shape_cast %swap3A_136 : vector<1x16xf32> to vector<16xf32>
    %swap3A_138 = vector.shape_cast %broadcast_in_dim3A_1 : vector<16xf32> to vector<1x16xf32>
    tpu.vector_store %arg12[%swap3A_134, %swap3A_135], %swap3A_138 {strides = array<i32>} : memref<16x128xf32, #tpu.memory_space<vmem>>, vector<1x16xf32>,
    %swap3A_139 = arith.constant 2 : i32
    %swap3A_140 = arith.index_cast %swap3A_139 : i32 to index
    %swap3A_141 = arith.constant 112 : index
    %swap3A_142 = tpu.vector_load %arg12[%swap3A_140, %swap3A_141] {strides = array<i32>} : memref<16x128xf32, #tpu.memory_space<vmem>>, vector<1x16xf32>,
    %swap3A_143 = vector.shape_cast %swap3A_142 : vector<1x16xf32> to vector<16xf32>
    %swap3A_144 = vector.shape_cast %broadcast_in_dim3A_1 : vector<16xf32> to vector<1x16xf32>
    tpu.vector_store %arg12[%swap3A_140, %swap3A_141], %swap3A_144 {strides = array<i32>} : memref<16x128xf32, #tpu.memory_space<vmem>>, vector<1x16xf32>,
    %swap3A_145 = arith.constant 3 : i32
    %swap3A_146 = arith.index_cast %swap3A_145 : i32 to index
    %swap3A_147 = arith.constant 0 : index
    %swap3A_148 = tpu.vector_load %arg12[%swap3A_146, %swap3A_147] {strides = array<i32>} : memref<16x128xf32, #tpu.memory_space<vmem>>, vector<1x16xf32>,
    %swap3A_149 = vector.shape_cast %swap3A_148 : vector<1x16xf32> to vector<16xf32>
    %swap3A_150 = vector.shape_cast %broadcast_in_dim3A_1 : vector<16xf32> to vector<1x16xf32>
    tpu.vector_store %arg12[%swap3A_146, %swap3A_147], %swap3A_150 {strides = array<i32>} : memref<16x128xf32, #tpu.memory_space<vmem>>, vector<1x16xf32>,
    %swap3A_151 = arith.constant 3 : i32
    %swap3A_152 = arith.index_cast %swap3A_151 : i32 to index
    %swap3A_153 = arith.constant 16 : index
    %swap3A_154 = tpu.vector_load %arg12[%swap3A_152, %swap3A_153] {strides = array<i32>} : memref<16x128xf32, #tpu.memory_space<vmem>>, vector<1x16xf32>,
    %swap3A_155 = vector.shape_cast %swap3A_154 : vector<1x16xf32> to vector<16xf32>
    %swap3A_156 = vector.shape_cast %broadcast_in_dim3A_1 : vector<16xf32> to vector<1x16xf32>
    tpu.vector_store %arg12[%swap3A_152, %swap3A_153], %swap3A_156 {strides = array<i32>} : memref<16x128xf32, #tpu.memory_space<vmem>>, vector<1x16xf32>,
    %swap3A_157 = arith.constant 3 : i32
    %swap3A_158 = arith.index_cast %swap3A_157 : i32 to index
    %swap3A_159 = arith.constant 32 : index
    %swap3A_160 = tpu.vector_load %arg12[%swap3A_158, %swap3A_159] {strides = array<i32>} : memref<16x128xf32, #tpu.memory_space<vmem>>, vector<1x16xf32>,
    %swap3A_161 = vector.shape_cast %swap3A_160 : vector<1x16xf32> to vector<16xf32>
    %swap3A_162 = vector.shape_cast %broadcast_in_dim3A_1 : vector<16xf32> to vector<1x16xf32>
    tpu.vector_store %arg12[%swap3A_158, %swap3A_159], %swap3A_162 {strides = array<i32>} : memref<16x128xf32, #tpu.memory_space<vmem>>, vector<1x16xf32>,
    %swap3A_163 = arith.constant 3 : i32
    %swap3A_164 = arith.index_cast %swap3A_163 : i32 to index
    %swap3A_165 = arith.constant 48 : index
    %swap3A_166 = tpu.vector_load %arg12[%swap3A_164, %swap3A_165] {strides = array<i32>} : memref<16x128xf32, #tpu.memory_space<vmem>>, vector<1x16xf32>,
    %swap3A_167 = vector.shape_cast %swap3A_166 : vector<1x16xf32> to vector<16xf32>
    %swap3A_168 = vector.shape_cast %broadcast_in_dim3A_1 : vector<16xf32> to vector<1x16xf32>
    tpu.vector_store %arg12[%swap3A_164, %swap3A_165], %swap3A_168 {strides = array<i32>} : memref<16x128xf32, #tpu.memory_space<vmem>>, vector<1x16xf32>,
    %swap3A_169 = arith.constant 3 : i32
    %swap3A_170 = arith.index_cast %swap3A_169 : i32 to index
    %swap3A_171 = arith.constant 64 : index
    %swap3A_172 = tpu.vector_load %arg12[%swap3A_170, %swap3A_171] {strides = array<i32>} : memref<16x128xf32, #tpu.memory_space<vmem>>, vector<1x16xf32>,
    %swap3A_173 = vector.shape_cast %swap3A_172 : vector<1x16xf32> to vector<16xf32>
    %swap3A_174 = vector.shape_cast %broadcast_in_dim3A_1 : vector<16xf32> to vector<1x16xf32>
    tpu.vector_store %arg12[%swap3A_170, %swap3A_171], %swap3A_174 {strides = array<i32>} : memref<16x128xf32, #tpu.memory_space<vmem>>, vector<1x16xf32>,
    %swap3A_175 = arith.constant 3 : i32
    %swap3A_176 = arith.index_cast %swap3A_175 : i32 to index
    %swap3A_177 = arith.constant 80 : index
    %swap3A_178 = tpu.vector_load %arg12[%swap3A_176, %swap3A_177] {strides = array<i32>} : memref<16x128xf32, #tpu.memory_space<vmem>>, vector<1x16xf32>,
    %swap3A_179 = vector.shape_cast %swap3A_178 : vector<1x16xf32> to vector<16xf32>
    %swap3A_180 = vector.shape_cast %broadcast_in_dim3A_1 : vector<16xf32> to vector<1x16xf32>
    tpu.vector_store %arg12[%swap3A_176, %swap3A_177], %swap3A_180 {strides = array<i32>} : memref<16x128xf32, #tpu.memory_space<vmem>>, vector<1x16xf32>,
    %swap3A_181 = arith.constant 3 : i32
    %swap3A_182 = arith.index_cast %swap3A_181 : i32 to index
    %swap3A_183 = arith.constant 96 : index
    %swap3A_184 = tpu.vector_load %arg12[%swap3A_182, %swap3A_183] {strides = array<i32>} : memref<16x128xf32, #tpu.memory_space<vmem>>, vector<1x16xf32>,
    %swap3A_185 = vector.shape_cast %swap3A_184 : vector<1x16xf32> to vector<16xf32>
    %swap3A_186 = vector.shape_cast %broadcast_in_dim3A_1 : vector<16xf32> to vector<1x16xf32>
    tpu.vector_store %arg12[%swap3A_182, %swap3A_183], %swap3A_186 {strides = array<i32>} : memref<16x128xf32, #tpu.memory_space<vmem>>, vector<1x16xf32>,
    %swap3A_187 = arith.constant 3 : i32
    %swap3A_188 = arith.index_cast %swap3A_187 : i32 to index
    %swap3A_189 = arith.constant 112 : index
    %swap3A_190 = tpu.vector_load %arg12[%swap3A_188, %swap3A_189] {strides = array<i32>} : memref<16x128xf32, #tpu.memory_space<vmem>>, vector<1x16xf32>,
    %swap3A_191 = vector.shape_cast %swap3A_190 : vector<1x16xf32> to vector<16xf32>
    %swap3A_192 = vector.shape_cast %broadcast_in_dim3A_1 : vector<16xf32> to vector<1x16xf32>
    tpu.vector_store %arg12[%swap3A_188, %swap3A_189], %swap3A_192 {strides = array<i32>} : memref<16x128xf32, #tpu.memory_space<vmem>>, vector<1x16xf32>,
    %swap3A_193 = arith.constant 4 : i32
    %swap3A_194 = arith.index_cast %swap3A_193 : i32 to index
    %swap3A_195 = arith.constant 0 : index
    %swap3A_196 = tpu.vector_load %arg12[%swap3A_194, %swap3A_195] {strides = array<i32>} : memref<16x128xf32, #tpu.memory_space<vmem>>, vector<1x16xf32>,
    %swap3A_197 = vector.shape_cast %swap3A_196 : vector<1x16xf32> to vector<16xf32>
    %swap3A_198 = vector.shape_cast %broadcast_in_dim3A_1 : vector<16xf32> to vector<1x16xf32>
    tpu.vector_store %arg12[%swap3A_194, %swap3A_195], %swap3A_198 {strides = array<i32>} : memref<16x128xf32, #tpu.memory_space<vmem>>, vector<1x16xf32>,
    %swap3A_199 = arith.constant 4 : i32
    %swap3A_200 = arith.index_cast %swap3A_199 : i32 to index
    %swap3A_201 = arith.constant 16 : index
    %swap3A_202 = tpu.vector_load %arg12[%swap3A_200, %swap3A_201] {strides = array<i32>} : memref<16x128xf32, #tpu.memory_space<vmem>>, vector<1x16xf32>,
    %swap3A_203 = vector.shape_cast %swap3A_202 : vector<1x16xf32> to vector<16xf32>
    %swap3A_204 = vector.shape_cast %broadcast_in_dim3A_1 : vector<16xf32> to vector<1x16xf32>
    tpu.vector_store %arg12[%swap3A_200, %swap3A_201], %swap3A_204 {strides = array<i32>} : memref<16x128xf32, #tpu.memory_space<vmem>>, vector<1x16xf32>,
    %swap3A_205 = arith.constant 4 : i32
    %swap3A_206 = arith.index_cast %swap3A_205 : i32 to index
    %swap3A_207 = arith.constant 32 : index
    %swap3A_208 = tpu.vector_load %arg12[%swap3A_206, %swap3A_207] {strides = array<i32>} : memref<16x128xf32, #tpu.memory_space<vmem>>, vector<1x16xf32>,
    %swap3A_209 = vector.shape_cast %swap3A_208 : vector<1x16xf32> to vector<16xf32>
    %swap3A_210 = vector.shape_cast %broadcast_in_dim3A_1 : vector<16xf32> to vector<1x16xf32>
    tpu.vector_store %arg12[%swap3A_206, %swap3A_207], %swap3A_210 {strides = array<i32>} : memref<16x128xf32, #tpu.memory_space<vmem>>, vector<1x16xf32>,
    %swap3A_211 = arith.constant 4 : i32
    %swap3A_212 = arith.index_cast %swap3A_211 : i32 to index
    %swap3A_213 = arith.constant 48 : index
    %swap3A_214 = tpu.vector_load %arg12[%swap3A_212, %swap3A_213] {strides = array<i32>} : memref<16x128xf32, #tpu.memory_space<vmem>>, vector<1x16xf32>,
    %swap3A_215 = vector.shape_cast %swap3A_214 : vector<1x16xf32> to vector<16xf32>
    %swap3A_216 = vector.shape_cast %broadcast_in_dim3A_1 : vector<16xf32> to vector<1x16xf32>
    tpu.vector_store %arg12[%swap3A_212, %swap3A_213], %swap3A_216 {strides = array<i32>} : memref<16x128xf32, #tpu.memory_space<vmem>>, vector<1x16xf32>,
    %swap3A_217 = arith.constant 4 : i32
    %swap3A_218 = arith.index_cast %swap3A_217 : i32 to index
    %swap3A_219 = arith.constant 64 : index
    %swap3A_220 = tpu.vector_load %arg12[%swap3A_218, %swap3A_219] {strides = array<i32>} : memref<16x128xf32, #tpu.memory_space<vmem>>, vector<1x16xf32>,
    %swap3A_221 = vector.shape_cast %swap3A_220 : vector<1x16xf32> to vector<16xf32>
    %swap3A_222 = vector.shape_cast %broadcast_in_dim3A_1 : vector<16xf32> to vector<1x16xf32>
    tpu.vector_store %arg12[%swap3A_218, %swap3A_219], %swap3A_222 {strides = array<i32>} : memref<16x128xf32, #tpu.memory_space<vmem>>, vector<1x16xf32>,
    %swap3A_223 = arith.constant 4 : i32
    %swap3A_224 = arith.index_cast %swap3A_223 : i32 to index
    %swap3A_225 = arith.constant 80 : index
    %swap3A_226 = tpu.vector_load %arg12[%swap3A_224, %swap3A_225] {strides = array<i32>} : memref<16x128xf32, #tpu.memory_space<vmem>>, vector<1x16xf32>,
    %swap3A_227 = vector.shape_cast %swap3A_226 : vector<1x16xf32> to vector<16xf32>
    %swap3A_228 = vector.shape_cast %broadcast_in_dim3A_1 : vector<16xf32> to vector<1x16xf32>
    tpu.vector_store %arg12[%swap3A_224, %swap3A_225], %swap3A_228 {strides = array<i32>} : memref<16x128xf32, #tpu.memory_space<vmem>>, vector<1x16xf32>,
    %swap3A_229 = arith.constant 4 : i32
    %swap3A_230 = arith.index_cast %swap3A_229 : i32 to index
    %swap3A_231 = arith.constant 96 : index
    %swap3A_232 = tpu.vector_load %arg12[%swap3A_230, %swap3A_231] {strides = array<i32>} : memref<16x128xf32, #tpu.memory_space<vmem>>, vector<1x16xf32>,
    %swap3A_233 = vector.shape_cast %swap3A_232 : vector<1x16xf32> to vector<16xf32>
    %swap3A_234 = vector.shape_cast %broadcast_in_dim3A_1 : vector<16xf32> to vector<1x16xf32>
    tpu.vector_store %arg12[%swap3A_230, %swap3A_231], %swap3A_234 {strides = array<i32>} : memref<16x128xf32, #tpu.memory_space<vmem>>, vector<1x16xf32>,
    %swap3A_235 = arith.constant 4 : i32
    %swap3A_236 = arith.index_cast %swap3A_235 : i32 to index
    %swap3A_237 = arith.constant 112 : index
    %swap3A_238 = tpu.vector_load %arg12[%swap3A_236, %swap3A_237] {strides = array<i32>} : memref<16x128xf32, #tpu.memory_space<vmem>>, vector<1x16xf32>,
    %swap3A_239 = vector.shape_cast %swap3A_238 : vector<1x16xf32> to vector<16xf32>
    %swap3A_240 = vector.shape_cast %broadcast_in_dim3A_1 : vector<16xf32> to vector<1x16xf32>
    tpu.vector_store %arg12[%swap3A_236, %swap3A_237], %swap3A_240 {strides = array<i32>} : memref<16x128xf32, #tpu.memory_space<vmem>>, vector<1x16xf32>,
    %swap3A_241 = arith.constant 5 : i32
    %swap3A_242 = arith.index_cast %swap3A_241 : i32 to index
    %swap3A_243 = arith.constant 0 : index
    %swap3A_244 = tpu.vector_load %arg12[%swap3A_242, %swap3A_243] {strides = array<i32>} : memref<16x128xf32, #tpu.memory_space<vmem>>, vector<1x16xf32>,
    %swap3A_245 = vector.shape_cast %swap3A_244 : vector<1x16xf32> to vector<16xf32>
    %swap3A_246 = vector.shape_cast %broadcast_in_dim3A_1 : vector<16xf32> to vector<1x16xf32>
    tpu.vector_store %arg12[%swap3A_242, %swap3A_243], %swap3A_246 {strides = array<i32>} : memref<16x128xf32, #tpu.memory_space<vmem>>, vector<1x16xf32>,
    %swap3A_247 = arith.constant 5 : i32
    %swap3A_248 = arith.index_cast %swap3A_247 : i32 to index
    %swap3A_249 = arith.constant 16 : index
    %swap3A_250 = tpu.vector_load %arg12[%swap3A_248, %swap3A_249] {strides = array<i32>} : memref<16x128xf32, #tpu.memory_space<vmem>>, vector<1x16xf32>,
    %swap3A_251 = vector.shape_cast %swap3A_250 : vector<1x16xf32> to vector<16xf32>
    %swap3A_252 = vector.shape_cast %broadcast_in_dim3A_1 : vector<16xf32> to vector<1x16xf32>
    tpu.vector_store %arg12[%swap3A_248, %swap3A_249], %swap3A_252 {strides = array<i32>} : memref<16x128xf32, #tpu.memory_space<vmem>>, vector<1x16xf32>,
    %swap3A_253 = arith.constant 5 : i32
    %swap3A_254 = arith.index_cast %swap3A_253 : i32 to index
    %swap3A_255 = arith.constant 32 : index
    %swap3A_256 = tpu.vector_load %arg12[%swap3A_254, %swap3A_255] {strides = array<i32>} : memref<16x128xf32, #tpu.memory_space<vmem>>, vector<1x16xf32>,
    %swap3A_257 = vector.shape_cast %swap3A_256 : vector<1x16xf32> to vector<16xf32>
    %swap3A_258 = vector.shape_cast %broadcast_in_dim3A_1 : vector<16xf32> to vector<1x16xf32>
    tpu.vector_store %arg12[%swap3A_254, %swap3A_255], %swap3A_258 {strides = array<i32>} : memref<16x128xf32, #tpu.memory_space<vmem>>, vector<1x16xf32>,
    %swap3A_259 = arith.constant 5 : i32
    %swap3A_260 = arith.index_cast %swap3A_259 : i32 to index
    %swap3A_261 = arith.constant 48 : index
    %swap3A_262 = tpu.vector_load %arg12[%swap3A_260, %swap3A_261] {strides = array<i32>} : memref<16x128xf32, #tpu.memory_space<vmem>>, vector<1x16xf32>,
    %swap3A_263 = vector.shape_cast %swap3A_262 : vector<1x16xf32> to vector<16xf32>
    %swap3A_264 = vector.shape_cast %broadcast_in_dim3A_1 : vector<16xf32> to vector<1x16xf32>
    tpu.vector_store %arg12[%swap3A_260, %swap3A_261], %swap3A_264 {strides = array<i32>} : memref<16x128xf32, #tpu.memory_space<vmem>>, vector<1x16xf32>,
    %swap3A_265 = arith.constant 5 : i32
    %swap3A_266 = arith.index_cast %swap3A_265 : i32 to index
    %swap3A_267 = arith.constant 64 : index
    %swap3A_268 = tpu.vector_load %arg12[%swap3A_266, %swap3A_267] {strides = array<i32>} : memref<16x128xf32, #tpu.memory_space<vmem>>, vector<1x16xf32>,
    %swap3A_269 = vector.shape_cast %swap3A_268 : vector<1x16xf32> to vector<16xf32>
    %swap3A_270 = vector.shape_cast %broadcast_in_dim3A_1 : vector<16xf32> to vector<1x16xf32>
    tpu.vector_store %arg12[%swap3A_266, %swap3A_267], %swap3A_270 {strides = array<i32>} : memref<16x128xf32, #tpu.memory_space<vmem>>, vector<1x16xf32>,
    %swap3A_271 = arith.constant 5 : i32
    %swap3A_272 = arith.index_cast %swap3A_271 : i32 to index
    %swap3A_273 = arith.constant 80 : index
    %swap3A_274 = tpu.vector_load %arg12[%swap3A_272, %swap3A_273] {strides = array<i32>} : memref<16x128xf32, #tpu.memory_space<vmem>>, vector<1x16xf32>,
    %swap3A_275 = vector.shape_cast %swap3A_274 : vector<1x16xf32> to vector<16xf32>
    %swap3A_276 = vector.shape_cast %broadcast_in_dim3A_1 : vector<16xf32> to vector<1x16xf32>
    tpu.vector_store %arg12[%swap3A_272, %swap3A_273], %swap3A_276 {strides = array<i32>} : memref<16x128xf32, #tpu.memory_space<vmem>>, vector<1x16xf32>,
    %swap3A_277 = arith.constant 5 : i32
    %swap3A_278 = arith.index_cast %swap3A_277 : i32 to index
    %swap3A_279 = arith.constant 96 : index
    %swap3A_280 = tpu.vector_load %arg12[%swap3A_278, %swap3A_279] {strides = array<i32>} : memref<16x128xf32, #tpu.memory_space<vmem>>, vector<1x16xf32>,
    %swap3A_281 = vector.shape_cast %swap3A_280 : vector<1x16xf32> to vector<16xf32>
    %swap3A_282 = vector.shape_cast %broadcast_in_dim3A_1 : vector<16xf32> to vector<1x16xf32>
    tpu.vector_store %arg12[%swap3A_278, %swap3A_279], %swap3A_282 {strides = array<i32>} : memref<16x128xf32, #tpu.memory_space<vmem>>, vector<1x16xf32>,
    %swap3A_283 = arith.constant 5 : i32
    %swap3A_284 = arith.index_cast %swap3A_283 : i32 to index
    %swap3A_285 = arith.constant 112 : index
    %swap3A_286 = tpu.vector_load %arg12[%swap3A_284, %swap3A_285] {strides = array<i32>} : memref<16x128xf32, #tpu.memory_space<vmem>>, vector<1x16xf32>,
    %swap3A_287 = vector.shape_cast %swap3A_286 : vector<1x16xf32> to vector<16xf32>
    %swap3A_288 = vector.shape_cast %broadcast_in_dim3A_1 : vector<16xf32> to vector<1x16xf32>
    tpu.vector_store %arg12[%swap3A_284, %swap3A_285], %swap3A_288 {strides = array<i32>} : memref<16x128xf32, #tpu.memory_space<vmem>>, vector<1x16xf32>,
    %swap3A_289 = arith.constant 6 : i32
    %swap3A_290 = arith.index_cast %swap3A_289 : i32 to index
    %swap3A_291 = arith.constant 0 : index
    %swap3A_292 = tpu.vector_load %arg12[%swap3A_290, %swap3A_291] {strides = array<i32>} : memref<16x128xf32, #tpu.memory_space<vmem>>, vector<1x16xf32>,
    %swap3A_293 = vector.shape_cast %swap3A_292 : vector<1x16xf32> to vector<16xf32>
    %swap3A_294 = vector.shape_cast %broadcast_in_dim3A_1 : vector<16xf32> to vector<1x16xf32>
    tpu.vector_store %arg12[%swap3A_290, %swap3A_291], %swap3A_294 {strides = array<i32>} : memref<16x128xf32, #tpu.memory_space<vmem>>, vector<1x16xf32>,
    %swap3A_295 = arith.constant 6 : i32
    %swap3A_296 = arith.index_cast %swap3A_295 : i32 to index
    %swap3A_297 = arith.constant 16 : index
    %swap3A_298 = tpu.vector_load %arg12[%swap3A_296, %swap3A_297] {strides = array<i32>} : memref<16x128xf32, #tpu.memory_space<vmem>>, vector<1x16xf32>,
    %swap3A_299 = vector.shape_cast %swap3A_298 : vector<1x16xf32> to vector<16xf32>
    %swap3A_300 = vector.shape_cast %broadcast_in_dim3A_1 : vector<16xf32> to vector<1x16xf32>
    tpu.vector_store %arg12[%swap3A_296, %swap3A_297], %swap3A_300 {strides = array<i32>} : memref<16x128xf32, #tpu.memory_space<vmem>>, vector<1x16xf32>,
    %swap3A_301 = arith.constant 6 : i32
    %swap3A_302 = arith.index_cast %swap3A_301 : i32 to index
    %swap3A_303 = arith.constant 32 : index
    %swap3A_304 = tpu.vector_load %arg12[%swap3A_302, %swap3A_303] {strides = array<i32>} : memref<16x128xf32, #tpu.memory_space<vmem>>, vector<1x16xf32>,
    %swap3A_305 = vector.shape_cast %swap3A_304 : vector<1x16xf32> to vector<16xf32>
    %swap3A_306 = vector.shape_cast %broadcast_in_dim3A_1 : vector<16xf32> to vector<1x16xf32>
    tpu.vector_store %arg12[%swap3A_302, %swap3A_303], %swap3A_306 {strides = array<i32>} : memref<16x128xf32, #tpu.memory_space<vmem>>, vector<1x16xf32>,
    %swap3A_307 = arith.constant 6 : i32
    %swap3A_308 = arith.index_cast %swap3A_307 : i32 to index
    %swap3A_309 = arith.constant 48 : index
    %swap3A_310 = tpu.vector_load %arg12[%swap3A_308, %swap3A_309] {strides = array<i32>} : memref<16x128xf32, #tpu.memory_space<vmem>>, vector<1x16xf32>,
    %swap3A_311 = vector.shape_cast %swap3A_310 : vector<1x16xf32> to vector<16xf32>
    %swap3A_312 = vector.shape_cast %broadcast_in_dim3A_1 : vector<16xf32> to vector<1x16xf32>
    tpu.vector_store %arg12[%swap3A_308, %swap3A_309], %swap3A_312 {strides = array<i32>} : memref<16x128xf32, #tpu.memory_space<vmem>>, vector<1x16xf32>,
    %swap3A_313 = arith.constant 6 : i32
    %swap3A_314 = arith.index_cast %swap3A_313 : i32 to index
    %swap3A_315 = arith.constant 64 : index
    %swap3A_316 = tpu.vector_load %arg12[%swap3A_314, %swap3A_315] {strides = array<i32>} : memref<16x128xf32, #tpu.memory_space<vmem>>, vector<1x16xf32>,
    %swap3A_317 = vector.shape_cast %swap3A_316 : vector<1x16xf32> to vector<16xf32>
    %swap3A_318 = vector.shape_cast %broadcast_in_dim3A_1 : vector<16xf32> to vector<1x16xf32>
    tpu.vector_store %arg12[%swap3A_314, %swap3A_315], %swap3A_318 {strides = array<i32>} : memref<16x128xf32, #tpu.memory_space<vmem>>, vector<1x16xf32>,
    %swap3A_319 = arith.constant 6 : i32
    %swap3A_320 = arith.index_cast %swap3A_319 : i32 to index
    %swap3A_321 = arith.constant 80 : index
    %swap3A_322 = tpu.vector_load %arg12[%swap3A_320, %swap3A_321] {strides = array<i32>} : memref<16x128xf32, #tpu.memory_space<vmem>>, vector<1x16xf32>,
    %swap3A_323 = vector.shape_cast %swap3A_322 : vector<1x16xf32> to vector<16xf32>
    %swap3A_324 = vector.shape_cast %broadcast_in_dim3A_1 : vector<16xf32> to vector<1x16xf32>
    tpu.vector_store %arg12[%swap3A_320, %swap3A_321], %swap3A_324 {strides = array<i32>} : memref<16x128xf32, #tpu.memory_space<vmem>>, vector<1x16xf32>,
    %swap3A_325 = arith.constant 6 : i32
    %swap3A_326 = arith.index_cast %swap3A_325 : i32 to index
    %swap3A_327 = arith.constant 96 : index
    %swap3A_328 = tpu.vector_load %arg12[%swap3A_326, %swap3A_327] {strides = array<i32>} : memref<16x128xf32, #tpu.memory_space<vmem>>, vector<1x16xf32>,
    %swap3A_329 = vector.shape_cast %swap3A_328 : vector<1x16xf32> to vector<16xf32>
    %swap3A_330 = vector.shape_cast %broadcast_in_dim3A_1 : vector<16xf32> to vector<1x16xf32>
    tpu.vector_store %arg12[%swap3A_326, %swap3A_327], %swap3A_330 {strides = array<i32>} : memref<16x128xf32, #tpu.memory_space<vmem>>, vector<1x16xf32>,
    %swap3A_331 = arith.constant 6 : i32
    %swap3A_332 = arith.index_cast %swap3A_331 : i32 to index
    %swap3A_333 = arith.constant 112 : index
    %swap3A_334 = tpu.vector_load %arg12[%swap3A_332, %swap3A_333] {strides = array<i32>} : memref<16x128xf32, #tpu.memory_space<vmem>>, vector<1x16xf32>,
    %swap3A_335 = vector.shape_cast %swap3A_334 : vector<1x16xf32> to vector<16xf32>
    %swap3A_336 = vector.shape_cast %broadcast_in_dim3A_1 : vector<16xf32> to vector<1x16xf32>
    tpu.vector_store %arg12[%swap3A_332, %swap3A_333], %swap3A_336 {strides = array<i32>} : memref<16x128xf32, #tpu.memory_space<vmem>>, vector<1x16xf32>,
    %swap3A_337 = arith.constant 7 : i32
    %swap3A_338 = arith.index_cast %swap3A_337 : i32 to index
    %swap3A_339 = arith.constant 0 : index
    %swap3A_340 = tpu.vector_load %arg12[%swap3A_338, %swap3A_339] {strides = array<i32>} : memref<16x128xf32, #tpu.memory_space<vmem>>, vector<1x16xf32>,
    %swap3A_341 = vector.shape_cast %swap3A_340 : vector<1x16xf32> to vector<16xf32>
    %swap3A_342 = vector.shape_cast %broadcast_in_dim3A_1 : vector<16xf32> to vector<1x16xf32>
    tpu.vector_store %arg12[%swap3A_338, %swap3A_339], %swap3A_342 {strides = array<i32>} : memref<16x128xf32, #tpu.memory_space<vmem>>, vector<1x16xf32>,
    %swap3A_343 = arith.constant 7 : i32
    %swap3A_344 = arith.index_cast %swap3A_343 : i32 to index
    %swap3A_345 = arith.constant 16 : index
    %swap3A_346 = tpu.vector_load %arg12[%swap3A_344, %swap3A_345] {strides = array<i32>} : memref<16x128xf32, #tpu.memory_space<vmem>>, vector<1x16xf32>,
    %swap3A_347 = vector.shape_cast %swap3A_346 : vector<1x16xf32> to vector<16xf32>
    %swap3A_348 = vector.shape_cast %broadcast_in_dim3A_1 : vector<16xf32> to vector<1x16xf32>
    tpu.vector_store %arg12[%swap3A_344, %swap3A_345], %swap3A_348 {strides = array<i32>} : memref<16x128xf32, #tpu.memory_space<vmem>>, vector<1x16xf32>,
    %swap3A_349 = arith.constant 7 : i32
    %swap3A_350 = arith.index_cast %swap3A_349 : i32 to index
    %swap3A_351 = arith.constant 32 : index
    %swap3A_352 = tpu.vector_load %arg12[%swap3A_350, %swap3A_351] {strides = array<i32>} : memref<16x128xf32, #tpu.memory_space<vmem>>, vector<1x16xf32>,
    %swap3A_353 = vector.shape_cast %swap3A_352 : vector<1x16xf32> to vector<16xf32>
    %swap3A_354 = vector.shape_cast %broadcast_in_dim3A_1 : vector<16xf32> to vector<1x16xf32>
    tpu.vector_store %arg12[%swap3A_350, %swap3A_351], %swap3A_354 {strides = array<i32>} : memref<16x128xf32, #tpu.memory_space<vmem>>, vector<1x16xf32>,
    %swap3A_355 = arith.constant 7 : i32
    %swap3A_356 = arith.index_cast %swap3A_355 : i32 to index
    %swap3A_357 = arith.constant 48 : index
    %swap3A_358 = tpu.vector_load %arg12[%swap3A_356, %swap3A_357] {strides = array<i32>} : memref<16x128xf32, #tpu.memory_space<vmem>>, vector<1x16xf32>,
    %swap3A_359 = vector.shape_cast %swap3A_358 : vector<1x16xf32> to vector<16xf32>
    %swap3A_360 = vector.shape_cast %broadcast_in_dim3A_1 : vector<16xf32> to vector<1x16xf32>
    tpu.vector_store %arg12[%swap3A_356, %swap3A_357], %swap3A_360 {strides = array<i32>} : memref<16x128xf32, #tpu.memory_space<vmem>>, vector<1x16xf32>,
    %swap3A_361 = arith.constant 7 : i32
    %swap3A_362 = arith.index_cast %swap3A_361 : i32 to index
    %swap3A_363 = arith.constant 64 : index
    %swap3A_364 = tpu.vector_load %arg12[%swap3A_362, %swap3A_363] {strides = array<i32>} : memref<16x128xf32, #tpu.memory_space<vmem>>, vector<1x16xf32>,
    %swap3A_365 = vector.shape_cast %swap3A_364 : vector<1x16xf32> to vector<16xf32>
    %swap3A_366 = vector.shape_cast %broadcast_in_dim3A_1 : vector<16xf32> to vector<1x16xf32>
    tpu.vector_store %arg12[%swap3A_362, %swap3A_363], %swap3A_366 {strides = array<i32>} : memref<16x128xf32, #tpu.memory_space<vmem>>, vector<1x16xf32>,
    %swap3A_367 = arith.constant 7 : i32
    %swap3A_368 = arith.index_cast %swap3A_367 : i32 to index
    %swap3A_369 = arith.constant 80 : index
    %swap3A_370 = tpu.vector_load %arg12[%swap3A_368, %swap3A_369] {strides = array<i32>} : memref<16x128xf32, #tpu.memory_space<vmem>>, vector<1x16xf32>,
    %swap3A_371 = vector.shape_cast %swap3A_370 : vector<1x16xf32> to vector<16xf32>
    %swap3A_372 = vector.shape_cast %broadcast_in_dim3A_1 : vector<16xf32> to vector<1x16xf32>
    tpu.vector_store %arg12[%swap3A_368, %swap3A_369], %swap3A_372 {strides = array<i32>} : memref<16x128xf32, #tpu.memory_space<vmem>>, vector<1x16xf32>,
    %swap3A_373 = arith.constant 7 : i32
    %swap3A_374 = arith.index_cast %swap3A_373 : i32 to index
    %swap3A_375 = arith.constant 96 : index
    %swap3A_376 = tpu.vector_load %arg12[%swap3A_374, %swap3A_375] {strides = array<i32>} : memref<16x128xf32, #tpu.memory_space<vmem>>, vector<1x16xf32>,
    %swap3A_377 = vector.shape_cast %swap3A_376 : vector<1x16xf32> to vector<16xf32>
    %swap3A_378 = vector.shape_cast %broadcast_in_dim3A_1 : vector<16xf32> to vector<1x16xf32>
    tpu.vector_store %arg12[%swap3A_374, %swap3A_375], %swap3A_378 {strides = array<i32>} : memref<16x128xf32, #tpu.memory_space<vmem>>, vector<1x16xf32>,
    %swap3A_379 = arith.constant 7 : i32
    %swap3A_380 = arith.index_cast %swap3A_379 : i32 to index
    %swap3A_381 = arith.constant 112 : index
    %swap3A_382 = tpu.vector_load %arg12[%swap3A_380, %swap3A_381] {strides = array<i32>} : memref<16x128xf32, #tpu.memory_space<vmem>>, vector<1x16xf32>,
    %swap3A_383 = vector.shape_cast %swap3A_382 : vector<1x16xf32> to vector<16xf32>
    %swap3A_384 = vector.shape_cast %broadcast_in_dim3A_1 : vector<16xf32> to vector<1x16xf32>
    tpu.vector_store %arg12[%swap3A_380, %swap3A_381], %swap3A_384 {strides = array<i32>} : memref<16x128xf32, #tpu.memory_space<vmem>>, vector<1x16xf32>,
    %swap3A_385 = arith.constant 8 : i32
    %swap3A_386 = arith.index_cast %swap3A_385 : i32 to index
    %swap3A_387 = arith.constant 0 : index
    %swap3A_388 = tpu.vector_load %arg12[%swap3A_386, %swap3A_387] {strides = array<i32>} : memref<16x128xf32, #tpu.memory_space<vmem>>, vector<1x16xf32>,
    %swap3A_389 = vector.shape_cast %swap3A_388 : vector<1x16xf32> to vector<16xf32>
    %swap3A_390 = vector.shape_cast %broadcast_in_dim3A_1 : vector<16xf32> to vector<1x16xf32>
    tpu.vector_store %arg12[%swap3A_386, %swap3A_387], %swap3A_390 {strides = array<i32>} : memref<16x128xf32, #tpu.memory_space<vmem>>, vector<1x16xf32>,
    %swap3A_391 = arith.constant 8 : i32
    %swap3A_392 = arith.index_cast %swap3A_391 : i32 to index
    %swap3A_393 = arith.constant 16 : index
    %swap3A_394 = tpu.vector_load %arg12[%swap3A_392, %swap3A_393] {strides = array<i32>} : memref<16x128xf32, #tpu.memory_space<vmem>>, vector<1x16xf32>,
    %swap3A_395 = vector.shape_cast %swap3A_394 : vector<1x16xf32> to vector<16xf32>
    %swap3A_396 = vector.shape_cast %broadcast_in_dim3A_1 : vector<16xf32> to vector<1x16xf32>
    tpu.vector_store %arg12[%swap3A_392, %swap3A_393], %swap3A_396 {strides = array<i32>} : memref<16x128xf32, #tpu.memory_space<vmem>>, vector<1x16xf32>,
    %swap3A_397 = arith.constant 8 : i32
    %swap3A_398 = arith.index_cast %swap3A_397 : i32 to index
    %swap3A_399 = arith.constant 32 : index
    %swap3A_400 = tpu.vector_load %arg12[%swap3A_398, %swap3A_399] {strides = array<i32>} : memref<16x128xf32, #tpu.memory_space<vmem>>, vector<1x16xf32>,
    %swap3A_401 = vector.shape_cast %swap3A_400 : vector<1x16xf32> to vector<16xf32>
    %swap3A_402 = vector.shape_cast %broadcast_in_dim3A_1 : vector<16xf32> to vector<1x16xf32>
    tpu.vector_store %arg12[%swap3A_398, %swap3A_399], %swap3A_402 {strides = array<i32>} : memref<16x128xf32, #tpu.memory_space<vmem>>, vector<1x16xf32>,
    %swap3A_403 = arith.constant 8 : i32
    %swap3A_404 = arith.index_cast %swap3A_403 : i32 to index
    %swap3A_405 = arith.constant 48 : index
    %swap3A_406 = tpu.vector_load %arg12[%swap3A_404, %swap3A_405] {strides = array<i32>} : memref<16x128xf32, #tpu.memory_space<vmem>>, vector<1x16xf32>,
    %swap3A_407 = vector.shape_cast %swap3A_406 : vector<1x16xf32> to vector<16xf32>
    %swap3A_408 = vector.shape_cast %broadcast_in_dim3A_1 : vector<16xf32> to vector<1x16xf32>
    tpu.vector_store %arg12[%swap3A_404, %swap3A_405], %swap3A_408 {strides = array<i32>} : memref<16x128xf32, #tpu.memory_space<vmem>>, vector<1x16xf32>,
    %swap3A_409 = arith.constant 8 : i32
    %swap3A_410 = arith.index_cast %swap3A_409 : i32 to index
    %swap3A_411 = arith.constant 64 : index
    %swap3A_412 = tpu.vector_load %arg12[%swap3A_410, %swap3A_411] {strides = array<i32>} : memref<16x128xf32, #tpu.memory_space<vmem>>, vector<1x16xf32>,
    %swap3A_413 = vector.shape_cast %swap3A_412 : vector<1x16xf32> to vector<16xf32>
    %swap3A_414 = vector.shape_cast %broadcast_in_dim3A_1 : vector<16xf32> to vector<1x16xf32>
    tpu.vector_store %arg12[%swap3A_410, %swap3A_411], %swap3A_414 {strides = array<i32>} : memref<16x128xf32, #tpu.memory_space<vmem>>, vector<1x16xf32>,
    %swap3A_415 = arith.constant 8 : i32
    %swap3A_416 = arith.index_cast %swap3A_415 : i32 to index
    %swap3A_417 = arith.constant 80 : index
    %swap3A_418 = tpu.vector_load %arg12[%swap3A_416, %swap3A_417] {strides = array<i32>} : memref<16x128xf32, #tpu.memory_space<vmem>>, vector<1x16xf32>,
    %swap3A_419 = vector.shape_cast %swap3A_418 : vector<1x16xf32> to vector<16xf32>
    %swap3A_420 = vector.shape_cast %broadcast_in_dim3A_1 : vector<16xf32> to vector<1x16xf32>
    tpu.vector_store %arg12[%swap3A_416, %swap3A_417], %swap3A_420 {strides = array<i32>} : memref<16x128xf32, #tpu.memory_space<vmem>>, vector<1x16xf32>,
    %swap3A_421 = arith.constant 8 : i32
    %swap3A_422 = arith.index_cast %swap3A_421 : i32 to index
    %swap3A_423 = arith.constant 96 : index
    %swap3A_424 = tpu.vector_load %arg12[%swap3A_422, %swap3A_423] {strides = array<i32>} : memref<16x128xf32, #tpu.memory_space<vmem>>, vector<1x16xf32>,
    %swap3A_425 = vector.shape_cast %swap3A_424 : vector<1x16xf32> to vector<16xf32>
    %swap3A_426 = vector.shape_cast %broadcast_in_dim3A_1 : vector<16xf32> to vector<1x16xf32>
    tpu.vector_store %arg12[%swap3A_422, %swap3A_423], %swap3A_426 {strides = array<i32>} : memref<16x128xf32, #tpu.memory_space<vmem>>, vector<1x16xf32>,
    %swap3A_427 = arith.constant 8 : i32
    %swap3A_428 = arith.index_cast %swap3A_427 : i32 to index
    %swap3A_429 = arith.constant 112 : index
    %swap3A_430 = tpu.vector_load %arg12[%swap3A_428, %swap3A_429] {strides = array<i32>} : memref<16x128xf32, #tpu.memory_space<vmem>>, vector<1x16xf32>,
    %swap3A_431 = vector.shape_cast %swap3A_430 : vector<1x16xf32> to vector<16xf32>
    %swap3A_432 = vector.shape_cast %broadcast_in_dim3A_1 : vector<16xf32> to vector<1x16xf32>
    tpu.vector_store %arg12[%swap3A_428, %swap3A_429], %swap3A_432 {strides = array<i32>} : memref<16x128xf32, #tpu.memory_space<vmem>>, vector<1x16xf32>,
    %swap3A_433 = arith.constant 9 : i32
    %swap3A_434 = arith.index_cast %swap3A_433 : i32 to index
    %swap3A_435 = arith.constant 0 : index
    %swap3A_436 = tpu.vector_load %arg12[%swap3A_434, %swap3A_435] {strides = array<i32>} : memref<16x128xf32, #tpu.memory_space<vmem>>, vector<1x16xf32>,
    %swap3A_437 = vector.shape_cast %swap3A_436 : vector<1x16xf32> to vector<16xf32>
    %swap3A_438 = vector.shape_cast %broadcast_in_dim3A_1 : vector<16xf32> to vector<1x16xf32>
    tpu.vector_store %arg12[%swap3A_434, %swap3A_435], %swap3A_438 {strides = array<i32>} : memref<16x128xf32, #tpu.memory_space<vmem>>, vector<1x16xf32>,
    %swap3A_439 = arith.constant 9 : i32
    %swap3A_440 = arith.index_cast %swap3A_439 : i32 to index
    %swap3A_441 = arith.constant 16 : index
    %swap3A_442 = tpu.vector_load %arg12[%swap3A_440, %swap3A_441] {strides = array<i32>} : memref<16x128xf32, #tpu.memory_space<vmem>>, vector<1x16xf32>,
    %swap3A_443 = vector.shape_cast %swap3A_442 : vector<1x16xf32> to vector<16xf32>
    %swap3A_444 = vector.shape_cast %broadcast_in_dim3A_1 : vector<16xf32> to vector<1x16xf32>
    tpu.vector_store %arg12[%swap3A_440, %swap3A_441], %swap3A_444 {strides = array<i32>} : memref<16x128xf32, #tpu.memory_space<vmem>>, vector<1x16xf32>,
    %swap3A_445 = arith.constant 9 : i32
    %swap3A_446 = arith.index_cast %swap3A_445 : i32 to index
    %swap3A_447 = arith.constant 32 : index
    %swap3A_448 = tpu.vector_load %arg12[%swap3A_446, %swap3A_447] {strides = array<i32>} : memref<16x128xf32, #tpu.memory_space<vmem>>, vector<1x16xf32>,
    %swap3A_449 = vector.shape_cast %swap3A_448 : vector<1x16xf32> to vector<16xf32>
    %swap3A_450 = vector.shape_cast %broadcast_in_dim3A_1 : vector<16xf32> to vector<1x16xf32>
    tpu.vector_store %arg12[%swap3A_446, %swap3A_447], %swap3A_450 {strides = array<i32>} : memref<16x128xf32, #tpu.memory_space<vmem>>, vector<1x16xf32>,
    %swap3A_451 = arith.constant 9 : i32
    %swap3A_452 = arith.index_cast %swap3A_451 : i32 to index
    %swap3A_453 = arith.constant 48 : index
    %swap3A_454 = tpu.vector_load %arg12[%swap3A_452, %swap3A_453] {strides = array<i32>} : memref<16x128xf32, #tpu.memory_space<vmem>>, vector<1x16xf32>,
    %swap3A_455 = vector.shape_cast %swap3A_454 : vector<1x16xf32> to vector<16xf32>
    %swap3A_456 = vector.shape_cast %broadcast_in_dim3A_1 : vector<16xf32> to vector<1x16xf32>
    tpu.vector_store %arg12[%swap3A_452, %swap3A_453], %swap3A_456 {strides = array<i32>} : memref<16x128xf32, #tpu.memory_space<vmem>>, vector<1x16xf32>,
    %swap3A_457 = arith.constant 9 : i32
    %swap3A_458 = arith.index_cast %swap3A_457 : i32 to index
    %swap3A_459 = arith.constant 64 : index
    %swap3A_460 = tpu.vector_load %arg12[%swap3A_458, %swap3A_459] {strides = array<i32>} : memref<16x128xf32, #tpu.memory_space<vmem>>, vector<1x16xf32>,
    %swap3A_461 = vector.shape_cast %swap3A_460 : vector<1x16xf32> to vector<16xf32>
    %swap3A_462 = vector.shape_cast %broadcast_in_dim3A_1 : vector<16xf32> to vector<1x16xf32>
    tpu.vector_store %arg12[%swap3A_458, %swap3A_459], %swap3A_462 {strides = array<i32>} : memref<16x128xf32, #tpu.memory_space<vmem>>, vector<1x16xf32>,
    %swap3A_463 = arith.constant 9 : i32
    %swap3A_464 = arith.index_cast %swap3A_463 : i32 to index
    %swap3A_465 = arith.constant 80 : index
    %swap3A_466 = tpu.vector_load %arg12[%swap3A_464, %swap3A_465] {strides = array<i32>} : memref<16x128xf32, #tpu.memory_space<vmem>>, vector<1x16xf32>,
    %swap3A_467 = vector.shape_cast %swap3A_466 : vector<1x16xf32> to vector<16xf32>
    %swap3A_468 = vector.shape_cast %broadcast_in_dim3A_1 : vector<16xf32> to vector<1x16xf32>
    tpu.vector_store %arg12[%swap3A_464, %swap3A_465], %swap3A_468 {strides = array<i32>} : memref<16x128xf32, #tpu.memory_space<vmem>>, vector<1x16xf32>,
    %swap3A_469 = arith.constant 9 : i32
    %swap3A_470 = arith.index_cast %swap3A_469 : i32 to index
    %swap3A_471 = arith.constant 96 : index
    %swap3A_472 = tpu.vector_load %arg12[%swap3A_470, %swap3A_471] {strides = array<i32>} : memref<16x128xf32, #tpu.memory_space<vmem>>, vector<1x16xf32>,
    %swap3A_473 = vector.shape_cast %swap3A_472 : vector<1x16xf32> to vector<16xf32>
    %swap3A_474 = vector.shape_cast %broadcast_in_dim3A_1 : vector<16xf32> to vector<1x16xf32>
    tpu.vector_store %arg12[%swap3A_470, %swap3A_471], %swap3A_474 {strides = array<i32>} : memref<16x128xf32, #tpu.memory_space<vmem>>, vector<1x16xf32>,
    %swap3A_475 = arith.constant 9 : i32
    %swap3A_476 = arith.index_cast %swap3A_475 : i32 to index
    %swap3A_477 = arith.constant 112 : index
    %swap3A_478 = tpu.vector_load %arg12[%swap3A_476, %swap3A_477] {strides = array<i32>} : memref<16x128xf32, #tpu.memory_space<vmem>>, vector<1x16xf32>,
    %swap3A_479 = vector.shape_cast %swap3A_478 : vector<1x16xf32> to vector<16xf32>
    %swap3A_480 = vector.shape_cast %broadcast_in_dim3A_1 : vector<16xf32> to vector<1x16xf32>
    tpu.vector_store %arg12[%swap3A_476, %swap3A_477], %swap3A_480 {strides = array<i32>} : memref<16x128xf32, #tpu.memory_space<vmem>>, vector<1x16xf32>,
    %swap3A_481 = arith.constant 10 : i32
    %swap3A_482 = arith.index_cast %swap3A_481 : i32 to index
    %swap3A_483 = arith.constant 0 : index
    %swap3A_484 = tpu.vector_load %arg12[%swap3A_482, %swap3A_483] {strides = array<i32>} : memref<16x128xf32, #tpu.memory_space<vmem>>, vector<1x16xf32>,
    %swap3A_485 = vector.shape_cast %swap3A_484 : vector<1x16xf32> to vector<16xf32>
    %swap3A_486 = vector.shape_cast %broadcast_in_dim3A_1 : vector<16xf32> to vector<1x16xf32>
    tpu.vector_store %arg12[%swap3A_482, %swap3A_483], %swap3A_486 {strides = array<i32>} : memref<16x128xf32, #tpu.memory_space<vmem>>, vector<1x16xf32>,
    %swap3A_487 = arith.constant 10 : i32
    %swap3A_488 = arith.index_cast %swap3A_487 : i32 to index
    %swap3A_489 = arith.constant 16 : index
    %swap3A_490 = tpu.vector_load %arg12[%swap3A_488, %swap3A_489] {strides = array<i32>} : memref<16x128xf32, #tpu.memory_space<vmem>>, vector<1x16xf32>,
    %swap3A_491 = vector.shape_cast %swap3A_490 : vector<1x16xf32> to vector<16xf32>
    %swap3A_492 = vector.shape_cast %broadcast_in_dim3A_1 : vector<16xf32> to vector<1x16xf32>
    tpu.vector_store %arg12[%swap3A_488, %swap3A_489], %swap3A_492 {strides = array<i32>} : memref<16x128xf32, #tpu.memory_space<vmem>>, vector<1x16xf32>,
    %swap3A_493 = arith.constant 10 : i32
    %swap3A_494 = arith.index_cast %swap3A_493 : i32 to index
    %swap3A_495 = arith.constant 32 : index
    %swap3A_496 = tpu.vector_load %arg12[%swap3A_494, %swap3A_495] {strides = array<i32>} : memref<16x128xf32, #tpu.memory_space<vmem>>, vector<1x16xf32>,
    %swap3A_497 = vector.shape_cast %swap3A_496 : vector<1x16xf32> to vector<16xf32>
    %swap3A_498 = vector.shape_cast %broadcast_in_dim3A_1 : vector<16xf32> to vector<1x16xf32>
    tpu.vector_store %arg12[%swap3A_494, %swap3A_495], %swap3A_498 {strides = array<i32>} : memref<16x128xf32, #tpu.memory_space<vmem>>, vector<1x16xf32>,
    %swap3A_499 = arith.constant 10 : i32
    %swap3A_500 = arith.index_cast %swap3A_499 : i32 to index
    %swap3A_501 = arith.constant 48 : index
    %swap3A_502 = tpu.vector_load %arg12[%swap3A_500, %swap3A_501] {strides = array<i32>} : memref<16x128xf32, #tpu.memory_space<vmem>>, vector<1x16xf32>,
    %swap3A_503 = vector.shape_cast %swap3A_502 : vector<1x16xf32> to vector<16xf32>
    %swap3A_504 = vector.shape_cast %broadcast_in_dim3A_1 : vector<16xf32> to vector<1x16xf32>
    tpu.vector_store %arg12[%swap3A_500, %swap3A_501], %swap3A_504 {strides = array<i32>} : memref<16x128xf32, #tpu.memory_space<vmem>>, vector<1x16xf32>,
    %swap3A_505 = arith.constant 10 : i32
    %swap3A_506 = arith.index_cast %swap3A_505 : i32 to index
    %swap3A_507 = arith.constant 64 : index
    %swap3A_508 = tpu.vector_load %arg12[%swap3A_506, %swap3A_507] {strides = array<i32>} : memref<16x128xf32, #tpu.memory_space<vmem>>, vector<1x16xf32>,
    %swap3A_509 = vector.shape_cast %swap3A_508 : vector<1x16xf32> to vector<16xf32>
    %swap3A_510 = vector.shape_cast %broadcast_in_dim3A_1 : vector<16xf32> to vector<1x16xf32>
    tpu.vector_store %arg12[%swap3A_506, %swap3A_507], %swap3A_510 {strides = array<i32>} : memref<16x128xf32, #tpu.memory_space<vmem>>, vector<1x16xf32>,
    %swap3A_511 = arith.constant 10 : i32
    %swap3A_512 = arith.index_cast %swap3A_511 : i32 to index
    %swap3A_513 = arith.constant 80 : index
    %swap3A_514 = tpu.vector_load %arg12[%swap3A_512, %swap3A_513] {strides = array<i32>} : memref<16x128xf32, #tpu.memory_space<vmem>>, vector<1x16xf32>,
    %swap3A_515 = vector.shape_cast %swap3A_514 : vector<1x16xf32> to vector<16xf32>
    %swap3A_516 = vector.shape_cast %broadcast_in_dim3A_1 : vector<16xf32> to vector<1x16xf32>
    tpu.vector_store %arg12[%swap3A_512, %swap3A_513], %swap3A_516 {strides = array<i32>} : memref<16x128xf32, #tpu.memory_space<vmem>>, vector<1x16xf32>,
    %swap3A_517 = arith.constant 10 : i32
    %swap3A_518 = arith.index_cast %swap3A_517 : i32 to index
    %swap3A_519 = arith.constant 96 : index
    %swap3A_520 = tpu.vector_load %arg12[%swap3A_518, %swap3A_519] {strides = array<i32>} : memref<16x128xf32, #tpu.memory_space<vmem>>, vector<1x16xf32>,
    %swap3A_521 = vector.shape_cast %swap3A_520 : vector<1x16xf32> to vector<16xf32>
    %swap3A_522 = vector.shape_cast %broadcast_in_dim3A_1 : vector<16xf32> to vector<1x16xf32>
    tpu.vector_store %arg12[%swap3A_518, %swap3A_519], %swap3A_522 {strides = array<i32>} : memref<16x128xf32, #tpu.memory_space<vmem>>, vector<1x16xf32>,
    %swap3A_523 = arith.constant 10 : i32
    %swap3A_524 = arith.index_cast %swap3A_523 : i32 to index
    %swap3A_525 = arith.constant 112 : index
    %swap3A_526 = tpu.vector_load %arg12[%swap3A_524, %swap3A_525] {strides = array<i32>} : memref<16x128xf32, #tpu.memory_space<vmem>>, vector<1x16xf32>,
    %swap3A_527 = vector.shape_cast %swap3A_526 : vector<1x16xf32> to vector<16xf32>
    %swap3A_528 = vector.shape_cast %broadcast_in_dim3A_1 : vector<16xf32> to vector<1x16xf32>
    tpu.vector_store %arg12[%swap3A_524, %swap3A_525], %swap3A_528 {strides = array<i32>} : memref<16x128xf32, #tpu.memory_space<vmem>>, vector<1x16xf32>,
    %swap3A_529 = arith.constant 11 : i32
    %swap3A_530 = arith.index_cast %swap3A_529 : i32 to index
    %swap3A_531 = arith.constant 0 : index
    %swap3A_532 = tpu.vector_load %arg12[%swap3A_530, %swap3A_531] {strides = array<i32>} : memref<16x128xf32, #tpu.memory_space<vmem>>, vector<1x16xf32>,
    %swap3A_533 = vector.shape_cast %swap3A_532 : vector<1x16xf32> to vector<16xf32>
    %swap3A_534 = vector.shape_cast %broadcast_in_dim3A_1 : vector<16xf32> to vector<1x16xf32>
    tpu.vector_store %arg12[%swap3A_530, %swap3A_531], %swap3A_534 {strides = array<i32>} : memref<16x128xf32, #tpu.memory_space<vmem>>, vector<1x16xf32>,
    %swap3A_535 = arith.constant 11 : i32
    %swap3A_536 = arith.index_cast %swap3A_535 : i32 to index
    %swap3A_537 = arith.constant 16 : index
    %swap3A_538 = tpu.vector_load %arg12[%swap3A_536, %swap3A_537] {strides = array<i32>} : memref<16x128xf32, #tpu.memory_space<vmem>>, vector<1x16xf32>,
    %swap3A_539 = vector.shape_cast %swap3A_538 : vector<1x16xf32> to vector<16xf32>
    %swap3A_540 = vector.shape_cast %broadcast_in_dim3A_1 : vector<16xf32> to vector<1x16xf32>
    tpu.vector_store %arg12[%swap3A_536, %swap3A_537], %swap3A_540 {strides = array<i32>} : memref<16x128xf32, #tpu.memory_space<vmem>>, vector<1x16xf32>,
    %swap3A_541 = arith.constant 11 : i32
    %swap3A_542 = arith.index_cast %swap3A_541 : i32 to index
    %swap3A_543 = arith.constant 32 : index
    %swap3A_544 = tpu.vector_load %arg12[%swap3A_542, %swap3A_543] {strides = array<i32>} : memref<16x128xf32, #tpu.memory_space<vmem>>, vector<1x16xf32>,
    %swap3A_545 = vector.shape_cast %swap3A_544 : vector<1x16xf32> to vector<16xf32>
    %swap3A_546 = vector.shape_cast %broadcast_in_dim3A_1 : vector<16xf32> to vector<1x16xf32>
    tpu.vector_store %arg12[%swap3A_542, %swap3A_543], %swap3A_546 {strides = array<i32>} : memref<16x128xf32, #tpu.memory_space<vmem>>, vector<1x16xf32>,
    %swap3A_547 = arith.constant 11 : i32
    %swap3A_548 = arith.index_cast %swap3A_547 : i32 to index
    %swap3A_549 = arith.constant 48 : index
    %swap3A_550 = tpu.vector_load %arg12[%swap3A_548, %swap3A_549] {strides = array<i32>} : memref<16x128xf32, #tpu.memory_space<vmem>>, vector<1x16xf32>,
    %swap3A_551 = vector.shape_cast %swap3A_550 : vector<1x16xf32> to vector<16xf32>
    %swap3A_552 = vector.shape_cast %broadcast_in_dim3A_1 : vector<16xf32> to vector<1x16xf32>
    tpu.vector_store %arg12[%swap3A_548, %swap3A_549], %swap3A_552 {strides = array<i32>} : memref<16x128xf32, #tpu.memory_space<vmem>>, vector<1x16xf32>,
    %swap3A_553 = arith.constant 11 : i32
    %swap3A_554 = arith.index_cast %swap3A_553 : i32 to index
    %swap3A_555 = arith.constant 64 : index
    %swap3A_556 = tpu.vector_load %arg12[%swap3A_554, %swap3A_555] {strides = array<i32>} : memref<16x128xf32, #tpu.memory_space<vmem>>, vector<1x16xf32>,
    %swap3A_557 = vector.shape_cast %swap3A_556 : vector<1x16xf32> to vector<16xf32>
    %swap3A_558 = vector.shape_cast %broadcast_in_dim3A_1 : vector<16xf32> to vector<1x16xf32>
    tpu.vector_store %arg12[%swap3A_554, %swap3A_555], %swap3A_558 {strides = array<i32>} : memref<16x128xf32, #tpu.memory_space<vmem>>, vector<1x16xf32>,
    %swap3A_559 = arith.constant 11 : i32
    %swap3A_560 = arith.index_cast %swap3A_559 : i32 to index
    %swap3A_561 = arith.constant 80 : index
    %swap3A_562 = tpu.vector_load %arg12[%swap3A_560, %swap3A_561] {strides = array<i32>} : memref<16x128xf32, #tpu.memory_space<vmem>>, vector<1x16xf32>,
    %swap3A_563 = vector.shape_cast %swap3A_562 : vector<1x16xf32> to vector<16xf32>
    %swap3A_564 = vector.shape_cast %broadcast_in_dim3A_1 : vector<16xf32> to vector<1x16xf32>
    tpu.vector_store %arg12[%swap3A_560, %swap3A_561], %swap3A_564 {strides = array<i32>} : memref<16x128xf32, #tpu.memory_space<vmem>>, vector<1x16xf32>,
    %swap3A_565 = arith.constant 11 : i32
    %swap3A_566 = arith.index_cast %swap3A_565 : i32 to index
    %swap3A_567 = arith.constant 96 : index
    %swap3A_568 = tpu.vector_load %arg12[%swap3A_566, %swap3A_567] {strides = array<i32>} : memref<16x128xf32, #tpu.memory_space<vmem>>, vector<1x16xf32>,
    %swap3A_569 = vector.shape_cast %swap3A_568 : vector<1x16xf32> to vector<16xf32>
    %swap3A_570 = vector.shape_cast %broadcast_in_dim3A_1 : vector<16xf32> to vector<1x16xf32>
    tpu.vector_store %arg12[%swap3A_566, %swap3A_567], %swap3A_570 {strides = array<i32>} : memref<16x128xf32, #tpu.memory_space<vmem>>, vector<1x16xf32>,
    %swap3A_571 = arith.constant 11 : i32
    %swap3A_572 = arith.index_cast %swap3A_571 : i32 to index
    %swap3A_573 = arith.constant 112 : index
    %swap3A_574 = tpu.vector_load %arg12[%swap3A_572, %swap3A_573] {strides = array<i32>} : memref<16x128xf32, #tpu.memory_space<vmem>>, vector<1x16xf32>,
    %swap3A_575 = vector.shape_cast %swap3A_574 : vector<1x16xf32> to vector<16xf32>
    %swap3A_576 = vector.shape_cast %broadcast_in_dim3A_1 : vector<16xf32> to vector<1x16xf32>
    tpu.vector_store %arg12[%swap3A_572, %swap3A_573], %swap3A_576 {strides = array<i32>} : memref<16x128xf32, #tpu.memory_space<vmem>>, vector<1x16xf32>,
    %swap3A_577 = arith.constant 12 : i32
    %swap3A_578 = arith.index_cast %swap3A_577 : i32 to index
    %swap3A_579 = arith.constant 0 : index
    %swap3A_580 = tpu.vector_load %arg12[%swap3A_578, %swap3A_579] {strides = array<i32>} : memref<16x128xf32, #tpu.memory_space<vmem>>, vector<1x16xf32>,
    %swap3A_581 = vector.shape_cast %swap3A_580 : vector<1x16xf32> to vector<16xf32>
    %swap3A_582 = vector.shape_cast %broadcast_in_dim3A_1 : vector<16xf32> to vector<1x16xf32>
    tpu.vector_store %arg12[%swap3A_578, %swap3A_579], %swap3A_582 {strides = array<i32>} : memref<16x128xf32, #tpu.memory_space<vmem>>, vector<1x16xf32>,
    %swap3A_583 = arith.constant 12 : i32
    %swap3A_584 = arith.index_cast %swap3A_583 : i32 to index
    %swap3A_585 = arith.constant 16 : index
    %swap3A_586 = tpu.vector_load %arg12[%swap3A_584, %swap3A_585] {strides = array<i32>} : memref<16x128xf32, #tpu.memory_space<vmem>>, vector<1x16xf32>,
    %swap3A_587 = vector.shape_cast %swap3A_586 : vector<1x16xf32> to vector<16xf32>
    %swap3A_588 = vector.shape_cast %broadcast_in_dim3A_1 : vector<16xf32> to vector<1x16xf32>
    tpu.vector_store %arg12[%swap3A_584, %swap3A_585], %swap3A_588 {strides = array<i32>} : memref<16x128xf32, #tpu.memory_space<vmem>>, vector<1x16xf32>,
    %swap3A_589 = arith.constant 12 : i32
    %swap3A_590 = arith.index_cast %swap3A_589 : i32 to index
    %swap3A_591 = arith.constant 32 : index
    %swap3A_592 = tpu.vector_load %arg12[%swap3A_590, %swap3A_591] {strides = array<i32>} : memref<16x128xf32, #tpu.memory_space<vmem>>, vector<1x16xf32>,
    %swap3A_593 = vector.shape_cast %swap3A_592 : vector<1x16xf32> to vector<16xf32>
    %swap3A_594 = vector.shape_cast %broadcast_in_dim3A_1 : vector<16xf32> to vector<1x16xf32>
    tpu.vector_store %arg12[%swap3A_590, %swap3A_591], %swap3A_594 {strides = array<i32>} : memref<16x128xf32, #tpu.memory_space<vmem>>, vector<1x16xf32>,
    %swap3A_595 = arith.constant 12 : i32
    %swap3A_596 = arith.index_cast %swap3A_595 : i32 to index
    %swap3A_597 = arith.constant 48 : index
    %swap3A_598 = tpu.vector_load %arg12[%swap3A_596, %swap3A_597] {strides = array<i32>} : memref<16x128xf32, #tpu.memory_space<vmem>>, vector<1x16xf32>,
    %swap3A_599 = vector.shape_cast %swap3A_598 : vector<1x16xf32> to vector<16xf32>
    %swap3A_600 = vector.shape_cast %broadcast_in_dim3A_1 : vector<16xf32> to vector<1x16xf32>
    tpu.vector_store %arg12[%swap3A_596, %swap3A_597], %swap3A_600 {strides = array<i32>} : memref<16x128xf32, #tpu.memory_space<vmem>>, vector<1x16xf32>,
    %swap3A_601 = arith.constant 12 : i32
    %swap3A_602 = arith.index_cast %swap3A_601 : i32 to index
    %swap3A_603 = arith.constant 64 : index
    %swap3A_604 = tpu.vector_load %arg12[%swap3A_602, %swap3A_603] {strides = array<i32>} : memref<16x128xf32, #tpu.memory_space<vmem>>, vector<1x16xf32>,
    %swap3A_605 = vector.shape_cast %swap3A_604 : vector<1x16xf32> to vector<16xf32>
    %swap3A_606 = vector.shape_cast %broadcast_in_dim3A_1 : vector<16xf32> to vector<1x16xf32>
    tpu.vector_store %arg12[%swap3A_602, %swap3A_603], %swap3A_606 {strides = array<i32>} : memref<16x128xf32, #tpu.memory_space<vmem>>, vector<1x16xf32>,
    %swap3A_607 = arith.constant 12 : i32
    %swap3A_608 = arith.index_cast %swap3A_607 : i32 to index
    %swap3A_609 = arith.constant 80 : index
    %swap3A_610 = tpu.vector_load %arg12[%swap3A_608, %swap3A_609] {strides = array<i32>} : memref<16x128xf32, #tpu.memory_space<vmem>>, vector<1x16xf32>,
    %swap3A_611 = vector.shape_cast %swap3A_610 : vector<1x16xf32> to vector<16xf32>
    %swap3A_612 = vector.shape_cast %broadcast_in_dim3A_1 : vector<16xf32> to vector<1x16xf32>
    tpu.vector_store %arg12[%swap3A_608, %swap3A_609], %swap3A_612 {strides = array<i32>} : memref<16x128xf32, #tpu.memory_space<vmem>>, vector<1x16xf32>,
    %swap3A_613 = arith.constant 12 : i32
    %swap3A_614 = arith.index_cast %swap3A_613 : i32 to index
    %swap3A_615 = arith.constant 96 : index
    %swap3A_616 = tpu.vector_load %arg12[%swap3A_614, %swap3A_615] {strides = array<i32>} : memref<16x128xf32, #tpu.memory_space<vmem>>, vector<1x16xf32>,
    %swap3A_617 = vector.shape_cast %swap3A_616 : vector<1x16xf32> to vector<16xf32>
    %swap3A_618 = vector.shape_cast %broadcast_in_dim3A_1 : vector<16xf32> to vector<1x16xf32>
    tpu.vector_store %arg12[%swap3A_614, %swap3A_615], %swap3A_618 {strides = array<i32>} : memref<16x128xf32, #tpu.memory_space<vmem>>, vector<1x16xf32>,
    %swap3A_619 = arith.constant 12 : i32
    %swap3A_620 = arith.index_cast %swap3A_619 : i32 to index
    %swap3A_621 = arith.constant 112 : index
    %swap3A_622 = tpu.vector_load %arg12[%swap3A_620, %swap3A_621] {strides = array<i32>} : memref<16x128xf32, #tpu.memory_space<vmem>>, vector<1x16xf32>,
    %swap3A_623 = vector.shape_cast %swap3A_622 : vector<1x16xf32> to vector<16xf32>
    %swap3A_624 = vector.shape_cast %broadcast_in_dim3A_1 : vector<16xf32> to vector<1x16xf32>
    tpu.vector_store %arg12[%swap3A_620, %swap3A_621], %swap3A_624 {strides = array<i32>} : memref<16x128xf32, #tpu.memory_space<vmem>>, vector<1x16xf32>,
    %swap3A_625 = arith.constant 13 : i32
    %swap3A_626 = arith.index_cast %swap3A_625 : i32 to index
    %swap3A_627 = arith.constant 0 : index
    %swap3A_628 = tpu.vector_load %arg12[%swap3A_626, %swap3A_627] {strides = array<i32>} : memref<16x128xf32, #tpu.memory_space<vmem>>, vector<1x16xf32>,
    %swap3A_629 = vector.shape_cast %swap3A_628 : vector<1x16xf32> to vector<16xf32>
    %swap3A_630 = vector.shape_cast %broadcast_in_dim3A_1 : vector<16xf32> to vector<1x16xf32>
    tpu.vector_store %arg12[%swap3A_626, %swap3A_627], %swap3A_630 {strides = array<i32>} : memref<16x128xf32, #tpu.memory_space<vmem>>, vector<1x16xf32>,
    %swap3A_631 = arith.constant 13 : i32
    %swap3A_632 = arith.index_cast %swap3A_631 : i32 to index
    %swap3A_633 = arith.constant 16 : index
    %swap3A_634 = tpu.vector_load %arg12[%swap3A_632, %swap3A_633] {strides = array<i32>} : memref<16x128xf32, #tpu.memory_space<vmem>>, vector<1x16xf32>,
    %swap3A_635 = vector.shape_cast %swap3A_634 : vector<1x16xf32> to vector<16xf32>
    %swap3A_636 = vector.shape_cast %broadcast_in_dim3A_1 : vector<16xf32> to vector<1x16xf32>
    tpu.vector_store %arg12[%swap3A_632, %swap3A_633], %swap3A_636 {strides = array<i32>} : memref<16x128xf32, #tpu.memory_space<vmem>>, vector<1x16xf32>,
    %swap3A_637 = arith.constant 13 : i32
    %swap3A_638 = arith.index_cast %swap3A_637 : i32 to index
    %swap3A_639 = arith.constant 32 : index
    %swap3A_640 = tpu.vector_load %arg12[%swap3A_638, %swap3A_639] {strides = array<i32>} : memref<16x128xf32, #tpu.memory_space<vmem>>, vector<1x16xf32>,
    %swap3A_641 = vector.shape_cast %swap3A_640 : vector<1x16xf32> to vector<16xf32>
    %swap3A_642 = vector.shape_cast %broadcast_in_dim3A_1 : vector<16xf32> to vector<1x16xf32>
    tpu.vector_store %arg12[%swap3A_638, %swap3A_639], %swap3A_642 {strides = array<i32>} : memref<16x128xf32, #tpu.memory_space<vmem>>, vector<1x16xf32>,
    %swap3A_643 = arith.constant 13 : i32
    %swap3A_644 = arith.index_cast %swap3A_643 : i32 to index
    %swap3A_645 = arith.constant 48 : index
    %swap3A_646 = tpu.vector_load %arg12[%swap3A_644, %swap3A_645] {strides = array<i32>} : memref<16x128xf32, #tpu.memory_space<vmem>>, vector<1x16xf32>,
    %swap3A_647 = vector.shape_cast %swap3A_646 : vector<1x16xf32> to vector<16xf32>
    %swap3A_648 = vector.shape_cast %broadcast_in_dim3A_1 : vector<16xf32> to vector<1x16xf32>
    tpu.vector_store %arg12[%swap3A_644, %swap3A_645], %swap3A_648 {strides = array<i32>} : memref<16x128xf32, #tpu.memory_space<vmem>>, vector<1x16xf32>,
    %swap3A_649 = arith.constant 13 : i32
    %swap3A_650 = arith.index_cast %swap3A_649 : i32 to index
    %swap3A_651 = arith.constant 64 : index
    %swap3A_652 = tpu.vector_load %arg12[%swap3A_650, %swap3A_651] {strides = array<i32>} : memref<16x128xf32, #tpu.memory_space<vmem>>, vector<1x16xf32>,
    %swap3A_653 = vector.shape_cast %swap3A_652 : vector<1x16xf32> to vector<16xf32>
    %swap3A_654 = vector.shape_cast %broadcast_in_dim3A_1 : vector<16xf32> to vector<1x16xf32>
    tpu.vector_store %arg12[%swap3A_650, %swap3A_651], %swap3A_654 {strides = array<i32>} : memref<16x128xf32, #tpu.memory_space<vmem>>, vector<1x16xf32>,
    %swap3A_655 = arith.constant 13 : i32
    %swap3A_656 = arith.index_cast %swap3A_655 : i32 to index
    %swap3A_657 = arith.constant 80 : index
    %swap3A_658 = tpu.vector_load %arg12[%swap3A_656, %swap3A_657] {strides = array<i32>} : memref<16x128xf32, #tpu.memory_space<vmem>>, vector<1x16xf32>,
    %swap3A_659 = vector.shape_cast %swap3A_658 : vector<1x16xf32> to vector<16xf32>
    %swap3A_660 = vector.shape_cast %broadcast_in_dim3A_1 : vector<16xf32> to vector<1x16xf32>
    tpu.vector_store %arg12[%swap3A_656, %swap3A_657], %swap3A_660 {strides = array<i32>} : memref<16x128xf32, #tpu.memory_space<vmem>>, vector<1x16xf32>,
    %swap3A_661 = arith.constant 13 : i32
    %swap3A_662 = arith.index_cast %swap3A_661 : i32 to index
    %swap3A_663 = arith.constant 96 : index
    %swap3A_664 = tpu.vector_load %arg12[%swap3A_662, %swap3A_663] {strides = array<i32>} : memref<16x128xf32, #tpu.memory_space<vmem>>, vector<1x16xf32>,
    %swap3A_665 = vector.shape_cast %swap3A_664 : vector<1x16xf32> to vector<16xf32>
    %swap3A_666 = vector.shape_cast %broadcast_in_dim3A_1 : vector<16xf32> to vector<1x16xf32>
    tpu.vector_store %arg12[%swap3A_662, %swap3A_663], %swap3A_666 {strides = array<i32>} : memref<16x128xf32, #tpu.memory_space<vmem>>, vector<1x16xf32>,
    %swap3A_667 = arith.constant 13 : i32
    %swap3A_668 = arith.index_cast %swap3A_667 : i32 to index
    %swap3A_669 = arith.constant 112 : index
    %swap3A_670 = tpu.vector_load %arg12[%swap3A_668, %swap3A_669] {strides = array<i32>} : memref<16x128xf32, #tpu.memory_space<vmem>>, vector<1x16xf32>,
    %swap3A_671 = vector.shape_cast %swap3A_670 : vector<1x16xf32> to vector<16xf32>
    %swap3A_672 = vector.shape_cast %broadcast_in_dim3A_1 : vector<16xf32> to vector<1x16xf32>
    tpu.vector_store %arg12[%swap3A_668, %swap3A_669], %swap3A_672 {strides = array<i32>} : memref<16x128xf32, #tpu.memory_space<vmem>>, vector<1x16xf32>,
    %swap3A_673 = arith.constant 14 : i32
    %swap3A_674 = arith.index_cast %swap3A_673 : i32 to index
    %swap3A_675 = arith.constant 0 : index
    %swap3A_676 = tpu.vector_load %arg12[%swap3A_674, %swap3A_675] {strides = array<i32>} : memref<16x128xf32, #tpu.memory_space<vmem>>, vector<1x16xf32>,
    %swap3A_677 = vector.shape_cast %swap3A_676 : vector<1x16xf32> to vector<16xf32>
    %swap3A_678 = vector.shape_cast %broadcast_in_dim3A_1 : vector<16xf32> to vector<1x16xf32>
    tpu.vector_store %arg12[%swap3A_674, %swap3A_675], %swap3A_678 {strides = array<i32>} : memref<16x128xf32, #tpu.memory_space<vmem>>, vector<1x16xf32>,
    %swap3A_679 = arith.constant 14 : i32
    %swap3A_680 = arith.index_cast %swap3A_679 : i32 to index
    %swap3A_681 = arith.constant 16 : index
    %swap3A_682 = tpu.vector_load %arg12[%swap3A_680, %swap3A_681] {strides = array<i32>} : memref<16x128xf32, #tpu.memory_space<vmem>>, vector<1x16xf32>,
    %swap3A_683 = vector.shape_cast %swap3A_682 : vector<1x16xf32> to vector<16xf32>
    %swap3A_684 = vector.shape_cast %broadcast_in_dim3A_1 : vector<16xf32> to vector<1x16xf32>
    tpu.vector_store %arg12[%swap3A_680, %swap3A_681], %swap3A_684 {strides = array<i32>} : memref<16x128xf32, #tpu.memory_space<vmem>>, vector<1x16xf32>,
    %swap3A_685 = arith.constant 14 : i32
    %swap3A_686 = arith.index_cast %swap3A_685 : i32 to index
    %swap3A_687 = arith.constant 32 : index
    %swap3A_688 = tpu.vector_load %arg12[%swap3A_686, %swap3A_687] {strides = array<i32>} : memref<16x128xf32, #tpu.memory_space<vmem>>, vector<1x16xf32>,
    %swap3A_689 = vector.shape_cast %swap3A_688 : vector<1x16xf32> to vector<16xf32>
    %swap3A_690 = vector.shape_cast %broadcast_in_dim3A_1 : vector<16xf32> to vector<1x16xf32>
    tpu.vector_store %arg12[%swap3A_686, %swap3A_687], %swap3A_690 {strides = array<i32>} : memref<16x128xf32, #tpu.memory_space<vmem>>, vector<1x16xf32>,
    %swap3A_691 = arith.constant 14 : i32
    %swap3A_692 = arith.index_cast %swap3A_691 : i32 to index
    %swap3A_693 = arith.constant 48 : index
    %swap3A_694 = tpu.vector_load %arg12[%swap3A_692, %swap3A_693] {strides = array<i32>} : memref<16x128xf32, #tpu.memory_space<vmem>>, vector<1x16xf32>,
    %swap3A_695 = vector.shape_cast %swap3A_694 : vector<1x16xf32> to vector<16xf32>
    %swap3A_696 = vector.shape_cast %broadcast_in_dim3A_1 : vector<16xf32> to vector<1x16xf32>
    tpu.vector_store %arg12[%swap3A_692, %swap3A_693], %swap3A_696 {strides = array<i32>} : memref<16x128xf32, #tpu.memory_space<vmem>>, vector<1x16xf32>,
    %swap3A_697 = arith.constant 14 : i32
    %swap3A_698 = arith.index_cast %swap3A_697 : i32 to index
    %swap3A_699 = arith.constant 64 : index
    %swap3A_700 = tpu.vector_load %arg12[%swap3A_698, %swap3A_699] {strides = array<i32>} : memref<16x128xf32, #tpu.memory_space<vmem>>, vector<1x16xf32>,
    %swap3A_701 = vector.shape_cast %swap3A_700 : vector<1x16xf32> to vector<16xf32>
    %swap3A_702 = vector.shape_cast %broadcast_in_dim3A_1 : vector<16xf32> to vector<1x16xf32>
    tpu.vector_store %arg12[%swap3A_698, %swap3A_699], %swap3A_702 {strides = array<i32>} : memref<16x128xf32, #tpu.memory_space<vmem>>, vector<1x16xf32>,
    %swap3A_703 = arith.constant 14 : i32
    %swap3A_704 = arith.index_cast %swap3A_703 : i32 to index
    %swap3A_705 = arith.constant 80 : index
    %swap3A_706 = tpu.vector_load %arg12[%swap3A_704, %swap3A_705] {strides = array<i32>} : memref<16x128xf32, #tpu.memory_space<vmem>>, vector<1x16xf32>,
    %swap3A_707 = vector.shape_cast %swap3A_706 : vector<1x16xf32> to vector<16xf32>
    %swap3A_708 = vector.shape_cast %broadcast_in_dim3A_1 : vector<16xf32> to vector<1x16xf32>
    tpu.vector_store %arg12[%swap3A_704, %swap3A_705], %swap3A_708 {strides = array<i32>} : memref<16x128xf32, #tpu.memory_space<vmem>>, vector<1x16xf32>,
    %swap3A_709 = arith.constant 14 : i32
    %swap3A_710 = arith.index_cast %swap3A_709 : i32 to index
    %swap3A_711 = arith.constant 96 : index
    %swap3A_712 = tpu.vector_load %arg12[%swap3A_710, %swap3A_711] {strides = array<i32>} : memref<16x128xf32, #tpu.memory_space<vmem>>, vector<1x16xf32>,
    %swap3A_713 = vector.shape_cast %swap3A_712 : vector<1x16xf32> to vector<16xf32>
    %swap3A_714 = vector.shape_cast %broadcast_in_dim3A_1 : vector<16xf32> to vector<1x16xf32>
    tpu.vector_store %arg12[%swap3A_710, %swap3A_711], %swap3A_714 {strides = array<i32>} : memref<16x128xf32, #tpu.memory_space<vmem>>, vector<1x16xf32>,
    %swap3A_715 = arith.constant 14 : i32
    %swap3A_716 = arith.index_cast %swap3A_715 : i32 to index
    %swap3A_717 = arith.constant 112 : index
    %swap3A_718 = tpu.vector_load %arg12[%swap3A_716, %swap3A_717] {strides = array<i32>} : memref<16x128xf32, #tpu.memory_space<vmem>>, vector<1x16xf32>,
    %swap3A_719 = vector.shape_cast %swap3A_718 : vector<1x16xf32> to vector<16xf32>
    %swap3A_720 = vector.shape_cast %broadcast_in_dim3A_1 : vector<16xf32> to vector<1x16xf32>
    tpu.vector_store %arg12[%swap3A_716, %swap3A_717], %swap3A_720 {strides = array<i32>} : memref<16x128xf32, #tpu.memory_space<vmem>>, vector<1x16xf32>,
    %swap3A_721 = arith.constant 15 : i32
    %swap3A_722 = arith.index_cast %swap3A_721 : i32 to index
    %swap3A_723 = arith.constant 0 : index
    %swap3A_724 = tpu.vector_load %arg12[%swap3A_722, %swap3A_723] {strides = array<i32>} : memref<16x128xf32, #tpu.memory_space<vmem>>, vector<1x16xf32>,
    %swap3A_725 = vector.shape_cast %swap3A_724 : vector<1x16xf32> to vector<16xf32>
    %swap3A_726 = vector.shape_cast %broadcast_in_dim3A_1 : vector<16xf32> to vector<1x16xf32>
    tpu.vector_store %arg12[%swap3A_722, %swap3A_723], %swap3A_726 {strides = array<i32>} : memref<16x128xf32, #tpu.memory_space<vmem>>, vector<1x16xf32>,
    %swap3A_727 = arith.constant 15 : i32
    %swap3A_728 = arith.index_cast %swap3A_727 : i32 to index
    %swap3A_729 = arith.constant 16 : index
    %swap3A_730 = tpu.vector_load %arg12[%swap3A_728, %swap3A_729] {strides = array<i32>} : memref<16x128xf32, #tpu.memory_space<vmem>>, vector<1x16xf32>,
    %swap3A_731 = vector.shape_cast %swap3A_730 : vector<1x16xf32> to vector<16xf32>
    %swap3A_732 = vector.shape_cast %broadcast_in_dim3A_1 : vector<16xf32> to vector<1x16xf32>
    tpu.vector_store %arg12[%swap3A_728, %swap3A_729], %swap3A_732 {strides = array<i32>} : memref<16x128xf32, #tpu.memory_space<vmem>>, vector<1x16xf32>,
    %swap3A_733 = arith.constant 15 : i32
    %swap3A_734 = arith.index_cast %swap3A_733 : i32 to index
    %swap3A_735 = arith.constant 32 : index
    %swap3A_736 = tpu.vector_load %arg12[%swap3A_734, %swap3A_735] {strides = array<i32>} : memref<16x128xf32, #tpu.memory_space<vmem>>, vector<1x16xf32>,
    %swap3A_737 = vector.shape_cast %swap3A_736 : vector<1x16xf32> to vector<16xf32>
    %swap3A_738 = vector.shape_cast %broadcast_in_dim3A_1 : vector<16xf32> to vector<1x16xf32>
    tpu.vector_store %arg12[%swap3A_734, %swap3A_735], %swap3A_738 {strides = array<i32>} : memref<16x128xf32, #tpu.memory_space<vmem>>, vector<1x16xf32>,
    %swap3A_739 = arith.constant 15 : i32
    %swap3A_740 = arith.index_cast %swap3A_739 : i32 to index
    %swap3A_741 = arith.constant 48 : index
    %swap3A_742 = tpu.vector_load %arg12[%swap3A_740, %swap3A_741] {strides = array<i32>} : memref<16x128xf32, #tpu.memory_space<vmem>>, vector<1x16xf32>,
    %swap3A_743 = vector.shape_cast %swap3A_742 : vector<1x16xf32> to vector<16xf32>
    %swap3A_744 = vector.shape_cast %broadcast_in_dim3A_1 : vector<16xf32> to vector<1x16xf32>
    tpu.vector_store %arg12[%swap3A_740, %swap3A_741], %swap3A_744 {strides = array<i32>} : memref<16x128xf32, #tpu.memory_space<vmem>>, vector<1x16xf32>,
    %swap3A_745 = arith.constant 15 : i32
    %swap3A_746 = arith.index_cast %swap3A_745 : i32 to index
    %swap3A_747 = arith.constant 64 : index
    %swap3A_748 = tpu.vector_load %arg12[%swap3A_746, %swap3A_747] {strides = array<i32>} : memref<16x128xf32, #tpu.memory_space<vmem>>, vector<1x16xf32>,
    %swap3A_749 = vector.shape_cast %swap3A_748 : vector<1x16xf32> to vector<16xf32>
    %swap3A_750 = vector.shape_cast %broadcast_in_dim3A_1 : vector<16xf32> to vector<1x16xf32>
    tpu.vector_store %arg12[%swap3A_746, %swap3A_747], %swap3A_750 {strides = array<i32>} : memref<16x128xf32, #tpu.memory_space<vmem>>, vector<1x16xf32>,
    %swap3A_751 = arith.constant 15 : i32
    %swap3A_752 = arith.index_cast %swap3A_751 : i32 to index
    %swap3A_753 = arith.constant 80 : index
    %swap3A_754 = tpu.vector_load %arg12[%swap3A_752, %swap3A_753] {strides = array<i32>} : memref<16x128xf32, #tpu.memory_space<vmem>>, vector<1x16xf32>,
    %swap3A_755 = vector.shape_cast %swap3A_754 : vector<1x16xf32> to vector<16xf32>
    %swap3A_756 = vector.shape_cast %broadcast_in_dim3A_1 : vector<16xf32> to vector<1x16xf32>
    tpu.vector_store %arg12[%swap3A_752, %swap3A_753], %swap3A_756 {strides = array<i32>} : memref<16x128xf32, #tpu.memory_space<vmem>>, vector<1x16xf32>,
    %swap3A_757 = arith.constant 15 : i32
    %swap3A_758 = arith.index_cast %swap3A_757 : i32 to index
    %swap3A_759 = arith.constant 96 : index
    %swap3A_760 = tpu.vector_load %arg12[%swap3A_758, %swap3A_759] {strides = array<i32>} : memref<16x128xf32, #tpu.memory_space<vmem>>, vector<1x16xf32>,
    %swap3A_761 = vector.shape_cast %swap3A_760 : vector<1x16xf32> to vector<16xf32>
    %swap3A_762 = vector.shape_cast %broadcast_in_dim3A_1 : vector<16xf32> to vector<1x16xf32>
    tpu.vector_store %arg12[%swap3A_758, %swap3A_759], %swap3A_762 {strides = array<i32>} : memref<16x128xf32, #tpu.memory_space<vmem>>, vector<1x16xf32>,
    %swap3A_763 = arith.constant 15 : i32
    %swap3A_764 = arith.index_cast %swap3A_763 : i32 to index
    %swap3A_765 = arith.constant 112 : index
    %swap3A_766 = tpu.vector_load %arg12[%swap3A_764, %swap3A_765] {strides = array<i32>} : memref<16x128xf32, #tpu.memory_space<vmem>>, vector<1x16xf32>,
    %swap3A_767 = vector.shape_cast %swap3A_766 : vector<1x16xf32> to vector<16xf32>
    %swap3A_768 = vector.shape_cast %broadcast_in_dim3A_1 : vector<16xf32> to vector<1x16xf32>
    tpu.vector_store %arg12[%swap3A_764, %swap3A_765], %swap3A_768 {strides = array<i32>} : memref<16x128xf32, #tpu.memory_space<vmem>>, vector<1x16xf32>,
    %scan3A = arith.constant 0 : i32
    %scan3A_769 = arith.constant 0 : i32
    %scan3A_770 = arith.constant 20 : i32
    %scan3A_771 = arith.addi %scan3A_769, %scan3A_770 : i32
    %scan3A_772 = arith.constant 1 : i32
    scf.for %scan3A_792 = %scan3A_769 to %scan3A_771 step %scan3A_772  : i32 {
      %mul3A_793 = arith.constant 320 : i32
      %mul3A_794 = arith.muli %arg1, %mul3A_793 : i32
      %mul3A_795 = arith.constant 16 : i32
      %mul3A_796 = arith.muli %scan3A_792, %mul3A_795 : i32
      %add3A_797 = arith.addi %mul3A_794, %mul3A_796 : i32
      "tpu.region"() ({
        %run_scoped3A = tpu.sem_alloc : memref<!tpu.dma_semaphore, #tpu.memory_space<semaphore_mem>>
        %dma_start3A = arith.constant 0 : i32
        %dma_start3A_798 = tpu.memref_slice %arg13[%add3A_797, %dma_start3A] : memref<5128x128xf32, #tpu.memory_space<vmem_shared>> -> memref<16x128xf32, #tpu.memory_space<vmem_shared>>
        %dma_start3A_799 = arith.constant 0 : i32
        %dma_start3A_800 = tpu.memref_slice %arg13[%add3A_797, %dma_start3A_799] : memref<5128x128xf32, #tpu.memory_space<vmem_shared>> -> memref<16x128xf32, #tpu.memory_space<vmem_shared>>
        tpu.enqueue_dma source(%arg12 : memref<16x128xf32, #tpu.memory_space<vmem>>) target(%dma_start3A_800 : memref<16x128xf32, #tpu.memory_space<vmem_shared>>) target_semaphore(%run_scoped3A : memref<!tpu.dma_semaphore, #tpu.memory_space<semaphore_mem>>)
        %dma_wait3A = arith.constant 0 : i32
        %dma_wait3A_801 = tpu.memref_slice %arg13[%add3A_797, %dma_wait3A] : memref<5128x128xf32, #tpu.memory_space<vmem_shared>> -> memref<16x128xf32, #tpu.memory_space<vmem_shared>>
        %dma_wait3A_802 = arith.constant 0 : i32
        %dma_wait3A_803 = tpu.memref_slice %arg13[%add3A_797, %dma_wait3A_802] : memref<5128x128xf32, #tpu.memory_space<vmem_shared>> -> memref<16x128xf32, #tpu.memory_space<vmem_shared>>
        tpu.wait_dma2 semaphore(%run_scoped3A : memref<!tpu.dma_semaphore, #tpu.memory_space<semaphore_mem>>) src(%arg12 : memref<16x128xf32, #tpu.memory_space<vmem>>) dst(%dma_wait3A_803 : memref<16x128xf32, #tpu.memory_space<vmem_shared>>)
        tpu.yield
      }) : () -> ()
    }
    %scan3A_773 = arith.constant 20 : i32
    %eq3A = arith.constant 15 : i32
    %eq3A_774 = arith.cmpi eq, %arg1, %eq3A : i32
    %convert_element_type3A = arith.extui %eq3A_774 : i1 to i32
    %cond3A = arith.constant 0 : i32
    %cond3A_775 = arith.cmpi ne, %convert_element_type3A, %cond3A : i32
    scf.if %cond3A_775 {
    } else {
    }
    %barrier3A = arith.constant 0 : index
    tpu.barrier barrier_id(%barrier3A)
    %scan3A_776 = arith.constant 0 : i32
    %scan3A_777 = arith.constant 0 : i32
    %scan3A_778 = arith.constant 157 : i32
    %scan3A_779 = arith.addi %scan3A_777, %scan3A_778 : i32
    %scan3A_780 = arith.constant 1 : i32
    scf.for %scan3A_792 = %scan3A_777 to %scan3A_779 step %scan3A_780  : i32 {
      %mul3A_793 = arith.constant 16 : i32
      %mul3A_794 = arith.muli %scan3A_792, %mul3A_793 : i32
      %add3A_795 = arith.addi %mul3A_794, %arg1 : i32
      %lt3A = arith.constant 2500 : i32
      %lt3A_796 = arith.cmpi slt, %add3A_795, %lt3A : i32
      %convert_element_type3A_797 = arith.extui %lt3A_796 : i1 to i32
      %cond3A_798 = arith.constant 0 : i32
      %cond3A_799 = arith.cmpi ne, %convert_element_type3A_797, %cond3A_798 : i32
      scf.if %cond3A_799 {
        %mul3A_800 = arith.constant 128 : i32
        %mul3A_801 = arith.muli %add3A_795, %mul3A_800 : i32
        %dma_start3A = tpu.memref_slice %arg3[%mul3A_801] : memref<320000xi32, #tpu.memory_space<hbm>> -> memref<128xi32, #tpu.memory_space<hbm>>
        %dma_start3A_802 = tpu.memref_slice %arg3[%mul3A_801] : memref<320000xi32, #tpu.memory_space<hbm>> -> memref<128xi32, #tpu.memory_space<hbm>>
        tpu.enqueue_dma source(%dma_start3A_802 : memref<128xi32, #tpu.memory_space<hbm>>) target(%arg7 : memref<128xi32, #tpu.memory_space<vmem>>) target_semaphore(%arg14 : memref<!tpu.dma_semaphore, #tpu.memory_space<semaphore_mem>>)
        %dma_start3A_803 = tpu.memref_slice %arg4[%mul3A_801] : memref<320000xi32, #tpu.memory_space<hbm>> -> memref<128xi32, #tpu.memory_space<hbm>>
        %dma_start3A_804 = tpu.memref_slice %arg4[%mul3A_801] : memref<320000xi32, #tpu.memory_space<hbm>> -> memref<128xi32, #tpu.memory_space<hbm>>
        tpu.enqueue_dma source(%dma_start3A_804 : memref<128xi32, #tpu.memory_space<hbm>>) target(%arg8 : memref<128xi32, #tpu.memory_space<vmem>>) target_semaphore(%arg14 : memref<!tpu.dma_semaphore, #tpu.memory_space<semaphore_mem>>)
        %dma_start3A_805 = arith.constant 0 : i32
        %dma_start3A_806 = tpu.memref_slice %arg5[%mul3A_801, %dma_start3A_805] : memref<320000x16xf32, #tpu.memory_space<hbm>> -> memref<128x16xf32, #tpu.memory_space<hbm>>
        %dma_start3A_807 = arith.constant 0 : i32
        %dma_start3A_808 = tpu.memref_slice %arg5[%mul3A_801, %dma_start3A_807] : memref<320000x16xf32, #tpu.memory_space<hbm>> -> memref<128x16xf32, #tpu.memory_space<hbm>>
        tpu.enqueue_dma source(%dma_start3A_808 : memref<128x16xf32, #tpu.memory_space<hbm>>) target(%arg10 : memref<128x16xf32, #tpu.memory_space<vmem>>) target_semaphore(%arg14 : memref<!tpu.dma_semaphore, #tpu.memory_space<semaphore_mem>>)
        %dma_wait3A = tpu.memref_slice %arg3[%mul3A_801] : memref<320000xi32, #tpu.memory_space<hbm>> -> memref<128xi32, #tpu.memory_space<hbm>>
        %dma_wait3A_809 = tpu.memref_slice %arg3[%mul3A_801] : memref<320000xi32, #tpu.memory_space<hbm>> -> memref<128xi32, #tpu.memory_space<hbm>>
        tpu.wait_dma2 semaphore(%arg14 : memref<!tpu.dma_semaphore, #tpu.memory_space<semaphore_mem>>) src(%dma_wait3A_809 : memref<128xi32, #tpu.memory_space<hbm>>) dst(%arg7 : memref<128xi32, #tpu.memory_space<vmem>>)
        %dma_start3A_810 = arith.constant 0 : i32
        %dma_start3A_811 = arith.constant 0 : i32
        %dma_start3A_812 = tpu.memref_slice %arg2[%dma_start3A_810, %dma_start3A_811] : memref<10000x128xf32, #tpu.memory_space<hbm>> -> memref<10000x128xf32, #tpu.memory_space<hbm>>
        tpu.enqueue_indirect_dma source(%dma_start3A_812 : memref<10000x128xf32, #tpu.memory_space<hbm>>) target(%arg11 : memref<128x128xf32, #tpu.memory_space<vmem>>) offsets(%arg7 : memref<128xi32, #tpu.memory_space<vmem>>) semaphore(%arg15 : memref<!tpu.dma_semaphore, #tpu.memory_space<semaphore_mem>>)
        %dma_wait3A_813 = tpu.memref_slice %arg4[%mul3A_801] : memref<320000xi32, #tpu.memory_space<hbm>> -> memref<128xi32, #tpu.memory_space<hbm>>
        %dma_wait3A_814 = tpu.memref_slice %arg4[%mul3A_801] : memref<320000xi32, #tpu.memory_space<hbm>> -> memref<128xi32, #tpu.memory_space<hbm>>
        tpu.wait_dma2 semaphore(%arg14 : memref<!tpu.dma_semaphore, #tpu.memory_space<semaphore_mem>>) src(%dma_wait3A_814 : memref<128xi32, #tpu.memory_space<hbm>>) dst(%arg8 : memref<128xi32, #tpu.memory_space<vmem>>)
        %dma_wait3A_815 = arith.constant 0 : i32
        %dma_wait3A_816 = tpu.memref_slice %arg5[%mul3A_801, %dma_wait3A_815] : memref<320000x16xf32, #tpu.memory_space<hbm>> -> memref<128x16xf32, #tpu.memory_space<hbm>>
        %dma_wait3A_817 = arith.constant 0 : i32
        %dma_wait3A_818 = tpu.memref_slice %arg5[%mul3A_801, %dma_wait3A_817] : memref<320000x16xf32, #tpu.memory_space<hbm>> -> memref<128x16xf32, #tpu.memory_space<hbm>>
        tpu.wait_dma2 semaphore(%arg14 : memref<!tpu.dma_semaphore, #tpu.memory_space<semaphore_mem>>) src(%dma_wait3A_818 : memref<128x16xf32, #tpu.memory_space<hbm>>) dst(%arg10 : memref<128x16xf32, #tpu.memory_space<vmem>>)
        %get3A = arith.constant 0 : index
        %get3A_819 = tpu.vector_load %arg8[%get3A] {strides = array<i32>} : memref<128xi32, #tpu.memory_space<vmem>>, vector<16xi32>,
        %get3A_820 = vector.shape_cast %get3A_819 : vector<16xi32> to vector<16xi32>
        %sub3A = vector.broadcast %mul3A_0 : i32 to vector<16xi32>
        %sub3A_821 = arith.subi %get3A_820, %sub3A : vector<16xi32>
        %ge3A = arith.constant 0 : i32
        %ge3A_822 = vector.broadcast %ge3A : i32 to vector<16xi32>
        %ge3A_823 = arith.cmpi sge, %sub3A_821, %ge3A_822 : vector<16xi32>
        %lt3A_824 = arith.constant 5000 : i32
        %lt3A_825 = vector.broadcast %lt3A_824 : i32 to vector<16xi32>
        %lt3A_826 = arith.cmpi slt, %sub3A_821, %lt3A_825 : vector<16xi32>
        %and3A = arith.andi %ge3A_823, %lt3A_826 : vector<16xi1>
        %jit3A = arith.constant 5120 : i32
        %broadcast_in_dim3A_827 = vector.broadcast %jit3A : i32 to vector<16xi32>
        %select_n3A = arith.select %and3A, %sub3A_821, %broadcast_in_dim3A_827 : vector<16xi1>, vector<16xi32>
        %swap3A_828 = arith.constant 0 : index
        %swap3A_829 = tpu.vector_load %arg9[%swap3A_828] {strides = array<i32>} : memref<128xi32, #tpu.memory_space<vmem>>, vector<16xi32>,
        %swap3A_830 = vector.shape_cast %swap3A_829 : vector<16xi32> to vector<16xi32>
        %swap3A_831 = vector.shape_cast %select_n3A : vector<16xi32> to vector<16xi32>
        tpu.vector_store %arg9[%swap3A_828], %swap3A_831 {strides = array<i32>} : memref<128xi32, #tpu.memory_space<vmem>>, vector<16xi32>,
        %get3A_832 = arith.constant 16 : index
        %get3A_833 = tpu.vector_load %arg8[%get3A_832] {strides = array<i32>} : memref<128xi32, #tpu.memory_space<vmem>>, vector<16xi32>,
        %get3A_834 = vector.shape_cast %get3A_833 : vector<16xi32> to vector<16xi32>
        %sub3A_835 = vector.broadcast %mul3A_0 : i32 to vector<16xi32>
        %sub3A_836 = arith.subi %get3A_834, %sub3A_835 : vector<16xi32>
        %ge3A_837 = arith.constant 0 : i32
        %ge3A_838 = vector.broadcast %ge3A_837 : i32 to vector<16xi32>
        %ge3A_839 = arith.cmpi sge, %sub3A_836, %ge3A_838 : vector<16xi32>
        %lt3A_840 = arith.constant 5000 : i32
        %lt3A_841 = vector.broadcast %lt3A_840 : i32 to vector<16xi32>
        %lt3A_842 = arith.cmpi slt, %sub3A_836, %lt3A_841 : vector<16xi32>
        %and3A_843 = arith.andi %ge3A_839, %lt3A_842 : vector<16xi1>
        %jit3A_844 = arith.constant 5120 : i32
        %broadcast_in_dim3A_845 = vector.broadcast %jit3A_844 : i32 to vector<16xi32>
        %select_n3A_846 = arith.select %and3A_843, %sub3A_836, %broadcast_in_dim3A_845 : vector<16xi1>, vector<16xi32>
        %swap3A_847 = arith.constant 16 : index
        %swap3A_848 = tpu.vector_load %arg9[%swap3A_847] {strides = array<i32>} : memref<128xi32, #tpu.memory_space<vmem>>, vector<16xi32>,
        %swap3A_849 = vector.shape_cast %swap3A_848 : vector<16xi32> to vector<16xi32>
        %swap3A_850 = vector.shape_cast %select_n3A_846 : vector<16xi32> to vector<16xi32>
        tpu.vector_store %arg9[%swap3A_847], %swap3A_850 {strides = array<i32>} : memref<128xi32, #tpu.memory_space<vmem>>, vector<16xi32>,
        %get3A_851 = arith.constant 32 : index
        %get3A_852 = tpu.vector_load %arg8[%get3A_851] {strides = array<i32>} : memref<128xi32, #tpu.memory_space<vmem>>, vector<16xi32>,
        %get3A_853 = vector.shape_cast %get3A_852 : vector<16xi32> to vector<16xi32>
        %sub3A_854 = vector.broadcast %mul3A_0 : i32 to vector<16xi32>
        %sub3A_855 = arith.subi %get3A_853, %sub3A_854 : vector<16xi32>
        %ge3A_856 = arith.constant 0 : i32
        %ge3A_857 = vector.broadcast %ge3A_856 : i32 to vector<16xi32>
        %ge3A_858 = arith.cmpi sge, %sub3A_855, %ge3A_857 : vector<16xi32>
        %lt3A_859 = arith.constant 5000 : i32
        %lt3A_860 = vector.broadcast %lt3A_859 : i32 to vector<16xi32>
        %lt3A_861 = arith.cmpi slt, %sub3A_855, %lt3A_860 : vector<16xi32>
        %and3A_862 = arith.andi %ge3A_858, %lt3A_861 : vector<16xi1>
        %jit3A_863 = arith.constant 5120 : i32
        %broadcast_in_dim3A_864 = vector.broadcast %jit3A_863 : i32 to vector<16xi32>
        %select_n3A_865 = arith.select %and3A_862, %sub3A_855, %broadcast_in_dim3A_864 : vector<16xi1>, vector<16xi32>
        %swap3A_866 = arith.constant 32 : index
        %swap3A_867 = tpu.vector_load %arg9[%swap3A_866] {strides = array<i32>} : memref<128xi32, #tpu.memory_space<vmem>>, vector<16xi32>,
        %swap3A_868 = vector.shape_cast %swap3A_867 : vector<16xi32> to vector<16xi32>
        %swap3A_869 = vector.shape_cast %select_n3A_865 : vector<16xi32> to vector<16xi32>
        tpu.vector_store %arg9[%swap3A_866], %swap3A_869 {strides = array<i32>} : memref<128xi32, #tpu.memory_space<vmem>>, vector<16xi32>,
        %get3A_870 = arith.constant 48 : index
        %get3A_871 = tpu.vector_load %arg8[%get3A_870] {strides = array<i32>} : memref<128xi32, #tpu.memory_space<vmem>>, vector<16xi32>,
        %get3A_872 = vector.shape_cast %get3A_871 : vector<16xi32> to vector<16xi32>
        %sub3A_873 = vector.broadcast %mul3A_0 : i32 to vector<16xi32>
        %sub3A_874 = arith.subi %get3A_872, %sub3A_873 : vector<16xi32>
        %ge3A_875 = arith.constant 0 : i32
        %ge3A_876 = vector.broadcast %ge3A_875 : i32 to vector<16xi32>
        %ge3A_877 = arith.cmpi sge, %sub3A_874, %ge3A_876 : vector<16xi32>
        %lt3A_878 = arith.constant 5000 : i32
        %lt3A_879 = vector.broadcast %lt3A_878 : i32 to vector<16xi32>
        %lt3A_880 = arith.cmpi slt, %sub3A_874, %lt3A_879 : vector<16xi32>
        %and3A_881 = arith.andi %ge3A_877, %lt3A_880 : vector<16xi1>
        %jit3A_882 = arith.constant 5120 : i32
        %broadcast_in_dim3A_883 = vector.broadcast %jit3A_882 : i32 to vector<16xi32>
        %select_n3A_884 = arith.select %and3A_881, %sub3A_874, %broadcast_in_dim3A_883 : vector<16xi1>, vector<16xi32>
        %swap3A_885 = arith.constant 48 : index
        %swap3A_886 = tpu.vector_load %arg9[%swap3A_885] {strides = array<i32>} : memref<128xi32, #tpu.memory_space<vmem>>, vector<16xi32>,
        %swap3A_887 = vector.shape_cast %swap3A_886 : vector<16xi32> to vector<16xi32>
        %swap3A_888 = vector.shape_cast %select_n3A_884 : vector<16xi32> to vector<16xi32>
        tpu.vector_store %arg9[%swap3A_885], %swap3A_888 {strides = array<i32>} : memref<128xi32, #tpu.memory_space<vmem>>, vector<16xi32>,
        %get3A_889 = arith.constant 64 : index
        %get3A_890 = tpu.vector_load %arg8[%get3A_889] {strides = array<i32>} : memref<128xi32, #tpu.memory_space<vmem>>, vector<16xi32>,
        %get3A_891 = vector.shape_cast %get3A_890 : vector<16xi32> to vector<16xi32>
        %sub3A_892 = vector.broadcast %mul3A_0 : i32 to vector<16xi32>
        %sub3A_893 = arith.subi %get3A_891, %sub3A_892 : vector<16xi32>
        %ge3A_894 = arith.constant 0 : i32
        %ge3A_895 = vector.broadcast %ge3A_894 : i32 to vector<16xi32>
        %ge3A_896 = arith.cmpi sge, %sub3A_893, %ge3A_895 : vector<16xi32>
        %lt3A_897 = arith.constant 5000 : i32
        %lt3A_898 = vector.broadcast %lt3A_897 : i32 to vector<16xi32>
        %lt3A_899 = arith.cmpi slt, %sub3A_893, %lt3A_898 : vector<16xi32>
        %and3A_900 = arith.andi %ge3A_896, %lt3A_899 : vector<16xi1>
        %jit3A_901 = arith.constant 5120 : i32
        %broadcast_in_dim3A_902 = vector.broadcast %jit3A_901 : i32 to vector<16xi32>
        %select_n3A_903 = arith.select %and3A_900, %sub3A_893, %broadcast_in_dim3A_902 : vector<16xi1>, vector<16xi32>
        %swap3A_904 = arith.constant 64 : index
        %swap3A_905 = tpu.vector_load %arg9[%swap3A_904] {strides = array<i32>} : memref<128xi32, #tpu.memory_space<vmem>>, vector<16xi32>,
        %swap3A_906 = vector.shape_cast %swap3A_905 : vector<16xi32> to vector<16xi32>
        %swap3A_907 = vector.shape_cast %select_n3A_903 : vector<16xi32> to vector<16xi32>
        tpu.vector_store %arg9[%swap3A_904], %swap3A_907 {strides = array<i32>} : memref<128xi32, #tpu.memory_space<vmem>>, vector<16xi32>,
        %get3A_908 = arith.constant 80 : index
        %get3A_909 = tpu.vector_load %arg8[%get3A_908] {strides = array<i32>} : memref<128xi32, #tpu.memory_space<vmem>>, vector<16xi32>,
        %get3A_910 = vector.shape_cast %get3A_909 : vector<16xi32> to vector<16xi32>
        %sub3A_911 = vector.broadcast %mul3A_0 : i32 to vector<16xi32>
        %sub3A_912 = arith.subi %get3A_910, %sub3A_911 : vector<16xi32>
        %ge3A_913 = arith.constant 0 : i32
        %ge3A_914 = vector.broadcast %ge3A_913 : i32 to vector<16xi32>
        %ge3A_915 = arith.cmpi sge, %sub3A_912, %ge3A_914 : vector<16xi32>
        %lt3A_916 = arith.constant 5000 : i32
        %lt3A_917 = vector.broadcast %lt3A_916 : i32 to vector<16xi32>
        %lt3A_918 = arith.cmpi slt, %sub3A_912, %lt3A_917 : vector<16xi32>
        %and3A_919 = arith.andi %ge3A_915, %lt3A_918 : vector<16xi1>
        %jit3A_920 = arith.constant 5120 : i32
        %broadcast_in_dim3A_921 = vector.broadcast %jit3A_920 : i32 to vector<16xi32>
        %select_n3A_922 = arith.select %and3A_919, %sub3A_912, %broadcast_in_dim3A_921 : vector<16xi1>, vector<16xi32>
        %swap3A_923 = arith.constant 80 : index
        %swap3A_924 = tpu.vector_load %arg9[%swap3A_923] {strides = array<i32>} : memref<128xi32, #tpu.memory_space<vmem>>, vector<16xi32>,
        %swap3A_925 = vector.shape_cast %swap3A_924 : vector<16xi32> to vector<16xi32>
        %swap3A_926 = vector.shape_cast %select_n3A_922 : vector<16xi32> to vector<16xi32>
        tpu.vector_store %arg9[%swap3A_923], %swap3A_926 {strides = array<i32>} : memref<128xi32, #tpu.memory_space<vmem>>, vector<16xi32>,
        %get3A_927 = arith.constant 96 : index
        %get3A_928 = tpu.vector_load %arg8[%get3A_927] {strides = array<i32>} : memref<128xi32, #tpu.memory_space<vmem>>, vector<16xi32>,
        %get3A_929 = vector.shape_cast %get3A_928 : vector<16xi32> to vector<16xi32>
        %sub3A_930 = vector.broadcast %mul3A_0 : i32 to vector<16xi32>
        %sub3A_931 = arith.subi %get3A_929, %sub3A_930 : vector<16xi32>
        %ge3A_932 = arith.constant 0 : i32
        %ge3A_933 = vector.broadcast %ge3A_932 : i32 to vector<16xi32>
        %ge3A_934 = arith.cmpi sge, %sub3A_931, %ge3A_933 : vector<16xi32>
        %lt3A_935 = arith.constant 5000 : i32
        %lt3A_936 = vector.broadcast %lt3A_935 : i32 to vector<16xi32>
        %lt3A_937 = arith.cmpi slt, %sub3A_931, %lt3A_936 : vector<16xi32>
        %and3A_938 = arith.andi %ge3A_934, %lt3A_937 : vector<16xi1>
        %jit3A_939 = arith.constant 5120 : i32
        %broadcast_in_dim3A_940 = vector.broadcast %jit3A_939 : i32 to vector<16xi32>
        %select_n3A_941 = arith.select %and3A_938, %sub3A_931, %broadcast_in_dim3A_940 : vector<16xi1>, vector<16xi32>
        %swap3A_942 = arith.constant 96 : index
        %swap3A_943 = tpu.vector_load %arg9[%swap3A_942] {strides = array<i32>} : memref<128xi32, #tpu.memory_space<vmem>>, vector<16xi32>,
        %swap3A_944 = vector.shape_cast %swap3A_943 : vector<16xi32> to vector<16xi32>
        %swap3A_945 = vector.shape_cast %select_n3A_941 : vector<16xi32> to vector<16xi32>
        tpu.vector_store %arg9[%swap3A_942], %swap3A_945 {strides = array<i32>} : memref<128xi32, #tpu.memory_space<vmem>>, vector<16xi32>,
        %get3A_946 = arith.constant 112 : index
        %get3A_947 = tpu.vector_load %arg8[%get3A_946] {strides = array<i32>} : memref<128xi32, #tpu.memory_space<vmem>>, vector<16xi32>,
        %get3A_948 = vector.shape_cast %get3A_947 : vector<16xi32> to vector<16xi32>
        %sub3A_949 = vector.broadcast %mul3A_0 : i32 to vector<16xi32>
        %sub3A_950 = arith.subi %get3A_948, %sub3A_949 : vector<16xi32>
        %ge3A_951 = arith.constant 0 : i32
        %ge3A_952 = vector.broadcast %ge3A_951 : i32 to vector<16xi32>
        %ge3A_953 = arith.cmpi sge, %sub3A_950, %ge3A_952 : vector<16xi32>
        %lt3A_954 = arith.constant 5000 : i32
        %lt3A_955 = vector.broadcast %lt3A_954 : i32 to vector<16xi32>
        %lt3A_956 = arith.cmpi slt, %sub3A_950, %lt3A_955 : vector<16xi32>
        %and3A_957 = arith.andi %ge3A_953, %lt3A_956 : vector<16xi1>
        %jit3A_958 = arith.constant 5120 : i32
        %broadcast_in_dim3A_959 = vector.broadcast %jit3A_958 : i32 to vector<16xi32>
        %select_n3A_960 = arith.select %and3A_957, %sub3A_950, %broadcast_in_dim3A_959 : vector<16xi1>, vector<16xi32>
        %swap3A_961 = arith.constant 112 : index
        %swap3A_962 = tpu.vector_load %arg9[%swap3A_961] {strides = array<i32>} : memref<128xi32, #tpu.memory_space<vmem>>, vector<16xi32>,
        %swap3A_963 = vector.shape_cast %swap3A_962 : vector<16xi32> to vector<16xi32>
        %swap3A_964 = vector.shape_cast %select_n3A_960 : vector<16xi32> to vector<16xi32>
        tpu.vector_store %arg9[%swap3A_961], %swap3A_964 {strides = array<i32>} : memref<128xi32, #tpu.memory_space<vmem>>, vector<16xi32>,
        %dma_wait3A_965 = arith.constant 0 : i32
        %dma_wait3A_966 = arith.constant 0 : i32
        %dma_wait3A_967 = tpu.memref_slice %arg2[%dma_wait3A_965, %dma_wait3A_966] : memref<10000x128xf32, #tpu.memory_space<hbm>> -> memref<10000x128xf32, #tpu.memory_space<hbm>>
        tpu.wait_indirect_dma semaphore(%arg15 : memref<!tpu.dma_semaphore, #tpu.memory_space<semaphore_mem>>) src(%dma_wait3A_967 : memref<10000x128xf32, #tpu.memory_space<hbm>>) dst(%arg11 : memref<128x128xf32, #tpu.memory_space<vmem>>)
        %scan3A_968 = arith.constant 0 : i32
        %scan3A_969 = arith.constant 0 : i32
        %scan3A_970 = arith.constant 128 : i32
        %scan3A_971 = arith.addi %scan3A_969, %scan3A_970 : i32
        %scan3A_972 = arith.constant 1 : i32
        scf.for %scan3A_974 = %scan3A_969 to %scan3A_971 step %scan3A_972  : i32 {
          %get3A_975 = arith.index_cast %scan3A_974 : i32 to index
          %get3A_976 = arith.constant 0 : index
          %get3A_977 = tpu.vector_load %arg10[%get3A_975, %get3A_976] {strides = array<i32>} : memref<128x16xf32, #tpu.memory_space<vmem>>, vector<1x16xf32>,
          %get3A_978 = vector.shape_cast %get3A_977 : vector<1x16xf32> to vector<16xf32>
          %get3A_979 = arith.index_cast %scan3A_974 : i32 to index
          %get3A_980 = arith.constant 0 : index
          %get3A_981 = tpu.vector_load %arg11[%get3A_979, %get3A_980] {strides = array<i32>} : memref<128x128xf32, #tpu.memory_space<vmem>>, vector<1x16xf32>,
          %get3A_982 = vector.shape_cast %get3A_981 : vector<1x16xf32> to vector<16xf32>
          %mul3A_983 = arith.mulf %get3A_982, %get3A_978 : vector<16xf32>
          %swap3A_984 = arith.index_cast %scan3A_974 : i32 to index
          %swap3A_985 = arith.constant 0 : index
          %swap3A_986 = tpu.vector_load %arg11[%swap3A_984, %swap3A_985] {strides = array<i32>} : memref<128x128xf32, #tpu.memory_space<vmem>>, vector<1x16xf32>,
          %swap3A_987 = vector.shape_cast %swap3A_986 : vector<1x16xf32> to vector<16xf32>
          %swap3A_988 = vector.shape_cast %mul3A_983 : vector<16xf32> to vector<1x16xf32>
          tpu.vector_store %arg11[%swap3A_984, %swap3A_985], %swap3A_988 {strides = array<i32>} : memref<128x128xf32, #tpu.memory_space<vmem>>, vector<1x16xf32>,
          %get3A_989 = arith.index_cast %scan3A_974 : i32 to index
          %get3A_990 = arith.constant 16 : index
          %get3A_991 = tpu.vector_load %arg11[%get3A_989, %get3A_990] {strides = array<i32>} : memref<128x128xf32, #tpu.memory_space<vmem>>, vector<1x16xf32>,
          %get3A_992 = vector.shape_cast %get3A_991 : vector<1x16xf32> to vector<16xf32>
          %mul3A_993 = arith.mulf %get3A_992, %get3A_978 : vector<16xf32>
          %swap3A_994 = arith.index_cast %scan3A_974 : i32 to index
          %swap3A_995 = arith.constant 16 : index
          %swap3A_996 = tpu.vector_load %arg11[%swap3A_994, %swap3A_995] {strides = array<i32>} : memref<128x128xf32, #tpu.memory_space<vmem>>, vector<1x16xf32>,
          %swap3A_997 = vector.shape_cast %swap3A_996 : vector<1x16xf32> to vector<16xf32>
          %swap3A_998 = vector.shape_cast %mul3A_993 : vector<16xf32> to vector<1x16xf32>
          tpu.vector_store %arg11[%swap3A_994, %swap3A_995], %swap3A_998 {strides = array<i32>} : memref<128x128xf32, #tpu.memory_space<vmem>>, vector<1x16xf32>,
          %get3A_999 = arith.index_cast %scan3A_974 : i32 to index
          %get3A_1000 = arith.constant 32 : index
          %get3A_1001 = tpu.vector_load %arg11[%get3A_999, %get3A_1000] {strides = array<i32>} : memref<128x128xf32, #tpu.memory_space<vmem>>, vector<1x16xf32>,
          %get3A_1002 = vector.shape_cast %get3A_1001 : vector<1x16xf32> to vector<16xf32>
          %mul3A_1003 = arith.mulf %get3A_1002, %get3A_978 : vector<16xf32>
          %swap3A_1004 = arith.index_cast %scan3A_974 : i32 to index
          %swap3A_1005 = arith.constant 32 : index
          %swap3A_1006 = tpu.vector_load %arg11[%swap3A_1004, %swap3A_1005] {strides = array<i32>} : memref<128x128xf32, #tpu.memory_space<vmem>>, vector<1x16xf32>,
          %swap3A_1007 = vector.shape_cast %swap3A_1006 : vector<1x16xf32> to vector<16xf32>
          %swap3A_1008 = vector.shape_cast %mul3A_1003 : vector<16xf32> to vector<1x16xf32>
          tpu.vector_store %arg11[%swap3A_1004, %swap3A_1005], %swap3A_1008 {strides = array<i32>} : memref<128x128xf32, #tpu.memory_space<vmem>>, vector<1x16xf32>,
          %get3A_1009 = arith.index_cast %scan3A_974 : i32 to index
          %get3A_1010 = arith.constant 48 : index
          %get3A_1011 = tpu.vector_load %arg11[%get3A_1009, %get3A_1010] {strides = array<i32>} : memref<128x128xf32, #tpu.memory_space<vmem>>, vector<1x16xf32>,
          %get3A_1012 = vector.shape_cast %get3A_1011 : vector<1x16xf32> to vector<16xf32>
          %mul3A_1013 = arith.mulf %get3A_1012, %get3A_978 : vector<16xf32>
          %swap3A_1014 = arith.index_cast %scan3A_974 : i32 to index
          %swap3A_1015 = arith.constant 48 : index
          %swap3A_1016 = tpu.vector_load %arg11[%swap3A_1014, %swap3A_1015] {strides = array<i32>} : memref<128x128xf32, #tpu.memory_space<vmem>>, vector<1x16xf32>,
          %swap3A_1017 = vector.shape_cast %swap3A_1016 : vector<1x16xf32> to vector<16xf32>
          %swap3A_1018 = vector.shape_cast %mul3A_1013 : vector<16xf32> to vector<1x16xf32>
          tpu.vector_store %arg11[%swap3A_1014, %swap3A_1015], %swap3A_1018 {strides = array<i32>} : memref<128x128xf32, #tpu.memory_space<vmem>>, vector<1x16xf32>,
          %get3A_1019 = arith.index_cast %scan3A_974 : i32 to index
          %get3A_1020 = arith.constant 64 : index
          %get3A_1021 = tpu.vector_load %arg11[%get3A_1019, %get3A_1020] {strides = array<i32>} : memref<128x128xf32, #tpu.memory_space<vmem>>, vector<1x16xf32>,
          %get3A_1022 = vector.shape_cast %get3A_1021 : vector<1x16xf32> to vector<16xf32>
          %mul3A_1023 = arith.mulf %get3A_1022, %get3A_978 : vector<16xf32>
          %swap3A_1024 = arith.index_cast %scan3A_974 : i32 to index
          %swap3A_1025 = arith.constant 64 : index
          %swap3A_1026 = tpu.vector_load %arg11[%swap3A_1024, %swap3A_1025] {strides = array<i32>} : memref<128x128xf32, #tpu.memory_space<vmem>>, vector<1x16xf32>,
          %swap3A_1027 = vector.shape_cast %swap3A_1026 : vector<1x16xf32> to vector<16xf32>
          %swap3A_1028 = vector.shape_cast %mul3A_1023 : vector<16xf32> to vector<1x16xf32>
          tpu.vector_store %arg11[%swap3A_1024, %swap3A_1025], %swap3A_1028 {strides = array<i32>} : memref<128x128xf32, #tpu.memory_space<vmem>>, vector<1x16xf32>,
          %get3A_1029 = arith.index_cast %scan3A_974 : i32 to index
          %get3A_1030 = arith.constant 80 : index
          %get3A_1031 = tpu.vector_load %arg11[%get3A_1029, %get3A_1030] {strides = array<i32>} : memref<128x128xf32, #tpu.memory_space<vmem>>, vector<1x16xf32>,
          %get3A_1032 = vector.shape_cast %get3A_1031 : vector<1x16xf32> to vector<16xf32>
          %mul3A_1033 = arith.mulf %get3A_1032, %get3A_978 : vector<16xf32>
          %swap3A_1034 = arith.index_cast %scan3A_974 : i32 to index
          %swap3A_1035 = arith.constant 80 : index
          %swap3A_1036 = tpu.vector_load %arg11[%swap3A_1034, %swap3A_1035] {strides = array<i32>} : memref<128x128xf32, #tpu.memory_space<vmem>>, vector<1x16xf32>,
          %swap3A_1037 = vector.shape_cast %swap3A_1036 : vector<1x16xf32> to vector<16xf32>
          %swap3A_1038 = vector.shape_cast %mul3A_1033 : vector<16xf32> to vector<1x16xf32>
          tpu.vector_store %arg11[%swap3A_1034, %swap3A_1035], %swap3A_1038 {strides = array<i32>} : memref<128x128xf32, #tpu.memory_space<vmem>>, vector<1x16xf32>,
          %get3A_1039 = arith.index_cast %scan3A_974 : i32 to index
          %get3A_1040 = arith.constant 96 : index
          %get3A_1041 = tpu.vector_load %arg11[%get3A_1039, %get3A_1040] {strides = array<i32>} : memref<128x128xf32, #tpu.memory_space<vmem>>, vector<1x16xf32>,
          %get3A_1042 = vector.shape_cast %get3A_1041 : vector<1x16xf32> to vector<16xf32>
          %mul3A_1043 = arith.mulf %get3A_1042, %get3A_978 : vector<16xf32>
          %swap3A_1044 = arith.index_cast %scan3A_974 : i32 to index
          %swap3A_1045 = arith.constant 96 : index
          %swap3A_1046 = tpu.vector_load %arg11[%swap3A_1044, %swap3A_1045] {strides = array<i32>} : memref<128x128xf32, #tpu.memory_space<vmem>>, vector<1x16xf32>,
          %swap3A_1047 = vector.shape_cast %swap3A_1046 : vector<1x16xf32> to vector<16xf32>
          %swap3A_1048 = vector.shape_cast %mul3A_1043 : vector<16xf32> to vector<1x16xf32>
          tpu.vector_store %arg11[%swap3A_1044, %swap3A_1045], %swap3A_1048 {strides = array<i32>} : memref<128x128xf32, #tpu.memory_space<vmem>>, vector<1x16xf32>,
          %get3A_1049 = arith.index_cast %scan3A_974 : i32 to index
          %get3A_1050 = arith.constant 112 : index
          %get3A_1051 = tpu.vector_load %arg11[%get3A_1049, %get3A_1050] {strides = array<i32>} : memref<128x128xf32, #tpu.memory_space<vmem>>, vector<1x16xf32>,
          %get3A_1052 = vector.shape_cast %get3A_1051 : vector<1x16xf32> to vector<16xf32>
          %mul3A_1053 = arith.mulf %get3A_1052, %get3A_978 : vector<16xf32>
          %swap3A_1054 = arith.index_cast %scan3A_974 : i32 to index
          %swap3A_1055 = arith.constant 112 : index
          %swap3A_1056 = tpu.vector_load %arg11[%swap3A_1054, %swap3A_1055] {strides = array<i32>} : memref<128x128xf32, #tpu.memory_space<vmem>>, vector<1x16xf32>,
          %swap3A_1057 = vector.shape_cast %swap3A_1056 : vector<1x16xf32> to vector<16xf32>
          %swap3A_1058 = vector.shape_cast %mul3A_1053 : vector<16xf32> to vector<1x16xf32>
          tpu.vector_store %arg11[%swap3A_1054, %swap3A_1055], %swap3A_1058 {strides = array<i32>} : memref<128x128xf32, #tpu.memory_space<vmem>>, vector<1x16xf32>,
        }
        %scan3A_973 = arith.constant 128 : i32
        "tpu.region"() ({
          %run_scoped3A = tpu.sem_alloc : memref<!tpu.dma_semaphore, #tpu.memory_space<semaphore_mem>>
          %dma_start3A_974 = arith.constant 0 : i32
          %dma_start3A_975 = arith.constant 0 : i32
          %dma_start3A_976 = tpu.memref_slice %arg13[%dma_start3A_974, %dma_start3A_975] : memref<5128x128xf32, #tpu.memory_space<vmem_shared>> -> memref<5128x128xf32, #tpu.memory_space<vmem_shared>>
          tpu.enqueue_indirect_dma source(%arg11 : memref<128x128xf32, #tpu.memory_space<vmem>>) target(%dma_start3A_976 : memref<5128x128xf32, #tpu.memory_space<vmem_shared>>) offsets(%arg9 : memref<128xi32, #tpu.memory_space<vmem>>) semaphore(%run_scoped3A : memref<!tpu.dma_semaphore, #tpu.memory_space<semaphore_mem>>) {add = true}
          %dma_wait3A_977 = arith.constant 0 : i32
          %dma_wait3A_978 = arith.constant 0 : i32
          %dma_wait3A_979 = tpu.memref_slice %arg13[%dma_wait3A_977, %dma_wait3A_978] : memref<5128x128xf32, #tpu.memory_space<vmem_shared>> -> memref<5128x128xf32, #tpu.memory_space<vmem_shared>>
          tpu.wait_indirect_dma semaphore(%run_scoped3A : memref<!tpu.dma_semaphore, #tpu.memory_space<semaphore_mem>>) src(%arg11 : memref<128x128xf32, #tpu.memory_space<vmem>>) dst(%dma_wait3A_979 : memref<5128x128xf32, #tpu.memory_space<vmem_shared>>)
          tpu.yield
        }) : () -> ()
      } else {
      }
    }
    %scan3A_781 = arith.constant 157 : i32
    %barrier3A_782 = arith.constant 0 : index
    tpu.barrier barrier_id(%barrier3A_782)
    %mul3A_783 = arith.constant 312 : i32
    %mul3A_784 = arith.muli %arg1, %mul3A_783 : i32
    %mul3A_785 = arith.constant 312 : i32
    %mul3A_786 = arith.muli %arg1, %mul3A_785 : i32
    %add3A = arith.addi %mul3A_0, %mul3A_786 : i32
    "tpu.region"() ({
      %run_scoped3A = tpu.sem_alloc : memref<!tpu.dma_semaphore, #tpu.memory_space<semaphore_mem>>
      %dma_start3A = arith.constant 0 : i32
      %dma_start3A_792 = tpu.memref_slice %arg6[%add3A, %dma_start3A] : memref<10000x128xf32, #tpu.memory_space<hbm>> -> memref<312x128xf32, #tpu.memory_space<hbm>>
      %dma_start3A_793 = arith.constant 0 : i32
      %dma_start3A_794 = tpu.memref_slice %arg13[%mul3A_784, %dma_start3A_793] : memref<5128x128xf32, #tpu.memory_space<vmem_shared>> -> memref<312x128xf32, #tpu.memory_space<vmem_shared>>
      tpu.enqueue_dma source(%dma_start3A_794 : memref<312x128xf32, #tpu.memory_space<vmem_shared>>) target(%dma_start3A_792 : memref<312x128xf32, #tpu.memory_space<hbm>>) target_semaphore(%run_scoped3A : memref<!tpu.dma_semaphore, #tpu.memory_space<semaphore_mem>>)
      %dma_wait3A = arith.constant 0 : i32
      %dma_wait3A_795 = tpu.memref_slice %arg6[%add3A, %dma_wait3A] : memref<10000x128xf32, #tpu.memory_space<hbm>> -> memref<312x128xf32, #tpu.memory_space<hbm>>
      %dma_wait3A_796 = arith.constant 0 : i32
      %dma_wait3A_797 = tpu.memref_slice %arg13[%mul3A_784, %dma_wait3A_796] : memref<5128x128xf32, #tpu.memory_space<vmem_shared>> -> memref<312x128xf32, #tpu.memory_space<vmem_shared>>
      tpu.wait_dma2 semaphore(%run_scoped3A : memref<!tpu.dma_semaphore, #tpu.memory_space<semaphore_mem>>) src(%dma_wait3A_797 : memref<312x128xf32, #tpu.memory_space<vmem_shared>>) dst(%dma_wait3A_795 : memref<312x128xf32, #tpu.memory_space<hbm>>)
      tpu.yield
    }) : () -> ()
    %eq3A_787 = arith.constant 15 : i32
    %eq3A_788 = arith.cmpi eq, %arg1, %eq3A_787 : i32
    %convert_element_type3A_789 = arith.extui %eq3A_788 : i1 to i32
    %cond3A_790 = arith.constant 0 : i32
    %cond3A_791 = arith.cmpi ne, %convert_element_type3A_789, %cond3A_790 : i32
    scf.if %cond3A_791 {
      %add3A_792 = arith.constant 4992 : i32
      %add3A_793 = arith.addi %mul3A_0, %add3A_792 : i32
      "tpu.region"() ({
        %run_scoped3A = tpu.sem_alloc : memref<!tpu.dma_semaphore, #tpu.memory_space<semaphore_mem>>
        %dma_start3A = arith.constant 0 : i32
        %dma_start3A_794 = tpu.memref_slice %arg6[%add3A_793, %dma_start3A] : memref<10000x128xf32, #tpu.memory_space<hbm>> -> memref<8x128xf32, #tpu.memory_space<hbm>>
        %dma_start3A_795 = arith.constant 4992 : i32
        %dma_start3A_796 = arith.constant 0 : i32
        %dma_start3A_797 = tpu.memref_slice %arg13[%dma_start3A_795, %dma_start3A_796] : memref<5128x128xf32, #tpu.memory_space<vmem_shared>> -> memref<8x128xf32, #tpu.memory_space<vmem_shared>>
        tpu.enqueue_dma source(%dma_start3A_797 : memref<8x128xf32, #tpu.memory_space<vmem_shared>>) target(%dma_start3A_794 : memref<8x128xf32, #tpu.memory_space<hbm>>) target_semaphore(%run_scoped3A : memref<!tpu.dma_semaphore, #tpu.memory_space<semaphore_mem>>)
        %dma_wait3A = arith.constant 0 : i32
        %dma_wait3A_798 = tpu.memref_slice %arg6[%add3A_793, %dma_wait3A] : memref<10000x128xf32, #tpu.memory_space<hbm>> -> memref<8x128xf32, #tpu.memory_space<hbm>>
        %dma_wait3A_799 = arith.constant 4992 : i32
        %dma_wait3A_800 = arith.constant 0 : i32
        %dma_wait3A_801 = tpu.memref_slice %arg13[%dma_wait3A_799, %dma_wait3A_800] : memref<5128x128xf32, #tpu.memory_space<vmem_shared>> -> memref<8x128xf32, #tpu.memory_space<vmem_shared>>
        tpu.wait_dma2 semaphore(%run_scoped3A : memref<!tpu.dma_semaphore, #tpu.memory_space<semaphore_mem>>) src(%dma_wait3A_801 : memref<8x128xf32, #tpu.memory_space<vmem_shared>>) dst(%dma_wait3A_798 : memref<8x128xf32, #tpu.memory_space<hbm>>)
        tpu.yield
      }) : () -> ()
    } else {
    }
    return
  }
}

#map = affine_map<(d0, d1) -> (0, 0)>
#map1 = affine_map<(d0, d1) -> (0)>
module attributes {stable_mosaic.version = 14 : i64} {
  func.func @seg_sum(%arg0: i32, %arg1: i32, %arg2: memref<10000x128xf32, #tpu.memory_space<hbm>>, %arg3: memref<320000xi32, #tpu.memory_space<hbm>>, %arg4: memref<320000xi32, #tpu.memory_space<hbm>>, %arg5: memref<320000x16xf32, #tpu.memory_space<hbm>>, %arg6: memref<10000x128xf32, #tpu.memory_space<hbm>>, %arg7: memref<128xi32, #tpu.memory_space<vmem>>, %arg8: memref<128xi32, #tpu.memory_space<vmem>>, %arg9: memref<128xi32, #tpu.memory_space<vmem>>, %arg10: memref<128x16xf32, #tpu.memory_space<vmem>>, %arg11: memref<128x128xf32, #tpu.memory_space<vmem>>, %arg12: memref<16x128xf32, #tpu.memory_space<vmem>>, %arg13: memref<5128x128xf32, #tpu.memory_space<vmem_shared>>, %arg14: memref<!tpu.dma_semaphore, #tpu.memory_space<semaphore_mem>>, %arg15: memref<!tpu.dma_semaphore, #tpu.memory_space<semaphore_mem>>) attributes {dimension_semantics = [#tpu.dimension_semantics<core_parallel>, #tpu.dimension_semantics<subcore_parallel>], iteration_bounds = array<i64: 2, 16>, scalar_prefetch = 0 : i64, scratch_operands = 9 : i64, tpu.core_type = #tpu.core_type<sc_vector_subcore>, window_params = [{transform_indices = #map}, {transform_indices = #map1}, {transform_indices = #map1}, {transform_indices = #map}, {transform_indices = #map}]} {
    %mul3A = arith.constant 5000 : i32
    %mul3A_0 = arith.muli %arg0, %mul3A : i32
    %broadcast_in_dim3A = arith.constant 0.000000e+00 : f32
    %broadcast_in_dim3A_1 = vector.broadcast %broadcast_in_dim3A : f32 to vector<16xf32>
    %swap3A = arith.constant 0 : i32
    %swap3A_2 = arith.index_cast %swap3A : i32 to index
    %swap3A_3 = arith.constant 0 : index
    %swap3A_4 = tpu.vector_load %arg12[%swap3A_2, %swap3A_3] {strides = array<i32>} : memref<16x128xf32, #tpu.memory_space<vmem>>, vector<1x16xf32>,
    %swap3A_5 = vector.shape_cast %swap3A_4 : vector<1x16xf32> to vector<16xf32>
    %swap3A_6 = vector.shape_cast %broadcast_in_dim3A_1 : vector<16xf32> to vector<1x16xf32>
    tpu.vector_store %arg12[%swap3A_2, %swap3A_3], %swap3A_6 {strides = array<i32>} : memref<16x128xf32, #tpu.memory_space<vmem>>, vector<1x16xf32>,
    %swap3A_7 = arith.constant 0 : i32
    %swap3A_8 = arith.index_cast %swap3A_7 : i32 to index
    %swap3A_9 = arith.constant 16 : index
    %swap3A_10 = tpu.vector_load %arg12[%swap3A_8, %swap3A_9] {strides = array<i32>} : memref<16x128xf32, #tpu.memory_space<vmem>>, vector<1x16xf32>,
    %swap3A_11 = vector.shape_cast %swap3A_10 : vector<1x16xf32> to vector<16xf32>
    %swap3A_12 = vector.shape_cast %broadcast_in_dim3A_1 : vector<16xf32> to vector<1x16xf32>
    tpu.vector_store %arg12[%swap3A_8, %swap3A_9], %swap3A_12 {strides = array<i32>} : memref<16x128xf32, #tpu.memory_space<vmem>>, vector<1x16xf32>,
    %swap3A_13 = arith.constant 0 : i32
    %swap3A_14 = arith.index_cast %swap3A_13 : i32 to index
    %swap3A_15 = arith.constant 32 : index
    %swap3A_16 = tpu.vector_load %arg12[%swap3A_14, %swap3A_15] {strides = array<i32>} : memref<16x128xf32, #tpu.memory_space<vmem>>, vector<1x16xf32>,
    %swap3A_17 = vector.shape_cast %swap3A_16 : vector<1x16xf32> to vector<16xf32>
    %swap3A_18 = vector.shape_cast %broadcast_in_dim3A_1 : vector<16xf32> to vector<1x16xf32>
    tpu.vector_store %arg12[%swap3A_14, %swap3A_15], %swap3A_18 {strides = array<i32>} : memref<16x128xf32, #tpu.memory_space<vmem>>, vector<1x16xf32>,
    %swap3A_19 = arith.constant 0 : i32
    %swap3A_20 = arith.index_cast %swap3A_19 : i32 to index
    %swap3A_21 = arith.constant 48 : index
    %swap3A_22 = tpu.vector_load %arg12[%swap3A_20, %swap3A_21] {strides = array<i32>} : memref<16x128xf32, #tpu.memory_space<vmem>>, vector<1x16xf32>,
    %swap3A_23 = vector.shape_cast %swap3A_22 : vector<1x16xf32> to vector<16xf32>
    %swap3A_24 = vector.shape_cast %broadcast_in_dim3A_1 : vector<16xf32> to vector<1x16xf32>
    tpu.vector_store %arg12[%swap3A_20, %swap3A_21], %swap3A_24 {strides = array<i32>} : memref<16x128xf32, #tpu.memory_space<vmem>>, vector<1x16xf32>,
    %swap3A_25 = arith.constant 0 : i32
    %swap3A_26 = arith.index_cast %swap3A_25 : i32 to index
    %swap3A_27 = arith.constant 64 : index
    %swap3A_28 = tpu.vector_load %arg12[%swap3A_26, %swap3A_27] {strides = array<i32>} : memref<16x128xf32, #tpu.memory_space<vmem>>, vector<1x16xf32>,
    %swap3A_29 = vector.shape_cast %swap3A_28 : vector<1x16xf32> to vector<16xf32>
    %swap3A_30 = vector.shape_cast %broadcast_in_dim3A_1 : vector<16xf32> to vector<1x16xf32>
    tpu.vector_store %arg12[%swap3A_26, %swap3A_27], %swap3A_30 {strides = array<i32>} : memref<16x128xf32, #tpu.memory_space<vmem>>, vector<1x16xf32>,
    %swap3A_31 = arith.constant 0 : i32
    %swap3A_32 = arith.index_cast %swap3A_31 : i32 to index
    %swap3A_33 = arith.constant 80 : index
    %swap3A_34 = tpu.vector_load %arg12[%swap3A_32, %swap3A_33] {strides = array<i32>} : memref<16x128xf32, #tpu.memory_space<vmem>>, vector<1x16xf32>,
    %swap3A_35 = vector.shape_cast %swap3A_34 : vector<1x16xf32> to vector<16xf32>
    %swap3A_36 = vector.shape_cast %broadcast_in_dim3A_1 : vector<16xf32> to vector<1x16xf32>
    tpu.vector_store %arg12[%swap3A_32, %swap3A_33], %swap3A_36 {strides = array<i32>} : memref<16x128xf32, #tpu.memory_space<vmem>>, vector<1x16xf32>,
    %swap3A_37 = arith.constant 0 : i32
    %swap3A_38 = arith.index_cast %swap3A_37 : i32 to index
    %swap3A_39 = arith.constant 96 : index
    %swap3A_40 = tpu.vector_load %arg12[%swap3A_38, %swap3A_39] {strides = array<i32>} : memref<16x128xf32, #tpu.memory_space<vmem>>, vector<1x16xf32>,
    %swap3A_41 = vector.shape_cast %swap3A_40 : vector<1x16xf32> to vector<16xf32>
    %swap3A_42 = vector.shape_cast %broadcast_in_dim3A_1 : vector<16xf32> to vector<1x16xf32>
    tpu.vector_store %arg12[%swap3A_38, %swap3A_39], %swap3A_42 {strides = array<i32>} : memref<16x128xf32, #tpu.memory_space<vmem>>, vector<1x16xf32>,
    %swap3A_43 = arith.constant 0 : i32
    %swap3A_44 = arith.index_cast %swap3A_43 : i32 to index
    %swap3A_45 = arith.constant 112 : index
    %swap3A_46 = tpu.vector_load %arg12[%swap3A_44, %swap3A_45] {strides = array<i32>} : memref<16x128xf32, #tpu.memory_space<vmem>>, vector<1x16xf32>,
    %swap3A_47 = vector.shape_cast %swap3A_46 : vector<1x16xf32> to vector<16xf32>
    %swap3A_48 = vector.shape_cast %broadcast_in_dim3A_1 : vector<16xf32> to vector<1x16xf32>
    tpu.vector_store %arg12[%swap3A_44, %swap3A_45], %swap3A_48 {strides = array<i32>} : memref<16x128xf32, #tpu.memory_space<vmem>>, vector<1x16xf32>,
    %swap3A_49 = arith.constant 1 : i32
    %swap3A_50 = arith.index_cast %swap3A_49 : i32 to index
    %swap3A_51 = arith.constant 0 : index
    %swap3A_52 = tpu.vector_load %arg12[%swap3A_50, %swap3A_51] {strides = array<i32>} : memref<16x128xf32, #tpu.memory_space<vmem>>, vector<1x16xf32>,
    %swap3A_53 = vector.shape_cast %swap3A_52 : vector<1x16xf32> to vector<16xf32>
    %swap3A_54 = vector.shape_cast %broadcast_in_dim3A_1 : vector<16xf32> to vector<1x16xf32>
    tpu.vector_store %arg12[%swap3A_50, %swap3A_51], %swap3A_54 {strides = array<i32>} : memref<16x128xf32, #tpu.memory_space<vmem>>, vector<1x16xf32>,
    %swap3A_55 = arith.constant 1 : i32
    %swap3A_56 = arith.index_cast %swap3A_55 : i32 to index
    %swap3A_57 = arith.constant 16 : index
    %swap3A_58 = tpu.vector_load %arg12[%swap3A_56, %swap3A_57] {strides = array<i32>} : memref<16x128xf32, #tpu.memory_space<vmem>>, vector<1x16xf32>,
    %swap3A_59 = vector.shape_cast %swap3A_58 : vector<1x16xf32> to vector<16xf32>
    %swap3A_60 = vector.shape_cast %broadcast_in_dim3A_1 : vector<16xf32> to vector<1x16xf32>
    tpu.vector_store %arg12[%swap3A_56, %swap3A_57], %swap3A_60 {strides = array<i32>} : memref<16x128xf32, #tpu.memory_space<vmem>>, vector<1x16xf32>,
    %swap3A_61 = arith.constant 1 : i32
    %swap3A_62 = arith.index_cast %swap3A_61 : i32 to index
    %swap3A_63 = arith.constant 32 : index
    %swap3A_64 = tpu.vector_load %arg12[%swap3A_62, %swap3A_63] {strides = array<i32>} : memref<16x128xf32, #tpu.memory_space<vmem>>, vector<1x16xf32>,
    %swap3A_65 = vector.shape_cast %swap3A_64 : vector<1x16xf32> to vector<16xf32>
    %swap3A_66 = vector.shape_cast %broadcast_in_dim3A_1 : vector<16xf32> to vector<1x16xf32>
    tpu.vector_store %arg12[%swap3A_62, %swap3A_63], %swap3A_66 {strides = array<i32>} : memref<16x128xf32, #tpu.memory_space<vmem>>, vector<1x16xf32>,
    %swap3A_67 = arith.constant 1 : i32
    %swap3A_68 = arith.index_cast %swap3A_67 : i32 to index
    %swap3A_69 = arith.constant 48 : index
    %swap3A_70 = tpu.vector_load %arg12[%swap3A_68, %swap3A_69] {strides = array<i32>} : memref<16x128xf32, #tpu.memory_space<vmem>>, vector<1x16xf32>,
    %swap3A_71 = vector.shape_cast %swap3A_70 : vector<1x16xf32> to vector<16xf32>
    %swap3A_72 = vector.shape_cast %broadcast_in_dim3A_1 : vector<16xf32> to vector<1x16xf32>
    tpu.vector_store %arg12[%swap3A_68, %swap3A_69], %swap3A_72 {strides = array<i32>} : memref<16x128xf32, #tpu.memory_space<vmem>>, vector<1x16xf32>,
    %swap3A_73 = arith.constant 1 : i32
    %swap3A_74 = arith.index_cast %swap3A_73 : i32 to index
    %swap3A_75 = arith.constant 64 : index
    %swap3A_76 = tpu.vector_load %arg12[%swap3A_74, %swap3A_75] {strides = array<i32>} : memref<16x128xf32, #tpu.memory_space<vmem>>, vector<1x16xf32>,
    %swap3A_77 = vector.shape_cast %swap3A_76 : vector<1x16xf32> to vector<16xf32>
    %swap3A_78 = vector.shape_cast %broadcast_in_dim3A_1 : vector<16xf32> to vector<1x16xf32>
    tpu.vector_store %arg12[%swap3A_74, %swap3A_75], %swap3A_78 {strides = array<i32>} : memref<16x128xf32, #tpu.memory_space<vmem>>, vector<1x16xf32>,
    %swap3A_79 = arith.constant 1 : i32
    %swap3A_80 = arith.index_cast %swap3A_79 : i32 to index
    %swap3A_81 = arith.constant 80 : index
    %swap3A_82 = tpu.vector_load %arg12[%swap3A_80, %swap3A_81] {strides = array<i32>} : memref<16x128xf32, #tpu.memory_space<vmem>>, vector<1x16xf32>,
    %swap3A_83 = vector.shape_cast %swap3A_82 : vector<1x16xf32> to vector<16xf32>
    %swap3A_84 = vector.shape_cast %broadcast_in_dim3A_1 : vector<16xf32> to vector<1x16xf32>
    tpu.vector_store %arg12[%swap3A_80, %swap3A_81], %swap3A_84 {strides = array<i32>} : memref<16x128xf32, #tpu.memory_space<vmem>>, vector<1x16xf32>,
    %swap3A_85 = arith.constant 1 : i32
    %swap3A_86 = arith.index_cast %swap3A_85 : i32 to index
    %swap3A_87 = arith.constant 96 : index
    %swap3A_88 = tpu.vector_load %arg12[%swap3A_86, %swap3A_87] {strides = array<i32>} : memref<16x128xf32, #tpu.memory_space<vmem>>, vector<1x16xf32>,
    %swap3A_89 = vector.shape_cast %swap3A_88 : vector<1x16xf32> to vector<16xf32>
    %swap3A_90 = vector.shape_cast %broadcast_in_dim3A_1 : vector<16xf32> to vector<1x16xf32>
    tpu.vector_store %arg12[%swap3A_86, %swap3A_87], %swap3A_90 {strides = array<i32>} : memref<16x128xf32, #tpu.memory_space<vmem>>, vector<1x16xf32>,
    %swap3A_91 = arith.constant 1 : i32
    %swap3A_92 = arith.index_cast %swap3A_91 : i32 to index
    %swap3A_93 = arith.constant 112 : index
    %swap3A_94 = tpu.vector_load %arg12[%swap3A_92, %swap3A_93] {strides = array<i32>} : memref<16x128xf32, #tpu.memory_space<vmem>>, vector<1x16xf32>,
    %swap3A_95 = vector.shape_cast %swap3A_94 : vector<1x16xf32> to vector<16xf32>
    %swap3A_96 = vector.shape_cast %broadcast_in_dim3A_1 : vector<16xf32> to vector<1x16xf32>
    tpu.vector_store %arg12[%swap3A_92, %swap3A_93], %swap3A_96 {strides = array<i32>} : memref<16x128xf32, #tpu.memory_space<vmem>>, vector<1x16xf32>,
    %swap3A_97 = arith.constant 2 : i32
    %swap3A_98 = arith.index_cast %swap3A_97 : i32 to index
    %swap3A_99 = arith.constant 0 : index
    %swap3A_100 = tpu.vector_load %arg12[%swap3A_98, %swap3A_99] {strides = array<i32>} : memref<16x128xf32, #tpu.memory_space<vmem>>, vector<1x16xf32>,
    %swap3A_101 = vector.shape_cast %swap3A_100 : vector<1x16xf32> to vector<16xf32>
    %swap3A_102 = vector.shape_cast %broadcast_in_dim3A_1 : vector<16xf32> to vector<1x16xf32>
    tpu.vector_store %arg12[%swap3A_98, %swap3A_99], %swap3A_102 {strides = array<i32>} : memref<16x128xf32, #tpu.memory_space<vmem>>, vector<1x16xf32>,
    %swap3A_103 = arith.constant 2 : i32
    %swap3A_104 = arith.index_cast %swap3A_103 : i32 to index
    %swap3A_105 = arith.constant 16 : index
    %swap3A_106 = tpu.vector_load %arg12[%swap3A_104, %swap3A_105] {strides = array<i32>} : memref<16x128xf32, #tpu.memory_space<vmem>>, vector<1x16xf32>,
    %swap3A_107 = vector.shape_cast %swap3A_106 : vector<1x16xf32> to vector<16xf32>
    %swap3A_108 = vector.shape_cast %broadcast_in_dim3A_1 : vector<16xf32> to vector<1x16xf32>
    tpu.vector_store %arg12[%swap3A_104, %swap3A_105], %swap3A_108 {strides = array<i32>} : memref<16x128xf32, #tpu.memory_space<vmem>>, vector<1x16xf32>,
    %swap3A_109 = arith.constant 2 : i32
    %swap3A_110 = arith.index_cast %swap3A_109 : i32 to index
    %swap3A_111 = arith.constant 32 : index
    %swap3A_112 = tpu.vector_load %arg12[%swap3A_110, %swap3A_111] {strides = array<i32>} : memref<16x128xf32, #tpu.memory_space<vmem>>, vector<1x16xf32>,
    %swap3A_113 = vector.shape_cast %swap3A_112 : vector<1x16xf32> to vector<16xf32>
    %swap3A_114 = vector.shape_cast %broadcast_in_dim3A_1 : vector<16xf32> to vector<1x16xf32>
    tpu.vector_store %arg12[%swap3A_110, %swap3A_111], %swap3A_114 {strides = array<i32>} : memref<16x128xf32, #tpu.memory_space<vmem>>, vector<1x16xf32>,
    %swap3A_115 = arith.constant 2 : i32
    %swap3A_116 = arith.index_cast %swap3A_115 : i32 to index
    %swap3A_117 = arith.constant 48 : index
    %swap3A_118 = tpu.vector_load %arg12[%swap3A_116, %swap3A_117] {strides = array<i32>} : memref<16x128xf32, #tpu.memory_space<vmem>>, vector<1x16xf32>,
    %swap3A_119 = vector.shape_cast %swap3A_118 : vector<1x16xf32> to vector<16xf32>
    %swap3A_120 = vector.shape_cast %broadcast_in_dim3A_1 : vector<16xf32> to vector<1x16xf32>
    tpu.vector_store %arg12[%swap3A_116, %swap3A_117], %swap3A_120 {strides = array<i32>} : memref<16x128xf32, #tpu.memory_space<vmem>>, vector<1x16xf32>,
    %swap3A_121 = arith.constant 2 : i32
    %swap3A_122 = arith.index_cast %swap3A_121 : i32 to index
    %swap3A_123 = arith.constant 64 : index
    %swap3A_124 = tpu.vector_load %arg12[%swap3A_122, %swap3A_123] {strides = array<i32>} : memref<16x128xf32, #tpu.memory_space<vmem>>, vector<1x16xf32>,
    %swap3A_125 = vector.shape_cast %swap3A_124 : vector<1x16xf32> to vector<16xf32>
    %swap3A_126 = vector.shape_cast %broadcast_in_dim3A_1 : vector<16xf32> to vector<1x16xf32>
    tpu.vector_store %arg12[%swap3A_122, %swap3A_123], %swap3A_126 {strides = array<i32>} : memref<16x128xf32, #tpu.memory_space<vmem>>, vector<1x16xf32>,
    %swap3A_127 = arith.constant 2 : i32
    %swap3A_128 = arith.index_cast %swap3A_127 : i32 to index
    %swap3A_129 = arith.constant 80 : index
    %swap3A_130 = tpu.vector_load %arg12[%swap3A_128, %swap3A_129] {strides = array<i32>} : memref<16x128xf32, #tpu.memory_space<vmem>>, vector<1x16xf32>,
    %swap3A_131 = vector.shape_cast %swap3A_130 : vector<1x16xf32> to vector<16xf32>
    %swap3A_132 = vector.shape_cast %broadcast_in_dim3A_1 : vector<16xf32> to vector<1x16xf32>
    tpu.vector_store %arg12[%swap3A_128, %swap3A_129], %swap3A_132 {strides = array<i32>} : memref<16x128xf32, #tpu.memory_space<vmem>>, vector<1x16xf32>,
    %swap3A_133 = arith.constant 2 : i32
    %swap3A_134 = arith.index_cast %swap3A_133 : i32 to index
    %swap3A_135 = arith.constant 96 : index
    %swap3A_136 = tpu.vector_load %arg12[%swap3A_134, %swap3A_135] {strides = array<i32>} : memref<16x128xf32, #tpu.memory_space<vmem>>, vector<1x16xf32>,
    %swap3A_137 = vector.shape_cast %swap3A_136 : vector<1x16xf32> to vector<16xf32>
    %swap3A_138 = vector.shape_cast %broadcast_in_dim3A_1 : vector<16xf32> to vector<1x16xf32>
    tpu.vector_store %arg12[%swap3A_134, %swap3A_135], %swap3A_138 {strides = array<i32>} : memref<16x128xf32, #tpu.memory_space<vmem>>, vector<1x16xf32>,
    %swap3A_139 = arith.constant 2 : i32
    %swap3A_140 = arith.index_cast %swap3A_139 : i32 to index
    %swap3A_141 = arith.constant 112 : index
    %swap3A_142 = tpu.vector_load %arg12[%swap3A_140, %swap3A_141] {strides = array<i32>} : memref<16x128xf32, #tpu.memory_space<vmem>>, vector<1x16xf32>,
    %swap3A_143 = vector.shape_cast %swap3A_142 : vector<1x16xf32> to vector<16xf32>
    %swap3A_144 = vector.shape_cast %broadcast_in_dim3A_1 : vector<16xf32> to vector<1x16xf32>
    tpu.vector_store %arg12[%swap3A_140, %swap3A_141], %swap3A_144 {strides = array<i32>} : memref<16x128xf32, #tpu.memory_space<vmem>>, vector<1x16xf32>,
    %swap3A_145 = arith.constant 3 : i32
    %swap3A_146 = arith.index_cast %swap3A_145 : i32 to index
    %swap3A_147 = arith.constant 0 : index
    %swap3A_148 = tpu.vector_load %arg12[%swap3A_146, %swap3A_147] {strides = array<i32>} : memref<16x128xf32, #tpu.memory_space<vmem>>, vector<1x16xf32>,
    %swap3A_149 = vector.shape_cast %swap3A_148 : vector<1x16xf32> to vector<16xf32>
    %swap3A_150 = vector.shape_cast %broadcast_in_dim3A_1 : vector<16xf32> to vector<1x16xf32>
    tpu.vector_store %arg12[%swap3A_146, %swap3A_147], %swap3A_150 {strides = array<i32>} : memref<16x128xf32, #tpu.memory_space<vmem>>, vector<1x16xf32>,
    %swap3A_151 = arith.constant 3 : i32
    %swap3A_152 = arith.index_cast %swap3A_151 : i32 to index
    %swap3A_153 = arith.constant 16 : index
    %swap3A_154 = tpu.vector_load %arg12[%swap3A_152, %swap3A_153] {strides = array<i32>} : memref<16x128xf32, #tpu.memory_space<vmem>>, vector<1x16xf32>,
    %swap3A_155 = vector.shape_cast %swap3A_154 : vector<1x16xf32> to vector<16xf32>
    %swap3A_156 = vector.shape_cast %broadcast_in_dim3A_1 : vector<16xf32> to vector<1x16xf32>
    tpu.vector_store %arg12[%swap3A_152, %swap3A_153], %swap3A_156 {strides = array<i32>} : memref<16x128xf32, #tpu.memory_space<vmem>>, vector<1x16xf32>,
    %swap3A_157 = arith.constant 3 : i32
    %swap3A_158 = arith.index_cast %swap3A_157 : i32 to index
    %swap3A_159 = arith.constant 32 : index
    %swap3A_160 = tpu.vector_load %arg12[%swap3A_158, %swap3A_159] {strides = array<i32>} : memref<16x128xf32, #tpu.memory_space<vmem>>, vector<1x16xf32>,
    %swap3A_161 = vector.shape_cast %swap3A_160 : vector<1x16xf32> to vector<16xf32>
    %swap3A_162 = vector.shape_cast %broadcast_in_dim3A_1 : vector<16xf32> to vector<1x16xf32>
    tpu.vector_store %arg12[%swap3A_158, %swap3A_159], %swap3A_162 {strides = array<i32>} : memref<16x128xf32, #tpu.memory_space<vmem>>, vector<1x16xf32>,
    %swap3A_163 = arith.constant 3 : i32
    %swap3A_164 = arith.index_cast %swap3A_163 : i32 to index
    %swap3A_165 = arith.constant 48 : index
    %swap3A_166 = tpu.vector_load %arg12[%swap3A_164, %swap3A_165] {strides = array<i32>} : memref<16x128xf32, #tpu.memory_space<vmem>>, vector<1x16xf32>,
    %swap3A_167 = vector.shape_cast %swap3A_166 : vector<1x16xf32> to vector<16xf32>
    %swap3A_168 = vector.shape_cast %broadcast_in_dim3A_1 : vector<16xf32> to vector<1x16xf32>
    tpu.vector_store %arg12[%swap3A_164, %swap3A_165], %swap3A_168 {strides = array<i32>} : memref<16x128xf32, #tpu.memory_space<vmem>>, vector<1x16xf32>,
    %swap3A_169 = arith.constant 3 : i32
    %swap3A_170 = arith.index_cast %swap3A_169 : i32 to index
    %swap3A_171 = arith.constant 64 : index
    %swap3A_172 = tpu.vector_load %arg12[%swap3A_170, %swap3A_171] {strides = array<i32>} : memref<16x128xf32, #tpu.memory_space<vmem>>, vector<1x16xf32>,
    %swap3A_173 = vector.shape_cast %swap3A_172 : vector<1x16xf32> to vector<16xf32>
    %swap3A_174 = vector.shape_cast %broadcast_in_dim3A_1 : vector<16xf32> to vector<1x16xf32>
    tpu.vector_store %arg12[%swap3A_170, %swap3A_171], %swap3A_174 {strides = array<i32>} : memref<16x128xf32, #tpu.memory_space<vmem>>, vector<1x16xf32>,
    %swap3A_175 = arith.constant 3 : i32
    %swap3A_176 = arith.index_cast %swap3A_175 : i32 to index
    %swap3A_177 = arith.constant 80 : index
    %swap3A_178 = tpu.vector_load %arg12[%swap3A_176, %swap3A_177] {strides = array<i32>} : memref<16x128xf32, #tpu.memory_space<vmem>>, vector<1x16xf32>,
    %swap3A_179 = vector.shape_cast %swap3A_178 : vector<1x16xf32> to vector<16xf32>
    %swap3A_180 = vector.shape_cast %broadcast_in_dim3A_1 : vector<16xf32> to vector<1x16xf32>
    tpu.vector_store %arg12[%swap3A_176, %swap3A_177], %swap3A_180 {strides = array<i32>} : memref<16x128xf32, #tpu.memory_space<vmem>>, vector<1x16xf32>,
    %swap3A_181 = arith.constant 3 : i32
    %swap3A_182 = arith.index_cast %swap3A_181 : i32 to index
    %swap3A_183 = arith.constant 96 : index
    %swap3A_184 = tpu.vector_load %arg12[%swap3A_182, %swap3A_183] {strides = array<i32>} : memref<16x128xf32, #tpu.memory_space<vmem>>, vector<1x16xf32>,
    %swap3A_185 = vector.shape_cast %swap3A_184 : vector<1x16xf32> to vector<16xf32>
    %swap3A_186 = vector.shape_cast %broadcast_in_dim3A_1 : vector<16xf32> to vector<1x16xf32>
    tpu.vector_store %arg12[%swap3A_182, %swap3A_183], %swap3A_186 {strides = array<i32>} : memref<16x128xf32, #tpu.memory_space<vmem>>, vector<1x16xf32>,
    %swap3A_187 = arith.constant 3 : i32
    %swap3A_188 = arith.index_cast %swap3A_187 : i32 to index
    %swap3A_189 = arith.constant 112 : index
    %swap3A_190 = tpu.vector_load %arg12[%swap3A_188, %swap3A_189] {strides = array<i32>} : memref<16x128xf32, #tpu.memory_space<vmem>>, vector<1x16xf32>,
    %swap3A_191 = vector.shape_cast %swap3A_190 : vector<1x16xf32> to vector<16xf32>
    %swap3A_192 = vector.shape_cast %broadcast_in_dim3A_1 : vector<16xf32> to vector<1x16xf32>
    tpu.vector_store %arg12[%swap3A_188, %swap3A_189], %swap3A_192 {strides = array<i32>} : memref<16x128xf32, #tpu.memory_space<vmem>>, vector<1x16xf32>,
    %swap3A_193 = arith.constant 4 : i32
    %swap3A_194 = arith.index_cast %swap3A_193 : i32 to index
    %swap3A_195 = arith.constant 0 : index
    %swap3A_196 = tpu.vector_load %arg12[%swap3A_194, %swap3A_195] {strides = array<i32>} : memref<16x128xf32, #tpu.memory_space<vmem>>, vector<1x16xf32>,
    %swap3A_197 = vector.shape_cast %swap3A_196 : vector<1x16xf32> to vector<16xf32>
    %swap3A_198 = vector.shape_cast %broadcast_in_dim3A_1 : vector<16xf32> to vector<1x16xf32>
    tpu.vector_store %arg12[%swap3A_194, %swap3A_195], %swap3A_198 {strides = array<i32>} : memref<16x128xf32, #tpu.memory_space<vmem>>, vector<1x16xf32>,
    %swap3A_199 = arith.constant 4 : i32
    %swap3A_200 = arith.index_cast %swap3A_199 : i32 to index
    %swap3A_201 = arith.constant 16 : index
    %swap3A_202 = tpu.vector_load %arg12[%swap3A_200, %swap3A_201] {strides = array<i32>} : memref<16x128xf32, #tpu.memory_space<vmem>>, vector<1x16xf32>,
    %swap3A_203 = vector.shape_cast %swap3A_202 : vector<1x16xf32> to vector<16xf32>
    %swap3A_204 = vector.shape_cast %broadcast_in_dim3A_1 : vector<16xf32> to vector<1x16xf32>
    tpu.vector_store %arg12[%swap3A_200, %swap3A_201], %swap3A_204 {strides = array<i32>} : memref<16x128xf32, #tpu.memory_space<vmem>>, vector<1x16xf32>,
    %swap3A_205 = arith.constant 4 : i32
    %swap3A_206 = arith.index_cast %swap3A_205 : i32 to index
    %swap3A_207 = arith.constant 32 : index
    %swap3A_208 = tpu.vector_load %arg12[%swap3A_206, %swap3A_207] {strides = array<i32>} : memref<16x128xf32, #tpu.memory_space<vmem>>, vector<1x16xf32>,
    %swap3A_209 = vector.shape_cast %swap3A_208 : vector<1x16xf32> to vector<16xf32>
    %swap3A_210 = vector.shape_cast %broadcast_in_dim3A_1 : vector<16xf32> to vector<1x16xf32>
    tpu.vector_store %arg12[%swap3A_206, %swap3A_207], %swap3A_210 {strides = array<i32>} : memref<16x128xf32, #tpu.memory_space<vmem>>, vector<1x16xf32>,
    %swap3A_211 = arith.constant 4 : i32
    %swap3A_212 = arith.index_cast %swap3A_211 : i32 to index
    %swap3A_213 = arith.constant 48 : index
    %swap3A_214 = tpu.vector_load %arg12[%swap3A_212, %swap3A_213] {strides = array<i32>} : memref<16x128xf32, #tpu.memory_space<vmem>>, vector<1x16xf32>,
    %swap3A_215 = vector.shape_cast %swap3A_214 : vector<1x16xf32> to vector<16xf32>
    %swap3A_216 = vector.shape_cast %broadcast_in_dim3A_1 : vector<16xf32> to vector<1x16xf32>
    tpu.vector_store %arg12[%swap3A_212, %swap3A_213], %swap3A_216 {strides = array<i32>} : memref<16x128xf32, #tpu.memory_space<vmem>>, vector<1x16xf32>,
    %swap3A_217 = arith.constant 4 : i32
    %swap3A_218 = arith.index_cast %swap3A_217 : i32 to index
    %swap3A_219 = arith.constant 64 : index
    %swap3A_220 = tpu.vector_load %arg12[%swap3A_218, %swap3A_219] {strides = array<i32>} : memref<16x128xf32, #tpu.memory_space<vmem>>, vector<1x16xf32>,
    %swap3A_221 = vector.shape_cast %swap3A_220 : vector<1x16xf32> to vector<16xf32>
    %swap3A_222 = vector.shape_cast %broadcast_in_dim3A_1 : vector<16xf32> to vector<1x16xf32>
    tpu.vector_store %arg12[%swap3A_218, %swap3A_219], %swap3A_222 {strides = array<i32>} : memref<16x128xf32, #tpu.memory_space<vmem>>, vector<1x16xf32>,
    %swap3A_223 = arith.constant 4 : i32
    %swap3A_224 = arith.index_cast %swap3A_223 : i32 to index
    %swap3A_225 = arith.constant 80 : index
    %swap3A_226 = tpu.vector_load %arg12[%swap3A_224, %swap3A_225] {strides = array<i32>} : memref<16x128xf32, #tpu.memory_space<vmem>>, vector<1x16xf32>,
    %swap3A_227 = vector.shape_cast %swap3A_226 : vector<1x16xf32> to vector<16xf32>
    %swap3A_228 = vector.shape_cast %broadcast_in_dim3A_1 : vector<16xf32> to vector<1x16xf32>
    tpu.vector_store %arg12[%swap3A_224, %swap3A_225], %swap3A_228 {strides = array<i32>} : memref<16x128xf32, #tpu.memory_space<vmem>>, vector<1x16xf32>,
    %swap3A_229 = arith.constant 4 : i32
    %swap3A_230 = arith.index_cast %swap3A_229 : i32 to index
    %swap3A_231 = arith.constant 96 : index
    %swap3A_232 = tpu.vector_load %arg12[%swap3A_230, %swap3A_231] {strides = array<i32>} : memref<16x128xf32, #tpu.memory_space<vmem>>, vector<1x16xf32>,
    %swap3A_233 = vector.shape_cast %swap3A_232 : vector<1x16xf32> to vector<16xf32>
    %swap3A_234 = vector.shape_cast %broadcast_in_dim3A_1 : vector<16xf32> to vector<1x16xf32>
    tpu.vector_store %arg12[%swap3A_230, %swap3A_231], %swap3A_234 {strides = array<i32>} : memref<16x128xf32, #tpu.memory_space<vmem>>, vector<1x16xf32>,
    %swap3A_235 = arith.constant 4 : i32
    %swap3A_236 = arith.index_cast %swap3A_235 : i32 to index
    %swap3A_237 = arith.constant 112 : index
    %swap3A_238 = tpu.vector_load %arg12[%swap3A_236, %swap3A_237] {strides = array<i32>} : memref<16x128xf32, #tpu.memory_space<vmem>>, vector<1x16xf32>,
    %swap3A_239 = vector.shape_cast %swap3A_238 : vector<1x16xf32> to vector<16xf32>
    %swap3A_240 = vector.shape_cast %broadcast_in_dim3A_1 : vector<16xf32> to vector<1x16xf32>
    tpu.vector_store %arg12[%swap3A_236, %swap3A_237], %swap3A_240 {strides = array<i32>} : memref<16x128xf32, #tpu.memory_space<vmem>>, vector<1x16xf32>,
    %swap3A_241 = arith.constant 5 : i32
    %swap3A_242 = arith.index_cast %swap3A_241 : i32 to index
    %swap3A_243 = arith.constant 0 : index
    %swap3A_244 = tpu.vector_load %arg12[%swap3A_242, %swap3A_243] {strides = array<i32>} : memref<16x128xf32, #tpu.memory_space<vmem>>, vector<1x16xf32>,
    %swap3A_245 = vector.shape_cast %swap3A_244 : vector<1x16xf32> to vector<16xf32>
    %swap3A_246 = vector.shape_cast %broadcast_in_dim3A_1 : vector<16xf32> to vector<1x16xf32>
    tpu.vector_store %arg12[%swap3A_242, %swap3A_243], %swap3A_246 {strides = array<i32>} : memref<16x128xf32, #tpu.memory_space<vmem>>, vector<1x16xf32>,
    %swap3A_247 = arith.constant 5 : i32
    %swap3A_248 = arith.index_cast %swap3A_247 : i32 to index
    %swap3A_249 = arith.constant 16 : index
    %swap3A_250 = tpu.vector_load %arg12[%swap3A_248, %swap3A_249] {strides = array<i32>} : memref<16x128xf32, #tpu.memory_space<vmem>>, vector<1x16xf32>,
    %swap3A_251 = vector.shape_cast %swap3A_250 : vector<1x16xf32> to vector<16xf32>
    %swap3A_252 = vector.shape_cast %broadcast_in_dim3A_1 : vector<16xf32> to vector<1x16xf32>
    tpu.vector_store %arg12[%swap3A_248, %swap3A_249], %swap3A_252 {strides = array<i32>} : memref<16x128xf32, #tpu.memory_space<vmem>>, vector<1x16xf32>,
    %swap3A_253 = arith.constant 5 : i32
    %swap3A_254 = arith.index_cast %swap3A_253 : i32 to index
    %swap3A_255 = arith.constant 32 : index
    %swap3A_256 = tpu.vector_load %arg12[%swap3A_254, %swap3A_255] {strides = array<i32>} : memref<16x128xf32, #tpu.memory_space<vmem>>, vector<1x16xf32>,
    %swap3A_257 = vector.shape_cast %swap3A_256 : vector<1x16xf32> to vector<16xf32>
    %swap3A_258 = vector.shape_cast %broadcast_in_dim3A_1 : vector<16xf32> to vector<1x16xf32>
    tpu.vector_store %arg12[%swap3A_254, %swap3A_255], %swap3A_258 {strides = array<i32>} : memref<16x128xf32, #tpu.memory_space<vmem>>, vector<1x16xf32>,
    %swap3A_259 = arith.constant 5 : i32
    %swap3A_260 = arith.index_cast %swap3A_259 : i32 to index
    %swap3A_261 = arith.constant 48 : index
    %swap3A_262 = tpu.vector_load %arg12[%swap3A_260, %swap3A_261] {strides = array<i32>} : memref<16x128xf32, #tpu.memory_space<vmem>>, vector<1x16xf32>,
    %swap3A_263 = vector.shape_cast %swap3A_262 : vector<1x16xf32> to vector<16xf32>
    %swap3A_264 = vector.shape_cast %broadcast_in_dim3A_1 : vector<16xf32> to vector<1x16xf32>
    tpu.vector_store %arg12[%swap3A_260, %swap3A_261], %swap3A_264 {strides = array<i32>} : memref<16x128xf32, #tpu.memory_space<vmem>>, vector<1x16xf32>,
    %swap3A_265 = arith.constant 5 : i32
    %swap3A_266 = arith.index_cast %swap3A_265 : i32 to index
    %swap3A_267 = arith.constant 64 : index
    %swap3A_268 = tpu.vector_load %arg12[%swap3A_266, %swap3A_267] {strides = array<i32>} : memref<16x128xf32, #tpu.memory_space<vmem>>, vector<1x16xf32>,
    %swap3A_269 = vector.shape_cast %swap3A_268 : vector<1x16xf32> to vector<16xf32>
    %swap3A_270 = vector.shape_cast %broadcast_in_dim3A_1 : vector<16xf32> to vector<1x16xf32>
    tpu.vector_store %arg12[%swap3A_266, %swap3A_267], %swap3A_270 {strides = array<i32>} : memref<16x128xf32, #tpu.memory_space<vmem>>, vector<1x16xf32>,
    %swap3A_271 = arith.constant 5 : i32
    %swap3A_272 = arith.index_cast %swap3A_271 : i32 to index
    %swap3A_273 = arith.constant 80 : index
    %swap3A_274 = tpu.vector_load %arg12[%swap3A_272, %swap3A_273] {strides = array<i32>} : memref<16x128xf32, #tpu.memory_space<vmem>>, vector<1x16xf32>,
    %swap3A_275 = vector.shape_cast %swap3A_274 : vector<1x16xf32> to vector<16xf32>
    %swap3A_276 = vector.shape_cast %broadcast_in_dim3A_1 : vector<16xf32> to vector<1x16xf32>
    tpu.vector_store %arg12[%swap3A_272, %swap3A_273], %swap3A_276 {strides = array<i32>} : memref<16x128xf32, #tpu.memory_space<vmem>>, vector<1x16xf32>,
    %swap3A_277 = arith.constant 5 : i32
    %swap3A_278 = arith.index_cast %swap3A_277 : i32 to index
    %swap3A_279 = arith.constant 96 : index
    %swap3A_280 = tpu.vector_load %arg12[%swap3A_278, %swap3A_279] {strides = array<i32>} : memref<16x128xf32, #tpu.memory_space<vmem>>, vector<1x16xf32>,
    %swap3A_281 = vector.shape_cast %swap3A_280 : vector<1x16xf32> to vector<16xf32>
    %swap3A_282 = vector.shape_cast %broadcast_in_dim3A_1 : vector<16xf32> to vector<1x16xf32>
    tpu.vector_store %arg12[%swap3A_278, %swap3A_279], %swap3A_282 {strides = array<i32>} : memref<16x128xf32, #tpu.memory_space<vmem>>, vector<1x16xf32>,
    %swap3A_283 = arith.constant 5 : i32
    %swap3A_284 = arith.index_cast %swap3A_283 : i32 to index
    %swap3A_285 = arith.constant 112 : index
    %swap3A_286 = tpu.vector_load %arg12[%swap3A_284, %swap3A_285] {strides = array<i32>} : memref<16x128xf32, #tpu.memory_space<vmem>>, vector<1x16xf32>,
    %swap3A_287 = vector.shape_cast %swap3A_286 : vector<1x16xf32> to vector<16xf32>
    %swap3A_288 = vector.shape_cast %broadcast_in_dim3A_1 : vector<16xf32> to vector<1x16xf32>
    tpu.vector_store %arg12[%swap3A_284, %swap3A_285], %swap3A_288 {strides = array<i32>} : memref<16x128xf32, #tpu.memory_space<vmem>>, vector<1x16xf32>,
    %swap3A_289 = arith.constant 6 : i32
    %swap3A_290 = arith.index_cast %swap3A_289 : i32 to index
    %swap3A_291 = arith.constant 0 : index
    %swap3A_292 = tpu.vector_load %arg12[%swap3A_290, %swap3A_291] {strides = array<i32>} : memref<16x128xf32, #tpu.memory_space<vmem>>, vector<1x16xf32>,
    %swap3A_293 = vector.shape_cast %swap3A_292 : vector<1x16xf32> to vector<16xf32>
    %swap3A_294 = vector.shape_cast %broadcast_in_dim3A_1 : vector<16xf32> to vector<1x16xf32>
    tpu.vector_store %arg12[%swap3A_290, %swap3A_291], %swap3A_294 {strides = array<i32>} : memref<16x128xf32, #tpu.memory_space<vmem>>, vector<1x16xf32>,
    %swap3A_295 = arith.constant 6 : i32
    %swap3A_296 = arith.index_cast %swap3A_295 : i32 to index
    %swap3A_297 = arith.constant 16 : index
    %swap3A_298 = tpu.vector_load %arg12[%swap3A_296, %swap3A_297] {strides = array<i32>} : memref<16x128xf32, #tpu.memory_space<vmem>>, vector<1x16xf32>,
    %swap3A_299 = vector.shape_cast %swap3A_298 : vector<1x16xf32> to vector<16xf32>
    %swap3A_300 = vector.shape_cast %broadcast_in_dim3A_1 : vector<16xf32> to vector<1x16xf32>
    tpu.vector_store %arg12[%swap3A_296, %swap3A_297], %swap3A_300 {strides = array<i32>} : memref<16x128xf32, #tpu.memory_space<vmem>>, vector<1x16xf32>,
    %swap3A_301 = arith.constant 6 : i32
    %swap3A_302 = arith.index_cast %swap3A_301 : i32 to index
    %swap3A_303 = arith.constant 32 : index
    %swap3A_304 = tpu.vector_load %arg12[%swap3A_302, %swap3A_303] {strides = array<i32>} : memref<16x128xf32, #tpu.memory_space<vmem>>, vector<1x16xf32>,
    %swap3A_305 = vector.shape_cast %swap3A_304 : vector<1x16xf32> to vector<16xf32>
    %swap3A_306 = vector.shape_cast %broadcast_in_dim3A_1 : vector<16xf32> to vector<1x16xf32>
    tpu.vector_store %arg12[%swap3A_302, %swap3A_303], %swap3A_306 {strides = array<i32>} : memref<16x128xf32, #tpu.memory_space<vmem>>, vector<1x16xf32>,
    %swap3A_307 = arith.constant 6 : i32
    %swap3A_308 = arith.index_cast %swap3A_307 : i32 to index
    %swap3A_309 = arith.constant 48 : index
    %swap3A_310 = tpu.vector_load %arg12[%swap3A_308, %swap3A_309] {strides = array<i32>} : memref<16x128xf32, #tpu.memory_space<vmem>>, vector<1x16xf32>,
    %swap3A_311 = vector.shape_cast %swap3A_310 : vector<1x16xf32> to vector<16xf32>
    %swap3A_312 = vector.shape_cast %broadcast_in_dim3A_1 : vector<16xf32> to vector<1x16xf32>
    tpu.vector_store %arg12[%swap3A_308, %swap3A_309], %swap3A_312 {strides = array<i32>} : memref<16x128xf32, #tpu.memory_space<vmem>>, vector<1x16xf32>,
    %swap3A_313 = arith.constant 6 : i32
    %swap3A_314 = arith.index_cast %swap3A_313 : i32 to index
    %swap3A_315 = arith.constant 64 : index
    %swap3A_316 = tpu.vector_load %arg12[%swap3A_314, %swap3A_315] {strides = array<i32>} : memref<16x128xf32, #tpu.memory_space<vmem>>, vector<1x16xf32>,
    %swap3A_317 = vector.shape_cast %swap3A_316 : vector<1x16xf32> to vector<16xf32>
    %swap3A_318 = vector.shape_cast %broadcast_in_dim3A_1 : vector<16xf32> to vector<1x16xf32>
    tpu.vector_store %arg12[%swap3A_314, %swap3A_315], %swap3A_318 {strides = array<i32>} : memref<16x128xf32, #tpu.memory_space<vmem>>, vector<1x16xf32>,
    %swap3A_319 = arith.constant 6 : i32
    %swap3A_320 = arith.index_cast %swap3A_319 : i32 to index
    %swap3A_321 = arith.constant 80 : index
    %swap3A_322 = tpu.vector_load %arg12[%swap3A_320, %swap3A_321] {strides = array<i32>} : memref<16x128xf32, #tpu.memory_space<vmem>>, vector<1x16xf32>,
    %swap3A_323 = vector.shape_cast %swap3A_322 : vector<1x16xf32> to vector<16xf32>
    %swap3A_324 = vector.shape_cast %broadcast_in_dim3A_1 : vector<16xf32> to vector<1x16xf32>
    tpu.vector_store %arg12[%swap3A_320, %swap3A_321], %swap3A_324 {strides = array<i32>} : memref<16x128xf32, #tpu.memory_space<vmem>>, vector<1x16xf32>,
    %swap3A_325 = arith.constant 6 : i32
    %swap3A_326 = arith.index_cast %swap3A_325 : i32 to index
    %swap3A_327 = arith.constant 96 : index
    %swap3A_328 = tpu.vector_load %arg12[%swap3A_326, %swap3A_327] {strides = array<i32>} : memref<16x128xf32, #tpu.memory_space<vmem>>, vector<1x16xf32>,
    %swap3A_329 = vector.shape_cast %swap3A_328 : vector<1x16xf32> to vector<16xf32>
    %swap3A_330 = vector.shape_cast %broadcast_in_dim3A_1 : vector<16xf32> to vector<1x16xf32>
    tpu.vector_store %arg12[%swap3A_326, %swap3A_327], %swap3A_330 {strides = array<i32>} : memref<16x128xf32, #tpu.memory_space<vmem>>, vector<1x16xf32>,
    %swap3A_331 = arith.constant 6 : i32
    %swap3A_332 = arith.index_cast %swap3A_331 : i32 to index
    %swap3A_333 = arith.constant 112 : index
    %swap3A_334 = tpu.vector_load %arg12[%swap3A_332, %swap3A_333] {strides = array<i32>} : memref<16x128xf32, #tpu.memory_space<vmem>>, vector<1x16xf32>,
    %swap3A_335 = vector.shape_cast %swap3A_334 : vector<1x16xf32> to vector<16xf32>
    %swap3A_336 = vector.shape_cast %broadcast_in_dim3A_1 : vector<16xf32> to vector<1x16xf32>
    tpu.vector_store %arg12[%swap3A_332, %swap3A_333], %swap3A_336 {strides = array<i32>} : memref<16x128xf32, #tpu.memory_space<vmem>>, vector<1x16xf32>,
    %swap3A_337 = arith.constant 7 : i32
    %swap3A_338 = arith.index_cast %swap3A_337 : i32 to index
    %swap3A_339 = arith.constant 0 : index
    %swap3A_340 = tpu.vector_load %arg12[%swap3A_338, %swap3A_339] {strides = array<i32>} : memref<16x128xf32, #tpu.memory_space<vmem>>, vector<1x16xf32>,
    %swap3A_341 = vector.shape_cast %swap3A_340 : vector<1x16xf32> to vector<16xf32>
    %swap3A_342 = vector.shape_cast %broadcast_in_dim3A_1 : vector<16xf32> to vector<1x16xf32>
    tpu.vector_store %arg12[%swap3A_338, %swap3A_339], %swap3A_342 {strides = array<i32>} : memref<16x128xf32, #tpu.memory_space<vmem>>, vector<1x16xf32>,
    %swap3A_343 = arith.constant 7 : i32
    %swap3A_344 = arith.index_cast %swap3A_343 : i32 to index
    %swap3A_345 = arith.constant 16 : index
    %swap3A_346 = tpu.vector_load %arg12[%swap3A_344, %swap3A_345] {strides = array<i32>} : memref<16x128xf32, #tpu.memory_space<vmem>>, vector<1x16xf32>,
    %swap3A_347 = vector.shape_cast %swap3A_346 : vector<1x16xf32> to vector<16xf32>
    %swap3A_348 = vector.shape_cast %broadcast_in_dim3A_1 : vector<16xf32> to vector<1x16xf32>
    tpu.vector_store %arg12[%swap3A_344, %swap3A_345], %swap3A_348 {strides = array<i32>} : memref<16x128xf32, #tpu.memory_space<vmem>>, vector<1x16xf32>,
    %swap3A_349 = arith.constant 7 : i32
    %swap3A_350 = arith.index_cast %swap3A_349 : i32 to index
    %swap3A_351 = arith.constant 32 : index
    %swap3A_352 = tpu.vector_load %arg12[%swap3A_350, %swap3A_351] {strides = array<i32>} : memref<16x128xf32, #tpu.memory_space<vmem>>, vector<1x16xf32>,
    %swap3A_353 = vector.shape_cast %swap3A_352 : vector<1x16xf32> to vector<16xf32>
    %swap3A_354 = vector.shape_cast %broadcast_in_dim3A_1 : vector<16xf32> to vector<1x16xf32>
    tpu.vector_store %arg12[%swap3A_350, %swap3A_351], %swap3A_354 {strides = array<i32>} : memref<16x128xf32, #tpu.memory_space<vmem>>, vector<1x16xf32>,
    %swap3A_355 = arith.constant 7 : i32
    %swap3A_356 = arith.index_cast %swap3A_355 : i32 to index
    %swap3A_357 = arith.constant 48 : index
    %swap3A_358 = tpu.vector_load %arg12[%swap3A_356, %swap3A_357] {strides = array<i32>} : memref<16x128xf32, #tpu.memory_space<vmem>>, vector<1x16xf32>,
    %swap3A_359 = vector.shape_cast %swap3A_358 : vector<1x16xf32> to vector<16xf32>
    %swap3A_360 = vector.shape_cast %broadcast_in_dim3A_1 : vector<16xf32> to vector<1x16xf32>
    tpu.vector_store %arg12[%swap3A_356, %swap3A_357], %swap3A_360 {strides = array<i32>} : memref<16x128xf32, #tpu.memory_space<vmem>>, vector<1x16xf32>,
    %swap3A_361 = arith.constant 7 : i32
    %swap3A_362 = arith.index_cast %swap3A_361 : i32 to index
    %swap3A_363 = arith.constant 64 : index
    %swap3A_364 = tpu.vector_load %arg12[%swap3A_362, %swap3A_363] {strides = array<i32>} : memref<16x128xf32, #tpu.memory_space<vmem>>, vector<1x16xf32>,
    %swap3A_365 = vector.shape_cast %swap3A_364 : vector<1x16xf32> to vector<16xf32>
    %swap3A_366 = vector.shape_cast %broadcast_in_dim3A_1 : vector<16xf32> to vector<1x16xf32>
    tpu.vector_store %arg12[%swap3A_362, %swap3A_363], %swap3A_366 {strides = array<i32>} : memref<16x128xf32, #tpu.memory_space<vmem>>, vector<1x16xf32>,
    %swap3A_367 = arith.constant 7 : i32
    %swap3A_368 = arith.index_cast %swap3A_367 : i32 to index
    %swap3A_369 = arith.constant 80 : index
    %swap3A_370 = tpu.vector_load %arg12[%swap3A_368, %swap3A_369] {strides = array<i32>} : memref<16x128xf32, #tpu.memory_space<vmem>>, vector<1x16xf32>,
    %swap3A_371 = vector.shape_cast %swap3A_370 : vector<1x16xf32> to vector<16xf32>
    %swap3A_372 = vector.shape_cast %broadcast_in_dim3A_1 : vector<16xf32> to vector<1x16xf32>
    tpu.vector_store %arg12[%swap3A_368, %swap3A_369], %swap3A_372 {strides = array<i32>} : memref<16x128xf32, #tpu.memory_space<vmem>>, vector<1x16xf32>,
    %swap3A_373 = arith.constant 7 : i32
    %swap3A_374 = arith.index_cast %swap3A_373 : i32 to index
    %swap3A_375 = arith.constant 96 : index
    %swap3A_376 = tpu.vector_load %arg12[%swap3A_374, %swap3A_375] {strides = array<i32>} : memref<16x128xf32, #tpu.memory_space<vmem>>, vector<1x16xf32>,
    %swap3A_377 = vector.shape_cast %swap3A_376 : vector<1x16xf32> to vector<16xf32>
    %swap3A_378 = vector.shape_cast %broadcast_in_dim3A_1 : vector<16xf32> to vector<1x16xf32>
    tpu.vector_store %arg12[%swap3A_374, %swap3A_375], %swap3A_378 {strides = array<i32>} : memref<16x128xf32, #tpu.memory_space<vmem>>, vector<1x16xf32>,
    %swap3A_379 = arith.constant 7 : i32
    %swap3A_380 = arith.index_cast %swap3A_379 : i32 to index
    %swap3A_381 = arith.constant 112 : index
    %swap3A_382 = tpu.vector_load %arg12[%swap3A_380, %swap3A_381] {strides = array<i32>} : memref<16x128xf32, #tpu.memory_space<vmem>>, vector<1x16xf32>,
    %swap3A_383 = vector.shape_cast %swap3A_382 : vector<1x16xf32> to vector<16xf32>
    %swap3A_384 = vector.shape_cast %broadcast_in_dim3A_1 : vector<16xf32> to vector<1x16xf32>
    tpu.vector_store %arg12[%swap3A_380, %swap3A_381], %swap3A_384 {strides = array<i32>} : memref<16x128xf32, #tpu.memory_space<vmem>>, vector<1x16xf32>,
    %swap3A_385 = arith.constant 8 : i32
    %swap3A_386 = arith.index_cast %swap3A_385 : i32 to index
    %swap3A_387 = arith.constant 0 : index
    %swap3A_388 = tpu.vector_load %arg12[%swap3A_386, %swap3A_387] {strides = array<i32>} : memref<16x128xf32, #tpu.memory_space<vmem>>, vector<1x16xf32>,
    %swap3A_389 = vector.shape_cast %swap3A_388 : vector<1x16xf32> to vector<16xf32>
    %swap3A_390 = vector.shape_cast %broadcast_in_dim3A_1 : vector<16xf32> to vector<1x16xf32>
    tpu.vector_store %arg12[%swap3A_386, %swap3A_387], %swap3A_390 {strides = array<i32>} : memref<16x128xf32, #tpu.memory_space<vmem>>, vector<1x16xf32>,
    %swap3A_391 = arith.constant 8 : i32
    %swap3A_392 = arith.index_cast %swap3A_391 : i32 to index
    %swap3A_393 = arith.constant 16 : index
    %swap3A_394 = tpu.vector_load %arg12[%swap3A_392, %swap3A_393] {strides = array<i32>} : memref<16x128xf32, #tpu.memory_space<vmem>>, vector<1x16xf32>,
    %swap3A_395 = vector.shape_cast %swap3A_394 : vector<1x16xf32> to vector<16xf32>
    %swap3A_396 = vector.shape_cast %broadcast_in_dim3A_1 : vector<16xf32> to vector<1x16xf32>
    tpu.vector_store %arg12[%swap3A_392, %swap3A_393], %swap3A_396 {strides = array<i32>} : memref<16x128xf32, #tpu.memory_space<vmem>>, vector<1x16xf32>,
    %swap3A_397 = arith.constant 8 : i32
    %swap3A_398 = arith.index_cast %swap3A_397 : i32 to index
    %swap3A_399 = arith.constant 32 : index
    %swap3A_400 = tpu.vector_load %arg12[%swap3A_398, %swap3A_399] {strides = array<i32>} : memref<16x128xf32, #tpu.memory_space<vmem>>, vector<1x16xf32>,
    %swap3A_401 = vector.shape_cast %swap3A_400 : vector<1x16xf32> to vector<16xf32>
    %swap3A_402 = vector.shape_cast %broadcast_in_dim3A_1 : vector<16xf32> to vector<1x16xf32>
    tpu.vector_store %arg12[%swap3A_398, %swap3A_399], %swap3A_402 {strides = array<i32>} : memref<16x128xf32, #tpu.memory_space<vmem>>, vector<1x16xf32>,
    %swap3A_403 = arith.constant 8 : i32
    %swap3A_404 = arith.index_cast %swap3A_403 : i32 to index
    %swap3A_405 = arith.constant 48 : index
    %swap3A_406 = tpu.vector_load %arg12[%swap3A_404, %swap3A_405] {strides = array<i32>} : memref<16x128xf32, #tpu.memory_space<vmem>>, vector<1x16xf32>,
    %swap3A_407 = vector.shape_cast %swap3A_406 : vector<1x16xf32> to vector<16xf32>
    %swap3A_408 = vector.shape_cast %broadcast_in_dim3A_1 : vector<16xf32> to vector<1x16xf32>
    tpu.vector_store %arg12[%swap3A_404, %swap3A_405], %swap3A_408 {strides = array<i32>} : memref<16x128xf32, #tpu.memory_space<vmem>>, vector<1x16xf32>,
    %swap3A_409 = arith.constant 8 : i32
    %swap3A_410 = arith.index_cast %swap3A_409 : i32 to index
    %swap3A_411 = arith.constant 64 : index
    %swap3A_412 = tpu.vector_load %arg12[%swap3A_410, %swap3A_411] {strides = array<i32>} : memref<16x128xf32, #tpu.memory_space<vmem>>, vector<1x16xf32>,
    %swap3A_413 = vector.shape_cast %swap3A_412 : vector<1x16xf32> to vector<16xf32>
    %swap3A_414 = vector.shape_cast %broadcast_in_dim3A_1 : vector<16xf32> to vector<1x16xf32>
    tpu.vector_store %arg12[%swap3A_410, %swap3A_411], %swap3A_414 {strides = array<i32>} : memref<16x128xf32, #tpu.memory_space<vmem>>, vector<1x16xf32>,
    %swap3A_415 = arith.constant 8 : i32
    %swap3A_416 = arith.index_cast %swap3A_415 : i32 to index
    %swap3A_417 = arith.constant 80 : index
    %swap3A_418 = tpu.vector_load %arg12[%swap3A_416, %swap3A_417] {strides = array<i32>} : memref<16x128xf32, #tpu.memory_space<vmem>>, vector<1x16xf32>,
    %swap3A_419 = vector.shape_cast %swap3A_418 : vector<1x16xf32> to vector<16xf32>
    %swap3A_420 = vector.shape_cast %broadcast_in_dim3A_1 : vector<16xf32> to vector<1x16xf32>
    tpu.vector_store %arg12[%swap3A_416, %swap3A_417], %swap3A_420 {strides = array<i32>} : memref<16x128xf32, #tpu.memory_space<vmem>>, vector<1x16xf32>,
    %swap3A_421 = arith.constant 8 : i32
    %swap3A_422 = arith.index_cast %swap3A_421 : i32 to index
    %swap3A_423 = arith.constant 96 : index
    %swap3A_424 = tpu.vector_load %arg12[%swap3A_422, %swap3A_423] {strides = array<i32>} : memref<16x128xf32, #tpu.memory_space<vmem>>, vector<1x16xf32>,
    %swap3A_425 = vector.shape_cast %swap3A_424 : vector<1x16xf32> to vector<16xf32>
    %swap3A_426 = vector.shape_cast %broadcast_in_dim3A_1 : vector<16xf32> to vector<1x16xf32>
    tpu.vector_store %arg12[%swap3A_422, %swap3A_423], %swap3A_426 {strides = array<i32>} : memref<16x128xf32, #tpu.memory_space<vmem>>, vector<1x16xf32>,
    %swap3A_427 = arith.constant 8 : i32
    %swap3A_428 = arith.index_cast %swap3A_427 : i32 to index
    %swap3A_429 = arith.constant 112 : index
    %swap3A_430 = tpu.vector_load %arg12[%swap3A_428, %swap3A_429] {strides = array<i32>} : memref<16x128xf32, #tpu.memory_space<vmem>>, vector<1x16xf32>,
    %swap3A_431 = vector.shape_cast %swap3A_430 : vector<1x16xf32> to vector<16xf32>
    %swap3A_432 = vector.shape_cast %broadcast_in_dim3A_1 : vector<16xf32> to vector<1x16xf32>
    tpu.vector_store %arg12[%swap3A_428, %swap3A_429], %swap3A_432 {strides = array<i32>} : memref<16x128xf32, #tpu.memory_space<vmem>>, vector<1x16xf32>,
    %swap3A_433 = arith.constant 9 : i32
    %swap3A_434 = arith.index_cast %swap3A_433 : i32 to index
    %swap3A_435 = arith.constant 0 : index
    %swap3A_436 = tpu.vector_load %arg12[%swap3A_434, %swap3A_435] {strides = array<i32>} : memref<16x128xf32, #tpu.memory_space<vmem>>, vector<1x16xf32>,
    %swap3A_437 = vector.shape_cast %swap3A_436 : vector<1x16xf32> to vector<16xf32>
    %swap3A_438 = vector.shape_cast %broadcast_in_dim3A_1 : vector<16xf32> to vector<1x16xf32>
    tpu.vector_store %arg12[%swap3A_434, %swap3A_435], %swap3A_438 {strides = array<i32>} : memref<16x128xf32, #tpu.memory_space<vmem>>, vector<1x16xf32>,
    %swap3A_439 = arith.constant 9 : i32
    %swap3A_440 = arith.index_cast %swap3A_439 : i32 to index
    %swap3A_441 = arith.constant 16 : index
    %swap3A_442 = tpu.vector_load %arg12[%swap3A_440, %swap3A_441] {strides = array<i32>} : memref<16x128xf32, #tpu.memory_space<vmem>>, vector<1x16xf32>,
    %swap3A_443 = vector.shape_cast %swap3A_442 : vector<1x16xf32> to vector<16xf32>
    %swap3A_444 = vector.shape_cast %broadcast_in_dim3A_1 : vector<16xf32> to vector<1x16xf32>
    tpu.vector_store %arg12[%swap3A_440, %swap3A_441], %swap3A_444 {strides = array<i32>} : memref<16x128xf32, #tpu.memory_space<vmem>>, vector<1x16xf32>,
    %swap3A_445 = arith.constant 9 : i32
    %swap3A_446 = arith.index_cast %swap3A_445 : i32 to index
    %swap3A_447 = arith.constant 32 : index
    %swap3A_448 = tpu.vector_load %arg12[%swap3A_446, %swap3A_447] {strides = array<i32>} : memref<16x128xf32, #tpu.memory_space<vmem>>, vector<1x16xf32>,
    %swap3A_449 = vector.shape_cast %swap3A_448 : vector<1x16xf32> to vector<16xf32>
    %swap3A_450 = vector.shape_cast %broadcast_in_dim3A_1 : vector<16xf32> to vector<1x16xf32>
    tpu.vector_store %arg12[%swap3A_446, %swap3A_447], %swap3A_450 {strides = array<i32>} : memref<16x128xf32, #tpu.memory_space<vmem>>, vector<1x16xf32>,
    %swap3A_451 = arith.constant 9 : i32
    %swap3A_452 = arith.index_cast %swap3A_451 : i32 to index
    %swap3A_453 = arith.constant 48 : index
    %swap3A_454 = tpu.vector_load %arg12[%swap3A_452, %swap3A_453] {strides = array<i32>} : memref<16x128xf32, #tpu.memory_space<vmem>>, vector<1x16xf32>,
    %swap3A_455 = vector.shape_cast %swap3A_454 : vector<1x16xf32> to vector<16xf32>
    %swap3A_456 = vector.shape_cast %broadcast_in_dim3A_1 : vector<16xf32> to vector<1x16xf32>
    tpu.vector_store %arg12[%swap3A_452, %swap3A_453], %swap3A_456 {strides = array<i32>} : memref<16x128xf32, #tpu.memory_space<vmem>>, vector<1x16xf32>,
    %swap3A_457 = arith.constant 9 : i32
    %swap3A_458 = arith.index_cast %swap3A_457 : i32 to index
    %swap3A_459 = arith.constant 64 : index
    %swap3A_460 = tpu.vector_load %arg12[%swap3A_458, %swap3A_459] {strides = array<i32>} : memref<16x128xf32, #tpu.memory_space<vmem>>, vector<1x16xf32>,
    %swap3A_461 = vector.shape_cast %swap3A_460 : vector<1x16xf32> to vector<16xf32>
    %swap3A_462 = vector.shape_cast %broadcast_in_dim3A_1 : vector<16xf32> to vector<1x16xf32>
    tpu.vector_store %arg12[%swap3A_458, %swap3A_459], %swap3A_462 {strides = array<i32>} : memref<16x128xf32, #tpu.memory_space<vmem>>, vector<1x16xf32>,
    %swap3A_463 = arith.constant 9 : i32
    %swap3A_464 = arith.index_cast %swap3A_463 : i32 to index
    %swap3A_465 = arith.constant 80 : index
    %swap3A_466 = tpu.vector_load %arg12[%swap3A_464, %swap3A_465] {strides = array<i32>} : memref<16x128xf32, #tpu.memory_space<vmem>>, vector<1x16xf32>,
    %swap3A_467 = vector.shape_cast %swap3A_466 : vector<1x16xf32> to vector<16xf32>
    %swap3A_468 = vector.shape_cast %broadcast_in_dim3A_1 : vector<16xf32> to vector<1x16xf32>
    tpu.vector_store %arg12[%swap3A_464, %swap3A_465], %swap3A_468 {strides = array<i32>} : memref<16x128xf32, #tpu.memory_space<vmem>>, vector<1x16xf32>,
    %swap3A_469 = arith.constant 9 : i32
    %swap3A_470 = arith.index_cast %swap3A_469 : i32 to index
    %swap3A_471 = arith.constant 96 : index
    %swap3A_472 = tpu.vector_load %arg12[%swap3A_470, %swap3A_471] {strides = array<i32>} : memref<16x128xf32, #tpu.memory_space<vmem>>, vector<1x16xf32>,
    %swap3A_473 = vector.shape_cast %swap3A_472 : vector<1x16xf32> to vector<16xf32>
    %swap3A_474 = vector.shape_cast %broadcast_in_dim3A_1 : vector<16xf32> to vector<1x16xf32>
    tpu.vector_store %arg12[%swap3A_470, %swap3A_471], %swap3A_474 {strides = array<i32>} : memref<16x128xf32, #tpu.memory_space<vmem>>, vector<1x16xf32>,
    %swap3A_475 = arith.constant 9 : i32
    %swap3A_476 = arith.index_cast %swap3A_475 : i32 to index
    %swap3A_477 = arith.constant 112 : index
    %swap3A_478 = tpu.vector_load %arg12[%swap3A_476, %swap3A_477] {strides = array<i32>} : memref<16x128xf32, #tpu.memory_space<vmem>>, vector<1x16xf32>,
    %swap3A_479 = vector.shape_cast %swap3A_478 : vector<1x16xf32> to vector<16xf32>
    %swap3A_480 = vector.shape_cast %broadcast_in_dim3A_1 : vector<16xf32> to vector<1x16xf32>
    tpu.vector_store %arg12[%swap3A_476, %swap3A_477], %swap3A_480 {strides = array<i32>} : memref<16x128xf32, #tpu.memory_space<vmem>>, vector<1x16xf32>,
    %swap3A_481 = arith.constant 10 : i32
    %swap3A_482 = arith.index_cast %swap3A_481 : i32 to index
    %swap3A_483 = arith.constant 0 : index
    %swap3A_484 = tpu.vector_load %arg12[%swap3A_482, %swap3A_483] {strides = array<i32>} : memref<16x128xf32, #tpu.memory_space<vmem>>, vector<1x16xf32>,
    %swap3A_485 = vector.shape_cast %swap3A_484 : vector<1x16xf32> to vector<16xf32>
    %swap3A_486 = vector.shape_cast %broadcast_in_dim3A_1 : vector<16xf32> to vector<1x16xf32>
    tpu.vector_store %arg12[%swap3A_482, %swap3A_483], %swap3A_486 {strides = array<i32>} : memref<16x128xf32, #tpu.memory_space<vmem>>, vector<1x16xf32>,
    %swap3A_487 = arith.constant 10 : i32
    %swap3A_488 = arith.index_cast %swap3A_487 : i32 to index
    %swap3A_489 = arith.constant 16 : index
    %swap3A_490 = tpu.vector_load %arg12[%swap3A_488, %swap3A_489] {strides = array<i32>} : memref<16x128xf32, #tpu.memory_space<vmem>>, vector<1x16xf32>,
    %swap3A_491 = vector.shape_cast %swap3A_490 : vector<1x16xf32> to vector<16xf32>
    %swap3A_492 = vector.shape_cast %broadcast_in_dim3A_1 : vector<16xf32> to vector<1x16xf32>
    tpu.vector_store %arg12[%swap3A_488, %swap3A_489], %swap3A_492 {strides = array<i32>} : memref<16x128xf32, #tpu.memory_space<vmem>>, vector<1x16xf32>,
    %swap3A_493 = arith.constant 10 : i32
    %swap3A_494 = arith.index_cast %swap3A_493 : i32 to index
    %swap3A_495 = arith.constant 32 : index
    %swap3A_496 = tpu.vector_load %arg12[%swap3A_494, %swap3A_495] {strides = array<i32>} : memref<16x128xf32, #tpu.memory_space<vmem>>, vector<1x16xf32>,
    %swap3A_497 = vector.shape_cast %swap3A_496 : vector<1x16xf32> to vector<16xf32>
    %swap3A_498 = vector.shape_cast %broadcast_in_dim3A_1 : vector<16xf32> to vector<1x16xf32>
    tpu.vector_store %arg12[%swap3A_494, %swap3A_495], %swap3A_498 {strides = array<i32>} : memref<16x128xf32, #tpu.memory_space<vmem>>, vector<1x16xf32>,
    %swap3A_499 = arith.constant 10 : i32
    %swap3A_500 = arith.index_cast %swap3A_499 : i32 to index
    %swap3A_501 = arith.constant 48 : index
    %swap3A_502 = tpu.vector_load %arg12[%swap3A_500, %swap3A_501] {strides = array<i32>} : memref<16x128xf32, #tpu.memory_space<vmem>>, vector<1x16xf32>,
    %swap3A_503 = vector.shape_cast %swap3A_502 : vector<1x16xf32> to vector<16xf32>
    %swap3A_504 = vector.shape_cast %broadcast_in_dim3A_1 : vector<16xf32> to vector<1x16xf32>
    tpu.vector_store %arg12[%swap3A_500, %swap3A_501], %swap3A_504 {strides = array<i32>} : memref<16x128xf32, #tpu.memory_space<vmem>>, vector<1x16xf32>,
    %swap3A_505 = arith.constant 10 : i32
    %swap3A_506 = arith.index_cast %swap3A_505 : i32 to index
    %swap3A_507 = arith.constant 64 : index
    %swap3A_508 = tpu.vector_load %arg12[%swap3A_506, %swap3A_507] {strides = array<i32>} : memref<16x128xf32, #tpu.memory_space<vmem>>, vector<1x16xf32>,
    %swap3A_509 = vector.shape_cast %swap3A_508 : vector<1x16xf32> to vector<16xf32>
    %swap3A_510 = vector.shape_cast %broadcast_in_dim3A_1 : vector<16xf32> to vector<1x16xf32>
    tpu.vector_store %arg12[%swap3A_506, %swap3A_507], %swap3A_510 {strides = array<i32>} : memref<16x128xf32, #tpu.memory_space<vmem>>, vector<1x16xf32>,
    %swap3A_511 = arith.constant 10 : i32
    %swap3A_512 = arith.index_cast %swap3A_511 : i32 to index
    %swap3A_513 = arith.constant 80 : index
    %swap3A_514 = tpu.vector_load %arg12[%swap3A_512, %swap3A_513] {strides = array<i32>} : memref<16x128xf32, #tpu.memory_space<vmem>>, vector<1x16xf32>,
    %swap3A_515 = vector.shape_cast %swap3A_514 : vector<1x16xf32> to vector<16xf32>
    %swap3A_516 = vector.shape_cast %broadcast_in_dim3A_1 : vector<16xf32> to vector<1x16xf32>
    tpu.vector_store %arg12[%swap3A_512, %swap3A_513], %swap3A_516 {strides = array<i32>} : memref<16x128xf32, #tpu.memory_space<vmem>>, vector<1x16xf32>,
    %swap3A_517 = arith.constant 10 : i32
    %swap3A_518 = arith.index_cast %swap3A_517 : i32 to index
    %swap3A_519 = arith.constant 96 : index
    %swap3A_520 = tpu.vector_load %arg12[%swap3A_518, %swap3A_519] {strides = array<i32>} : memref<16x128xf32, #tpu.memory_space<vmem>>, vector<1x16xf32>,
    %swap3A_521 = vector.shape_cast %swap3A_520 : vector<1x16xf32> to vector<16xf32>
    %swap3A_522 = vector.shape_cast %broadcast_in_dim3A_1 : vector<16xf32> to vector<1x16xf32>
    tpu.vector_store %arg12[%swap3A_518, %swap3A_519], %swap3A_522 {strides = array<i32>} : memref<16x128xf32, #tpu.memory_space<vmem>>, vector<1x16xf32>,
    %swap3A_523 = arith.constant 10 : i32
    %swap3A_524 = arith.index_cast %swap3A_523 : i32 to index
    %swap3A_525 = arith.constant 112 : index
    %swap3A_526 = tpu.vector_load %arg12[%swap3A_524, %swap3A_525] {strides = array<i32>} : memref<16x128xf32, #tpu.memory_space<vmem>>, vector<1x16xf32>,
    %swap3A_527 = vector.shape_cast %swap3A_526 : vector<1x16xf32> to vector<16xf32>
    %swap3A_528 = vector.shape_cast %broadcast_in_dim3A_1 : vector<16xf32> to vector<1x16xf32>
    tpu.vector_store %arg12[%swap3A_524, %swap3A_525], %swap3A_528 {strides = array<i32>} : memref<16x128xf32, #tpu.memory_space<vmem>>, vector<1x16xf32>,
    %swap3A_529 = arith.constant 11 : i32
    %swap3A_530 = arith.index_cast %swap3A_529 : i32 to index
    %swap3A_531 = arith.constant 0 : index
    %swap3A_532 = tpu.vector_load %arg12[%swap3A_530, %swap3A_531] {strides = array<i32>} : memref<16x128xf32, #tpu.memory_space<vmem>>, vector<1x16xf32>,
    %swap3A_533 = vector.shape_cast %swap3A_532 : vector<1x16xf32> to vector<16xf32>
    %swap3A_534 = vector.shape_cast %broadcast_in_dim3A_1 : vector<16xf32> to vector<1x16xf32>
    tpu.vector_store %arg12[%swap3A_530, %swap3A_531], %swap3A_534 {strides = array<i32>} : memref<16x128xf32, #tpu.memory_space<vmem>>, vector<1x16xf32>,
    %swap3A_535 = arith.constant 11 : i32
    %swap3A_536 = arith.index_cast %swap3A_535 : i32 to index
    %swap3A_537 = arith.constant 16 : index
    %swap3A_538 = tpu.vector_load %arg12[%swap3A_536, %swap3A_537] {strides = array<i32>} : memref<16x128xf32, #tpu.memory_space<vmem>>, vector<1x16xf32>,
    %swap3A_539 = vector.shape_cast %swap3A_538 : vector<1x16xf32> to vector<16xf32>
    %swap3A_540 = vector.shape_cast %broadcast_in_dim3A_1 : vector<16xf32> to vector<1x16xf32>
    tpu.vector_store %arg12[%swap3A_536, %swap3A_537], %swap3A_540 {strides = array<i32>} : memref<16x128xf32, #tpu.memory_space<vmem>>, vector<1x16xf32>,
    %swap3A_541 = arith.constant 11 : i32
    %swap3A_542 = arith.index_cast %swap3A_541 : i32 to index
    %swap3A_543 = arith.constant 32 : index
    %swap3A_544 = tpu.vector_load %arg12[%swap3A_542, %swap3A_543] {strides = array<i32>} : memref<16x128xf32, #tpu.memory_space<vmem>>, vector<1x16xf32>,
    %swap3A_545 = vector.shape_cast %swap3A_544 : vector<1x16xf32> to vector<16xf32>
    %swap3A_546 = vector.shape_cast %broadcast_in_dim3A_1 : vector<16xf32> to vector<1x16xf32>
    tpu.vector_store %arg12[%swap3A_542, %swap3A_543], %swap3A_546 {strides = array<i32>} : memref<16x128xf32, #tpu.memory_space<vmem>>, vector<1x16xf32>,
    %swap3A_547 = arith.constant 11 : i32
    %swap3A_548 = arith.index_cast %swap3A_547 : i32 to index
    %swap3A_549 = arith.constant 48 : index
    %swap3A_550 = tpu.vector_load %arg12[%swap3A_548, %swap3A_549] {strides = array<i32>} : memref<16x128xf32, #tpu.memory_space<vmem>>, vector<1x16xf32>,
    %swap3A_551 = vector.shape_cast %swap3A_550 : vector<1x16xf32> to vector<16xf32>
    %swap3A_552 = vector.shape_cast %broadcast_in_dim3A_1 : vector<16xf32> to vector<1x16xf32>
    tpu.vector_store %arg12[%swap3A_548, %swap3A_549], %swap3A_552 {strides = array<i32>} : memref<16x128xf32, #tpu.memory_space<vmem>>, vector<1x16xf32>,
    %swap3A_553 = arith.constant 11 : i32
    %swap3A_554 = arith.index_cast %swap3A_553 : i32 to index
    %swap3A_555 = arith.constant 64 : index
    %swap3A_556 = tpu.vector_load %arg12[%swap3A_554, %swap3A_555] {strides = array<i32>} : memref<16x128xf32, #tpu.memory_space<vmem>>, vector<1x16xf32>,
    %swap3A_557 = vector.shape_cast %swap3A_556 : vector<1x16xf32> to vector<16xf32>
    %swap3A_558 = vector.shape_cast %broadcast_in_dim3A_1 : vector<16xf32> to vector<1x16xf32>
    tpu.vector_store %arg12[%swap3A_554, %swap3A_555], %swap3A_558 {strides = array<i32>} : memref<16x128xf32, #tpu.memory_space<vmem>>, vector<1x16xf32>,
    %swap3A_559 = arith.constant 11 : i32
    %swap3A_560 = arith.index_cast %swap3A_559 : i32 to index
    %swap3A_561 = arith.constant 80 : index
    %swap3A_562 = tpu.vector_load %arg12[%swap3A_560, %swap3A_561] {strides = array<i32>} : memref<16x128xf32, #tpu.memory_space<vmem>>, vector<1x16xf32>,
    %swap3A_563 = vector.shape_cast %swap3A_562 : vector<1x16xf32> to vector<16xf32>
    %swap3A_564 = vector.shape_cast %broadcast_in_dim3A_1 : vector<16xf32> to vector<1x16xf32>
    tpu.vector_store %arg12[%swap3A_560, %swap3A_561], %swap3A_564 {strides = array<i32>} : memref<16x128xf32, #tpu.memory_space<vmem>>, vector<1x16xf32>,
    %swap3A_565 = arith.constant 11 : i32
    %swap3A_566 = arith.index_cast %swap3A_565 : i32 to index
    %swap3A_567 = arith.constant 96 : index
    %swap3A_568 = tpu.vector_load %arg12[%swap3A_566, %swap3A_567] {strides = array<i32>} : memref<16x128xf32, #tpu.memory_space<vmem>>, vector<1x16xf32>,
    %swap3A_569 = vector.shape_cast %swap3A_568 : vector<1x16xf32> to vector<16xf32>
    %swap3A_570 = vector.shape_cast %broadcast_in_dim3A_1 : vector<16xf32> to vector<1x16xf32>
    tpu.vector_store %arg12[%swap3A_566, %swap3A_567], %swap3A_570 {strides = array<i32>} : memref<16x128xf32, #tpu.memory_space<vmem>>, vector<1x16xf32>,
    %swap3A_571 = arith.constant 11 : i32
    %swap3A_572 = arith.index_cast %swap3A_571 : i32 to index
    %swap3A_573 = arith.constant 112 : index
    %swap3A_574 = tpu.vector_load %arg12[%swap3A_572, %swap3A_573] {strides = array<i32>} : memref<16x128xf32, #tpu.memory_space<vmem>>, vector<1x16xf32>,
    %swap3A_575 = vector.shape_cast %swap3A_574 : vector<1x16xf32> to vector<16xf32>
    %swap3A_576 = vector.shape_cast %broadcast_in_dim3A_1 : vector<16xf32> to vector<1x16xf32>
    tpu.vector_store %arg12[%swap3A_572, %swap3A_573], %swap3A_576 {strides = array<i32>} : memref<16x128xf32, #tpu.memory_space<vmem>>, vector<1x16xf32>,
    %swap3A_577 = arith.constant 12 : i32
    %swap3A_578 = arith.index_cast %swap3A_577 : i32 to index
    %swap3A_579 = arith.constant 0 : index
    %swap3A_580 = tpu.vector_load %arg12[%swap3A_578, %swap3A_579] {strides = array<i32>} : memref<16x128xf32, #tpu.memory_space<vmem>>, vector<1x16xf32>,
    %swap3A_581 = vector.shape_cast %swap3A_580 : vector<1x16xf32> to vector<16xf32>
    %swap3A_582 = vector.shape_cast %broadcast_in_dim3A_1 : vector<16xf32> to vector<1x16xf32>
    tpu.vector_store %arg12[%swap3A_578, %swap3A_579], %swap3A_582 {strides = array<i32>} : memref<16x128xf32, #tpu.memory_space<vmem>>, vector<1x16xf32>,
    %swap3A_583 = arith.constant 12 : i32
    %swap3A_584 = arith.index_cast %swap3A_583 : i32 to index
    %swap3A_585 = arith.constant 16 : index
    %swap3A_586 = tpu.vector_load %arg12[%swap3A_584, %swap3A_585] {strides = array<i32>} : memref<16x128xf32, #tpu.memory_space<vmem>>, vector<1x16xf32>,
    %swap3A_587 = vector.shape_cast %swap3A_586 : vector<1x16xf32> to vector<16xf32>
    %swap3A_588 = vector.shape_cast %broadcast_in_dim3A_1 : vector<16xf32> to vector<1x16xf32>
    tpu.vector_store %arg12[%swap3A_584, %swap3A_585], %swap3A_588 {strides = array<i32>} : memref<16x128xf32, #tpu.memory_space<vmem>>, vector<1x16xf32>,
    %swap3A_589 = arith.constant 12 : i32
    %swap3A_590 = arith.index_cast %swap3A_589 : i32 to index
    %swap3A_591 = arith.constant 32 : index
    %swap3A_592 = tpu.vector_load %arg12[%swap3A_590, %swap3A_591] {strides = array<i32>} : memref<16x128xf32, #tpu.memory_space<vmem>>, vector<1x16xf32>,
    %swap3A_593 = vector.shape_cast %swap3A_592 : vector<1x16xf32> to vector<16xf32>
    %swap3A_594 = vector.shape_cast %broadcast_in_dim3A_1 : vector<16xf32> to vector<1x16xf32>
    tpu.vector_store %arg12[%swap3A_590, %swap3A_591], %swap3A_594 {strides = array<i32>} : memref<16x128xf32, #tpu.memory_space<vmem>>, vector<1x16xf32>,
    %swap3A_595 = arith.constant 12 : i32
    %swap3A_596 = arith.index_cast %swap3A_595 : i32 to index
    %swap3A_597 = arith.constant 48 : index
    %swap3A_598 = tpu.vector_load %arg12[%swap3A_596, %swap3A_597] {strides = array<i32>} : memref<16x128xf32, #tpu.memory_space<vmem>>, vector<1x16xf32>,
    %swap3A_599 = vector.shape_cast %swap3A_598 : vector<1x16xf32> to vector<16xf32>
    %swap3A_600 = vector.shape_cast %broadcast_in_dim3A_1 : vector<16xf32> to vector<1x16xf32>
    tpu.vector_store %arg12[%swap3A_596, %swap3A_597], %swap3A_600 {strides = array<i32>} : memref<16x128xf32, #tpu.memory_space<vmem>>, vector<1x16xf32>,
    %swap3A_601 = arith.constant 12 : i32
    %swap3A_602 = arith.index_cast %swap3A_601 : i32 to index
    %swap3A_603 = arith.constant 64 : index
    %swap3A_604 = tpu.vector_load %arg12[%swap3A_602, %swap3A_603] {strides = array<i32>} : memref<16x128xf32, #tpu.memory_space<vmem>>, vector<1x16xf32>,
    %swap3A_605 = vector.shape_cast %swap3A_604 : vector<1x16xf32> to vector<16xf32>
    %swap3A_606 = vector.shape_cast %broadcast_in_dim3A_1 : vector<16xf32> to vector<1x16xf32>
    tpu.vector_store %arg12[%swap3A_602, %swap3A_603], %swap3A_606 {strides = array<i32>} : memref<16x128xf32, #tpu.memory_space<vmem>>, vector<1x16xf32>,
    %swap3A_607 = arith.constant 12 : i32
    %swap3A_608 = arith.index_cast %swap3A_607 : i32 to index
    %swap3A_609 = arith.constant 80 : index
    %swap3A_610 = tpu.vector_load %arg12[%swap3A_608, %swap3A_609] {strides = array<i32>} : memref<16x128xf32, #tpu.memory_space<vmem>>, vector<1x16xf32>,
    %swap3A_611 = vector.shape_cast %swap3A_610 : vector<1x16xf32> to vector<16xf32>
    %swap3A_612 = vector.shape_cast %broadcast_in_dim3A_1 : vector<16xf32> to vector<1x16xf32>
    tpu.vector_store %arg12[%swap3A_608, %swap3A_609], %swap3A_612 {strides = array<i32>} : memref<16x128xf32, #tpu.memory_space<vmem>>, vector<1x16xf32>,
    %swap3A_613 = arith.constant 12 : i32
    %swap3A_614 = arith.index_cast %swap3A_613 : i32 to index
    %swap3A_615 = arith.constant 96 : index
    %swap3A_616 = tpu.vector_load %arg12[%swap3A_614, %swap3A_615] {strides = array<i32>} : memref<16x128xf32, #tpu.memory_space<vmem>>, vector<1x16xf32>,
    %swap3A_617 = vector.shape_cast %swap3A_616 : vector<1x16xf32> to vector<16xf32>
    %swap3A_618 = vector.shape_cast %broadcast_in_dim3A_1 : vector<16xf32> to vector<1x16xf32>
    tpu.vector_store %arg12[%swap3A_614, %swap3A_615], %swap3A_618 {strides = array<i32>} : memref<16x128xf32, #tpu.memory_space<vmem>>, vector<1x16xf32>,
    %swap3A_619 = arith.constant 12 : i32
    %swap3A_620 = arith.index_cast %swap3A_619 : i32 to index
    %swap3A_621 = arith.constant 112 : index
    %swap3A_622 = tpu.vector_load %arg12[%swap3A_620, %swap3A_621] {strides = array<i32>} : memref<16x128xf32, #tpu.memory_space<vmem>>, vector<1x16xf32>,
    %swap3A_623 = vector.shape_cast %swap3A_622 : vector<1x16xf32> to vector<16xf32>
    %swap3A_624 = vector.shape_cast %broadcast_in_dim3A_1 : vector<16xf32> to vector<1x16xf32>
    tpu.vector_store %arg12[%swap3A_620, %swap3A_621], %swap3A_624 {strides = array<i32>} : memref<16x128xf32, #tpu.memory_space<vmem>>, vector<1x16xf32>,
    %swap3A_625 = arith.constant 13 : i32
    %swap3A_626 = arith.index_cast %swap3A_625 : i32 to index
    %swap3A_627 = arith.constant 0 : index
    %swap3A_628 = tpu.vector_load %arg12[%swap3A_626, %swap3A_627] {strides = array<i32>} : memref<16x128xf32, #tpu.memory_space<vmem>>, vector<1x16xf32>,
    %swap3A_629 = vector.shape_cast %swap3A_628 : vector<1x16xf32> to vector<16xf32>
    %swap3A_630 = vector.shape_cast %broadcast_in_dim3A_1 : vector<16xf32> to vector<1x16xf32>
    tpu.vector_store %arg12[%swap3A_626, %swap3A_627], %swap3A_630 {strides = array<i32>} : memref<16x128xf32, #tpu.memory_space<vmem>>, vector<1x16xf32>,
    %swap3A_631 = arith.constant 13 : i32
    %swap3A_632 = arith.index_cast %swap3A_631 : i32 to index
    %swap3A_633 = arith.constant 16 : index
    %swap3A_634 = tpu.vector_load %arg12[%swap3A_632, %swap3A_633] {strides = array<i32>} : memref<16x128xf32, #tpu.memory_space<vmem>>, vector<1x16xf32>,
    %swap3A_635 = vector.shape_cast %swap3A_634 : vector<1x16xf32> to vector<16xf32>
    %swap3A_636 = vector.shape_cast %broadcast_in_dim3A_1 : vector<16xf32> to vector<1x16xf32>
    tpu.vector_store %arg12[%swap3A_632, %swap3A_633], %swap3A_636 {strides = array<i32>} : memref<16x128xf32, #tpu.memory_space<vmem>>, vector<1x16xf32>,
    %swap3A_637 = arith.constant 13 : i32
    %swap3A_638 = arith.index_cast %swap3A_637 : i32 to index
    %swap3A_639 = arith.constant 32 : index
    %swap3A_640 = tpu.vector_load %arg12[%swap3A_638, %swap3A_639] {strides = array<i32>} : memref<16x128xf32, #tpu.memory_space<vmem>>, vector<1x16xf32>,
    %swap3A_641 = vector.shape_cast %swap3A_640 : vector<1x16xf32> to vector<16xf32>
    %swap3A_642 = vector.shape_cast %broadcast_in_dim3A_1 : vector<16xf32> to vector<1x16xf32>
    tpu.vector_store %arg12[%swap3A_638, %swap3A_639], %swap3A_642 {strides = array<i32>} : memref<16x128xf32, #tpu.memory_space<vmem>>, vector<1x16xf32>,
    %swap3A_643 = arith.constant 13 : i32
    %swap3A_644 = arith.index_cast %swap3A_643 : i32 to index
    %swap3A_645 = arith.constant 48 : index
    %swap3A_646 = tpu.vector_load %arg12[%swap3A_644, %swap3A_645] {strides = array<i32>} : memref<16x128xf32, #tpu.memory_space<vmem>>, vector<1x16xf32>,
    %swap3A_647 = vector.shape_cast %swap3A_646 : vector<1x16xf32> to vector<16xf32>
    %swap3A_648 = vector.shape_cast %broadcast_in_dim3A_1 : vector<16xf32> to vector<1x16xf32>
    tpu.vector_store %arg12[%swap3A_644, %swap3A_645], %swap3A_648 {strides = array<i32>} : memref<16x128xf32, #tpu.memory_space<vmem>>, vector<1x16xf32>,
    %swap3A_649 = arith.constant 13 : i32
    %swap3A_650 = arith.index_cast %swap3A_649 : i32 to index
    %swap3A_651 = arith.constant 64 : index
    %swap3A_652 = tpu.vector_load %arg12[%swap3A_650, %swap3A_651] {strides = array<i32>} : memref<16x128xf32, #tpu.memory_space<vmem>>, vector<1x16xf32>,
    %swap3A_653 = vector.shape_cast %swap3A_652 : vector<1x16xf32> to vector<16xf32>
    %swap3A_654 = vector.shape_cast %broadcast_in_dim3A_1 : vector<16xf32> to vector<1x16xf32>
    tpu.vector_store %arg12[%swap3A_650, %swap3A_651], %swap3A_654 {strides = array<i32>} : memref<16x128xf32, #tpu.memory_space<vmem>>, vector<1x16xf32>,
    %swap3A_655 = arith.constant 13 : i32
    %swap3A_656 = arith.index_cast %swap3A_655 : i32 to index
    %swap3A_657 = arith.constant 80 : index
    %swap3A_658 = tpu.vector_load %arg12[%swap3A_656, %swap3A_657] {strides = array<i32>} : memref<16x128xf32, #tpu.memory_space<vmem>>, vector<1x16xf32>,
    %swap3A_659 = vector.shape_cast %swap3A_658 : vector<1x16xf32> to vector<16xf32>
    %swap3A_660 = vector.shape_cast %broadcast_in_dim3A_1 : vector<16xf32> to vector<1x16xf32>
    tpu.vector_store %arg12[%swap3A_656, %swap3A_657], %swap3A_660 {strides = array<i32>} : memref<16x128xf32, #tpu.memory_space<vmem>>, vector<1x16xf32>,
    %swap3A_661 = arith.constant 13 : i32
    %swap3A_662 = arith.index_cast %swap3A_661 : i32 to index
    %swap3A_663 = arith.constant 96 : index
    %swap3A_664 = tpu.vector_load %arg12[%swap3A_662, %swap3A_663] {strides = array<i32>} : memref<16x128xf32, #tpu.memory_space<vmem>>, vector<1x16xf32>,
    %swap3A_665 = vector.shape_cast %swap3A_664 : vector<1x16xf32> to vector<16xf32>
    %swap3A_666 = vector.shape_cast %broadcast_in_dim3A_1 : vector<16xf32> to vector<1x16xf32>
    tpu.vector_store %arg12[%swap3A_662, %swap3A_663], %swap3A_666 {strides = array<i32>} : memref<16x128xf32, #tpu.memory_space<vmem>>, vector<1x16xf32>,
    %swap3A_667 = arith.constant 13 : i32
    %swap3A_668 = arith.index_cast %swap3A_667 : i32 to index
    %swap3A_669 = arith.constant 112 : index
    %swap3A_670 = tpu.vector_load %arg12[%swap3A_668, %swap3A_669] {strides = array<i32>} : memref<16x128xf32, #tpu.memory_space<vmem>>, vector<1x16xf32>,
    %swap3A_671 = vector.shape_cast %swap3A_670 : vector<1x16xf32> to vector<16xf32>
    %swap3A_672 = vector.shape_cast %broadcast_in_dim3A_1 : vector<16xf32> to vector<1x16xf32>
    tpu.vector_store %arg12[%swap3A_668, %swap3A_669], %swap3A_672 {strides = array<i32>} : memref<16x128xf32, #tpu.memory_space<vmem>>, vector<1x16xf32>,
    %swap3A_673 = arith.constant 14 : i32
    %swap3A_674 = arith.index_cast %swap3A_673 : i32 to index
    %swap3A_675 = arith.constant 0 : index
    %swap3A_676 = tpu.vector_load %arg12[%swap3A_674, %swap3A_675] {strides = array<i32>} : memref<16x128xf32, #tpu.memory_space<vmem>>, vector<1x16xf32>,
    %swap3A_677 = vector.shape_cast %swap3A_676 : vector<1x16xf32> to vector<16xf32>
    %swap3A_678 = vector.shape_cast %broadcast_in_dim3A_1 : vector<16xf32> to vector<1x16xf32>
    tpu.vector_store %arg12[%swap3A_674, %swap3A_675], %swap3A_678 {strides = array<i32>} : memref<16x128xf32, #tpu.memory_space<vmem>>, vector<1x16xf32>,
    %swap3A_679 = arith.constant 14 : i32
    %swap3A_680 = arith.index_cast %swap3A_679 : i32 to index
    %swap3A_681 = arith.constant 16 : index
    %swap3A_682 = tpu.vector_load %arg12[%swap3A_680, %swap3A_681] {strides = array<i32>} : memref<16x128xf32, #tpu.memory_space<vmem>>, vector<1x16xf32>,
    %swap3A_683 = vector.shape_cast %swap3A_682 : vector<1x16xf32> to vector<16xf32>
    %swap3A_684 = vector.shape_cast %broadcast_in_dim3A_1 : vector<16xf32> to vector<1x16xf32>
    tpu.vector_store %arg12[%swap3A_680, %swap3A_681], %swap3A_684 {strides = array<i32>} : memref<16x128xf32, #tpu.memory_space<vmem>>, vector<1x16xf32>,
    %swap3A_685 = arith.constant 14 : i32
    %swap3A_686 = arith.index_cast %swap3A_685 : i32 to index
    %swap3A_687 = arith.constant 32 : index
    %swap3A_688 = tpu.vector_load %arg12[%swap3A_686, %swap3A_687] {strides = array<i32>} : memref<16x128xf32, #tpu.memory_space<vmem>>, vector<1x16xf32>,
    %swap3A_689 = vector.shape_cast %swap3A_688 : vector<1x16xf32> to vector<16xf32>
    %swap3A_690 = vector.shape_cast %broadcast_in_dim3A_1 : vector<16xf32> to vector<1x16xf32>
    tpu.vector_store %arg12[%swap3A_686, %swap3A_687], %swap3A_690 {strides = array<i32>} : memref<16x128xf32, #tpu.memory_space<vmem>>, vector<1x16xf32>,
    %swap3A_691 = arith.constant 14 : i32
    %swap3A_692 = arith.index_cast %swap3A_691 : i32 to index
    %swap3A_693 = arith.constant 48 : index
    %swap3A_694 = tpu.vector_load %arg12[%swap3A_692, %swap3A_693] {strides = array<i32>} : memref<16x128xf32, #tpu.memory_space<vmem>>, vector<1x16xf32>,
    %swap3A_695 = vector.shape_cast %swap3A_694 : vector<1x16xf32> to vector<16xf32>
    %swap3A_696 = vector.shape_cast %broadcast_in_dim3A_1 : vector<16xf32> to vector<1x16xf32>
    tpu.vector_store %arg12[%swap3A_692, %swap3A_693], %swap3A_696 {strides = array<i32>} : memref<16x128xf32, #tpu.memory_space<vmem>>, vector<1x16xf32>,
    %swap3A_697 = arith.constant 14 : i32
    %swap3A_698 = arith.index_cast %swap3A_697 : i32 to index
    %swap3A_699 = arith.constant 64 : index
    %swap3A_700 = tpu.vector_load %arg12[%swap3A_698, %swap3A_699] {strides = array<i32>} : memref<16x128xf32, #tpu.memory_space<vmem>>, vector<1x16xf32>,
    %swap3A_701 = vector.shape_cast %swap3A_700 : vector<1x16xf32> to vector<16xf32>
    %swap3A_702 = vector.shape_cast %broadcast_in_dim3A_1 : vector<16xf32> to vector<1x16xf32>
    tpu.vector_store %arg12[%swap3A_698, %swap3A_699], %swap3A_702 {strides = array<i32>} : memref<16x128xf32, #tpu.memory_space<vmem>>, vector<1x16xf32>,
    %swap3A_703 = arith.constant 14 : i32
    %swap3A_704 = arith.index_cast %swap3A_703 : i32 to index
    %swap3A_705 = arith.constant 80 : index
    %swap3A_706 = tpu.vector_load %arg12[%swap3A_704, %swap3A_705] {strides = array<i32>} : memref<16x128xf32, #tpu.memory_space<vmem>>, vector<1x16xf32>,
    %swap3A_707 = vector.shape_cast %swap3A_706 : vector<1x16xf32> to vector<16xf32>
    %swap3A_708 = vector.shape_cast %broadcast_in_dim3A_1 : vector<16xf32> to vector<1x16xf32>
    tpu.vector_store %arg12[%swap3A_704, %swap3A_705], %swap3A_708 {strides = array<i32>} : memref<16x128xf32, #tpu.memory_space<vmem>>, vector<1x16xf32>,
    %swap3A_709 = arith.constant 14 : i32
    %swap3A_710 = arith.index_cast %swap3A_709 : i32 to index
    %swap3A_711 = arith.constant 96 : index
    %swap3A_712 = tpu.vector_load %arg12[%swap3A_710, %swap3A_711] {strides = array<i32>} : memref<16x128xf32, #tpu.memory_space<vmem>>, vector<1x16xf32>,
    %swap3A_713 = vector.shape_cast %swap3A_712 : vector<1x16xf32> to vector<16xf32>
    %swap3A_714 = vector.shape_cast %broadcast_in_dim3A_1 : vector<16xf32> to vector<1x16xf32>
    tpu.vector_store %arg12[%swap3A_710, %swap3A_711], %swap3A_714 {strides = array<i32>} : memref<16x128xf32, #tpu.memory_space<vmem>>, vector<1x16xf32>,
    %swap3A_715 = arith.constant 14 : i32
    %swap3A_716 = arith.index_cast %swap3A_715 : i32 to index
    %swap3A_717 = arith.constant 112 : index
    %swap3A_718 = tpu.vector_load %arg12[%swap3A_716, %swap3A_717] {strides = array<i32>} : memref<16x128xf32, #tpu.memory_space<vmem>>, vector<1x16xf32>,
    %swap3A_719 = vector.shape_cast %swap3A_718 : vector<1x16xf32> to vector<16xf32>
    %swap3A_720 = vector.shape_cast %broadcast_in_dim3A_1 : vector<16xf32> to vector<1x16xf32>
    tpu.vector_store %arg12[%swap3A_716, %swap3A_717], %swap3A_720 {strides = array<i32>} : memref<16x128xf32, #tpu.memory_space<vmem>>, vector<1x16xf32>,
    %swap3A_721 = arith.constant 15 : i32
    %swap3A_722 = arith.index_cast %swap3A_721 : i32 to index
    %swap3A_723 = arith.constant 0 : index
    %swap3A_724 = tpu.vector_load %arg12[%swap3A_722, %swap3A_723] {strides = array<i32>} : memref<16x128xf32, #tpu.memory_space<vmem>>, vector<1x16xf32>,
    %swap3A_725 = vector.shape_cast %swap3A_724 : vector<1x16xf32> to vector<16xf32>
    %swap3A_726 = vector.shape_cast %broadcast_in_dim3A_1 : vector<16xf32> to vector<1x16xf32>
    tpu.vector_store %arg12[%swap3A_722, %swap3A_723], %swap3A_726 {strides = array<i32>} : memref<16x128xf32, #tpu.memory_space<vmem>>, vector<1x16xf32>,
    %swap3A_727 = arith.constant 15 : i32
    %swap3A_728 = arith.index_cast %swap3A_727 : i32 to index
    %swap3A_729 = arith.constant 16 : index
    %swap3A_730 = tpu.vector_load %arg12[%swap3A_728, %swap3A_729] {strides = array<i32>} : memref<16x128xf32, #tpu.memory_space<vmem>>, vector<1x16xf32>,
    %swap3A_731 = vector.shape_cast %swap3A_730 : vector<1x16xf32> to vector<16xf32>
    %swap3A_732 = vector.shape_cast %broadcast_in_dim3A_1 : vector<16xf32> to vector<1x16xf32>
    tpu.vector_store %arg12[%swap3A_728, %swap3A_729], %swap3A_732 {strides = array<i32>} : memref<16x128xf32, #tpu.memory_space<vmem>>, vector<1x16xf32>,
    %swap3A_733 = arith.constant 15 : i32
    %swap3A_734 = arith.index_cast %swap3A_733 : i32 to index
    %swap3A_735 = arith.constant 32 : index
    %swap3A_736 = tpu.vector_load %arg12[%swap3A_734, %swap3A_735] {strides = array<i32>} : memref<16x128xf32, #tpu.memory_space<vmem>>, vector<1x16xf32>,
    %swap3A_737 = vector.shape_cast %swap3A_736 : vector<1x16xf32> to vector<16xf32>
    %swap3A_738 = vector.shape_cast %broadcast_in_dim3A_1 : vector<16xf32> to vector<1x16xf32>
    tpu.vector_store %arg12[%swap3A_734, %swap3A_735], %swap3A_738 {strides = array<i32>} : memref<16x128xf32, #tpu.memory_space<vmem>>, vector<1x16xf32>,
    %swap3A_739 = arith.constant 15 : i32
    %swap3A_740 = arith.index_cast %swap3A_739 : i32 to index
    %swap3A_741 = arith.constant 48 : index
    %swap3A_742 = tpu.vector_load %arg12[%swap3A_740, %swap3A_741] {strides = array<i32>} : memref<16x128xf32, #tpu.memory_space<vmem>>, vector<1x16xf32>,
    %swap3A_743 = vector.shape_cast %swap3A_742 : vector<1x16xf32> to vector<16xf32>
    %swap3A_744 = vector.shape_cast %broadcast_in_dim3A_1 : vector<16xf32> to vector<1x16xf32>
    tpu.vector_store %arg12[%swap3A_740, %swap3A_741], %swap3A_744 {strides = array<i32>} : memref<16x128xf32, #tpu.memory_space<vmem>>, vector<1x16xf32>,
    %swap3A_745 = arith.constant 15 : i32
    %swap3A_746 = arith.index_cast %swap3A_745 : i32 to index
    %swap3A_747 = arith.constant 64 : index
    %swap3A_748 = tpu.vector_load %arg12[%swap3A_746, %swap3A_747] {strides = array<i32>} : memref<16x128xf32, #tpu.memory_space<vmem>>, vector<1x16xf32>,
    %swap3A_749 = vector.shape_cast %swap3A_748 : vector<1x16xf32> to vector<16xf32>
    %swap3A_750 = vector.shape_cast %broadcast_in_dim3A_1 : vector<16xf32> to vector<1x16xf32>
    tpu.vector_store %arg12[%swap3A_746, %swap3A_747], %swap3A_750 {strides = array<i32>} : memref<16x128xf32, #tpu.memory_space<vmem>>, vector<1x16xf32>,
    %swap3A_751 = arith.constant 15 : i32
    %swap3A_752 = arith.index_cast %swap3A_751 : i32 to index
    %swap3A_753 = arith.constant 80 : index
    %swap3A_754 = tpu.vector_load %arg12[%swap3A_752, %swap3A_753] {strides = array<i32>} : memref<16x128xf32, #tpu.memory_space<vmem>>, vector<1x16xf32>,
    %swap3A_755 = vector.shape_cast %swap3A_754 : vector<1x16xf32> to vector<16xf32>
    %swap3A_756 = vector.shape_cast %broadcast_in_dim3A_1 : vector<16xf32> to vector<1x16xf32>
    tpu.vector_store %arg12[%swap3A_752, %swap3A_753], %swap3A_756 {strides = array<i32>} : memref<16x128xf32, #tpu.memory_space<vmem>>, vector<1x16xf32>,
    %swap3A_757 = arith.constant 15 : i32
    %swap3A_758 = arith.index_cast %swap3A_757 : i32 to index
    %swap3A_759 = arith.constant 96 : index
    %swap3A_760 = tpu.vector_load %arg12[%swap3A_758, %swap3A_759] {strides = array<i32>} : memref<16x128xf32, #tpu.memory_space<vmem>>, vector<1x16xf32>,
    %swap3A_761 = vector.shape_cast %swap3A_760 : vector<1x16xf32> to vector<16xf32>
    %swap3A_762 = vector.shape_cast %broadcast_in_dim3A_1 : vector<16xf32> to vector<1x16xf32>
    tpu.vector_store %arg12[%swap3A_758, %swap3A_759], %swap3A_762 {strides = array<i32>} : memref<16x128xf32, #tpu.memory_space<vmem>>, vector<1x16xf32>,
    %swap3A_763 = arith.constant 15 : i32
    %swap3A_764 = arith.index_cast %swap3A_763 : i32 to index
    %swap3A_765 = arith.constant 112 : index
    %swap3A_766 = tpu.vector_load %arg12[%swap3A_764, %swap3A_765] {strides = array<i32>} : memref<16x128xf32, #tpu.memory_space<vmem>>, vector<1x16xf32>,
    %swap3A_767 = vector.shape_cast %swap3A_766 : vector<1x16xf32> to vector<16xf32>
    %swap3A_768 = vector.shape_cast %broadcast_in_dim3A_1 : vector<16xf32> to vector<1x16xf32>
    tpu.vector_store %arg12[%swap3A_764, %swap3A_765], %swap3A_768 {strides = array<i32>} : memref<16x128xf32, #tpu.memory_space<vmem>>, vector<1x16xf32>,
    %scan3A = arith.constant 0 : i32
    %scan3A_769 = arith.constant 0 : i32
    %scan3A_770 = arith.constant 20 : i32
    %scan3A_771 = arith.addi %scan3A_769, %scan3A_770 : i32
    %scan3A_772 = arith.constant 1 : i32
    scf.for %scan3A_792 = %scan3A_769 to %scan3A_771 step %scan3A_772  : i32 {
      %mul3A_793 = arith.constant 320 : i32
      %mul3A_794 = arith.muli %arg1, %mul3A_793 : i32
      %mul3A_795 = arith.constant 16 : i32
      %mul3A_796 = arith.muli %scan3A_792, %mul3A_795 : i32
      %add3A_797 = arith.addi %mul3A_794, %mul3A_796 : i32
      "tpu.region"() ({
        %run_scoped3A = tpu.sem_alloc : memref<!tpu.dma_semaphore, #tpu.memory_space<semaphore_mem>>
        %dma_start3A = arith.constant 0 : i32
        %dma_start3A_798 = tpu.memref_slice %arg13[%add3A_797, %dma_start3A] : memref<5128x128xf32, #tpu.memory_space<vmem_shared>> -> memref<16x128xf32, #tpu.memory_space<vmem_shared>>
        %dma_start3A_799 = arith.constant 0 : i32
        %dma_start3A_800 = tpu.memref_slice %arg13[%add3A_797, %dma_start3A_799] : memref<5128x128xf32, #tpu.memory_space<vmem_shared>> -> memref<16x128xf32, #tpu.memory_space<vmem_shared>>
        tpu.enqueue_dma source(%arg12 : memref<16x128xf32, #tpu.memory_space<vmem>>) target(%dma_start3A_800 : memref<16x128xf32, #tpu.memory_space<vmem_shared>>) target_semaphore(%run_scoped3A : memref<!tpu.dma_semaphore, #tpu.memory_space<semaphore_mem>>)
        %dma_wait3A = arith.constant 0 : i32
        %dma_wait3A_801 = tpu.memref_slice %arg13[%add3A_797, %dma_wait3A] : memref<5128x128xf32, #tpu.memory_space<vmem_shared>> -> memref<16x128xf32, #tpu.memory_space<vmem_shared>>
        %dma_wait3A_802 = arith.constant 0 : i32
        %dma_wait3A_803 = tpu.memref_slice %arg13[%add3A_797, %dma_wait3A_802] : memref<5128x128xf32, #tpu.memory_space<vmem_shared>> -> memref<16x128xf32, #tpu.memory_space<vmem_shared>>
        tpu.wait_dma2 semaphore(%run_scoped3A : memref<!tpu.dma_semaphore, #tpu.memory_space<semaphore_mem>>) src(%arg12 : memref<16x128xf32, #tpu.memory_space<vmem>>) dst(%dma_wait3A_803 : memref<16x128xf32, #tpu.memory_space<vmem_shared>>)
        tpu.yield
      }) : () -> ()
    }
    %scan3A_773 = arith.constant 20 : i32
    %eq3A = arith.constant 15 : i32
    %eq3A_774 = arith.cmpi eq, %arg1, %eq3A : i32
    %convert_element_type3A = arith.extui %eq3A_774 : i1 to i32
    %cond3A = arith.constant 0 : i32
    %cond3A_775 = arith.cmpi ne, %convert_element_type3A, %cond3A : i32
    scf.if %cond3A_775 {
    } else {
    }
    %barrier3A = arith.constant 0 : index
    tpu.barrier barrier_id(%barrier3A)
    %scan3A_776 = arith.constant 0 : i32
    %scan3A_777 = arith.constant 0 : i32
    %scan3A_778 = arith.constant 157 : i32
    %scan3A_779 = arith.addi %scan3A_777, %scan3A_778 : i32
    %scan3A_780 = arith.constant 1 : i32
    scf.for %scan3A_792 = %scan3A_777 to %scan3A_779 step %scan3A_780  : i32 {
      %mul3A_793 = arith.constant 16 : i32
      %mul3A_794 = arith.muli %scan3A_792, %mul3A_793 : i32
      %add3A_795 = arith.addi %mul3A_794, %arg1 : i32
      %lt3A = arith.constant 2500 : i32
      %lt3A_796 = arith.cmpi slt, %add3A_795, %lt3A : i32
      %convert_element_type3A_797 = arith.extui %lt3A_796 : i1 to i32
      %cond3A_798 = arith.constant 0 : i32
      %cond3A_799 = arith.cmpi ne, %convert_element_type3A_797, %cond3A_798 : i32
      scf.if %cond3A_799 {
        %mul3A_800 = arith.constant 128 : i32
        %mul3A_801 = arith.muli %add3A_795, %mul3A_800 : i32
        %dma_start3A = tpu.memref_slice %arg3[%mul3A_801] : memref<320000xi32, #tpu.memory_space<hbm>> -> memref<128xi32, #tpu.memory_space<hbm>>
        %dma_start3A_802 = tpu.memref_slice %arg3[%mul3A_801] : memref<320000xi32, #tpu.memory_space<hbm>> -> memref<128xi32, #tpu.memory_space<hbm>>
        tpu.enqueue_dma source(%dma_start3A_802 : memref<128xi32, #tpu.memory_space<hbm>>) target(%arg7 : memref<128xi32, #tpu.memory_space<vmem>>) target_semaphore(%arg14 : memref<!tpu.dma_semaphore, #tpu.memory_space<semaphore_mem>>)
        %dma_start3A_803 = tpu.memref_slice %arg4[%mul3A_801] : memref<320000xi32, #tpu.memory_space<hbm>> -> memref<128xi32, #tpu.memory_space<hbm>>
        %dma_start3A_804 = tpu.memref_slice %arg4[%mul3A_801] : memref<320000xi32, #tpu.memory_space<hbm>> -> memref<128xi32, #tpu.memory_space<hbm>>
        tpu.enqueue_dma source(%dma_start3A_804 : memref<128xi32, #tpu.memory_space<hbm>>) target(%arg8 : memref<128xi32, #tpu.memory_space<vmem>>) target_semaphore(%arg14 : memref<!tpu.dma_semaphore, #tpu.memory_space<semaphore_mem>>)
        %dma_start3A_805 = arith.constant 0 : i32
        %dma_start3A_806 = tpu.memref_slice %arg5[%mul3A_801, %dma_start3A_805] : memref<320000x16xf32, #tpu.memory_space<hbm>> -> memref<128x16xf32, #tpu.memory_space<hbm>>
        %dma_start3A_807 = arith.constant 0 : i32
        %dma_start3A_808 = tpu.memref_slice %arg5[%mul3A_801, %dma_start3A_807] : memref<320000x16xf32, #tpu.memory_space<hbm>> -> memref<128x16xf32, #tpu.memory_space<hbm>>
        tpu.enqueue_dma source(%dma_start3A_808 : memref<128x16xf32, #tpu.memory_space<hbm>>) target(%arg10 : memref<128x16xf32, #tpu.memory_space<vmem>>) target_semaphore(%arg14 : memref<!tpu.dma_semaphore, #tpu.memory_space<semaphore_mem>>)
        %dma_wait3A = tpu.memref_slice %arg3[%mul3A_801] : memref<320000xi32, #tpu.memory_space<hbm>> -> memref<128xi32, #tpu.memory_space<hbm>>
        %dma_wait3A_809 = tpu.memref_slice %arg3[%mul3A_801] : memref<320000xi32, #tpu.memory_space<hbm>> -> memref<128xi32, #tpu.memory_space<hbm>>
        tpu.wait_dma2 semaphore(%arg14 : memref<!tpu.dma_semaphore, #tpu.memory_space<semaphore_mem>>) src(%dma_wait3A_809 : memref<128xi32, #tpu.memory_space<hbm>>) dst(%arg7 : memref<128xi32, #tpu.memory_space<vmem>>)
        %dma_start3A_810 = arith.constant 0 : i32
        %dma_start3A_811 = arith.constant 0 : i32
        %dma_start3A_812 = tpu.memref_slice %arg2[%dma_start3A_810, %dma_start3A_811] : memref<10000x128xf32, #tpu.memory_space<hbm>> -> memref<10000x128xf32, #tpu.memory_space<hbm>>
        tpu.enqueue_indirect_dma source(%dma_start3A_812 : memref<10000x128xf32, #tpu.memory_space<hbm>>) target(%arg11 : memref<128x128xf32, #tpu.memory_space<vmem>>) offsets(%arg7 : memref<128xi32, #tpu.memory_space<vmem>>) semaphore(%arg15 : memref<!tpu.dma_semaphore, #tpu.memory_space<semaphore_mem>>)
        %dma_wait3A_813 = tpu.memref_slice %arg4[%mul3A_801] : memref<320000xi32, #tpu.memory_space<hbm>> -> memref<128xi32, #tpu.memory_space<hbm>>
        %dma_wait3A_814 = tpu.memref_slice %arg4[%mul3A_801] : memref<320000xi32, #tpu.memory_space<hbm>> -> memref<128xi32, #tpu.memory_space<hbm>>
        tpu.wait_dma2 semaphore(%arg14 : memref<!tpu.dma_semaphore, #tpu.memory_space<semaphore_mem>>) src(%dma_wait3A_814 : memref<128xi32, #tpu.memory_space<hbm>>) dst(%arg8 : memref<128xi32, #tpu.memory_space<vmem>>)
        %dma_wait3A_815 = arith.constant 0 : i32
        %dma_wait3A_816 = tpu.memref_slice %arg5[%mul3A_801, %dma_wait3A_815] : memref<320000x16xf32, #tpu.memory_space<hbm>> -> memref<128x16xf32, #tpu.memory_space<hbm>>
        %dma_wait3A_817 = arith.constant 0 : i32
        %dma_wait3A_818 = tpu.memref_slice %arg5[%mul3A_801, %dma_wait3A_817] : memref<320000x16xf32, #tpu.memory_space<hbm>> -> memref<128x16xf32, #tpu.memory_space<hbm>>
        tpu.wait_dma2 semaphore(%arg14 : memref<!tpu.dma_semaphore, #tpu.memory_space<semaphore_mem>>) src(%dma_wait3A_818 : memref<128x16xf32, #tpu.memory_space<hbm>>) dst(%arg10 : memref<128x16xf32, #tpu.memory_space<vmem>>)
        %get3A = arith.constant 0 : index
        %get3A_819 = tpu.vector_load %arg8[%get3A] {strides = array<i32>} : memref<128xi32, #tpu.memory_space<vmem>>, vector<16xi32>,
        %get3A_820 = vector.shape_cast %get3A_819 : vector<16xi32> to vector<16xi32>
        %sub3A = vector.broadcast %mul3A_0 : i32 to vector<16xi32>
        %sub3A_821 = arith.subi %get3A_820, %sub3A : vector<16xi32>
        %ge3A = arith.constant 0 : i32
        %ge3A_822 = vector.broadcast %ge3A : i32 to vector<16xi32>
        %ge3A_823 = arith.cmpi sge, %sub3A_821, %ge3A_822 : vector<16xi32>
        %lt3A_824 = arith.constant 5000 : i32
        %lt3A_825 = vector.broadcast %lt3A_824 : i32 to vector<16xi32>
        %lt3A_826 = arith.cmpi slt, %sub3A_821, %lt3A_825 : vector<16xi32>
        %and3A = arith.andi %ge3A_823, %lt3A_826 : vector<16xi1>
        %jit3A = arith.constant 5120 : i32
        %broadcast_in_dim3A_827 = vector.broadcast %jit3A : i32 to vector<16xi32>
        %select_n3A = arith.select %and3A, %sub3A_821, %broadcast_in_dim3A_827 : vector<16xi1>, vector<16xi32>
        %swap3A_828 = arith.constant 0 : index
        %swap3A_829 = tpu.vector_load %arg9[%swap3A_828] {strides = array<i32>} : memref<128xi32, #tpu.memory_space<vmem>>, vector<16xi32>,
        %swap3A_830 = vector.shape_cast %swap3A_829 : vector<16xi32> to vector<16xi32>
        %swap3A_831 = vector.shape_cast %select_n3A : vector<16xi32> to vector<16xi32>
        tpu.vector_store %arg9[%swap3A_828], %swap3A_831 {strides = array<i32>} : memref<128xi32, #tpu.memory_space<vmem>>, vector<16xi32>,
        %get3A_832 = arith.constant 16 : index
        %get3A_833 = tpu.vector_load %arg8[%get3A_832] {strides = array<i32>} : memref<128xi32, #tpu.memory_space<vmem>>, vector<16xi32>,
        %get3A_834 = vector.shape_cast %get3A_833 : vector<16xi32> to vector<16xi32>
        %sub3A_835 = vector.broadcast %mul3A_0 : i32 to vector<16xi32>
        %sub3A_836 = arith.subi %get3A_834, %sub3A_835 : vector<16xi32>
        %ge3A_837 = arith.constant 0 : i32
        %ge3A_838 = vector.broadcast %ge3A_837 : i32 to vector<16xi32>
        %ge3A_839 = arith.cmpi sge, %sub3A_836, %ge3A_838 : vector<16xi32>
        %lt3A_840 = arith.constant 5000 : i32
        %lt3A_841 = vector.broadcast %lt3A_840 : i32 to vector<16xi32>
        %lt3A_842 = arith.cmpi slt, %sub3A_836, %lt3A_841 : vector<16xi32>
        %and3A_843 = arith.andi %ge3A_839, %lt3A_842 : vector<16xi1>
        %jit3A_844 = arith.constant 5120 : i32
        %broadcast_in_dim3A_845 = vector.broadcast %jit3A_844 : i32 to vector<16xi32>
        %select_n3A_846 = arith.select %and3A_843, %sub3A_836, %broadcast_in_dim3A_845 : vector<16xi1>, vector<16xi32>
        %swap3A_847 = arith.constant 16 : index
        %swap3A_848 = tpu.vector_load %arg9[%swap3A_847] {strides = array<i32>} : memref<128xi32, #tpu.memory_space<vmem>>, vector<16xi32>,
        %swap3A_849 = vector.shape_cast %swap3A_848 : vector<16xi32> to vector<16xi32>
        %swap3A_850 = vector.shape_cast %select_n3A_846 : vector<16xi32> to vector<16xi32>
        tpu.vector_store %arg9[%swap3A_847], %swap3A_850 {strides = array<i32>} : memref<128xi32, #tpu.memory_space<vmem>>, vector<16xi32>,
        %get3A_851 = arith.constant 32 : index
        %get3A_852 = tpu.vector_load %arg8[%get3A_851] {strides = array<i32>} : memref<128xi32, #tpu.memory_space<vmem>>, vector<16xi32>,
        %get3A_853 = vector.shape_cast %get3A_852 : vector<16xi32> to vector<16xi32>
        %sub3A_854 = vector.broadcast %mul3A_0 : i32 to vector<16xi32>
        %sub3A_855 = arith.subi %get3A_853, %sub3A_854 : vector<16xi32>
        %ge3A_856 = arith.constant 0 : i32
        %ge3A_857 = vector.broadcast %ge3A_856 : i32 to vector<16xi32>
        %ge3A_858 = arith.cmpi sge, %sub3A_855, %ge3A_857 : vector<16xi32>
        %lt3A_859 = arith.constant 5000 : i32
        %lt3A_860 = vector.broadcast %lt3A_859 : i32 to vector<16xi32>
        %lt3A_861 = arith.cmpi slt, %sub3A_855, %lt3A_860 : vector<16xi32>
        %and3A_862 = arith.andi %ge3A_858, %lt3A_861 : vector<16xi1>
        %jit3A_863 = arith.constant 5120 : i32
        %broadcast_in_dim3A_864 = vector.broadcast %jit3A_863 : i32 to vector<16xi32>
        %select_n3A_865 = arith.select %and3A_862, %sub3A_855, %broadcast_in_dim3A_864 : vector<16xi1>, vector<16xi32>
        %swap3A_866 = arith.constant 32 : index
        %swap3A_867 = tpu.vector_load %arg9[%swap3A_866] {strides = array<i32>} : memref<128xi32, #tpu.memory_space<vmem>>, vector<16xi32>,
        %swap3A_868 = vector.shape_cast %swap3A_867 : vector<16xi32> to vector<16xi32>
        %swap3A_869 = vector.shape_cast %select_n3A_865 : vector<16xi32> to vector<16xi32>
        tpu.vector_store %arg9[%swap3A_866], %swap3A_869 {strides = array<i32>} : memref<128xi32, #tpu.memory_space<vmem>>, vector<16xi32>,
        %get3A_870 = arith.constant 48 : index
        %get3A_871 = tpu.vector_load %arg8[%get3A_870] {strides = array<i32>} : memref<128xi32, #tpu.memory_space<vmem>>, vector<16xi32>,
        %get3A_872 = vector.shape_cast %get3A_871 : vector<16xi32> to vector<16xi32>
        %sub3A_873 = vector.broadcast %mul3A_0 : i32 to vector<16xi32>
        %sub3A_874 = arith.subi %get3A_872, %sub3A_873 : vector<16xi32>
        %ge3A_875 = arith.constant 0 : i32
        %ge3A_876 = vector.broadcast %ge3A_875 : i32 to vector<16xi32>
        %ge3A_877 = arith.cmpi sge, %sub3A_874, %ge3A_876 : vector<16xi32>
        %lt3A_878 = arith.constant 5000 : i32
        %lt3A_879 = vector.broadcast %lt3A_878 : i32 to vector<16xi32>
        %lt3A_880 = arith.cmpi slt, %sub3A_874, %lt3A_879 : vector<16xi32>
        %and3A_881 = arith.andi %ge3A_877, %lt3A_880 : vector<16xi1>
        %jit3A_882 = arith.constant 5120 : i32
        %broadcast_in_dim3A_883 = vector.broadcast %jit3A_882 : i32 to vector<16xi32>
        %select_n3A_884 = arith.select %and3A_881, %sub3A_874, %broadcast_in_dim3A_883 : vector<16xi1>, vector<16xi32>
        %swap3A_885 = arith.constant 48 : index
        %swap3A_886 = tpu.vector_load %arg9[%swap3A_885] {strides = array<i32>} : memref<128xi32, #tpu.memory_space<vmem>>, vector<16xi32>,
        %swap3A_887 = vector.shape_cast %swap3A_886 : vector<16xi32> to vector<16xi32>
        %swap3A_888 = vector.shape_cast %select_n3A_884 : vector<16xi32> to vector<16xi32>
        tpu.vector_store %arg9[%swap3A_885], %swap3A_888 {strides = array<i32>} : memref<128xi32, #tpu.memory_space<vmem>>, vector<16xi32>,
        %get3A_889 = arith.constant 64 : index
        %get3A_890 = tpu.vector_load %arg8[%get3A_889] {strides = array<i32>} : memref<128xi32, #tpu.memory_space<vmem>>, vector<16xi32>,
        %get3A_891 = vector.shape_cast %get3A_890 : vector<16xi32> to vector<16xi32>
        %sub3A_892 = vector.broadcast %mul3A_0 : i32 to vector<16xi32>
        %sub3A_893 = arith.subi %get3A_891, %sub3A_892 : vector<16xi32>
        %ge3A_894 = arith.constant 0 : i32
        %ge3A_895 = vector.broadcast %ge3A_894 : i32 to vector<16xi32>
        %ge3A_896 = arith.cmpi sge, %sub3A_893, %ge3A_895 : vector<16xi32>
        %lt3A_897 = arith.constant 5000 : i32
        %lt3A_898 = vector.broadcast %lt3A_897 : i32 to vector<16xi32>
        %lt3A_899 = arith.cmpi slt, %sub3A_893, %lt3A_898 : vector<16xi32>
        %and3A_900 = arith.andi %ge3A_896, %lt3A_899 : vector<16xi1>
        %jit3A_901 = arith.constant 5120 : i32
        %broadcast_in_dim3A_902 = vector.broadcast %jit3A_901 : i32 to vector<16xi32>
        %select_n3A_903 = arith.select %and3A_900, %sub3A_893, %broadcast_in_dim3A_902 : vector<16xi1>, vector<16xi32>
        %swap3A_904 = arith.constant 64 : index
        %swap3A_905 = tpu.vector_load %arg9[%swap3A_904] {strides = array<i32>} : memref<128xi32, #tpu.memory_space<vmem>>, vector<16xi32>,
        %swap3A_906 = vector.shape_cast %swap3A_905 : vector<16xi32> to vector<16xi32>
        %swap3A_907 = vector.shape_cast %select_n3A_903 : vector<16xi32> to vector<16xi32>
        tpu.vector_store %arg9[%swap3A_904], %swap3A_907 {strides = array<i32>} : memref<128xi32, #tpu.memory_space<vmem>>, vector<16xi32>,
        %get3A_908 = arith.constant 80 : index
        %get3A_909 = tpu.vector_load %arg8[%get3A_908] {strides = array<i32>} : memref<128xi32, #tpu.memory_space<vmem>>, vector<16xi32>,
        %get3A_910 = vector.shape_cast %get3A_909 : vector<16xi32> to vector<16xi32>
        %sub3A_911 = vector.broadcast %mul3A_0 : i32 to vector<16xi32>
        %sub3A_912 = arith.subi %get3A_910, %sub3A_911 : vector<16xi32>
        %ge3A_913 = arith.constant 0 : i32
        %ge3A_914 = vector.broadcast %ge3A_913 : i32 to vector<16xi32>
        %ge3A_915 = arith.cmpi sge, %sub3A_912, %ge3A_914 : vector<16xi32>
        %lt3A_916 = arith.constant 5000 : i32
        %lt3A_917 = vector.broadcast %lt3A_916 : i32 to vector<16xi32>
        %lt3A_918 = arith.cmpi slt, %sub3A_912, %lt3A_917 : vector<16xi32>
        %and3A_919 = arith.andi %ge3A_915, %lt3A_918 : vector<16xi1>
        %jit3A_920 = arith.constant 5120 : i32
        %broadcast_in_dim3A_921 = vector.broadcast %jit3A_920 : i32 to vector<16xi32>
        %select_n3A_922 = arith.select %and3A_919, %sub3A_912, %broadcast_in_dim3A_921 : vector<16xi1>, vector<16xi32>
        %swap3A_923 = arith.constant 80 : index
        %swap3A_924 = tpu.vector_load %arg9[%swap3A_923] {strides = array<i32>} : memref<128xi32, #tpu.memory_space<vmem>>, vector<16xi32>,
        %swap3A_925 = vector.shape_cast %swap3A_924 : vector<16xi32> to vector<16xi32>
        %swap3A_926 = vector.shape_cast %select_n3A_922 : vector<16xi32> to vector<16xi32>
        tpu.vector_store %arg9[%swap3A_923], %swap3A_926 {strides = array<i32>} : memref<128xi32, #tpu.memory_space<vmem>>, vector<16xi32>,
        %get3A_927 = arith.constant 96 : index
        %get3A_928 = tpu.vector_load %arg8[%get3A_927] {strides = array<i32>} : memref<128xi32, #tpu.memory_space<vmem>>, vector<16xi32>,
        %get3A_929 = vector.shape_cast %get3A_928 : vector<16xi32> to vector<16xi32>
        %sub3A_930 = vector.broadcast %mul3A_0 : i32 to vector<16xi32>
        %sub3A_931 = arith.subi %get3A_929, %sub3A_930 : vector<16xi32>
        %ge3A_932 = arith.constant 0 : i32
        %ge3A_933 = vector.broadcast %ge3A_932 : i32 to vector<16xi32>
        %ge3A_934 = arith.cmpi sge, %sub3A_931, %ge3A_933 : vector<16xi32>
        %lt3A_935 = arith.constant 5000 : i32
        %lt3A_936 = vector.broadcast %lt3A_935 : i32 to vector<16xi32>
        %lt3A_937 = arith.cmpi slt, %sub3A_931, %lt3A_936 : vector<16xi32>
        %and3A_938 = arith.andi %ge3A_934, %lt3A_937 : vector<16xi1>
        %jit3A_939 = arith.constant 5120 : i32
        %broadcast_in_dim3A_940 = vector.broadcast %jit3A_939 : i32 to vector<16xi32>
        %select_n3A_941 = arith.select %and3A_938, %sub3A_931, %broadcast_in_dim3A_940 : vector<16xi1>, vector<16xi32>
        %swap3A_942 = arith.constant 96 : index
        %swap3A_943 = tpu.vector_load %arg9[%swap3A_942] {strides = array<i32>} : memref<128xi32, #tpu.memory_space<vmem>>, vector<16xi32>,
        %swap3A_944 = vector.shape_cast %swap3A_943 : vector<16xi32> to vector<16xi32>
        %swap3A_945 = vector.shape_cast %select_n3A_941 : vector<16xi32> to vector<16xi32>
        tpu.vector_store %arg9[%swap3A_942], %swap3A_945 {strides = array<i32>} : memref<128xi32, #tpu.memory_space<vmem>>, vector<16xi32>,
        %get3A_946 = arith.constant 112 : index
        %get3A_947 = tpu.vector_load %arg8[%get3A_946] {strides = array<i32>} : memref<128xi32, #tpu.memory_space<vmem>>, vector<16xi32>,
        %get3A_948 = vector.shape_cast %get3A_947 : vector<16xi32> to vector<16xi32>
        %sub3A_949 = vector.broadcast %mul3A_0 : i32 to vector<16xi32>
        %sub3A_950 = arith.subi %get3A_948, %sub3A_949 : vector<16xi32>
        %ge3A_951 = arith.constant 0 : i32
        %ge3A_952 = vector.broadcast %ge3A_951 : i32 to vector<16xi32>
        %ge3A_953 = arith.cmpi sge, %sub3A_950, %ge3A_952 : vector<16xi32>
        %lt3A_954 = arith.constant 5000 : i32
        %lt3A_955 = vector.broadcast %lt3A_954 : i32 to vector<16xi32>
        %lt3A_956 = arith.cmpi slt, %sub3A_950, %lt3A_955 : vector<16xi32>
        %and3A_957 = arith.andi %ge3A_953, %lt3A_956 : vector<16xi1>
        %jit3A_958 = arith.constant 5120 : i32
        %broadcast_in_dim3A_959 = vector.broadcast %jit3A_958 : i32 to vector<16xi32>
        %select_n3A_960 = arith.select %and3A_957, %sub3A_950, %broadcast_in_dim3A_959 : vector<16xi1>, vector<16xi32>
        %swap3A_961 = arith.constant 112 : index
        %swap3A_962 = tpu.vector_load %arg9[%swap3A_961] {strides = array<i32>} : memref<128xi32, #tpu.memory_space<vmem>>, vector<16xi32>,
        %swap3A_963 = vector.shape_cast %swap3A_962 : vector<16xi32> to vector<16xi32>
        %swap3A_964 = vector.shape_cast %select_n3A_960 : vector<16xi32> to vector<16xi32>
        tpu.vector_store %arg9[%swap3A_961], %swap3A_964 {strides = array<i32>} : memref<128xi32, #tpu.memory_space<vmem>>, vector<16xi32>,
        %dma_wait3A_965 = arith.constant 0 : i32
        %dma_wait3A_966 = arith.constant 0 : i32
        %dma_wait3A_967 = tpu.memref_slice %arg2[%dma_wait3A_965, %dma_wait3A_966] : memref<10000x128xf32, #tpu.memory_space<hbm>> -> memref<10000x128xf32, #tpu.memory_space<hbm>>
        tpu.wait_indirect_dma semaphore(%arg15 : memref<!tpu.dma_semaphore, #tpu.memory_space<semaphore_mem>>) src(%dma_wait3A_967 : memref<10000x128xf32, #tpu.memory_space<hbm>>) dst(%arg11 : memref<128x128xf32, #tpu.memory_space<vmem>>)
        %scan3A_968 = arith.constant 0 : i32
        %scan3A_969 = arith.constant 0 : i32
        %scan3A_970 = arith.constant 128 : i32
        %scan3A_971 = arith.addi %scan3A_969, %scan3A_970 : i32
        %scan3A_972 = arith.constant 1 : i32
        scf.for %scan3A_974 = %scan3A_969 to %scan3A_971 step %scan3A_972  : i32 {
          %get3A_975 = arith.index_cast %scan3A_974 : i32 to index
          %get3A_976 = arith.constant 0 : index
          %get3A_977 = tpu.vector_load %arg10[%get3A_975, %get3A_976] {strides = array<i32>} : memref<128x16xf32, #tpu.memory_space<vmem>>, vector<1x16xf32>,
          %get3A_978 = vector.shape_cast %get3A_977 : vector<1x16xf32> to vector<16xf32>
          %get3A_979 = arith.index_cast %scan3A_974 : i32 to index
          %get3A_980 = arith.constant 0 : index
          %get3A_981 = tpu.vector_load %arg11[%get3A_979, %get3A_980] {strides = array<i32>} : memref<128x128xf32, #tpu.memory_space<vmem>>, vector<1x16xf32>,
          %get3A_982 = vector.shape_cast %get3A_981 : vector<1x16xf32> to vector<16xf32>
          %mul3A_983 = arith.mulf %get3A_982, %get3A_978 : vector<16xf32>
          %swap3A_984 = arith.index_cast %scan3A_974 : i32 to index
          %swap3A_985 = arith.constant 0 : index
          %swap3A_986 = tpu.vector_load %arg11[%swap3A_984, %swap3A_985] {strides = array<i32>} : memref<128x128xf32, #tpu.memory_space<vmem>>, vector<1x16xf32>,
          %swap3A_987 = vector.shape_cast %swap3A_986 : vector<1x16xf32> to vector<16xf32>
          %swap3A_988 = vector.shape_cast %mul3A_983 : vector<16xf32> to vector<1x16xf32>
          tpu.vector_store %arg11[%swap3A_984, %swap3A_985], %swap3A_988 {strides = array<i32>} : memref<128x128xf32, #tpu.memory_space<vmem>>, vector<1x16xf32>,
          %get3A_989 = arith.index_cast %scan3A_974 : i32 to index
          %get3A_990 = arith.constant 16 : index
          %get3A_991 = tpu.vector_load %arg11[%get3A_989, %get3A_990] {strides = array<i32>} : memref<128x128xf32, #tpu.memory_space<vmem>>, vector<1x16xf32>,
          %get3A_992 = vector.shape_cast %get3A_991 : vector<1x16xf32> to vector<16xf32>
          %mul3A_993 = arith.mulf %get3A_992, %get3A_978 : vector<16xf32>
          %swap3A_994 = arith.index_cast %scan3A_974 : i32 to index
          %swap3A_995 = arith.constant 16 : index
          %swap3A_996 = tpu.vector_load %arg11[%swap3A_994, %swap3A_995] {strides = array<i32>} : memref<128x128xf32, #tpu.memory_space<vmem>>, vector<1x16xf32>,
          %swap3A_997 = vector.shape_cast %swap3A_996 : vector<1x16xf32> to vector<16xf32>
          %swap3A_998 = vector.shape_cast %mul3A_993 : vector<16xf32> to vector<1x16xf32>
          tpu.vector_store %arg11[%swap3A_994, %swap3A_995], %swap3A_998 {strides = array<i32>} : memref<128x128xf32, #tpu.memory_space<vmem>>, vector<1x16xf32>,
          %get3A_999 = arith.index_cast %scan3A_974 : i32 to index
          %get3A_1000 = arith.constant 32 : index
          %get3A_1001 = tpu.vector_load %arg11[%get3A_999, %get3A_1000] {strides = array<i32>} : memref<128x128xf32, #tpu.memory_space<vmem>>, vector<1x16xf32>,
          %get3A_1002 = vector.shape_cast %get3A_1001 : vector<1x16xf32> to vector<16xf32>
          %mul3A_1003 = arith.mulf %get3A_1002, %get3A_978 : vector<16xf32>
          %swap3A_1004 = arith.index_cast %scan3A_974 : i32 to index
          %swap3A_1005 = arith.constant 32 : index
          %swap3A_1006 = tpu.vector_load %arg11[%swap3A_1004, %swap3A_1005] {strides = array<i32>} : memref<128x128xf32, #tpu.memory_space<vmem>>, vector<1x16xf32>,
          %swap3A_1007 = vector.shape_cast %swap3A_1006 : vector<1x16xf32> to vector<16xf32>
          %swap3A_1008 = vector.shape_cast %mul3A_1003 : vector<16xf32> to vector<1x16xf32>
          tpu.vector_store %arg11[%swap3A_1004, %swap3A_1005], %swap3A_1008 {strides = array<i32>} : memref<128x128xf32, #tpu.memory_space<vmem>>, vector<1x16xf32>,
          %get3A_1009 = arith.index_cast %scan3A_974 : i32 to index
          %get3A_1010 = arith.constant 48 : index
          %get3A_1011 = tpu.vector_load %arg11[%get3A_1009, %get3A_1010] {strides = array<i32>} : memref<128x128xf32, #tpu.memory_space<vmem>>, vector<1x16xf32>,
          %get3A_1012 = vector.shape_cast %get3A_1011 : vector<1x16xf32> to vector<16xf32>
          %mul3A_1013 = arith.mulf %get3A_1012, %get3A_978 : vector<16xf32>
          %swap3A_1014 = arith.index_cast %scan3A_974 : i32 to index
          %swap3A_1015 = arith.constant 48 : index
          %swap3A_1016 = tpu.vector_load %arg11[%swap3A_1014, %swap3A_1015] {strides = array<i32>} : memref<128x128xf32, #tpu.memory_space<vmem>>, vector<1x16xf32>,
          %swap3A_1017 = vector.shape_cast %swap3A_1016 : vector<1x16xf32> to vector<16xf32>
          %swap3A_1018 = vector.shape_cast %mul3A_1013 : vector<16xf32> to vector<1x16xf32>
          tpu.vector_store %arg11[%swap3A_1014, %swap3A_1015], %swap3A_1018 {strides = array<i32>} : memref<128x128xf32, #tpu.memory_space<vmem>>, vector<1x16xf32>,
          %get3A_1019 = arith.index_cast %scan3A_974 : i32 to index
          %get3A_1020 = arith.constant 64 : index
          %get3A_1021 = tpu.vector_load %arg11[%get3A_1019, %get3A_1020] {strides = array<i32>} : memref<128x128xf32, #tpu.memory_space<vmem>>, vector<1x16xf32>,
          %get3A_1022 = vector.shape_cast %get3A_1021 : vector<1x16xf32> to vector<16xf32>
          %mul3A_1023 = arith.mulf %get3A_1022, %get3A_978 : vector<16xf32>
          %swap3A_1024 = arith.index_cast %scan3A_974 : i32 to index
          %swap3A_1025 = arith.constant 64 : index
          %swap3A_1026 = tpu.vector_load %arg11[%swap3A_1024, %swap3A_1025] {strides = array<i32>} : memref<128x128xf32, #tpu.memory_space<vmem>>, vector<1x16xf32>,
          %swap3A_1027 = vector.shape_cast %swap3A_1026 : vector<1x16xf32> to vector<16xf32>
          %swap3A_1028 = vector.shape_cast %mul3A_1023 : vector<16xf32> to vector<1x16xf32>
          tpu.vector_store %arg11[%swap3A_1024, %swap3A_1025], %swap3A_1028 {strides = array<i32>} : memref<128x128xf32, #tpu.memory_space<vmem>>, vector<1x16xf32>,
          %get3A_1029 = arith.index_cast %scan3A_974 : i32 to index
          %get3A_1030 = arith.constant 80 : index
          %get3A_1031 = tpu.vector_load %arg11[%get3A_1029, %get3A_1030] {strides = array<i32>} : memref<128x128xf32, #tpu.memory_space<vmem>>, vector<1x16xf32>,
          %get3A_1032 = vector.shape_cast %get3A_1031 : vector<1x16xf32> to vector<16xf32>
          %mul3A_1033 = arith.mulf %get3A_1032, %get3A_978 : vector<16xf32>
          %swap3A_1034 = arith.index_cast %scan3A_974 : i32 to index
          %swap3A_1035 = arith.constant 80 : index
          %swap3A_1036 = tpu.vector_load %arg11[%swap3A_1034, %swap3A_1035] {strides = array<i32>} : memref<128x128xf32, #tpu.memory_space<vmem>>, vector<1x16xf32>,
          %swap3A_1037 = vector.shape_cast %swap3A_1036 : vector<1x16xf32> to vector<16xf32>
          %swap3A_1038 = vector.shape_cast %mul3A_1033 : vector<16xf32> to vector<1x16xf32>
          tpu.vector_store %arg11[%swap3A_1034, %swap3A_1035], %swap3A_1038 {strides = array<i32>} : memref<128x128xf32, #tpu.memory_space<vmem>>, vector<1x16xf32>,
          %get3A_1039 = arith.index_cast %scan3A_974 : i32 to index
          %get3A_1040 = arith.constant 96 : index
          %get3A_1041 = tpu.vector_load %arg11[%get3A_1039, %get3A_1040] {strides = array<i32>} : memref<128x128xf32, #tpu.memory_space<vmem>>, vector<1x16xf32>,
          %get3A_1042 = vector.shape_cast %get3A_1041 : vector<1x16xf32> to vector<16xf32>
          %mul3A_1043 = arith.mulf %get3A_1042, %get3A_978 : vector<16xf32>
          %swap3A_1044 = arith.index_cast %scan3A_974 : i32 to index
          %swap3A_1045 = arith.constant 96 : index
          %swap3A_1046 = tpu.vector_load %arg11[%swap3A_1044, %swap3A_1045] {strides = array<i32>} : memref<128x128xf32, #tpu.memory_space<vmem>>, vector<1x16xf32>,
          %swap3A_1047 = vector.shape_cast %swap3A_1046 : vector<1x16xf32> to vector<16xf32>
          %swap3A_1048 = vector.shape_cast %mul3A_1043 : vector<16xf32> to vector<1x16xf32>
          tpu.vector_store %arg11[%swap3A_1044, %swap3A_1045], %swap3A_1048 {strides = array<i32>} : memref<128x128xf32, #tpu.memory_space<vmem>>, vector<1x16xf32>,
          %get3A_1049 = arith.index_cast %scan3A_974 : i32 to index
          %get3A_1050 = arith.constant 112 : index
          %get3A_1051 = tpu.vector_load %arg11[%get3A_1049, %get3A_1050] {strides = array<i32>} : memref<128x128xf32, #tpu.memory_space<vmem>>, vector<1x16xf32>,
          %get3A_1052 = vector.shape_cast %get3A_1051 : vector<1x16xf32> to vector<16xf32>
          %mul3A_1053 = arith.mulf %get3A_1052, %get3A_978 : vector<16xf32>
          %swap3A_1054 = arith.index_cast %scan3A_974 : i32 to index
          %swap3A_1055 = arith.constant 112 : index
          %swap3A_1056 = tpu.vector_load %arg11[%swap3A_1054, %swap3A_1055] {strides = array<i32>} : memref<128x128xf32, #tpu.memory_space<vmem>>, vector<1x16xf32>,
          %swap3A_1057 = vector.shape_cast %swap3A_1056 : vector<1x16xf32> to vector<16xf32>
          %swap3A_1058 = vector.shape_cast %mul3A_1053 : vector<16xf32> to vector<1x16xf32>
          tpu.vector_store %arg11[%swap3A_1054, %swap3A_1055], %swap3A_1058 {strides = array<i32>} : memref<128x128xf32, #tpu.memory_space<vmem>>, vector<1x16xf32>,
        }
        %scan3A_973 = arith.constant 128 : i32
        "tpu.region"() ({
          %run_scoped3A = tpu.sem_alloc : memref<!tpu.dma_semaphore, #tpu.memory_space<semaphore_mem>>
          %dma_start3A_974 = arith.constant 0 : i32
          %dma_start3A_975 = arith.constant 0 : i32
          %dma_start3A_976 = tpu.memref_slice %arg13[%dma_start3A_974, %dma_start3A_975] : memref<5128x128xf32, #tpu.memory_space<vmem_shared>> -> memref<5128x128xf32, #tpu.memory_space<vmem_shared>>
          tpu.enqueue_indirect_dma source(%arg11 : memref<128x128xf32, #tpu.memory_space<vmem>>) target(%dma_start3A_976 : memref<5128x128xf32, #tpu.memory_space<vmem_shared>>) offsets(%arg9 : memref<128xi32, #tpu.memory_space<vmem>>) semaphore(%run_scoped3A : memref<!tpu.dma_semaphore, #tpu.memory_space<semaphore_mem>>) {add = true}
          %dma_wait3A_977 = arith.constant 0 : i32
          %dma_wait3A_978 = arith.constant 0 : i32
          %dma_wait3A_979 = tpu.memref_slice %arg13[%dma_wait3A_977, %dma_wait3A_978] : memref<5128x128xf32, #tpu.memory_space<vmem_shared>> -> memref<5128x128xf32, #tpu.memory_space<vmem_shared>>
          tpu.wait_indirect_dma semaphore(%run_scoped3A : memref<!tpu.dma_semaphore, #tpu.memory_space<semaphore_mem>>) src(%arg11 : memref<128x128xf32, #tpu.memory_space<vmem>>) dst(%dma_wait3A_979 : memref<5128x128xf32, #tpu.memory_space<vmem_shared>>)
          tpu.yield
        }) : () -> ()
      } else {
      }
    }
    %scan3A_781 = arith.constant 157 : i32
    %barrier3A_782 = arith.constant 0 : index
    tpu.barrier barrier_id(%barrier3A_782)
    %mul3A_783 = arith.constant 312 : i32
    %mul3A_784 = arith.muli %arg1, %mul3A_783 : i32
    %mul3A_785 = arith.constant 312 : i32
    %mul3A_786 = arith.muli %arg1, %mul3A_785 : i32
    %add3A = arith.addi %mul3A_0, %mul3A_786 : i32
    "tpu.region"() ({
      %run_scoped3A = tpu.sem_alloc : memref<!tpu.dma_semaphore, #tpu.memory_space<semaphore_mem>>
      %dma_start3A = arith.constant 0 : i32
      %dma_start3A_792 = tpu.memref_slice %arg6[%add3A, %dma_start3A] : memref<10000x128xf32, #tpu.memory_space<hbm>> -> memref<312x128xf32, #tpu.memory_space<hbm>>
      %dma_start3A_793 = arith.constant 0 : i32
      %dma_start3A_794 = tpu.memref_slice %arg13[%mul3A_784, %dma_start3A_793] : memref<5128x128xf32, #tpu.memory_space<vmem_shared>> -> memref<312x128xf32, #tpu.memory_space<vmem_shared>>
      tpu.enqueue_dma source(%dma_start3A_794 : memref<312x128xf32, #tpu.memory_space<vmem_shared>>) target(%dma_start3A_792 : memref<312x128xf32, #tpu.memory_space<hbm>>) target_semaphore(%run_scoped3A : memref<!tpu.dma_semaphore, #tpu.memory_space<semaphore_mem>>)
      %dma_wait3A = arith.constant 0 : i32
      %dma_wait3A_795 = tpu.memref_slice %arg6[%add3A, %dma_wait3A] : memref<10000x128xf32, #tpu.memory_space<hbm>> -> memref<312x128xf32, #tpu.memory_space<hbm>>
      %dma_wait3A_796 = arith.constant 0 : i32
      %dma_wait3A_797 = tpu.memref_slice %arg13[%mul3A_784, %dma_wait3A_796] : memref<5128x128xf32, #tpu.memory_space<vmem_shared>> -> memref<312x128xf32, #tpu.memory_space<vmem_shared>>
      tpu.wait_dma2 semaphore(%run_scoped3A : memref<!tpu.dma_semaphore, #tpu.memory_space<semaphore_mem>>) src(%dma_wait3A_797 : memref<312x128xf32, #tpu.memory_space<vmem_shared>>) dst(%dma_wait3A_795 : memref<312x128xf32, #tpu.memory_space<hbm>>)
      tpu.yield
    }) : () -> ()
    %eq3A_787 = arith.constant 15 : i32
    %eq3A_788 = arith.cmpi eq, %arg1, %eq3A_787 : i32
    %convert_element_type3A_789 = arith.extui %eq3A_788 : i1 to i32
    %cond3A_790 = arith.constant 0 : i32
    %cond3A_791 = arith.cmpi ne, %convert_element_type3A_789, %cond3A_790 : i32
    scf.if %cond3A_791 {
      %add3A_792 = arith.constant 4992 : i32
      %add3A_793 = arith.addi %mul3A_0, %add3A_792 : i32
      "tpu.region"() ({
        %run_scoped3A = tpu.sem_alloc : memref<!tpu.dma_semaphore, #tpu.memory_space<semaphore_mem>>
        %dma_start3A = arith.constant 0 : i32
        %dma_start3A_794 = tpu.memref_slice %arg6[%add3A_793, %dma_start3A] : memref<10000x128xf32, #tpu.memory_space<hbm>> -> memref<8x128xf32, #tpu.memory_space<hbm>>
        %dma_start3A_795 = arith.constant 4992 : i32
        %dma_start3A_796 = arith.constant 0 : i32
        %dma_start3A_797 = tpu.memref_slice %arg13[%dma_start3A_795, %dma_start3A_796] : memref<5128x128xf32, #tpu.memory_space<vmem_shared>> -> memref<8x128xf32, #tpu.memory_space<vmem_shared>>
        tpu.enqueue_dma source(%dma_start3A_797 : memref<8x128xf32, #tpu.memory_space<vmem_shared>>) target(%dma_start3A_794 : memref<8x128xf32, #tpu.memory_space<hbm>>) target_semaphore(%run_scoped3A : memref<!tpu.dma_semaphore, #tpu.memory_space<semaphore_mem>>)
        %dma_wait3A = arith.constant 0 : i32
        %dma_wait3A_798 = tpu.memref_slice %arg6[%add3A_793, %dma_wait3A] : memref<10000x128xf32, #tpu.memory_space<hbm>> -> memref<8x128xf32, #tpu.memory_space<hbm>>
        %dma_wait3A_799 = arith.constant 4992 : i32
        %dma_wait3A_800 = arith.constant 0 : i32
        %dma_wait3A_801 = tpu.memref_slice %arg13[%dma_wait3A_799, %dma_wait3A_800] : memref<5128x128xf32, #tpu.memory_space<vmem_shared>> -> memref<8x128xf32, #tpu.memory_space<vmem_shared>>
        tpu.wait_dma2 semaphore(%run_scoped3A : memref<!tpu.dma_semaphore, #tpu.memory_space<semaphore_mem>>) src(%dma_wait3A_801 : memref<8x128xf32, #tpu.memory_space<vmem_shared>>) dst(%dma_wait3A_798 : memref<8x128xf32, #tpu.memory_space<hbm>>)
        tpu.yield
      }) : () -> ()
    } else {
    }
    return
  }
}

module attributes {stable_mosaic.version = 14 : i64} {
  func.func @_prompt_body(%arg0: i32, %arg1: memref<256x128xf32, #tpu.memory_space<vmem>>, %arg2: memref<1x128xf32, #tpu.memory_space<vmem>>, %arg3: memref<1x128xf32, #tpu.memory_space<vmem>>, %arg4: memref<1x128xf32, #tpu.memory_space<vmem>>, %arg5: memref<1x2xf32, #tpu.memory_space<smem>>, %arg6: memref<256x128xf32, #tpu.memory_space<vmem>>) attributes {dimension_semantics = [#tpu.dimension_semantics<arbitrary>], iteration_bounds = array<i64: 40>, scalar_prefetch = 0 : i64, scratch_operands = 0 : i64, tpu.core_type = #tpu.core_type<tc>, window_params = [{transform_indices = @transform_0, window_bounds = array<i64: 256, 128>}, {pipeline_mode = #tpu.pipeline_mode<synchronous>, transform_indices = @transform_1, window_bounds = array<i64: 1, 128>}, {pipeline_mode = #tpu.pipeline_mode<synchronous>, transform_indices = @transform_2, window_bounds = array<i64: 1, 128>}, {pipeline_mode = #tpu.pipeline_mode<synchronous>, transform_indices = @transform_3, window_bounds = array<i64: 1, 128>}, {transform_indices = @transform_4, window_bounds = array<i64: 1, 2>}, {transform_indices = @transform_5, window_bounds = array<i64: 256, 128>}]} {
    %get3A = arith.constant 0 : index
    %get3A_0 = arith.constant 0 : index
    %get3A_1 = vector.load %arg1[%get3A, %get3A_0] : memref<256x128xf32, #tpu.memory_space<vmem>>, vector<256x128xf32>
    %get3A_2 = arith.constant 0 : index
    %get3A_3 = arith.constant 0 : index
    %get3A_4 = vector.load %arg2[%get3A_2, %get3A_3] : memref<1x128xf32, #tpu.memory_space<vmem>>, vector<1x128xf32>
    %mul3A = vector.broadcast %get3A_4 : vector<1x128xf32> to vector<256x128xf32>
    %mul3A_5 = arith.mulf %mul3A, %get3A_1 : vector<256x128xf32>
    %max3A = arith.constant 0.000000e+00 : f32
    %max3A_6 = vector.broadcast %max3A : f32 to vector<256x128xf32>
    %max3A_7 = arith.maximumf %mul3A_5, %max3A_6 : vector<256x128xf32>
    %get3A_8 = arith.constant 0 : index
    %get3A_9 = arith.constant 0 : index
    %get3A_10 = vector.load %arg3[%get3A_8, %get3A_9] : memref<1x128xf32, #tpu.memory_space<vmem>>, vector<1x128xf32>
    %mul3A_11 = vector.broadcast %get3A_10 : vector<1x128xf32> to vector<256x128xf32>
    %mul3A_12 = arith.mulf %mul3A_11, %max3A_7 : vector<256x128xf32>
    %get3A_13 = arith.constant 0 : index
    %get3A_14 = arith.constant 0 : index
    %get3A_15 = vector.load %arg4[%get3A_13, %get3A_14] : memref<1x128xf32, #tpu.memory_space<vmem>>, vector<1x128xf32>
    %mul3A_16 = vector.broadcast %get3A_15 : vector<1x128xf32> to vector<256x128xf32>
    %mul3A_17 = arith.mulf %mul3A_16, %get3A_1 : vector<256x128xf32>
    %get3A_18 = arith.constant 0 : index
    %get3A_19 = arith.constant 0 : index
    %get3A_20 = memref.load %arg5[%get3A_18, %get3A_19] : memref<1x2xf32, #tpu.memory_space<smem>>
    %mul3A_21 = vector.broadcast %get3A_20 : f32 to vector<256x128xf32>
    %mul3A_22 = arith.mulf %mul3A_21, %mul3A_12 : vector<256x128xf32>
    %get3A_23 = arith.constant 0 : index
    %get3A_24 = arith.constant 1 : index
    %get3A_25 = memref.load %arg5[%get3A_23, %get3A_24] : memref<1x2xf32, #tpu.memory_space<smem>>
    %mul3A_26 = vector.broadcast %get3A_25 : f32 to vector<256x128xf32>
    %mul3A_27 = arith.mulf %mul3A_26, %mul3A_17 : vector<256x128xf32>
    %add3A = arith.addf %mul3A_22, %mul3A_27 : vector<256x128xf32>
    %gt3A = arith.constant 0.000000e+00 : f32
    %gt3A_28 = vector.broadcast %gt3A : f32 to vector<256x128xf32>
    %gt3A_29 = arith.cmpf ogt, %add3A, %gt3A_28 : vector<256x128xf32>
    %min3A = arith.constant 0.000000e+00 : f32
    %min3A_30 = vector.broadcast %min3A : f32 to vector<256x128xf32>
    %min3A_31 = arith.minimumf %add3A, %min3A_30 : vector<256x128xf32>
    %exp3A = math.exp %min3A_31 : vector<256x128xf32>
    %sub3A = arith.constant 1.000000e+00 : f32
    %sub3A_32 = vector.broadcast %sub3A : f32 to vector<256x128xf32>
    %sub3A_33 = arith.subf %exp3A, %sub3A_32 : vector<256x128xf32>
    %select_n3A = arith.select %gt3A_29, %add3A, %sub3A_33 : vector<256x128xi1>, vector<256x128xf32>
    %swap3A = arith.constant 0 : index
    %swap3A_34 = arith.constant 0 : index
    %swap3A_35 = vector.load %arg6[%swap3A, %swap3A_34] : memref<256x128xf32, #tpu.memory_space<vmem>>, vector<256x128xf32>
    tpu.vector_store %arg6[%swap3A, %swap3A_34], %select_n3A {strides = array<i32>} : memref<256x128xf32, #tpu.memory_space<vmem>>, vector<256x128xf32>,
    return
  }
  func.func @transform_0(%arg0: i32) -> (i32, i32) {
    %c0_i32 = arith.constant 0 : i32
    %c0_i32_0 = arith.constant 0 : i32
    return %arg0, %c0_i32 : i32, i32
  }
  func.func @transform_1(%arg0: i32) -> (i32, i32) {
    %c0_i32 = arith.constant 0 : i32
    %c0_i32_0 = arith.constant 0 : i32
    %c0_i32_1 = arith.constant 0 : i32
    return %c0_i32, %c0_i32_0 : i32, i32
  }
  func.func @transform_2(%arg0: i32) -> (i32, i32) {
    %c0_i32 = arith.constant 0 : i32
    %c0_i32_0 = arith.constant 0 : i32
    %c0_i32_1 = arith.constant 0 : i32
    return %c0_i32, %c0_i32_0 : i32, i32
  }
  func.func @transform_3(%arg0: i32) -> (i32, i32) {
    %c0_i32 = arith.constant 0 : i32
    %c0_i32_0 = arith.constant 0 : i32
    %c0_i32_1 = arith.constant 0 : i32
    return %c0_i32, %c0_i32_0 : i32, i32
  }
  func.func @transform_4(%arg0: i32) -> (i32, i32) {
    %c0_i32 = arith.constant 0 : i32
    %c0_i32_0 = arith.constant 0 : i32
    %c0_i32_1 = arith.constant 0 : i32
    return %c0_i32, %c0_i32_0 : i32, i32
  }
  func.func @transform_5(%arg0: i32) -> (i32, i32) {
    %c0_i32 = arith.constant 0 : i32
    %c0_i32_0 = arith.constant 0 : i32
    return %arg0, %c0_i32 : i32, i32
  }
}

module attributes {stable_mosaic.version = 14 : i64} {
  func.func @_znorm_body(%arg0: i32, %arg1: memref<256x128xf32, #tpu.memory_space<vmem>>, %arg2: memref<256x128xf32, #tpu.memory_space<vmem>>, %arg3: memref<1x256xf32, #tpu.memory_space<vmem>>, %arg4: memref<256x256xf32, #tpu.memory_space<vmem>>) attributes {dimension_semantics = [#tpu.dimension_semantics<arbitrary>], iteration_bounds = array<i64: 40>, scalar_prefetch = 0 : i64, scratch_operands = 0 : i64, tpu.core_type = #tpu.core_type<tc>, window_params = [{transform_indices = @transform_0, window_bounds = array<i64: 256, 128>}, {transform_indices = @transform_1, window_bounds = array<i64: 256, 128>}, {pipeline_mode = #tpu.pipeline_mode<synchronous>, transform_indices = @transform_2, window_bounds = array<i64: 1, 256>}, {transform_indices = @transform_3, window_bounds = array<i64: 256, 256>}]} {
    %get3A = arith.constant 0 : index
    %get3A_0 = arith.constant 0 : index
    %get3A_1 = vector.load %arg1[%get3A, %get3A_0] : memref<256x128xf32, #tpu.memory_space<vmem>>, vector<256x128xf32>
    %get3A_2 = arith.constant 0 : index
    %get3A_3 = arith.constant 0 : index
    %get3A_4 = vector.load %arg2[%get3A_2, %get3A_3] : memref<256x128xf32, #tpu.memory_space<vmem>>, vector<256x128xf32>
    %concatenate3A = tpu.concatenate %get3A_1, %get3A_4 in 1 : vector<256x128xf32>, vector<256x128xf32> -> vector<256x256xf32>
    %get3A_5 = arith.constant 0 : index
    %get3A_6 = arith.constant 0 : index
    %get3A_7 = vector.load %arg3[%get3A_5, %get3A_6] : memref<1x256xf32, #tpu.memory_space<vmem>>, vector<1x256xf32>
    %mul3A = vector.broadcast %get3A_7 : vector<1x256xf32> to vector<256x256xf32>
    %mul3A_8 = arith.mulf %concatenate3A, %mul3A : vector<256x256xf32>
    %mul3A_9 = arith.mulf %mul3A_8, %mul3A_8 : vector<256x256xf32>
    %reduce_sum3A = arith.constant dense<0.000000e+00> : vector<256xf32>
    %reduce_sum3A_10 = vector.multi_reduction <add>, %mul3A_9, %reduce_sum3A [1] : vector<256x256xf32> to vector<256xf32>
    %broadcast_in_dim3A = vector.shape_cast %reduce_sum3A_10 : vector<256xf32> to vector<256x1xf32>
    %sqrt3A = math.sqrt %broadcast_in_dim3A : vector<256x1xf32>
    %add3A = arith.constant 9.99999993E-9 : f32
    %add3A_11 = vector.broadcast %add3A : f32 to vector<256x1xf32>
    %add3A_12 = arith.addf %sqrt3A, %add3A_11 : vector<256x1xf32>
    %div3A = vector.broadcast %add3A_12 : vector<256x1xf32> to vector<256x256xf32>
    %div3A_13 = arith.divf %mul3A_8, %div3A : vector<256x256xf32>
    %swap3A = arith.constant 0 : index
    %swap3A_14 = arith.constant 0 : index
    %swap3A_15 = vector.load %arg4[%swap3A, %swap3A_14] : memref<256x256xf32, #tpu.memory_space<vmem>>, vector<256x256xf32>
    tpu.vector_store %arg4[%swap3A, %swap3A_14], %div3A_13 {strides = array<i32>} : memref<256x256xf32, #tpu.memory_space<vmem>>, vector<256x256xf32>,
    return
  }
  func.func @transform_0(%arg0: i32) -> (i32, i32) {
    %c0_i32 = arith.constant 0 : i32
    %c0_i32_0 = arith.constant 0 : i32
    return %arg0, %c0_i32 : i32, i32
  }
  func.func @transform_1(%arg0: i32) -> (i32, i32) {
    %c0_i32 = arith.constant 0 : i32
    %c0_i32_0 = arith.constant 0 : i32
    return %arg0, %c0_i32 : i32, i32
  }
  func.func @transform_2(%arg0: i32) -> (i32, i32) {
    %c0_i32 = arith.constant 0 : i32
    %c0_i32_0 = arith.constant 0 : i32
    %c0_i32_1 = arith.constant 0 : i32
    return %c0_i32, %c0_i32_0 : i32, i32
  }
  func.func @transform_3(%arg0: i32) -> (i32, i32) {
    %c0_i32 = arith.constant 0 : i32
    %c0_i32_0 = arith.constant 0 : i32
    return %arg0, %c0_i32 : i32, i32
  }
}

module attributes {stable_mosaic.version = 14 : i64} {
  func.func @_simtopk_body(%arg0: i32, %arg1: memref<1xi32, #tpu.memory_space<smem>>, %arg2: memref<256x256xf32, #tpu.memory_space<vmem>>, %arg3: memref<10240x256xf32, #tpu.memory_space<vmem>>, %arg4: memref<256x10xf32, #tpu.memory_space<vmem>>, %arg5: memref<256x10xi32, #tpu.memory_space<vmem>>, %arg6: memref<256x10240xf32, #tpu.memory_space<vmem>>) attributes {dimension_semantics = [#tpu.dimension_semantics<arbitrary>], iteration_bounds = array<i64: 40>, scalar_prefetch = 0 : i64, scratch_operands = 1 : i64, tpu.core_type = #tpu.core_type<tc>, window_params = [{transform_indices = @transform_0, window_bounds = array<i64: 1>}, {transform_indices = @transform_1, window_bounds = array<i64: 256, 256>}, {pipeline_mode = #tpu.pipeline_mode<synchronous>, transform_indices = @transform_2, window_bounds = array<i64: 10240, 256>}, {transform_indices = @transform_3, window_bounds = array<i64: 256, 10>}, {transform_indices = @transform_4, window_bounds = array<i64: 256, 10>}]} {
    %get3A = arith.constant 0 : index
    %get3A_0 = arith.constant 0 : index
    %get3A_1 = vector.load %arg2[%get3A, %get3A_0] : memref<256x256xf32, #tpu.memory_space<vmem>>, vector<256x256xf32>
    %get3A_2 = arith.constant 0 : index
    %get3A_3 = arith.constant 0 : index
    %get3A_4 = vector.load %arg3[%get3A_2, %get3A_3] : memref<10240x256xf32, #tpu.memory_space<vmem>>, vector<10240x256xf32>
    %dot_general3A = arith.constant dense<0.000000e+00> : vector<256x10240xf32>
    %dot_general3A_5 = tpu.matmul %get3A_1, %get3A_4, %dot_general3A {dimension_numbers = #tpu.dot_dimension_numbers<[1], [1], [0], [0], [0, 0, 1, 0], [], []>, transpose_lhs_hint = false} : vector<256x256xf32>, vector<10240x256xf32>, vector<256x10240xf32> -> vector<256x10240xf32>
    %iota3A = tpu.iota {dimensions = array<i32: 1>} : vector<256x10240xi32>
    %get3A_6 = arith.constant 0 : index
    %get3A_7 = memref.load %arg1[%get3A_6] : memref<1xi32, #tpu.memory_space<smem>>
    %lt3A = vector.broadcast %get3A_7 : i32 to vector<256x10240xi32>
    %lt3A_8 = arith.cmpi slt, %iota3A, %lt3A : vector<256x10240xi32>
    %jit3A = arith.constant 0xFF800000 : f32
    %broadcast_in_dim3A = vector.broadcast %jit3A : f32 to vector<256x10240xf32>
    %select_n3A = arith.select %lt3A_8, %dot_general3A_5, %broadcast_in_dim3A : vector<256x10240xi1>, vector<256x10240xf32>
    %swap3A = arith.constant 0 : index
    %swap3A_9 = arith.constant 0 : index
    %swap3A_10 = vector.load %arg6[%swap3A, %swap3A_9] : memref<256x10240xf32, #tpu.memory_space<vmem>>, vector<256x10240xf32>
    tpu.vector_store %arg6[%swap3A, %swap3A_9], %select_n3A {strides = array<i32>} : memref<256x10240xf32, #tpu.memory_space<vmem>>, vector<256x10240xf32>,
    %get3A_11 = arith.constant 0 : index
    %get3A_12 = arith.constant 0 : index
    %get3A_13 = vector.load %arg6[%get3A_11, %get3A_12] : memref<256x10240xf32, #tpu.memory_space<vmem>>, vector<256x10240xf32>
    %reduce_max3A = arith.constant dense<0xFF800000> : vector<256xf32>
    %reduce_max3A_14 = vector.multi_reduction <maximumf>, %get3A_13, %reduce_max3A [1] : vector<256x10240xf32> to vector<256xf32>
    %broadcast_in_dim3A_15 = vector.shape_cast %reduce_max3A_14 : vector<256xf32> to vector<256x1xf32>
    %eq3A = vector.broadcast %broadcast_in_dim3A_15 : vector<256x1xf32> to vector<256x10240xf32>
    %eq3A_16 = arith.cmpf oeq, %get3A_13, %eq3A : vector<256x10240xf32>
    %jit3A_17 = arith.constant 10240 : i32
    %broadcast_in_dim3A_18 = vector.broadcast %jit3A_17 : i32 to vector<256x10240xi32>
    %select_n3A_19 = arith.select %eq3A_16, %iota3A, %broadcast_in_dim3A_18 : vector<256x10240xi1>, vector<256x10240xi32>
    %reduce_min3A = arith.constant dense<2147483647> : vector<256xi32>
    %reduce_min3A_20 = vector.multi_reduction <minsi>, %select_n3A_19, %reduce_min3A [1] : vector<256x10240xi32> to vector<256xi32>
    %broadcast_in_dim3A_21 = vector.shape_cast %reduce_min3A_20 : vector<256xi32> to vector<256x1xi32>
    %eq3A_22 = vector.broadcast %broadcast_in_dim3A_21 : vector<256x1xi32> to vector<256x10240xi32>
    %eq3A_23 = arith.cmpi eq, %iota3A, %eq3A_22 : vector<256x10240xi32>
    %get3A_24 = arith.constant 0 : index
    %get3A_25 = arith.constant 0 : index
    %get3A_26 = vector.load %arg6[%get3A_24, %get3A_25] : memref<256x10240xf32, #tpu.memory_space<vmem>>, vector<256x10240xf32>
    %jit3A_27 = arith.constant 0xFF800000 : f32
    %broadcast_in_dim3A_28 = vector.broadcast %jit3A_27 : f32 to vector<256x10240xf32>
    %select_n3A_29 = arith.select %eq3A_23, %broadcast_in_dim3A_28, %get3A_26 : vector<256x10240xi1>, vector<256x10240xf32>
    %swap3A_30 = arith.constant 0 : index
    %swap3A_31 = arith.constant 0 : index
    %swap3A_32 = vector.load %arg6[%swap3A_30, %swap3A_31] : memref<256x10240xf32, #tpu.memory_space<vmem>>, vector<256x10240xf32>
    tpu.vector_store %arg6[%swap3A_30, %swap3A_31], %select_n3A_29 {strides = array<i32>} : memref<256x10240xf32, #tpu.memory_space<vmem>>, vector<256x10240xf32>,
    %reduce_max3A_33 = arith.constant dense<0xFF800000> : vector<256xf32>
    %reduce_max3A_34 = vector.multi_reduction <maximumf>, %select_n3A_29, %reduce_max3A_33 [1] : vector<256x10240xf32> to vector<256xf32>
    %broadcast_in_dim3A_35 = vector.shape_cast %reduce_max3A_34 : vector<256xf32> to vector<256x1xf32>
    %eq3A_36 = vector.broadcast %broadcast_in_dim3A_35 : vector<256x1xf32> to vector<256x10240xf32>
    %eq3A_37 = arith.cmpf oeq, %select_n3A_29, %eq3A_36 : vector<256x10240xf32>
    %jit3A_38 = arith.constant 10240 : i32
    %broadcast_in_dim3A_39 = vector.broadcast %jit3A_38 : i32 to vector<256x10240xi32>
    %select_n3A_40 = arith.select %eq3A_37, %iota3A, %broadcast_in_dim3A_39 : vector<256x10240xi1>, vector<256x10240xi32>
    %reduce_min3A_41 = arith.constant dense<2147483647> : vector<256xi32>
    %reduce_min3A_42 = vector.multi_reduction <minsi>, %select_n3A_40, %reduce_min3A_41 [1] : vector<256x10240xi32> to vector<256xi32>
    %broadcast_in_dim3A_43 = vector.shape_cast %reduce_min3A_42 : vector<256xi32> to vector<256x1xi32>
    %eq3A_44 = vector.broadcast %broadcast_in_dim3A_43 : vector<256x1xi32> to vector<256x10240xi32>
    %eq3A_45 = arith.cmpi eq, %iota3A, %eq3A_44 : vector<256x10240xi32>
    %get3A_46 = arith.constant 0 : index
    %get3A_47 = arith.constant 0 : index
    %get3A_48 = vector.load %arg6[%get3A_46, %get3A_47] : memref<256x10240xf32, #tpu.memory_space<vmem>>, vector<256x10240xf32>
    %jit3A_49 = arith.constant 0xFF800000 : f32
    %broadcast_in_dim3A_50 = vector.broadcast %jit3A_49 : f32 to vector<256x10240xf32>
    %select_n3A_51 = arith.select %eq3A_45, %broadcast_in_dim3A_50, %get3A_48 : vector<256x10240xi1>, vector<256x10240xf32>
    %swap3A_52 = arith.constant 0 : index
    %swap3A_53 = arith.constant 0 : index
    %swap3A_54 = vector.load %arg6[%swap3A_52, %swap3A_53] : memref<256x10240xf32, #tpu.memory_space<vmem>>, vector<256x10240xf32>
    tpu.vector_store %arg6[%swap3A_52, %swap3A_53], %select_n3A_51 {strides = array<i32>} : memref<256x10240xf32, #tpu.memory_space<vmem>>, vector<256x10240xf32>,
    %reduce_max3A_55 = arith.constant dense<0xFF800000> : vector<256xf32>
    %reduce_max3A_56 = vector.multi_reduction <maximumf>, %select_n3A_51, %reduce_max3A_55 [1] : vector<256x10240xf32> to vector<256xf32>
    %broadcast_in_dim3A_57 = vector.shape_cast %reduce_max3A_56 : vector<256xf32> to vector<256x1xf32>
    %eq3A_58 = vector.broadcast %broadcast_in_dim3A_57 : vector<256x1xf32> to vector<256x10240xf32>
    %eq3A_59 = arith.cmpf oeq, %select_n3A_51, %eq3A_58 : vector<256x10240xf32>
    %jit3A_60 = arith.constant 10240 : i32
    %broadcast_in_dim3A_61 = vector.broadcast %jit3A_60 : i32 to vector<256x10240xi32>
    %select_n3A_62 = arith.select %eq3A_59, %iota3A, %broadcast_in_dim3A_61 : vector<256x10240xi1>, vector<256x10240xi32>
    %reduce_min3A_63 = arith.constant dense<2147483647> : vector<256xi32>
    %reduce_min3A_64 = vector.multi_reduction <minsi>, %select_n3A_62, %reduce_min3A_63 [1] : vector<256x10240xi32> to vector<256xi32>
    %broadcast_in_dim3A_65 = vector.shape_cast %reduce_min3A_64 : vector<256xi32> to vector<256x1xi32>
    %eq3A_66 = vector.broadcast %broadcast_in_dim3A_65 : vector<256x1xi32> to vector<256x10240xi32>
    %eq3A_67 = arith.cmpi eq, %iota3A, %eq3A_66 : vector<256x10240xi32>
    %get3A_68 = arith.constant 0 : index
    %get3A_69 = arith.constant 0 : index
    %get3A_70 = vector.load %arg6[%get3A_68, %get3A_69] : memref<256x10240xf32, #tpu.memory_space<vmem>>, vector<256x10240xf32>
    %jit3A_71 = arith.constant 0xFF800000 : f32
    %broadcast_in_dim3A_72 = vector.broadcast %jit3A_71 : f32 to vector<256x10240xf32>
    %select_n3A_73 = arith.select %eq3A_67, %broadcast_in_dim3A_72, %get3A_70 : vector<256x10240xi1>, vector<256x10240xf32>
    %swap3A_74 = arith.constant 0 : index
    %swap3A_75 = arith.constant 0 : index
    %swap3A_76 = vector.load %arg6[%swap3A_74, %swap3A_75] : memref<256x10240xf32, #tpu.memory_space<vmem>>, vector<256x10240xf32>
    tpu.vector_store %arg6[%swap3A_74, %swap3A_75], %select_n3A_73 {strides = array<i32>} : memref<256x10240xf32, #tpu.memory_space<vmem>>, vector<256x10240xf32>,
    %reduce_max3A_77 = arith.constant dense<0xFF800000> : vector<256xf32>
    %reduce_max3A_78 = vector.multi_reduction <maximumf>, %select_n3A_73, %reduce_max3A_77 [1] : vector<256x10240xf32> to vector<256xf32>
    %broadcast_in_dim3A_79 = vector.shape_cast %reduce_max3A_78 : vector<256xf32> to vector<256x1xf32>
    %eq3A_80 = vector.broadcast %broadcast_in_dim3A_79 : vector<256x1xf32> to vector<256x10240xf32>
    %eq3A_81 = arith.cmpf oeq, %select_n3A_73, %eq3A_80 : vector<256x10240xf32>
    %jit3A_82 = arith.constant 10240 : i32
    %broadcast_in_dim3A_83 = vector.broadcast %jit3A_82 : i32 to vector<256x10240xi32>
    %select_n3A_84 = arith.select %eq3A_81, %iota3A, %broadcast_in_dim3A_83 : vector<256x10240xi1>, vector<256x10240xi32>
    %reduce_min3A_85 = arith.constant dense<2147483647> : vector<256xi32>
    %reduce_min3A_86 = vector.multi_reduction <minsi>, %select_n3A_84, %reduce_min3A_85 [1] : vector<256x10240xi32> to vector<256xi32>
    %broadcast_in_dim3A_87 = vector.shape_cast %reduce_min3A_86 : vector<256xi32> to vector<256x1xi32>
    %eq3A_88 = vector.broadcast %broadcast_in_dim3A_87 : vector<256x1xi32> to vector<256x10240xi32>
    %eq3A_89 = arith.cmpi eq, %iota3A, %eq3A_88 : vector<256x10240xi32>
    %get3A_90 = arith.constant 0 : index
    %get3A_91 = arith.constant 0 : index
    %get3A_92 = vector.load %arg6[%get3A_90, %get3A_91] : memref<256x10240xf32, #tpu.memory_space<vmem>>, vector<256x10240xf32>
    %jit3A_93 = arith.constant 0xFF800000 : f32
    %broadcast_in_dim3A_94 = vector.broadcast %jit3A_93 : f32 to vector<256x10240xf32>
    %select_n3A_95 = arith.select %eq3A_89, %broadcast_in_dim3A_94, %get3A_92 : vector<256x10240xi1>, vector<256x10240xf32>
    %swap3A_96 = arith.constant 0 : index
    %swap3A_97 = arith.constant 0 : index
    %swap3A_98 = vector.load %arg6[%swap3A_96, %swap3A_97] : memref<256x10240xf32, #tpu.memory_space<vmem>>, vector<256x10240xf32>
    tpu.vector_store %arg6[%swap3A_96, %swap3A_97], %select_n3A_95 {strides = array<i32>} : memref<256x10240xf32, #tpu.memory_space<vmem>>, vector<256x10240xf32>,
    %reduce_max3A_99 = arith.constant dense<0xFF800000> : vector<256xf32>
    %reduce_max3A_100 = vector.multi_reduction <maximumf>, %select_n3A_95, %reduce_max3A_99 [1] : vector<256x10240xf32> to vector<256xf32>
    %broadcast_in_dim3A_101 = vector.shape_cast %reduce_max3A_100 : vector<256xf32> to vector<256x1xf32>
    %eq3A_102 = vector.broadcast %broadcast_in_dim3A_101 : vector<256x1xf32> to vector<256x10240xf32>
    %eq3A_103 = arith.cmpf oeq, %select_n3A_95, %eq3A_102 : vector<256x10240xf32>
    %jit3A_104 = arith.constant 10240 : i32
    %broadcast_in_dim3A_105 = vector.broadcast %jit3A_104 : i32 to vector<256x10240xi32>
    %select_n3A_106 = arith.select %eq3A_103, %iota3A, %broadcast_in_dim3A_105 : vector<256x10240xi1>, vector<256x10240xi32>
    %reduce_min3A_107 = arith.constant dense<2147483647> : vector<256xi32>
    %reduce_min3A_108 = vector.multi_reduction <minsi>, %select_n3A_106, %reduce_min3A_107 [1] : vector<256x10240xi32> to vector<256xi32>
    %broadcast_in_dim3A_109 = vector.shape_cast %reduce_min3A_108 : vector<256xi32> to vector<256x1xi32>
    %eq3A_110 = vector.broadcast %broadcast_in_dim3A_109 : vector<256x1xi32> to vector<256x10240xi32>
    %eq3A_111 = arith.cmpi eq, %iota3A, %eq3A_110 : vector<256x10240xi32>
    %get3A_112 = arith.constant 0 : index
    %get3A_113 = arith.constant 0 : index
    %get3A_114 = vector.load %arg6[%get3A_112, %get3A_113] : memref<256x10240xf32, #tpu.memory_space<vmem>>, vector<256x10240xf32>
    %jit3A_115 = arith.constant 0xFF800000 : f32
    %broadcast_in_dim3A_116 = vector.broadcast %jit3A_115 : f32 to vector<256x10240xf32>
    %select_n3A_117 = arith.select %eq3A_111, %broadcast_in_dim3A_116, %get3A_114 : vector<256x10240xi1>, vector<256x10240xf32>
    %swap3A_118 = arith.constant 0 : index
    %swap3A_119 = arith.constant 0 : index
    %swap3A_120 = vector.load %arg6[%swap3A_118, %swap3A_119] : memref<256x10240xf32, #tpu.memory_space<vmem>>, vector<256x10240xf32>
    tpu.vector_store %arg6[%swap3A_118, %swap3A_119], %select_n3A_117 {strides = array<i32>} : memref<256x10240xf32, #tpu.memory_space<vmem>>, vector<256x10240xf32>,
    %reduce_max3A_121 = arith.constant dense<0xFF800000> : vector<256xf32>
    %reduce_max3A_122 = vector.multi_reduction <maximumf>, %select_n3A_117, %reduce_max3A_121 [1] : vector<256x10240xf32> to vector<256xf32>
    %broadcast_in_dim3A_123 = vector.shape_cast %reduce_max3A_122 : vector<256xf32> to vector<256x1xf32>
    %eq3A_124 = vector.broadcast %broadcast_in_dim3A_123 : vector<256x1xf32> to vector<256x10240xf32>
    %eq3A_125 = arith.cmpf oeq, %select_n3A_117, %eq3A_124 : vector<256x10240xf32>
    %jit3A_126 = arith.constant 10240 : i32
    %broadcast_in_dim3A_127 = vector.broadcast %jit3A_126 : i32 to vector<256x10240xi32>
    %select_n3A_128 = arith.select %eq3A_125, %iota3A, %broadcast_in_dim3A_127 : vector<256x10240xi1>, vector<256x10240xi32>
    %reduce_min3A_129 = arith.constant dense<2147483647> : vector<256xi32>
    %reduce_min3A_130 = vector.multi_reduction <minsi>, %select_n3A_128, %reduce_min3A_129 [1] : vector<256x10240xi32> to vector<256xi32>
    %broadcast_in_dim3A_131 = vector.shape_cast %reduce_min3A_130 : vector<256xi32> to vector<256x1xi32>
    %eq3A_132 = vector.broadcast %broadcast_in_dim3A_131 : vector<256x1xi32> to vector<256x10240xi32>
    %eq3A_133 = arith.cmpi eq, %iota3A, %eq3A_132 : vector<256x10240xi32>
    %get3A_134 = arith.constant 0 : index
    %get3A_135 = arith.constant 0 : index
    %get3A_136 = vector.load %arg6[%get3A_134, %get3A_135] : memref<256x10240xf32, #tpu.memory_space<vmem>>, vector<256x10240xf32>
    %jit3A_137 = arith.constant 0xFF800000 : f32
    %broadcast_in_dim3A_138 = vector.broadcast %jit3A_137 : f32 to vector<256x10240xf32>
    %select_n3A_139 = arith.select %eq3A_133, %broadcast_in_dim3A_138, %get3A_136 : vector<256x10240xi1>, vector<256x10240xf32>
    %swap3A_140 = arith.constant 0 : index
    %swap3A_141 = arith.constant 0 : index
    %swap3A_142 = vector.load %arg6[%swap3A_140, %swap3A_141] : memref<256x10240xf32, #tpu.memory_space<vmem>>, vector<256x10240xf32>
    tpu.vector_store %arg6[%swap3A_140, %swap3A_141], %select_n3A_139 {strides = array<i32>} : memref<256x10240xf32, #tpu.memory_space<vmem>>, vector<256x10240xf32>,
    %reduce_max3A_143 = arith.constant dense<0xFF800000> : vector<256xf32>
    %reduce_max3A_144 = vector.multi_reduction <maximumf>, %select_n3A_139, %reduce_max3A_143 [1] : vector<256x10240xf32> to vector<256xf32>
    %broadcast_in_dim3A_145 = vector.shape_cast %reduce_max3A_144 : vector<256xf32> to vector<256x1xf32>
    %eq3A_146 = vector.broadcast %broadcast_in_dim3A_145 : vector<256x1xf32> to vector<256x10240xf32>
    %eq3A_147 = arith.cmpf oeq, %select_n3A_139, %eq3A_146 : vector<256x10240xf32>
    %jit3A_148 = arith.constant 10240 : i32
    %broadcast_in_dim3A_149 = vector.broadcast %jit3A_148 : i32 to vector<256x10240xi32>
    %select_n3A_150 = arith.select %eq3A_147, %iota3A, %broadcast_in_dim3A_149 : vector<256x10240xi1>, vector<256x10240xi32>
    %reduce_min3A_151 = arith.constant dense<2147483647> : vector<256xi32>
    %reduce_min3A_152 = vector.multi_reduction <minsi>, %select_n3A_150, %reduce_min3A_151 [1] : vector<256x10240xi32> to vector<256xi32>
    %broadcast_in_dim3A_153 = vector.shape_cast %reduce_min3A_152 : vector<256xi32> to vector<256x1xi32>
    %eq3A_154 = vector.broadcast %broadcast_in_dim3A_153 : vector<256x1xi32> to vector<256x10240xi32>
    %eq3A_155 = arith.cmpi eq, %iota3A, %eq3A_154 : vector<256x10240xi32>
    %get3A_156 = arith.constant 0 : index
    %get3A_157 = arith.constant 0 : index
    %get3A_158 = vector.load %arg6[%get3A_156, %get3A_157] : memref<256x10240xf32, #tpu.memory_space<vmem>>, vector<256x10240xf32>
    %jit3A_159 = arith.constant 0xFF800000 : f32
    %broadcast_in_dim3A_160 = vector.broadcast %jit3A_159 : f32 to vector<256x10240xf32>
    %select_n3A_161 = arith.select %eq3A_155, %broadcast_in_dim3A_160, %get3A_158 : vector<256x10240xi1>, vector<256x10240xf32>
    %swap3A_162 = arith.constant 0 : index
    %swap3A_163 = arith.constant 0 : index
    %swap3A_164 = vector.load %arg6[%swap3A_162, %swap3A_163] : memref<256x10240xf32, #tpu.memory_space<vmem>>, vector<256x10240xf32>
    tpu.vector_store %arg6[%swap3A_162, %swap3A_163], %select_n3A_161 {strides = array<i32>} : memref<256x10240xf32, #tpu.memory_space<vmem>>, vector<256x10240xf32>,
    %reduce_max3A_165 = arith.constant dense<0xFF800000> : vector<256xf32>
    %reduce_max3A_166 = vector.multi_reduction <maximumf>, %select_n3A_161, %reduce_max3A_165 [1] : vector<256x10240xf32> to vector<256xf32>
    %broadcast_in_dim3A_167 = vector.shape_cast %reduce_max3A_166 : vector<256xf32> to vector<256x1xf32>
    %eq3A_168 = vector.broadcast %broadcast_in_dim3A_167 : vector<256x1xf32> to vector<256x10240xf32>
    %eq3A_169 = arith.cmpf oeq, %select_n3A_161, %eq3A_168 : vector<256x10240xf32>
    %jit3A_170 = arith.constant 10240 : i32
    %broadcast_in_dim3A_171 = vector.broadcast %jit3A_170 : i32 to vector<256x10240xi32>
    %select_n3A_172 = arith.select %eq3A_169, %iota3A, %broadcast_in_dim3A_171 : vector<256x10240xi1>, vector<256x10240xi32>
    %reduce_min3A_173 = arith.constant dense<2147483647> : vector<256xi32>
    %reduce_min3A_174 = vector.multi_reduction <minsi>, %select_n3A_172, %reduce_min3A_173 [1] : vector<256x10240xi32> to vector<256xi32>
    %broadcast_in_dim3A_175 = vector.shape_cast %reduce_min3A_174 : vector<256xi32> to vector<256x1xi32>
    %eq3A_176 = vector.broadcast %broadcast_in_dim3A_175 : vector<256x1xi32> to vector<256x10240xi32>
    %eq3A_177 = arith.cmpi eq, %iota3A, %eq3A_176 : vector<256x10240xi32>
    %get3A_178 = arith.constant 0 : index
    %get3A_179 = arith.constant 0 : index
    %get3A_180 = vector.load %arg6[%get3A_178, %get3A_179] : memref<256x10240xf32, #tpu.memory_space<vmem>>, vector<256x10240xf32>
    %jit3A_181 = arith.constant 0xFF800000 : f32
    %broadcast_in_dim3A_182 = vector.broadcast %jit3A_181 : f32 to vector<256x10240xf32>
    %select_n3A_183 = arith.select %eq3A_177, %broadcast_in_dim3A_182, %get3A_180 : vector<256x10240xi1>, vector<256x10240xf32>
    %swap3A_184 = arith.constant 0 : index
    %swap3A_185 = arith.constant 0 : index
    %swap3A_186 = vector.load %arg6[%swap3A_184, %swap3A_185] : memref<256x10240xf32, #tpu.memory_space<vmem>>, vector<256x10240xf32>
    tpu.vector_store %arg6[%swap3A_184, %swap3A_185], %select_n3A_183 {strides = array<i32>} : memref<256x10240xf32, #tpu.memory_space<vmem>>, vector<256x10240xf32>,
    %reduce_max3A_187 = arith.constant dense<0xFF800000> : vector<256xf32>
    %reduce_max3A_188 = vector.multi_reduction <maximumf>, %select_n3A_183, %reduce_max3A_187 [1] : vector<256x10240xf32> to vector<256xf32>
    %broadcast_in_dim3A_189 = vector.shape_cast %reduce_max3A_188 : vector<256xf32> to vector<256x1xf32>
    %eq3A_190 = vector.broadcast %broadcast_in_dim3A_189 : vector<256x1xf32> to vector<256x10240xf32>
    %eq3A_191 = arith.cmpf oeq, %select_n3A_183, %eq3A_190 : vector<256x10240xf32>
    %jit3A_192 = arith.constant 10240 : i32
    %broadcast_in_dim3A_193 = vector.broadcast %jit3A_192 : i32 to vector<256x10240xi32>
    %select_n3A_194 = arith.select %eq3A_191, %iota3A, %broadcast_in_dim3A_193 : vector<256x10240xi1>, vector<256x10240xi32>
    %reduce_min3A_195 = arith.constant dense<2147483647> : vector<256xi32>
    %reduce_min3A_196 = vector.multi_reduction <minsi>, %select_n3A_194, %reduce_min3A_195 [1] : vector<256x10240xi32> to vector<256xi32>
    %broadcast_in_dim3A_197 = vector.shape_cast %reduce_min3A_196 : vector<256xi32> to vector<256x1xi32>
    %eq3A_198 = vector.broadcast %broadcast_in_dim3A_197 : vector<256x1xi32> to vector<256x10240xi32>
    %eq3A_199 = arith.cmpi eq, %iota3A, %eq3A_198 : vector<256x10240xi32>
    %get3A_200 = arith.constant 0 : index
    %get3A_201 = arith.constant 0 : index
    %get3A_202 = vector.load %arg6[%get3A_200, %get3A_201] : memref<256x10240xf32, #tpu.memory_space<vmem>>, vector<256x10240xf32>
    %jit3A_203 = arith.constant 0xFF800000 : f32
    %broadcast_in_dim3A_204 = vector.broadcast %jit3A_203 : f32 to vector<256x10240xf32>
    %select_n3A_205 = arith.select %eq3A_199, %broadcast_in_dim3A_204, %get3A_202 : vector<256x10240xi1>, vector<256x10240xf32>
    %swap3A_206 = arith.constant 0 : index
    %swap3A_207 = arith.constant 0 : index
    %swap3A_208 = vector.load %arg6[%swap3A_206, %swap3A_207] : memref<256x10240xf32, #tpu.memory_space<vmem>>, vector<256x10240xf32>
    tpu.vector_store %arg6[%swap3A_206, %swap3A_207], %select_n3A_205 {strides = array<i32>} : memref<256x10240xf32, #tpu.memory_space<vmem>>, vector<256x10240xf32>,
    %reduce_max3A_209 = arith.constant dense<0xFF800000> : vector<256xf32>
    %reduce_max3A_210 = vector.multi_reduction <maximumf>, %select_n3A_205, %reduce_max3A_209 [1] : vector<256x10240xf32> to vector<256xf32>
    %broadcast_in_dim3A_211 = vector.shape_cast %reduce_max3A_210 : vector<256xf32> to vector<256x1xf32>
    %eq3A_212 = vector.broadcast %broadcast_in_dim3A_211 : vector<256x1xf32> to vector<256x10240xf32>
    %eq3A_213 = arith.cmpf oeq, %select_n3A_205, %eq3A_212 : vector<256x10240xf32>
    %jit3A_214 = arith.constant 10240 : i32
    %broadcast_in_dim3A_215 = vector.broadcast %jit3A_214 : i32 to vector<256x10240xi32>
    %select_n3A_216 = arith.select %eq3A_213, %iota3A, %broadcast_in_dim3A_215 : vector<256x10240xi1>, vector<256x10240xi32>
    %reduce_min3A_217 = arith.constant dense<2147483647> : vector<256xi32>
    %reduce_min3A_218 = vector.multi_reduction <minsi>, %select_n3A_216, %reduce_min3A_217 [1] : vector<256x10240xi32> to vector<256xi32>
    %stack3A = vector.shape_cast %reduce_max3A_14 : vector<256xf32> to vector<256x1xf32>
    %stack3A_219 = vector.shape_cast %reduce_max3A_34 : vector<256xf32> to vector<256x1xf32>
    %stack3A_220 = vector.shape_cast %reduce_max3A_56 : vector<256xf32> to vector<256x1xf32>
    %stack3A_221 = vector.shape_cast %reduce_max3A_78 : vector<256xf32> to vector<256x1xf32>
    %stack3A_222 = vector.shape_cast %reduce_max3A_100 : vector<256xf32> to vector<256x1xf32>
    %stack3A_223 = vector.shape_cast %reduce_max3A_122 : vector<256xf32> to vector<256x1xf32>
    %stack3A_224 = vector.shape_cast %reduce_max3A_144 : vector<256xf32> to vector<256x1xf32>
    %stack3A_225 = vector.shape_cast %reduce_max3A_166 : vector<256xf32> to vector<256x1xf32>
    %stack3A_226 = vector.shape_cast %reduce_max3A_188 : vector<256xf32> to vector<256x1xf32>
    %stack3A_227 = vector.shape_cast %reduce_max3A_210 : vector<256xf32> to vector<256x1xf32>
    %stack3A_228 = tpu.concatenate %stack3A, %stack3A_219, %stack3A_220, %stack3A_221, %stack3A_222, %stack3A_223, %stack3A_224, %stack3A_225, %stack3A_226, %stack3A_227 in 1 : vector<256x1xf32>, vector<256x1xf32>, vector<256x1xf32>, vector<256x1xf32>, vector<256x1xf32>, vector<256x1xf32>, vector<256x1xf32>, vector<256x1xf32>, vector<256x1xf32>, vector<256x1xf32> -> vector<256x10xf32>
    %stack3A_229 = vector.shape_cast %reduce_min3A_20 : vector<256xi32> to vector<256x1xi32>
    %stack3A_230 = vector.shape_cast %reduce_min3A_42 : vector<256xi32> to vector<256x1xi32>
    %stack3A_231 = vector.shape_cast %reduce_min3A_64 : vector<256xi32> to vector<256x1xi32>
    %stack3A_232 = vector.shape_cast %reduce_min3A_86 : vector<256xi32> to vector<256x1xi32>
    %stack3A_233 = vector.shape_cast %reduce_min3A_108 : vector<256xi32> to vector<256x1xi32>
    %stack3A_234 = vector.shape_cast %reduce_min3A_130 : vector<256xi32> to vector<256x1xi32>
    %stack3A_235 = vector.shape_cast %reduce_min3A_152 : vector<256xi32> to vector<256x1xi32>
    %stack3A_236 = vector.shape_cast %reduce_min3A_174 : vector<256xi32> to vector<256x1xi32>
    %stack3A_237 = vector.shape_cast %reduce_min3A_196 : vector<256xi32> to vector<256x1xi32>
    %stack3A_238 = vector.shape_cast %reduce_min3A_218 : vector<256xi32> to vector<256x1xi32>
    %stack3A_239 = tpu.concatenate %stack3A_229, %stack3A_230, %stack3A_231, %stack3A_232, %stack3A_233, %stack3A_234, %stack3A_235, %stack3A_236, %stack3A_237, %stack3A_238 in 1 : vector<256x1xi32>, vector<256x1xi32>, vector<256x1xi32>, vector<256x1xi32>, vector<256x1xi32>, vector<256x1xi32>, vector<256x1xi32>, vector<256x1xi32>, vector<256x1xi32>, vector<256x1xi32> -> vector<256x10xi32>
    %max3A = arith.constant 0.000000e+00 : f32
    %max3A_240 = vector.broadcast %max3A : f32 to vector<256x10xf32>
    %max3A_241 = arith.maximumf %stack3A_228, %max3A_240 : vector<256x10xf32>
    %reduce_sum3A = arith.constant dense<0.000000e+00> : vector<256xf32>
    %reduce_sum3A_242 = vector.multi_reduction <add>, %max3A_241, %reduce_sum3A [1] : vector<256x10xf32> to vector<256xf32>
    %broadcast_in_dim3A_243 = vector.shape_cast %reduce_sum3A_242 : vector<256xf32> to vector<256x1xf32>
    %add3A = arith.constant 9.99999993E-9 : f32
    %add3A_244 = vector.broadcast %add3A : f32 to vector<256x1xf32>
    %add3A_245 = arith.addf %broadcast_in_dim3A_243, %add3A_244 : vector<256x1xf32>
    %div3A = vector.broadcast %add3A_245 : vector<256x1xf32> to vector<256x10xf32>
    %div3A_246 = arith.divf %max3A_241, %div3A : vector<256x10xf32>
    %swap3A_247 = arith.constant 0 : index
    %swap3A_248 = arith.constant 0 : index
    %swap3A_249 = vector.load %arg4[%swap3A_247, %swap3A_248] : memref<256x10xf32, #tpu.memory_space<vmem>>, vector<256x10xf32>
    tpu.vector_store %arg4[%swap3A_247, %swap3A_248], %div3A_246 {strides = array<i32>} : memref<256x10xf32, #tpu.memory_space<vmem>>, vector<256x10xf32>,
    %swap3A_250 = arith.constant 0 : index
    %swap3A_251 = arith.constant 0 : index
    %swap3A_252 = vector.load %arg5[%swap3A_250, %swap3A_251] : memref<256x10xi32, #tpu.memory_space<vmem>>, vector<256x10xi32>
    tpu.vector_store %arg5[%swap3A_250, %swap3A_251], %stack3A_239 {strides = array<i32>} : memref<256x10xi32, #tpu.memory_space<vmem>>, vector<256x10xi32>,
    return
  }
  func.func @transform_0(%arg0: i32) -> i32 {
    %c0_i32 = arith.constant 0 : i32
    %c0_i32_0 = arith.constant 0 : i32
    return %c0_i32 : i32
  }
  func.func @transform_1(%arg0: i32) -> (i32, i32) {
    %c0_i32 = arith.constant 0 : i32
    %c0_i32_0 = arith.constant 0 : i32
    return %arg0, %c0_i32 : i32, i32
  }
  func.func @transform_2(%arg0: i32) -> (i32, i32) {
    %c0_i32 = arith.constant 0 : i32
    %c0_i32_0 = arith.constant 0 : i32
    %c0_i32_1 = arith.constant 0 : i32
    return %c0_i32, %c0_i32_0 : i32, i32
  }
  func.func @transform_3(%arg0: i32) -> (i32, i32) {
    %c0_i32 = arith.constant 0 : i32
    %c0_i32_0 = arith.constant 0 : i32
    return %arg0, %c0_i32 : i32, i32
  }
  func.func @transform_4(%arg0: i32) -> (i32, i32) {
    %c0_i32 = arith.constant 0 : i32
    %c0_i32_0 = arith.constant 0 : i32
    return %arg0, %c0_i32 : i32, i32
  }
}

</mosaic_0001>

<sc_bundles>
// kernel: kernel.10.cloned.1.call-start
scs
__scs_entry_jumppad:
0x0: {  	(pc) =	sbr.rel $0x88, $3  }
0x1: {  	(tag) =	ssettag $0x0;
	lr =	simm.s32 $0x1  }
0x2: {  	[smem:$0x3F94] =	sst lr;
	_ =	strace $0xD0000000  }
0x3: {  	_ = 	snop  }
0x4: {  	_ = 	snop  }
0x5: {  	_ = 	snop  }
0x6: {  	_ = 	snop  }
0x7: {  	_ = 	snop  }
__scs_overlays_trampoline_lowered:
0x8: {  	[smem:$0x3FA3] =	sst s0  }
0x9: {  	[smem:$0x3FA4] =	sst s1  }
0xa: {  	[smem:$0x3FA5] =	sst s2  }
0xb: {  	[smem:$0x3FA6] =	sst s3  }
0xc: {  	[smem:$0x3FA7] =	sst s4  }
0xd: {  	[smem:$0x3FA8] =	sst s5  }
0xe: {  	[smem:$0x3FA9] =	sst s6  }
0xf: {  	[smem:$0x3FAA] =	sst s7  }
0x10: {  	[smem:$0x3FAB] =	sst s8  }
0x11: {  	[smem:$0x3FAC] =	sst s9;
	s0 =	simm.s32 @!p0 $0x0  }
0x12: {  	s1 =	sld [smem:$0x3F92];
	s0 =	simm.s32 @p0 $0x1  }
0x13: {  	[smem:$0x3FAD] =	sst s0;
	s0 =	simm.s32 @!p1 $0x0  }
0x14: {  	s2 =	sld [smem:$0x3F91];
	s0 =	simm.s32 @p1 $0x1  }
0x15: {  	[smem:$0x3FAE] =	sst s0;
	s0 =	simm.s32 @!p2 $0x0  }
0x16: {  	s3 =	sld [smem:$0x3FDB];
	s0 =	simm.s32 @p2 $0x1  }
0x17: {  	s4 =	simm.s32 $0x1BF5;
	[smem:$0x3FB0] =	sst s0  }
0x18: {  	s0 =	sld [smem:$0x3F93];
	_ =	swait.ge [sflag:s4], $0x0  }
0x19: {  	s7 =	sld [smem:$0x3F94]  }
0x1a: {  	s8 =	sadd.s32 $0xFFFFE003, lr  }
0x1b: {  	s9 =	sadd.s32 $0xFFFFFEF7, lr;
	s5 =	simm.s32 $0xFFFFFFFF;
	p2 =	slt.u32 s8, $0xFFFFF086  }
0x1c: {  	p1 =	slt.u32 s9, $0xF7A;
	s5 =	simm.s32 @!p2 $0x0  }
0x1d: {  	s5 =	simm.s32 @p1 $0x1;
	p0 =	seq.s32 s7, s2  }
0x1e: {  	s7 =	smul.u32 @!p0 $0xF7A, s2;
	p2 =	seq.s32 @!p0 s5, $0x0  }
0x1f: {  	s9 =	smul.u32 $0xF7A, s1;
	s8 =	simm.s32 @!p0 $0x1BF5;
	p2 =	por !p2, p0  }
0x20: {  	[sflag:s8] =	ssyncset.s32 @!p0 $0xFFFFF086;
	s6 =	sadd.s32 @!p0 s3, s7;
	s7 =	simm.s32 @!p0 $0x108  }
0x21: {  	s3 =	sadd.s32 s3, s9;
	s6 =	sadd.s32 @!p0 $0x88, s6;
	s7 =	simm.s32 @p2 $0x1082  }
0x22: {  	[simem:s7], [sflag:s8] =	dma.local @!p0 [hbm:s6], $0xF7A  }
0x23: {  	s9 =	sor.u32 $0xD0000000, s2;
	s6 =	simm.s32 $0x108;
	_ =	swait.ge @!p0 [sflag:s8], $0x0  }
0x24: {  	s3 =	sadd.s32 $0x88, s3;
	s6 =	simm.s32 @!p1 $0x1082;
	[sflag:s4] =	ssyncset.s32 $0xFFFFF086  }
0x25: {  	[simem:s6], [sflag:s4] =	dma.local [hbm:s3], $0xF7A  }
0x26: {  	[smem:$0x3F94] =	sst s1;
	(tag) =	ssettag s2;
	_ =	strace s9  }
0x27: {  	s1 =	sld [smem:$0x3FA4]  }
0x28: {  	s2 =	sld [smem:$0x3FA5]  }
0x29: {  	s4 =	sld [smem:$0x3FA7]  }
0x2a: {  	p0 =	seq.s32 s5, $0x0;
	s5 =	sld [smem:$0x3FA8]  }
0x2b: {  	s6 =	sld [smem:$0x3FA9]  }
0x2c: {  	s7 =	sld [smem:$0x3FAA]  }
0x2d: {  	s3 =	simm.s32 $0x108;
	s8 =	sld [smem:$0x3FAB]  }
0x2e: {  	s3 =	simm.s32 @!p0 $0x1082;
	s9 =	sld [smem:$0x3FAC]  }
0x2f: {  	lr =	sadd.s32 s0, s3;
	s0 =	sld [smem:$0x3FA3]  }
0x30: {  	s3 =	sld [smem:$0x3FA6]  }
0x31: {  	[smem:$0x3FAF] =	sst s10  }
0x32: {  	s10 =	sld [smem:$0x3FAD];
	_ =	sdelay $0x3  }
0x33: {  	p0 =	seq.s32 s10, $0x1;
	s10 =	sld [smem:$0x3FAF];
	_ =	sdelay $0x3  }
0x34: {  	[smem:$0x3FAF] =	sst s10  }
0x35: {  	s10 =	sld [smem:$0x3FAE];
	_ =	sdelay $0x3  }
0x36: {  	p1 =	seq.s32 s10, $0x1;
	s10 =	sld [smem:$0x3FAF];
	_ =	sdelay $0x3  }
0x37: {  	[smem:$0x3FAF] =	sst s10  }
0x38: {  	s10 =	sld [smem:$0x3FB0]  }
0x39: {  	_ = 	snop;
	(pc) =	sbr.ind lr, $3  }
0x3a: {  	_ = 	snop  }
0x3b: {  	_ = 	snop  }
0x3c: {  	p2 =	seq.s32 s10, $0x1;
	s10 =	sld [smem:$0x3FAF]  }
0x3d: {  	_ =	shalt  }
0x3e: {  	_ =	shalt  }
0x3f: {  	_ =	shalt  }
0x40: {  	_ =	shalt  }
0x41: {  	_ =	shalt  }
0x42: {  	_ =	shalt  }
0x43: {  	_ =	shalt  }
0x44: {  	_ =	shalt  }
0x45: {  	_ =	shalt  }
0x46: {  	_ =	shalt  }
0x47: {  	_ =	shalt  }
0x48: {  	_ =	shalt  }
0x49: {  	_ =	shalt  }
0x4a: {  	_ =	shalt  }
0x4b: {  	_ =	shalt  }
0x4c: {  	_ =	shalt  }
0x4d: {  	_ =	shalt  }
0x4e: {  	_ =	shalt  }
0x4f: {  	_ =	shalt  }
0x50: {  	_ =	shalt  }
0x51: {  	_ =	shalt  }
0x52: {  	_ =	shalt  }
0x53: {  	_ =	shalt  }
0x54: {  	_ =	shalt  }
0x55: {  	_ =	shalt  }
0x56: {  	_ =	shalt  }
0x57: {  	_ =	shalt  }
0x58: {  	_ =	shalt  }
0x59: {  	_ =	shalt  }
0x5a: {  	_ =	shalt  }
0x5b: {  	_ =	shalt  }
0x5c: {  	_ =	shalt  }
0x5d: {  	_ =	shalt  }
0x5e: {  	_ =	shalt  }
0x5f: {  	_ =	shalt  }
0x60: {  	_ =	shalt  }
0x61: {  	_ =	shalt  }
0x62: {  	_ =	shalt  }
0x63: {  	_ =	shalt  }
0x64: {  	_ =	shalt  }
0x65: {  	_ =	shalt  }
0x66: {  	_ =	shalt  }
0x67: {  	_ =	shalt  }
0x68: {  	_ =	shalt  }
0x69: {  	_ =	shalt  }
0x6a: {  	_ =	shalt  }
0x6b: {  	_ =	shalt  }
0x6c: {  	_ =	shalt  }
0x6d: {  	_ =	shalt  }
0x6e: {  	_ =	shalt  }
0x6f: {  	_ =	shalt  }
0x70: {  	_ =	shalt  }
0x71: {  	_ =	shalt  }
0x72: {  	_ =	shalt  }
0x73: {  	_ =	shalt  }
0x74: {  	_ =	shalt  }
0x75: {  	_ =	shalt  }
0x76: {  	_ =	shalt  }
0x77: {  	_ =	shalt  }
0x78: {  	_ =	shalt  }
0x79: {  	_ =	shalt  }
0x7a: {  	_ =	shalt  }
0x7b: {  	_ =	shalt  }
0x7c: {  	_ =	shalt  }
0x7d: {  	_ =	shalt  }
0x7e: {  	_ =	shalt  }
0x7f: {  	_ =	shalt  }
0x80: {  	_ =	shalt  }
0x81: {  	_ =	shalt  }
0x82: {  	_ =	shalt  }
0x83: {  	_ =	shalt  }
0x84: {  	_ =	shalt  }
0x85: {  	_ =	shalt  }
0x86: {  	_ =	shalt  }
0x87: {  	_ =	shalt  }
.Lfunc_end0:
.L_simem_size_0:
called_computation.1_lowered:
.L_overlay_start_0:
0x88: {  	s2 =	sld [smem:$0x3FD9]  }
0x89: {  	s3 =	sld [smem:$0x3FFE];
	_ =	sdelay $0x1  }
0x8a: {  	s1 =	srdreg.scid  }
0x8b: {  	s0 =	sand.u32 $0x1, s1  }
0x8c: {  	s16 =	sshll.u32 s0, $0xA;
	s2 =	sadd.s32 s3, s2  }
0x8d: {  	s2 =	sadd.s32 s2, s16  }
0x8e: {  	[smem:$0x3FBB] =	sst s2  }
0x8f: {  	_ = 	snop  }
0x90: {  	(tm) =	ssettm $0x1  }
0x91: {  	s17 =	sld [smem:$0x3FFB];
	_ =	sdelay $0x3  }
0x92: {  	_ =	strace s17  }
0x93: {  	s2 =	sld [smem:$0x3FFC];
	_ =	sdelay $0x3  }
0x94: {  	_ =	strace s2  }
0x95: {  	s2 =	sld [smem:$0x3FFD];
	_ =	sdelay $0x3  }
0x96: {  	_ =	strace s2  }
0x97: {  	_ =	strace $0x8FFFFFFF  }
0x98: {  	s18 =	sld [smem:$0x3FDB];
	_ =	sdelay $0x1  }
0x99: {  	s19 =	simm.s32 $_scs_section_size  }
0x9a: {  	s4 =	simm.s32 $_size__tile_overlayer_lowered;
	s5 =	simm.s32 $_tile_overlayer_lowered  }
0x9b: {  	s22 =	simm.s32 $0x1BFF;
	s21 =	sshll.u32 s5, $0x1;
	s2 =	sadd.s32 s19, s18  }
0x9c: {  	s6 =	simm.s32 $0x0;
	s20 =	sshll.u32 s4, $0x1;
	s4 =	sadd.s32 s21, s2  }
0x9d: {  	[timem:s6], [sflag:s22] =	dma.local [hbm:s4], s20  }
0x9e: {  	_ =	swait.ge [sflag:s22], s20  }
0x9f: {  	s3 =	ssub.s32 $0x0, s20;
	[sflag:s22] =	ssyncset.done $0x0  }
0xa0: {  	[sflag:s22] =	ssyncadd.s32 s3;
	_ =	sdelay $0x1  }
0xa1: {  	s23 =	simm.s32 $0x1B8B  }
0xa2: {  	_ =	swait.ge [sflag:s23], $0x1  }
0xa3: {  	[sflag:s23] =	ssyncset.done $0x0  }
0xa4: {  	s25 =	simm.s32 $0x1B8E;
	s24 =	sld [smem:$0x3FFE];
	[sflag:s23] =	ssyncadd.s32 $0xFFFFFFFF  }
0xa5: {  	s26 =	simm.s32 $execute0_lowered;
	[smem:$0x3FD2] =	sst s25  }
0xa6: {  	s4 =	sshll.u32 s26, $0x1;
	_ =	strace $0x80000049;
	[dreg:$0x1] =	wrdreg $0xFFFFFFFF  }
0xa7: {  	s28 =	simm.s32 $_size_execute0_lowered;
	s2 =	sadd.s32 s2, s4;
	[dreg:$0x0] =	wrdreg $0x0  }
0xa8: {  	s4 =	sshll.u32 s28, $0x1;
	[dreg:$0x2] =	wrdreg s2  }
0xa9: {  	[dreg:$0x3] =	wrdreg s4  }
0xaa: {  	[dreg:$0x4] =	wrdreg $0xC0  }
0xab: {  	_ =	task [dreg:s6], $0x5FFFF  }
0xac: {  	[dreg:$0x1] =	wrdreg $0xFFFFFFFF  }
0xad: {  	[dreg:$0x0] =	wrdreg $0x60  }
0xae: {  	[dreg:$0x2] =	wrdreg s24  }
0xaf: {  	[dreg:$0x3] =	wrdreg $0x89800  }
0xb0: {  	[dreg:$0x4] =	wrdreg $0x9  }
0xb1: {  	_ =	task.clear_ibuf [dreg:s6], $0x5FFFF;
	_ =	strace $0x90000049  }
0xb2: {  	s29 =	simm.s32 $0x9;
	_ =	strace $0x8000004B  }
0xb3: {  	_ =	swait.ge [sflag:s29], $0x1  }
0xb4: {  	[sflag:s29] =	ssyncadd.s32 $0xFFFFFFFF  }
0xb5: {  	_ =	strace $0x9000004B  }
0xb6: {  	_ =	sfence  }
0xb7: {  	s30 =	sld [smem:$0x0];
	_ =	sdelay $0x2  }
0xb8: {  	s31 =	sshll.u32 s1, $0xD;
	s1 =	sshrl.u32 s1, $0x2  }
0xb9: {  	s3 =	sand.u32 $0x4000, s31;
	s1 =	sadd.s32 s1, s30  }
0xba: {  	s0 =	sor.u32 s3, s0;
	s1 =	sshll.u32 s1, $0x11  }
0xbb: {  	s0 =	sor.u32 s1, s0  }
0xbc: {  	s0 =	sadd.s32 $0x8F2B, s0  }
0xbd: {  	[sflag:s0] =	ssyncadd.remote.s32 $0x1  }
0xbe: {  	_ =	sfence.sel $0xFFFF  }
0xbf: {  	[dreg:$0x0] =	wrdreg $0xFFFFFFFF;
	(pc) =	sbr.abs _section_cstart, $3  }
0xc0: {  	[dreg:$0x1] =	wrdreg $0xFFFFFFFF  }
0xc1: {  	_ =	task.clear_ibuf [dreg:s6], $0x2FFFF;
	_ =	strace $0x9FFFFFFF  }
0xc2: {  	(tm) =	ssettm $0x7FFFFFFF  }
0xc3: {  	_ =	shalt  }
tec
execute0_lowered:
.L_overlay_start_1:
0x0: {  	(tag) =	ssettag $0x1  }
0x1: {  	s0 =	rddreg [dreg:$0x0];
	s3 =	srdreg.scid  }
0x2: {  	s1 =	rddreg [dreg:$0x1];
	s8 =	sand.u32 $0x1, s3  }
0x3: {  	s2 =	simm.s32 $0x0;
	s3 =	stileid.u32;
	s15 =	smul.u32 $0x1388, s8  }
0x4: {  	[smem:$0x7FF] =	sst s2;
	s4 =	sadd.s32 $0x51F000, s0;
	s9 =	smul.u32 $0x28000, s3  }
0x5: {  	s5 =	sadd.s32 $0xC000, s0;
	s6 =	sadd.s32 $0x2200, s0;
	s10 =	smul.u32 $0x27000, s3  }
0x6: {  	s7 =	sadd.s32 $0x3D000, s0;
	s0 =	sadd.s32 $0x549400, s0;
	s12 =	smul.u32 $0x138, s3  }
0x7: {  	_ =	strace $0x8000004A;
	s11 =	ssub.s32 $0x2, s8;
	s14 =	smul.u32 $0x9C400, s8  }
0x8: {  	p0 =	sne.s32 s3, $0xF;
	s13 =	sshrl.u32 s11, $0x1;
	s9 =	sshrl.u32 s9, $0x2  }
0x9: {  	s11 =	ssub.s32 s11, s13;
	s12 =	sadd.s32 s12, s15;
	s10 =	sshrl.u32 s10, $0x2  }
0xa: {  	s13 =	sshrl.u32 s14, $0x3;
	v0 =	vmov s15;
	s15 =	simm.s32 $0x4180;
	s8 =	sadd.s32 s9, s1  }
0xb: {  	s9 =	sshll.u32 s12, $0x4;
	s10 =	sadd.s32 s10, s1;
	s14 =	smax.u32 s11, $0x1  }
0xc: {  	s11 =	simm.s32 $0x3;
	s9 =	sadd.s32 s0, s9;
	[dreg:$0x5] =	wrdreg s14  }
0xd: {  	s12 =	simm.s32 $0x80;
	s16 =	sadd.s32 $0x800, s8;
	[dreg:$0x3] =	wrdreg s9  }
0xe: {  	s0 =	sadd.s32 s0, s13;
	s17 =	sadd.s32 $0x1000, s8;
	[dreg:$0x6] =	wrdreg s16  }
0xf: {  	s18 =	sadd.s32 $0x1800, s8;
	s19 =	sadd.s32 $0x2000, s8;
	[dreg:$0x7] =	wrdreg s17  }
0x10: {  	s20 =	sadd.s32 $0x2800, s8;
	s21 =	sadd.s32 $0x3000, s8;
	[dreg:$0x8] =	wrdreg s18  }
0x11: {  	s22 =	sadd.s32 $0x3800, s8;
	s23 =	sadd.s32 $0x4000, s8;
	[dreg:$0x9] =	wrdreg s19  }
0x12: {  	s24 =	sadd.s32 $0x4800, s8;
	s25 =	sadd.s32 $0x5000, s8;
	[dreg:$0xa] =	wrdreg s20  }
0x13: {  	s26 =	sadd.s32 $0x5800, s8;
	s28 =	sadd.s32 $0x7000, s8;
	[dreg:$0xb] =	wrdreg s21  }
0x14: {  	s29 =	sadd.s32 $0x7800, s8;
	s30 =	sadd.s32 $0x8000, s8;
	[dreg:$0xc] =	wrdreg s22  }
0x15: {  	s31 =	sadd.s32 $0x8800, s8;
	s13 =	simm.s32 $0x180;
	[dreg:$0xd] =	wrdreg s23  }
0x16: {  	s14 =	simm.s32 $0x1;
	s9 =	sadd.s32 $0x9C000, s1;
	[dreg:$0xe] =	wrdreg s24  }
.Ltmp0:
0x17: {  	s0 =	sadd.s32 $0x13800, s0;
	[dreg:$0xf] =	wrdreg s25;
	(pc) =	sbr.rel .LBB2_1-.Ltmp0, $4  }
0x18: {  	[dreg:$0x10] =	wrdreg s26;
	s23 =	sshrl.u32 s10, $0x3;
	s25 =	sadd.s32 $0x6000, s8  }
0x19: {  	s26 =	sadd.s32 $0x6800, s8;
	s10 =	simm.s32 $0x8180;
	s16 =	simm.s32 $0x2  }
0x1a: {  	s17 =	simm.s32 $0x100;
	s22 =	simm.s32 $0x0;
	[dreg:$0x4] =	wrdreg s0  }
0x1b: {  	v1 =	vimm.f32 $0.0e+00;
	s24 =	sshrl.u32 @!p0 s9, $0x3;
	s0 =	sadd.s32 $0x9000, s8;
	s9 =	sadd.s32 $0x9800, s8  }
.LBB2_7:
0x1c: {  	s18 =	sshll.u32 s3, $0x6;
	[bflag:$0x0] =	sbarrier.arrive $0xFFFF  }
0x1d: {  	s18 =	sor.u32 $0x1C03, s18;
	s19 =	rddreg [dreg:$0x3]  }
0x1e: {  	[hbm:s19], [sflag:s18] =	dma.local [spmem:s23], $0x1380  }
0x1f: {  	_ =	swait.ge [sflag:s11], $0x1380  }
0x20: {  	[sflag:s11] =	ssyncset.done $0x0  }
0x21: {  	s19 =	rddreg [dreg:$0x4];
	[sflag:s11] =	ssyncadd.s32 $0xFFFFEC80  }
0x22: {  	[hbm:s19], [sflag:s18] =	dma.local @!p0 [spmem:s24], $0x80  }
0x23: {  	s18 =	simm.s32 @!p0 $0x3  }
0x24: {  	_ =	swait.ge @!p0 [sflag:s18], $0x80  }
0x25: {  	s2 =	sadd.s32 $0x1, s2;
	s21 =	rddreg [dreg:$0x5]  }
0x26: {  	p1 =	sne.s32 s2, s21  }
.Ltmp1:
0x27: {  	_ = 	snop;
	(pc) =	sbr.rel @!p1 .LBB2_8-.Ltmp1, $3  }
0x28: {  	_ =	sdelay $0x1  }
0x29: {  	[sflag:s18] =	ssyncset.done @!p0 $0x0  }
0x2a: {  	[sflag:s18] =	ssyncadd.s32 @!p0 $0xFFFFFF80  }
.LBB2_1:
0x2b: {  	[tilespmem:$0x8180] =	vst v1  }
0x2c: {  	[tilespmem:$0x8190] =	vst v1  }
0x2d: {  	[tilespmem:$0x81A0] =	vst v1  }
0x2e: {  	[tilespmem:$0x81B0] =	vst v1  }
0x2f: {  	[tilespmem:$0x81C0] =	vst v1  }
0x30: {  	[tilespmem:$0x81D0] =	vst v1  }
0x31: {  	[tilespmem:$0x81E0] =	vst v1  }
0x32: {  	[tilespmem:$0x81F0] =	vst v1  }
0x33: {  	[tilespmem:$0x8200] =	vst v1  }
0x34: {  	[tilespmem:$0x8210] =	vst v1  }
0x35: {  	[tilespmem:$0x8220] =	vst v1  }
0x36: {  	[tilespmem:$0x8230] =	vst v1  }
0x37: {  	[tilespmem:$0x8240] =	vst v1  }
0x38: {  	[tilespmem:$0x8250] =	vst v1  }
0x39: {  	[tilespmem:$0x8260] =	vst v1  }
0x3a: {  	[tilespmem:$0x8270] =	vst v1  }
0x3b: {  	[tilespmem:$0x8280] =	vst v1  }
0x3c: {  	[tilespmem:$0x8290] =	vst v1  }
0x3d: {  	[tilespmem:$0x82A0] =	vst v1  }
0x3e: {  	[tilespmem:$0x82B0] =	vst v1  }
0x3f: {  	[tilespmem:$0x82C0] =	vst v1  }
0x40: {  	[tilespmem:$0x82D0] =	vst v1  }
0x41: {  	[tilespmem:$0x82E0] =	vst v1  }
0x42: {  	[tilespmem:$0x82F0] =	vst v1  }
0x43: {  	[tilespmem:$0x8300] =	vst v1  }
0x44: {  	[tilespmem:$0x8310] =	vst v1  }
0x45: {  	[tilespmem:$0x8320] =	vst v1  }
0x46: {  	[tilespmem:$0x8330] =	vst v1  }
0x47: {  	[tilespmem:$0x8340] =	vst v1  }
0x48: {  	[tilespmem:$0x8350] =	vst v1  }
0x49: {  	[tilespmem:$0x8360] =	vst v1  }
0x4a: {  	[tilespmem:$0x8370] =	vst v1  }
0x4b: {  	[tilespmem:$0x8380] =	vst v1  }
0x4c: {  	[tilespmem:$0x8390] =	vst v1  }
0x4d: {  	[tilespmem:$0x83A0] =	vst v1  }
0x4e: {  	[tilespmem:$0x83B0] =	vst v1  }
0x4f: {  	[tilespmem:$0x83C0] =	vst v1  }
0x50: {  	[tilespmem:$0x83D0] =	vst v1  }
0x51: {  	[tilespmem:$0x83E0] =	vst v1  }
0x52: {  	[tilespmem:$0x83F0] =	vst v1  }
0x53: {  	[tilespmem:$0x8400] =	vst v1  }
0x54: {  	[tilespmem:$0x8410] =	vst v1  }
0x55: {  	[tilespmem:$0x8420] =	vst v1  }
0x56: {  	[tilespmem:$0x8430] =	vst v1  }
0x57: {  	[tilespmem:$0x8440] =	vst v1  }
0x58: {  	[tilespmem:$0x8450] =	vst v1  }
0x59: {  	[tilespmem:$0x8460] =	vst v1  }
0x5a: {  	[tilespmem:$0x8470] =	vst v1  }
0x5b: {  	[tilespmem:$0x8480] =	vst v1  }
0x5c: {  	[tilespmem:$0x8490] =	vst v1  }
0x5d: {  	[tilespmem:$0x84A0] =	vst v1  }
0x5e: {  	[tilespmem:$0x84B0] =	vst v1  }
0x5f: {  	[tilespmem:$0x84C0] =	vst v1  }
0x60: {  	[tilespmem:$0x84D0] =	vst v1  }
0x61: {  	[tilespmem:$0x84E0] =	vst v1  }
0x62: {  	[tilespmem:$0x84F0] =	vst v1  }
0x63: {  	[tilespmem:$0x8500] =	vst v1  }
0x64: {  	[tilespmem:$0x8510] =	vst v1  }
0x65: {  	[tilespmem:$0x8520] =	vst v1  }
0x66: {  	[tilespmem:$0x8530] =	vst v1  }
0x67: {  	[tilespmem:$0x8540] =	vst v1  }
0x68: {  	[tilespmem:$0x8550] =	vst v1  }
0x69: {  	[tilespmem:$0x8560] =	vst v1  }
0x6a: {  	[tilespmem:$0x8570] =	vst v1  }
0x6b: {  	[tilespmem:$0x8580] =	vst v1  }
0x6c: {  	[tilespmem:$0x8590] =	vst v1  }
0x6d: {  	[tilespmem:$0x85A0] =	vst v1  }
0x6e: {  	[tilespmem:$0x85B0] =	vst v1  }
0x6f: {  	[tilespmem:$0x85C0] =	vst v1  }
0x70: {  	[tilespmem:$0x85D0] =	vst v1  }
0x71: {  	[tilespmem:$0x85E0] =	vst v1  }
0x72: {  	[tilespmem:$0x85F0] =	vst v1  }
0x73: {  	[tilespmem:$0x8600] =	vst v1  }
0x74: {  	[tilespmem:$0x8610] =	vst v1  }
0x75: {  	[tilespmem:$0x8620] =	vst v1  }
0x76: {  	[tilespmem:$0x8630] =	vst v1  }
0x77: {  	[tilespmem:$0x8640] =	vst v1  }
0x78: {  	[tilespmem:$0x8650] =	vst v1  }
0x79: {  	[tilespmem:$0x8660] =	vst v1  }
0x7a: {  	[tilespmem:$0x8670] =	vst v1  }
0x7b: {  	[tilespmem:$0x8680] =	vst v1  }
0x7c: {  	[tilespmem:$0x8690] =	vst v1  }
0x7d: {  	[tilespmem:$0x86A0] =	vst v1  }
0x7e: {  	[tilespmem:$0x86B0] =	vst v1  }
0x7f: {  	[tilespmem:$0x86C0] =	vst v1  }
0x80: {  	[tilespmem:$0x86D0] =	vst v1  }
0x81: {  	[tilespmem:$0x86E0] =	vst v1  }
0x82: {  	[tilespmem:$0x86F0] =	vst v1  }
0x83: {  	[tilespmem:$0x8700] =	vst v1  }
0x84: {  	[tilespmem:$0x8710] =	vst v1  }
0x85: {  	[tilespmem:$0x8720] =	vst v1  }
0x86: {  	[tilespmem:$0x8730] =	vst v1  }
0x87: {  	[tilespmem:$0x8740] =	vst v1  }
0x88: {  	[tilespmem:$0x8750] =	vst v1  }
0x89: {  	[tilespmem:$0x8760] =	vst v1  }
0x8a: {  	[tilespmem:$0x8770] =	vst v1  }
0x8b: {  	[tilespmem:$0x8780] =	vst v1  }
0x8c: {  	[tilespmem:$0x8790] =	vst v1  }
0x8d: {  	[tilespmem:$0x87A0] =	vst v1  }
0x8e: {  	[tilespmem:$0x87B0] =	vst v1  }
0x8f: {  	[tilespmem:$0x87C0] =	vst v1  }
0x90: {  	[tilespmem:$0x87D0] =	vst v1  }
0x91: {  	[tilespmem:$0x87E0] =	vst v1  }
0x92: {  	[tilespmem:$0x87F0] =	vst v1  }
0x93: {  	[tilespmem:$0x8800] =	vst v1  }
0x94: {  	[tilespmem:$0x8810] =	vst v1  }
0x95: {  	[tilespmem:$0x8820] =	vst v1  }
0x96: {  	[tilespmem:$0x8830] =	vst v1  }
0x97: {  	[tilespmem:$0x8840] =	vst v1  }
0x98: {  	[tilespmem:$0x8850] =	vst v1  }
0x99: {  	[tilespmem:$0x8860] =	vst v1  }
0x9a: {  	[tilespmem:$0x8870] =	vst v1  }
0x9b: {  	[tilespmem:$0x8880] =	vst v1  }
0x9c: {  	[tilespmem:$0x8890] =	vst v1  }
0x9d: {  	[tilespmem:$0x88A0] =	vst v1  }
0x9e: {  	[tilespmem:$0x88B0] =	vst v1  }
0x9f: {  	[tilespmem:$0x88C0] =	vst v1  }
0xa0: {  	[tilespmem:$0x88D0] =	vst v1  }
0xa1: {  	[tilespmem:$0x88E0] =	vst v1  }
0xa2: {  	[tilespmem:$0x88F0] =	vst v1  }
0xa3: {  	[tilespmem:$0x8900] =	vst v1  }
0xa4: {  	[tilespmem:$0x8910] =	vst v1  }
0xa5: {  	[tilespmem:$0x8920] =	vst v1  }
0xa6: {  	[tilespmem:$0x8930] =	vst v1  }
0xa7: {  	[tilespmem:$0x8940] =	vst v1  }
0xa8: {  	[tilespmem:$0x8950] =	vst v1  }
0xa9: {  	[tilespmem:$0x8960] =	vst v1  }
0xaa: {  	[tilespmem:$0x8970] =	vst v1  }
0xab: {  	[spmem:s8] =	stream.linear.scatter [tilespmem:s10], [sflag:$0x3], $0x800, $0x38;
	[tilespmem:$0x129C0] =	vst v63  }
0xac: {  	_ =	swait.ge [sflag:s11], $0x800  }
0xad: {  	[sflag:s11] =	ssyncset.done $0x0  }
0xae: {  	s18 =	rddreg [dreg:$0x6];
	[sflag:s11] =	ssyncadd.s32 $0xFFFFF800  }
0xaf: {  	[spmem:s18] =	stream.linear.scatter [tilespmem:s10], [sflag:$0x3], $0x800, $0x38;
	[tilespmem:$0x129C0] =	vst v63  }
0xb0: {  	_ =	swait.ge [sflag:s11], $0x800  }
0xb1: {  	[sflag:s11] =	ssyncset.done $0x0  }
0xb2: {  	s21 =	rddreg [dreg:$0x7];
	[sflag:s11] =	ssyncadd.s32 $0xFFFFF800  }
0xb3: {  	[spmem:s21] =	stream.linear.scatter [tilespmem:s10], [sflag:$0x3], $0x800, $0x38;
	[tilespmem:$0x129C0] =	vst v63  }
0xb4: {  	_ =	swait.ge [sflag:s11], $0x800  }
0xb5: {  	[sflag:s11] =	ssyncset.done $0x0  }
0xb6: {  	s19 =	rddreg [dreg:$0x8];
	[sflag:s11] =	ssyncadd.s32 $0xFFFFF800  }
0xb7: {  	[spmem:s19] =	stream.linear.scatter [tilespmem:s10], [sflag:$0x3], $0x800, $0x38;
	[tilespmem:$0x129C0] =	vst v63  }
0xb8: {  	_ =	swait.ge [sflag:s11], $0x800  }
0xb9: {  	[sflag:s11] =	ssyncset.done $0x0  }
0xba: {  	s20 =	rddreg [dreg:$0x9];
	[sflag:s11] =	ssyncadd.s32 $0xFFFFF800  }
0xbb: {  	[spmem:s20] =	stream.linear.scatter [tilespmem:s10], [sflag:$0x3], $0x800, $0x38;
	[tilespmem:$0x129C0] =	vst v63  }
0xbc: {  	_ =	swait.ge [sflag:s11], $0x800  }
0xbd: {  	[sflag:s11] =	ssyncset.done $0x0  }
0xbe: {  	s21 =	rddreg [dreg:$0xa];
	[sflag:s11] =	ssyncadd.s32 $0xFFFFF800  }
0xbf: {  	[spmem:s21] =	stream.linear.scatter [tilespmem:s10], [sflag:$0x3], $0x800, $0x38;
	[tilespmem:$0x129C0] =	vst v63  }
0xc0: {  	_ =	swait.ge [sflag:s11], $0x800  }
0xc1: {  	[sflag:s11] =	ssyncset.done $0x0  }
0xc2: {  	s19 =	rddreg [dreg:$0xb];
	[sflag:s11] =	ssyncadd.s32 $0xFFFFF800  }
0xc3: {  	[spmem:s19] =	stream.linear.scatter [tilespmem:s10], [sflag:$0x3], $0x800, $0x38;
	[tilespmem:$0x129C0] =	vst v63  }
0xc4: {  	_ =	swait.ge [sflag:s11], $0x800  }
0xc5: {  	[sflag:s11] =	ssyncset.done $0x0  }
0xc6: {  	s20 =	rddreg [dreg:$0xc];
	[sflag:s11] =	ssyncadd.s32 $0xFFFFF800  }
0xc7: {  	[spmem:s20] =	stream.linear.scatter [tilespmem:s10], [sflag:$0x3], $0x800, $0x38;
	[tilespmem:$0x129C0] =	vst v63  }
0xc8: {  	_ =	swait.ge [sflag:s11], $0x800  }
0xc9: {  	[sflag:s11] =	ssyncset.done $0x0  }
0xca: {  	s21 =	rddreg [dreg:$0xd];
	[sflag:s11] =	ssyncadd.s32 $0xFFFFF800  }
0xcb: {  	[spmem:s21] =	stream.linear.scatter [tilespmem:s10], [sflag:$0x3], $0x800, $0x38;
	[tilespmem:$0x129C0] =	vst v63  }
0xcc: {  	_ =	swait.ge [sflag:s11], $0x800  }
0xcd: {  	[sflag:s11] =	ssyncset.done $0x0  }
0xce: {  	s19 =	rddreg [dreg:$0xe];
	[sflag:s11] =	ssyncadd.s32 $0xFFFFF800  }
0xcf: {  	[spmem:s19] =	stream.linear.scatter [tilespmem:s10], [sflag:$0x3], $0x800, $0x38;
	[tilespmem:$0x129C0] =	vst v63  }
0xd0: {  	_ =	swait.ge [sflag:s11], $0x800  }
0xd1: {  	[sflag:s11] =	ssyncset.done $0x0  }
0xd2: {  	s20 =	rddreg [dreg:$0xf];
	[sflag:s11] =	ssyncadd.s32 $0xFFFFF800  }
0xd3: {  	[spmem:s20] =	stream.linear.scatter [tilespmem:s10], [sflag:$0x3], $0x800, $0x38;
	[tilespmem:$0x129C0] =	vst v63  }
0xd4: {  	_ =	swait.ge [sflag:s11], $0x800  }
0xd5: {  	[sflag:s11] =	ssyncset.done $0x0  }
0xd6: {  	s21 =	rddreg [dreg:$0x10];
	[sflag:s11] =	ssyncadd.s32 $0xFFFFF800  }
0xd7: {  	[spmem:s21] =	stream.linear.scatter [tilespmem:s10], [sflag:$0x3], $0x800, $0x38;
	[tilespmem:$0x129C0] =	vst v63  }
0xd8: {  	_ =	swait.ge [sflag:s11], $0x800  }
0xd9: {  	[sflag:s11] =	ssyncset.done $0x0  }
0xda: {  	[sflag:s11] =	ssyncadd.s32 $0xFFFFF800  }
0xdb: {  	[spmem:s25] =	stream.linear.scatter [tilespmem:s10], [sflag:$0x3], $0x800, $0x38;
	[tilespmem:$0x129C0] =	vst v63  }
0xdc: {  	_ =	swait.ge [sflag:s11], $0x800  }
0xdd: {  	[sflag:s11] =	ssyncset.done $0x0  }
0xde: {  	[sflag:s11] =	ssyncadd.s32 $0xFFFFF800  }
0xdf: {  	[spmem:s26] =	stream.linear.scatter [tilespmem:s10], [sflag:$0x3], $0x800, $0x38;
	[tilespmem:$0x129C0] =	vst v63  }
0xe0: {  	_ =	swait.ge [sflag:s11], $0x800  }
0xe1: {  	[sflag:s11] =	ssyncset.done $0x0  }
0xe2: {  	[sflag:s11] =	ssyncadd.s32 $0xFFFFF800  }
0xe3: {  	[spmem:s28] =	stream.linear.scatter [tilespmem:s10], [sflag:$0x3], $0x800, $0x38;
	[tilespmem:$0x129C0] =	vst v63  }
0xe4: {  	_ =	swait.ge [sflag:s11], $0x800  }
0xe5: {  	[sflag:s11] =	ssyncset.done $0x0  }
0xe6: {  	[sflag:s11] =	ssyncadd.s32 $0xFFFFF800  }
0xe7: {  	[spmem:s29] =	stream.linear.scatter [tilespmem:s10], [sflag:$0x3], $0x800, $0x38;
	[tilespmem:$0x129C0] =	vst v63  }
0xe8: {  	_ =	swait.ge [sflag:s11], $0x800  }
0xe9: {  	[sflag:s11] =	ssyncset.done $0x0  }
0xea: {  	[sflag:s11] =	ssyncadd.s32 $0xFFFFF800  }
0xeb: {  	[spmem:s30] =	stream.linear.scatter [tilespmem:s10], [sflag:$0x3], $0x800, $0x38;
	[tilespmem:$0x129C0] =	vst v63  }
0xec: {  	_ =	swait.ge [sflag:s11], $0x800  }
0xed: {  	[sflag:s11] =	ssyncset.done $0x0  }
0xee: {  	[sflag:s11] =	ssyncadd.s32 $0xFFFFF800  }
0xef: {  	[spmem:s31] =	stream.linear.scatter [tilespmem:s10], [sflag:$0x3], $0x800, $0x38;
	[tilespmem:$0x129C0] =	vst v63  }
0xf0: {  	_ =	swait.ge [sflag:s11], $0x800  }
0xf1: {  	[sflag:s11] =	ssyncset.done $0x0  }
0xf2: {  	[sflag:s11] =	ssyncadd.s32 $0xFFFFF800  }
0xf3: {  	[spmem:s0] =	stream.linear.scatter [tilespmem:s10], [sflag:$0x3], $0x800, $0x38;
	[tilespmem:$0x129C0] =	vst v63  }
0xf4: {  	_ =	swait.ge [sflag:s11], $0x800  }
0xf5: {  	[sflag:s11] =	ssyncset.done $0x0  }
0xf6: {  	[sflag:s11] =	ssyncadd.s32 $0xFFFFF800  }
0xf7: {  	[spmem:s9] =	stream.linear.scatter [tilespmem:s10], [sflag:$0x3], $0x800, $0x38;
	[tilespmem:$0x129C0] =	vst v63  }
.Ltmp2:
0xf8: {  	_ =	swait.ge [sflag:s11], $0x800;
	(pc) =	sbr.rel .LBB2_2-.Ltmp2, $4  }
0xf9: {  	[sflag:s11] =	ssyncset.done $0x0  }
0xfa: {  	[sflag:s11] =	ssyncadd.s32 $0xFFFFF800  }
0xfb: {  	[bflag:$0x0] =	sbarrier.arrive $0xFFFF  }
0xfc: {  	s18 =	simm.s32 $0x0  }
.LBB2_6:
0xfd: {  	s18 =	sadd.s32 $0x1, s18  }
0xfe: {  	p1 =	sne.s32 s18, $0x9D  }
.Ltmp3:
0xff: {  	_ = 	snop;
	(pc) =	sbr.rel @!p1 .LBB2_7-.Ltmp3, $1  }
0x100: {  	_ =	sdelay $0x3  }
.LBB2_2:
0x101: {  	s19 =	sshll.u32 s18, $0x4  }
0x102: {  	s19 =	sor.u32 s3, s19  }
0x103: {  	p1 =	sgt.u32 s19, $0x9C3  }
.Ltmp4:
0x104: {  	_ = 	snop;
	(pc) =	sbr.rel @p1 .LBB2_6-.Ltmp4, $1  }
0x105: {  	_ =	sdelay $0x3  }
0x106: {  	s20 =	sshll.u32 s19, $0x4  }
0x107: {  	s21 =	sadd.s32 s5, s20  }
0x108: {  	[tilespmem:s22], [sflag:$0x1] =	stream.linear.gather [hbm4b:s21+s22], $0x80, $0x38;
	[tilespmem:$0x129C0] =	vst v63  }
0x109: {  	s20 =	sadd.s32 s6, s20;
	s21 =	sshll.u32 s19, $0xB  }
0x10a: {  	[tilespmem:s12], [sflag:$0x1] =	stream.linear.gather [hbm4b:s20+s22], $0x80, $0x38;
	[tilespmem:$0x129C0] =	vst v63  }
0x10b: {  	s19 =	sadd.s32 s7, s21  }
0x10c: {  	[tilespmem:s13], [sflag:$0x1] =	stream.linear.gather [hbm4b:s19+s22], $0x4000, $0x38;
	[tilespmem:$0x129C0] =	vst v63  }
0x10d: {  	_ =	swait.ge [sflag:s14], $0x80  }
0x10e: {  	[sflag:s14] =	ssyncset.done $0x0  }
0x10f: {  	[sflag:s14] =	ssyncadd.s32 $0xFFFFFF80  }
0x110: {  	[tilespmem:s15], [sflag:$0x2] =	stream.indirect.gather [hbm4b:s4+s12], $0x80, s22, s12, $0xb8;
	[tilespmem:$0x129C0] =	vst v63  }
0x111: {  	_ =	swait.ge [sflag:s14], $0x80  }
0x112: {  	[sflag:s14] =	ssyncset.done $0x0  }
0x113: {  	[sflag:s14] =	ssyncadd.s32 $0xFFFFFF80  }
0x114: {  	_ =	swait.ge [sflag:s14], $0x4000  }
0x115: {  	[sflag:s14] =	ssyncset.done $0x0  }
0x116: {  	[sflag:s14] =	ssyncadd.s32 $0xFFFFC000  }
0x117: {  	v2 =	vld [tilespmem:$0x80]  }
0x118: {  	v3 =	vld [tilespmem:$0x90]  }
0x119: {  	v4 =	vld [tilespmem:$0xA0]  }
0x11a: {  	v5 =	vld [tilespmem:$0xB0]  }
0x11b: {  	v6 =	vld [tilespmem:$0xC0]  }
0x11c: {  	v7 =	vld [tilespmem:$0xD0];
	v2 =	vsub.s32 v2, v0  }
0x11d: {  	v8 =	vld [tilespmem:$0xE0];
	v3 =	vsub.s32 v3, v0;
	vm0 =	vlt.u32 v2, $0x1388  }
0x11e: {  	v9 =	vld [tilespmem:$0xF0];
	v4 =	vsub.s32 v4, v0;
	vm9 =	vlt.u32 v3, $0x1388;
	v2 =	vnsel vm0, $0x1400, v2  }
0x11f: {  	vm10 =	vlt.u32 v4, $0x1388;
	[tilespmem:$0x100] =	vst v2;
	v2 =	vnsel vm9, $0x1400, v3;
	v3 =	vsub.s32 v5, v0  }
0x120: {  	[tilespmem:$0x110] =	vst v2;
	v2 =	vnsel vm10, $0x1400, v4;
	vm11 =	vlt.u32 v3, $0x1388;
	v4 =	vsub.s32 v6, v0  }
0x121: {  	[tilespmem:$0x120] =	vst v2;
	v2 =	vnsel vm11, $0x1400, v3;
	vm12 =	vlt.u32 v4, $0x1388;
	v3 =	vsub.s32 v7, v0  }
0x122: {  	[tilespmem:$0x130] =	vst v2;
	v2 =	vnsel vm12, $0x1400, v4;
	vm13 =	vlt.u32 v3, $0x1388;
	v4 =	vsub.s32 v8, v0  }
0x123: {  	[tilespmem:$0x140] =	vst v2;
	v2 =	vnsel vm13, $0x1400, v3;
	vm14 =	vlt.u32 v4, $0x1388;
	v3 =	vsub.s32 v9, v0  }
0x124: {  	[tilespmem:$0x150] =	vst v2;
	v2 =	vnsel vm14, $0x1400, v4;
	vm15 =	vlt.u32 v3, $0x1388  }
0x125: {  	[tilespmem:$0x160] =	vst v2;
	v2 =	vnsel vm15, $0x1400, v3  }
0x126: {  	[tilespmem:$0x170] =	vst v2  }
0x127: {  	_ =	swait.ge [sflag:s16], $0x4000  }
0x128: {  	[sflag:s16] =	ssyncset.done $0x0  }
0x129: {  	s19 =	simm.s32 $0x0;
	[sflag:s16] =	ssyncadd.s32 $0xFFFFC000  }
0x12a: {  	v2 =	vld [tilespmem:s19+$0x180]  }
0x12b: {  	v6 =	vld [tilespmem:s19+$0x4180]  }
0x12c: {  	v8 =	vld [tilespmem:s19+$0x4190]  }
0x12d: {  	v7 =	vld [tilespmem:s19+$0x41A0]  }
0x12e: {  	v5 =	vld [tilespmem:s19+$0x41B0]  }
0x12f: {  	v3 =	vld [tilespmem:s19+$0x41C0]  }
0x130: {  	v4 =	vld [tilespmem:s19+$0x41D0];
	v9 =	vmul.f32 v6, v2  }
0x131: {  	s20 =	simm.s32 $0x200;
	v8 =	vmul.f32 v8, v2;
	v6 =	vld [tilespmem:s19+$0x41E0]  }
.LBB2_4:
0x132: {  	s21 =	sshra.s32 s20, $0x2;
	p1 =	sne.s32 s20, $0xFE00;
	[tilespmem:s19+$0x4180] =	vst v9;
	v7 =	vmul.f32 v7, v2;
	v9 =	vld [tilespmem:s19+$0x41F0]  }
0x133: {  	v10 =	vld [tilespmem:s21+$0x180];
	[tilespmem:s19+$0x4190] =	vst v8;
	v5 =	vmul.f32 v5, v2  }
0x134: {  	v8 =	vld [tilespmem:s21+$0x4180];
	[tilespmem:s19+$0x41A0] =	vst v7;
	v3 =	vmul.f32 v3, v2  }
0x135: {  	v11 =	vld [tilespmem:s21+$0x4190];
	[tilespmem:s19+$0x41B0] =	vst v5;
	v4 =	vmul.f32 v4, v2  }
.Ltmp5:
0x136: {  	v7 =	vld [tilespmem:s21+$0x41A0];
	[tilespmem:s19+$0x41C0] =	vst v3;
	v6 =	vmul.f32 v6, v2;
	(pc) =	sbr.rel @p1 .LBB2_4-.Ltmp5, $4  }
0x137: {  	v5 =	vld [tilespmem:s21+$0x41B0];
	[tilespmem:s19+$0x41D0] =	vst v4;
	v12 =	vmul.f32 v9, v2  }
0x138: {  	v3 =	vld [tilespmem:s21+$0x41C0];
	[tilespmem:s19+$0x41E0] =	vst v6;
	v2 =	vmov v10  }
0x139: {  	v9 =	vmul.f32 v8, v2;
	v4 =	vld [tilespmem:s21+$0x41D0];
	[tilespmem:s19+$0x41F0] =	vst v12;
	s19 =	smov.u32 s21  }
0x13a: {  	s20 =	sadd.s32 $0x200, s20;
	v8 =	vmul.f32 v11, v2;
	v6 =	vld [tilespmem:s19+$0x41E0]  }
0x13b: {  	[tilespmem:s19+$0x4180] =	vst v9;
	v7 =	vmul.f32 v7, v2;
	v63 =	vld [tilespmem:s19+$0x41F0]  }
0x13c: {  	[tilespmem:s19+$0x4190] =	vst v8;
	v5 =	vmul.f32 v5, v2  }
0x13d: {  	[tilespmem:s19+$0x41A0] =	vst v7;
	v3 =	vmul.f32 v3, v2  }
0x13e: {  	[tilespmem:s19+$0x41B0] =	vst v5;
	v4 =	vmul.f32 v4, v2  }
0x13f: {  	[tilespmem:s19+$0x41C0] =	vst v3;
	v3 =	vmul.f32 v6, v2  }
0x140: {  	[tilespmem:s19+$0x41D0] =	vst v4;
	v2 =	vmul.f32 v63, v2  }
0x141: {  	[tilespmem:s19+$0x41E0] =	vst v3  }
.Ltmp6:
0x142: {  	[tilespmem:s19+$0x41F0] =	vst v2;
	(pc) =	sbr.rel .LBB2_6-.Ltmp6, $4  }
0x143: {  	[spmem:s1] =	stream.indirect.scatter.add.f32 [tilespmem:s15], [sflag:$0x3], $0x80, s17, s12, $0xb8;
	[tilespmem:$0x129C0] =	vst v63  }
0x144: {  	_ =	swait.ge [sflag:s11], $0x4000  }
0x145: {  	[sflag:s11] =	ssyncset.done $0x0  }
0x146: {  	[sflag:s11] =	ssyncadd.s32 $0xFFFFC000  }
.LBB2_8:
0x147: {  	_ =	sfence.sel $0x180000  }
0x148: {  	[bflag:$0x0] =	sbarrier.arrive $0xFFFF  }
0x149: {  	_ =	strace $0x9000004A  }
0x14a: {  	[bflag:$0x2] =	sbarrier.arrive $0xFFFF  }
0x14b: {  	p0 =	sne.s32 s3, $0x0;
	s0 =	rddreg [dreg:$0x2]  }
0x14c: {  	s0 =	sadd.s32 @!p0 $0x100000, s0  }
0x14d: {  	[sflag:s0] =	ssyncadd.tile.s32 @!p0 $0x1;
	_ =	shalt  }
.Lfunc_end2:
_tile_overlayer_lowered:
.L_overlay_start_2:
0x14e: {  	(tag) =	ssettag $0x2  }
0x14f: {  	s0 =	rddreg [dreg:$0x0];
	s2 =	stileid.u32  }
0x150: {  	s1 =	rddreg [dreg:$0x1];
	p0 =	sne.s32 s2, $0x0  }
0x151: {  	s3 =	rddreg [dreg:$0x2];
	[bflag:$0x3] =	sbarrier.arrive $0xFFFF;
	s2 =	simm.s32 @!p0 $0x1C03  }
0x152: {  	[timem:s3], [sflag:s2] =	dma.local @!p0 [hbm:s0], s1  }
0x153: {  	s0 =	simm.s32 @!p0 $0x3  }
0x154: {  	_ =	swait.ge @!p0 [sflag:s0], s1  }
0x155: {  	s1 =	ssub.s32 @!p0 $0x0, s1;
	[sflag:s0] =	ssyncset.done @!p0 $0x0  }
0x156: {  	[sflag:s0] =	ssyncadd.s32 @!p0 s1  }
0x157: {  	[bflag:$0x3] =	sbarrier.arrive $0xFFFF  }
0x158: {  	_ =	shalt  }

// kernel: kernel.7.cloned.1.call-start
scs
__scs_entry_jumppad:
0x0: {  	(pc) =	sbr.rel $0x88, $3  }
0x1: {  	(tag) =	ssettag $0x0;
	lr =	simm.s32 $0x1  }
0x2: {  	[smem:$0x3F94] =	sst lr;
	_ =	strace $0xD0000000  }
0x3: {  	_ = 	snop  }
0x4: {  	_ = 	snop  }
0x5: {  	_ = 	snop  }
0x6: {  	_ = 	snop  }
0x7: {  	_ = 	snop  }
__scs_overlays_trampoline_lowered:
0x8: {  	[smem:$0x3FA3] =	sst s0  }
0x9: {  	[smem:$0x3FA4] =	sst s1  }
0xa: {  	[smem:$0x3FA5] =	sst s2  }
0xb: {  	[smem:$0x3FA6] =	sst s3  }
0xc: {  	[smem:$0x3FA7] =	sst s4  }
0xd: {  	[smem:$0x3FA8] =	sst s5  }
0xe: {  	[smem:$0x3FA9] =	sst s6  }
0xf: {  	[smem:$0x3FAA] =	sst s7  }
0x10: {  	[smem:$0x3FAB] =	sst s8  }
0x11: {  	[smem:$0x3FAC] =	sst s9;
	s0 =	simm.s32 @!p0 $0x0  }
0x12: {  	s1 =	sld [smem:$0x3F92];
	s0 =	simm.s32 @p0 $0x1  }
0x13: {  	[smem:$0x3FAD] =	sst s0;
	s0 =	simm.s32 @!p1 $0x0  }
0x14: {  	s2 =	sld [smem:$0x3F91];
	s0 =	simm.s32 @p1 $0x1  }
0x15: {  	[smem:$0x3FAE] =	sst s0;
	s0 =	simm.s32 @!p2 $0x0  }
0x16: {  	s3 =	sld [smem:$0x3FDB];
	s0 =	simm.s32 @p2 $0x1  }
0x17: {  	s4 =	simm.s32 $0x1BF5;
	[smem:$0x3FB0] =	sst s0  }
0x18: {  	s0 =	sld [smem:$0x3F93];
	_ =	swait.ge [sflag:s4], $0x0  }
0x19: {  	s7 =	sld [smem:$0x3F94]  }
0x1a: {  	s8 =	sadd.s32 $0xFFFFE003, lr  }
0x1b: {  	s9 =	sadd.s32 $0xFFFFFEF7, lr;
	s5 =	simm.s32 $0xFFFFFFFF;
	p2 =	slt.u32 s8, $0xFFFFF086  }
0x1c: {  	p1 =	slt.u32 s9, $0xF7A;
	s5 =	simm.s32 @!p2 $0x0  }
0x1d: {  	s5 =	simm.s32 @p1 $0x1;
	p0 =	seq.s32 s7, s2  }
0x1e: {  	s7 =	smul.u32 @!p0 $0xF7A, s2;
	p2 =	seq.s32 @!p0 s5, $0x0  }
0x1f: {  	s9 =	smul.u32 $0xF7A, s1;
	s8 =	simm.s32 @!p0 $0x1BF5;
	p2 =	por !p2, p0  }
0x20: {  	[sflag:s8] =	ssyncset.s32 @!p0 $0xFFFFF086;
	s6 =	sadd.s32 @!p0 s3, s7;
	s7 =	simm.s32 @!p0 $0x108  }
0x21: {  	s3 =	sadd.s32 s3, s9;
	s6 =	sadd.s32 @!p0 $0x88, s6;
	s7 =	simm.s32 @p2 $0x1082  }
0x22: {  	[simem:s7], [sflag:s8] =	dma.local @!p0 [hbm:s6], $0xF7A  }
0x23: {  	s9 =	sor.u32 $0xD0000000, s2;
	s6 =	simm.s32 $0x108;
	_ =	swait.ge @!p0 [sflag:s8], $0x0  }
0x24: {  	s3 =	sadd.s32 $0x88, s3;
	s6 =	simm.s32 @!p1 $0x1082;
	[sflag:s4] =	ssyncset.s32 $0xFFFFF086  }
0x25: {  	[simem:s6], [sflag:s4] =	dma.local [hbm:s3], $0xF7A  }
0x26: {  	[smem:$0x3F94] =	sst s1;
	(tag) =	ssettag s2;
	_ =	strace s9  }
0x27: {  	s1 =	sld [smem:$0x3FA4]  }
0x28: {  	s2 =	sld [smem:$0x3FA5]  }
0x29: {  	s4 =	sld [smem:$0x3FA7]  }
0x2a: {  	p0 =	seq.s32 s5, $0x0;
	s5 =	sld [smem:$0x3FA8]  }
0x2b: {  	s6 =	sld [smem:$0x3FA9]  }
0x2c: {  	s7 =	sld [smem:$0x3FAA]  }
0x2d: {  	s3 =	simm.s32 $0x108;
	s8 =	sld [smem:$0x3FAB]  }
0x2e: {  	s3 =	simm.s32 @!p0 $0x1082;
	s9 =	sld [smem:$0x3FAC]  }
0x2f: {  	lr =	sadd.s32 s0, s3;
	s0 =	sld [smem:$0x3FA3]  }
0x30: {  	s3 =	sld [smem:$0x3FA6]  }
0x31: {  	[smem:$0x3FAF] =	sst s10  }
0x32: {  	s10 =	sld [smem:$0x3FAD];
	_ =	sdelay $0x3  }
0x33: {  	p0 =	seq.s32 s10, $0x1;
	s10 =	sld [smem:$0x3FAF];
	_ =	sdelay $0x3  }
0x34: {  	[smem:$0x3FAF] =	sst s10  }
0x35: {  	s10 =	sld [smem:$0x3FAE];
	_ =	sdelay $0x3  }
0x36: {  	p1 =	seq.s32 s10, $0x1;
	s10 =	sld [smem:$0x3FAF];
	_ =	sdelay $0x3  }
0x37: {  	[smem:$0x3FAF] =	sst s10  }
0x38: {  	s10 =	sld [smem:$0x3FB0]  }
0x39: {  	_ = 	snop;
	(pc) =	sbr.ind lr, $3  }
0x3a: {  	_ = 	snop  }
0x3b: {  	_ = 	snop  }
0x3c: {  	p2 =	seq.s32 s10, $0x1;
	s10 =	sld [smem:$0x3FAF]  }
0x3d: {  	_ =	shalt  }
0x3e: {  	_ =	shalt  }
0x3f: {  	_ =	shalt  }
0x40: {  	_ =	shalt  }
0x41: {  	_ =	shalt  }
0x42: {  	_ =	shalt  }
0x43: {  	_ =	shalt  }
0x44: {  	_ =	shalt  }
0x45: {  	_ =	shalt  }
0x46: {  	_ =	shalt  }
0x47: {  	_ =	shalt  }
0x48: {  	_ =	shalt  }
0x49: {  	_ =	shalt  }
0x4a: {  	_ =	shalt  }
0x4b: {  	_ =	shalt  }
0x4c: {  	_ =	shalt  }
0x4d: {  	_ =	shalt  }
0x4e: {  	_ =	shalt  }
0x4f: {  	_ =	shalt  }
0x50: {  	_ =	shalt  }
0x51: {  	_ =	shalt  }
0x52: {  	_ =	shalt  }
0x53: {  	_ =	shalt  }
0x54: {  	_ =	shalt  }
0x55: {  	_ =	shalt  }
0x56: {  	_ =	shalt  }
0x57: {  	_ =	shalt  }
0x58: {  	_ =	shalt  }
0x59: {  	_ =	shalt  }
0x5a: {  	_ =	shalt  }
0x5b: {  	_ =	shalt  }
0x5c: {  	_ =	shalt  }
0x5d: {  	_ =	shalt  }
0x5e: {  	_ =	shalt  }
0x5f: {  	_ =	shalt  }
0x60: {  	_ =	shalt  }
0x61: {  	_ =	shalt  }
0x62: {  	_ =	shalt  }
0x63: {  	_ =	shalt  }
0x64: {  	_ =	shalt  }
0x65: {  	_ =	shalt  }
0x66: {  	_ =	shalt  }
0x67: {  	_ =	shalt  }
0x68: {  	_ =	shalt  }
0x69: {  	_ =	shalt  }
0x6a: {  	_ =	shalt  }
0x6b: {  	_ =	shalt  }
0x6c: {  	_ =	shalt  }
0x6d: {  	_ =	shalt  }
0x6e: {  	_ =	shalt  }
0x6f: {  	_ =	shalt  }
0x70: {  	_ =	shalt  }
0x71: {  	_ =	shalt  }
0x72: {  	_ =	shalt  }
0x73: {  	_ =	shalt  }
0x74: {  	_ =	shalt  }
0x75: {  	_ =	shalt  }
0x76: {  	_ =	shalt  }
0x77: {  	_ =	shalt  }
0x78: {  	_ =	shalt  }
0x79: {  	_ =	shalt  }
0x7a: {  	_ =	shalt  }
0x7b: {  	_ =	shalt  }
0x7c: {  	_ =	shalt  }
0x7d: {  	_ =	shalt  }
0x7e: {  	_ =	shalt  }
0x7f: {  	_ =	shalt  }
0x80: {  	_ =	shalt  }
0x81: {  	_ =	shalt  }
0x82: {  	_ =	shalt  }
0x83: {  	_ =	shalt  }
0x84: {  	_ =	shalt  }
0x85: {  	_ =	shalt  }
0x86: {  	_ =	shalt  }
0x87: {  	_ =	shalt  }
.Lfunc_end0:
.L_simem_size_0:
called_computation_lowered:
.L_overlay_start_0:
0x88: {  	s2 =	sld [smem:$0x3FD9]  }
0x89: {  	s3 =	sld [smem:$0x3FFE];
	_ =	sdelay $0x1  }
0x8a: {  	s1 =	srdreg.scid  }
0x8b: {  	s0 =	sand.u32 $0x1, s1  }
0x8c: {  	s16 =	sshll.u32 s0, $0xA;
	s2 =	sadd.s32 s3, s2  }
0x8d: {  	s2 =	sadd.s32 s2, s16  }
0x8e: {  	[smem:$0x3FBB] =	sst s2  }
0x8f: {  	_ = 	snop  }
0x90: {  	(tm) =	ssettm $0x1  }
0x91: {  	s17 =	sld [smem:$0x3FFB];
	_ =	sdelay $0x3  }
0x92: {  	_ =	strace s17  }
0x93: {  	s2 =	sld [smem:$0x3FFC];
	_ =	sdelay $0x3  }
0x94: {  	_ =	strace s2  }
0x95: {  	s2 =	sld [smem:$0x3FFD];
	_ =	sdelay $0x3  }
0x96: {  	_ =	strace s2  }
0x97: {  	_ =	strace $0x8FFFFFFF  }
0x98: {  	s18 =	sld [smem:$0x3FDB];
	_ =	sdelay $0x1  }
0x99: {  	s19 =	simm.s32 $_scs_section_size  }
0x9a: {  	s4 =	simm.s32 $_size__tile_overlayer_lowered;
	s5 =	simm.s32 $_tile_overlayer_lowered  }
0x9b: {  	s22 =	simm.s32 $0x1BFF;
	s21 =	sshll.u32 s5, $0x1;
	s2 =	sadd.s32 s19, s18  }
0x9c: {  	s6 =	simm.s32 $0x0;
	s20 =	sshll.u32 s4, $0x1;
	s4 =	sadd.s32 s21, s2  }
0x9d: {  	[timem:s6], [sflag:s22] =	dma.local [hbm:s4], s20  }
0x9e: {  	_ =	swait.ge [sflag:s22], s20  }
0x9f: {  	s3 =	ssub.s32 $0x0, s20;
	[sflag:s22] =	ssyncset.done $0x0  }
0xa0: {  	[sflag:s22] =	ssyncadd.s32 s3;
	_ =	sdelay $0x1  }
0xa1: {  	s23 =	simm.s32 $0x1B8B  }
0xa2: {  	_ =	swait.ge [sflag:s23], $0x1  }
0xa3: {  	[sflag:s23] =	ssyncset.done $0x0  }
0xa4: {  	s25 =	simm.s32 $0x1B8E;
	s24 =	sld [smem:$0x3FFE];
	[sflag:s23] =	ssyncadd.s32 $0xFFFFFFFF  }
0xa5: {  	s26 =	simm.s32 $execute0_lowered;
	[smem:$0x3FD2] =	sst s25  }
0xa6: {  	s4 =	sshll.u32 s26, $0x1;
	_ =	strace $0x80000046;
	[dreg:$0x1] =	wrdreg $0xFFFFFFFF  }
0xa7: {  	s28 =	simm.s32 $_size_execute0_lowered;
	s2 =	sadd.s32 s2, s4;
	[dreg:$0x0] =	wrdreg $0x0  }
0xa8: {  	s4 =	sshll.u32 s28, $0x1;
	[dreg:$0x2] =	wrdreg s2  }
0xa9: {  	[dreg:$0x3] =	wrdreg s4  }
0xaa: {  	[dreg:$0x4] =	wrdreg $0xC0  }
0xab: {  	_ =	task [dreg:s6], $0x5FFFF  }
0xac: {  	[dreg:$0x1] =	wrdreg $0xFFFFFFFF  }
0xad: {  	[dreg:$0x0] =	wrdreg $0x60  }
0xae: {  	[dreg:$0x2] =	wrdreg s24  }
0xaf: {  	[dreg:$0x3] =	wrdreg $0x89800  }
0xb0: {  	[dreg:$0x4] =	wrdreg $0x9  }
0xb1: {  	_ =	task.clear_ibuf [dreg:s6], $0x5FFFF;
	_ =	strace $0x90000046  }
0xb2: {  	s29 =	simm.s32 $0x9;
	_ =	strace $0x80000048  }
0xb3: {  	_ =	swait.ge [sflag:s29], $0x1  }
0xb4: {  	[sflag:s29] =	ssyncadd.s32 $0xFFFFFFFF  }
0xb5: {  	_ =	strace $0x90000048  }
0xb6: {  	_ =	sfence  }
0xb7: {  	s30 =	sld [smem:$0x0];
	_ =	sdelay $0x2  }
0xb8: {  	s31 =	sshll.u32 s1, $0xD;
	s1 =	sshrl.u32 s1, $0x2  }
0xb9: {  	s3 =	sand.u32 $0x4000, s31;
	s1 =	sadd.s32 s1, s30  }
0xba: {  	s0 =	sor.u32 s3, s0;
	s1 =	sshll.u32 s1, $0x11  }
0xbb: {  	s0 =	sor.u32 s1, s0  }
0xbc: {  	s0 =	sadd.s32 $0x8F2B, s0  }
0xbd: {  	[sflag:s0] =	ssyncadd.remote.s32 $0x1  }
0xbe: {  	_ =	sfence.sel $0xFFFF  }
0xbf: {  	[dreg:$0x0] =	wrdreg $0xFFFFFFFF;
	(pc) =	sbr.abs _section_cstart, $3  }
0xc0: {  	[dreg:$0x1] =	wrdreg $0xFFFFFFFF  }
0xc1: {  	_ =	task.clear_ibuf [dreg:s6], $0x2FFFF;
	_ =	strace $0x9FFFFFFF  }
0xc2: {  	(tm) =	ssettm $0x7FFFFFFF  }
0xc3: {  	_ =	shalt  }
tec
execute0_lowered:
.L_overlay_start_1:
0x0: {  	(tag) =	ssettag $0x1  }
0x1: {  	s0 =	rddreg [dreg:$0x0];
	s3 =	srdreg.scid  }
0x2: {  	s1 =	rddreg [dreg:$0x1];
	s8 =	sand.u32 $0x1, s3  }
0x3: {  	s2 =	simm.s32 $0x0;
	s3 =	stileid.u32;
	s15 =	smul.u32 $0x1388, s8  }
0x4: {  	[smem:$0x7FF] =	sst s2;
	s4 =	sadd.s32 $0x15E00, s0;
	s9 =	smul.u32 $0x28000, s3  }
0x5: {  	s5 =	sadd.s32 $0xC000, s0;
	s6 =	sadd.s32 $0x2200, s0;
	s10 =	smul.u32 $0x27000, s3  }
0x6: {  	s7 =	sadd.s32 $0x3D000, s0;
	s0 =	sadd.s32 $0x51F000, s0;
	s12 =	smul.u32 $0x138, s3  }
0x7: {  	_ =	strace $0x80000047;
	s11 =	ssub.s32 $0x2, s8;
	s14 =	smul.u32 $0x9C400, s8  }
0x8: {  	p0 =	sne.s32 s3, $0xF;
	s13 =	sshrl.u32 s11, $0x1;
	s9 =	sshrl.u32 s9, $0x2  }
0x9: {  	s11 =	ssub.s32 s11, s13;
	s12 =	sadd.s32 s12, s15;
	s10 =	sshrl.u32 s10, $0x2  }
0xa: {  	s13 =	sshrl.u32 s14, $0x3;
	v0 =	vmov s15;
	s15 =	simm.s32 $0x4180;
	s8 =	sadd.s32 s9, s1  }
0xb: {  	s9 =	sshll.u32 s12, $0x4;
	s10 =	sadd.s32 s10, s1;
	s14 =	smax.u32 s11, $0x1  }
0xc: {  	s11 =	simm.s32 $0x3;
	s9 =	sadd.s32 s0, s9;
	[dreg:$0x5] =	wrdreg s14  }
0xd: {  	s12 =	simm.s32 $0x80;
	s16 =	sadd.s32 $0x800, s8;
	[dreg:$0x3] =	wrdreg s9  }
0xe: {  	s0 =	sadd.s32 s0, s13;
	s17 =	sadd.s32 $0x1000, s8;
	[dreg:$0x6] =	wrdreg s16  }
0xf: {  	s18 =	sadd.s32 $0x1800, s8;
	s19 =	sadd.s32 $0x2000, s8;
	[dreg:$0x7] =	wrdreg s17  }
0x10: {  	s20 =	sadd.s32 $0x2800, s8;
	s21 =	sadd.s32 $0x3000, s8;
	[dreg:$0x8] =	wrdreg s18  }
0x11: {  	s22 =	sadd.s32 $0x3800, s8;
	s23 =	sadd.s32 $0x4000, s8;
	[dreg:$0x9] =	wrdreg s19  }
0x12: {  	s24 =	sadd.s32 $0x4800, s8;
	s25 =	sadd.s32 $0x5000, s8;
	[dreg:$0xa] =	wrdreg s20  }
0x13: {  	s26 =	sadd.s32 $0x5800, s8;
	s28 =	sadd.s32 $0x7000, s8;
	[dreg:$0xb] =	wrdreg s21  }
0x14: {  	s29 =	sadd.s32 $0x7800, s8;
	s30 =	sadd.s32 $0x8000, s8;
	[dreg:$0xc] =	wrdreg s22  }
0x15: {  	s31 =	sadd.s32 $0x8800, s8;
	s13 =	simm.s32 $0x180;
	[dreg:$0xd] =	wrdreg s23  }
0x16: {  	s14 =	simm.s32 $0x1;
	s9 =	sadd.s32 $0x9C000, s1;
	[dreg:$0xe] =	wrdreg s24  }
.Ltmp0:
0x17: {  	s0 =	sadd.s32 $0x13800, s0;
	[dreg:$0xf] =	wrdreg s25;
	(pc) =	sbr.rel .LBB2_1-.Ltmp0, $4  }
0x18: {  	[dreg:$0x10] =	wrdreg s26;
	s23 =	sshrl.u32 s10, $0x3;
	s25 =	sadd.s32 $0x6000, s8  }
0x19: {  	s26 =	sadd.s32 $0x6800, s8;
	s10 =	simm.s32 $0x8180;
	s16 =	simm.s32 $0x2  }
0x1a: {  	s17 =	simm.s32 $0x100;
	s22 =	simm.s32 $0x0;
	[dreg:$0x4] =	wrdreg s0  }
0x1b: {  	v1 =	vimm.f32 $0.0e+00;
	s24 =	sshrl.u32 @!p0 s9, $0x3;
	s0 =	sadd.s32 $0x9000, s8;
	s9 =	sadd.s32 $0x9800, s8  }
.LBB2_7:
0x1c: {  	s18 =	sshll.u32 s3, $0x6;
	[bflag:$0x0] =	sbarrier.arrive $0xFFFF  }
0x1d: {  	s18 =	sor.u32 $0x1C03, s18;
	s19 =	rddreg [dreg:$0x3]  }
0x1e: {  	[hbm:s19], [sflag:s18] =	dma.local [spmem:s23], $0x1380  }
0x1f: {  	_ =	swait.ge [sflag:s11], $0x1380  }
0x20: {  	[sflag:s11] =	ssyncset.done $0x0  }
0x21: {  	s19 =	rddreg [dreg:$0x4];
	[sflag:s11] =	ssyncadd.s32 $0xFFFFEC80  }
0x22: {  	[hbm:s19], [sflag:s18] =	dma.local @!p0 [spmem:s24], $0x80  }
0x23: {  	s18 =	simm.s32 @!p0 $0x3  }
0x24: {  	_ =	swait.ge @!p0 [sflag:s18], $0x80  }
0x25: {  	s2 =	sadd.s32 $0x1, s2;
	s21 =	rddreg [dreg:$0x5]  }
0x26: {  	p1 =	sne.s32 s2, s21  }
.Ltmp1:
0x27: {  	_ = 	snop;
	(pc) =	sbr.rel @!p1 .LBB2_8-.Ltmp1, $3  }
0x28: {  	_ =	sdelay $0x1  }
0x29: {  	[sflag:s18] =	ssyncset.done @!p0 $0x0  }
0x2a: {  	[sflag:s18] =	ssyncadd.s32 @!p0 $0xFFFFFF80  }
.LBB2_1:
0x2b: {  	[tilespmem:$0x8180] =	vst v1  }
0x2c: {  	[tilespmem:$0x8190] =	vst v1  }
0x2d: {  	[tilespmem:$0x81A0] =	vst v1  }
0x2e: {  	[tilespmem:$0x81B0] =	vst v1  }
0x2f: {  	[tilespmem:$0x81C0] =	vst v1  }
0x30: {  	[tilespmem:$0x81D0] =	vst v1  }
0x31: {  	[tilespmem:$0x81E0] =	vst v1  }
0x32: {  	[tilespmem:$0x81F0] =	vst v1  }
0x33: {  	[tilespmem:$0x8200] =	vst v1  }
0x34: {  	[tilespmem:$0x8210] =	vst v1  }
0x35: {  	[tilespmem:$0x8220] =	vst v1  }
0x36: {  	[tilespmem:$0x8230] =	vst v1  }
0x37: {  	[tilespmem:$0x8240] =	vst v1  }
0x38: {  	[tilespmem:$0x8250] =	vst v1  }
0x39: {  	[tilespmem:$0x8260] =	vst v1  }
0x3a: {  	[tilespmem:$0x8270] =	vst v1  }
0x3b: {  	[tilespmem:$0x8280] =	vst v1  }
0x3c: {  	[tilespmem:$0x8290] =	vst v1  }
0x3d: {  	[tilespmem:$0x82A0] =	vst v1  }
0x3e: {  	[tilespmem:$0x82B0] =	vst v1  }
0x3f: {  	[tilespmem:$0x82C0] =	vst v1  }
0x40: {  	[tilespmem:$0x82D0] =	vst v1  }
0x41: {  	[tilespmem:$0x82E0] =	vst v1  }
0x42: {  	[tilespmem:$0x82F0] =	vst v1  }
0x43: {  	[tilespmem:$0x8300] =	vst v1  }
0x44: {  	[tilespmem:$0x8310] =	vst v1  }
0x45: {  	[tilespmem:$0x8320] =	vst v1  }
0x46: {  	[tilespmem:$0x8330] =	vst v1  }
0x47: {  	[tilespmem:$0x8340] =	vst v1  }
0x48: {  	[tilespmem:$0x8350] =	vst v1  }
0x49: {  	[tilespmem:$0x8360] =	vst v1  }
0x4a: {  	[tilespmem:$0x8370] =	vst v1  }
0x4b: {  	[tilespmem:$0x8380] =	vst v1  }
0x4c: {  	[tilespmem:$0x8390] =	vst v1  }
0x4d: {  	[tilespmem:$0x83A0] =	vst v1  }
0x4e: {  	[tilespmem:$0x83B0] =	vst v1  }
0x4f: {  	[tilespmem:$0x83C0] =	vst v1  }
0x50: {  	[tilespmem:$0x83D0] =	vst v1  }
0x51: {  	[tilespmem:$0x83E0] =	vst v1  }
0x52: {  	[tilespmem:$0x83F0] =	vst v1  }
0x53: {  	[tilespmem:$0x8400] =	vst v1  }
0x54: {  	[tilespmem:$0x8410] =	vst v1  }
0x55: {  	[tilespmem:$0x8420] =	vst v1  }
0x56: {  	[tilespmem:$0x8430] =	vst v1  }
0x57: {  	[tilespmem:$0x8440] =	vst v1  }
0x58: {  	[tilespmem:$0x8450] =	vst v1  }
0x59: {  	[tilespmem:$0x8460] =	vst v1  }
0x5a: {  	[tilespmem:$0x8470] =	vst v1  }
0x5b: {  	[tilespmem:$0x8480] =	vst v1  }
0x5c: {  	[tilespmem:$0x8490] =	vst v1  }
0x5d: {  	[tilespmem:$0x84A0] =	vst v1  }
0x5e: {  	[tilespmem:$0x84B0] =	vst v1  }
0x5f: {  	[tilespmem:$0x84C0] =	vst v1  }
0x60: {  	[tilespmem:$0x84D0] =	vst v1  }
0x61: {  	[tilespmem:$0x84E0] =	vst v1  }
0x62: {  	[tilespmem:$0x84F0] =	vst v1  }
0x63: {  	[tilespmem:$0x8500] =	vst v1  }
0x64: {  	[tilespmem:$0x8510] =	vst v1  }
0x65: {  	[tilespmem:$0x8520] =	vst v1  }
0x66: {  	[tilespmem:$0x8530] =	vst v1  }
0x67: {  	[tilespmem:$0x8540] =	vst v1  }
0x68: {  	[tilespmem:$0x8550] =	vst v1  }
0x69: {  	[tilespmem:$0x8560] =	vst v1  }
0x6a: {  	[tilespmem:$0x8570] =	vst v1  }
0x6b: {  	[tilespmem:$0x8580] =	vst v1  }
0x6c: {  	[tilespmem:$0x8590] =	vst v1  }
0x6d: {  	[tilespmem:$0x85A0] =	vst v1  }
0x6e: {  	[tilespmem:$0x85B0] =	vst v1  }
0x6f: {  	[tilespmem:$0x85C0] =	vst v1  }
0x70: {  	[tilespmem:$0x85D0] =	vst v1  }
0x71: {  	[tilespmem:$0x85E0] =	vst v1  }
0x72: {  	[tilespmem:$0x85F0] =	vst v1  }
0x73: {  	[tilespmem:$0x8600] =	vst v1  }
0x74: {  	[tilespmem:$0x8610] =	vst v1  }
0x75: {  	[tilespmem:$0x8620] =	vst v1  }
0x76: {  	[tilespmem:$0x8630] =	vst v1  }
0x77: {  	[tilespmem:$0x8640] =	vst v1  }
0x78: {  	[tilespmem:$0x8650] =	vst v1  }
0x79: {  	[tilespmem:$0x8660] =	vst v1  }
0x7a: {  	[tilespmem:$0x8670] =	vst v1  }
0x7b: {  	[tilespmem:$0x8680] =	vst v1  }
0x7c: {  	[tilespmem:$0x8690] =	vst v1  }
0x7d: {  	[tilespmem:$0x86A0] =	vst v1  }
0x7e: {  	[tilespmem:$0x86B0] =	vst v1  }
0x7f: {  	[tilespmem:$0x86C0] =	vst v1  }
0x80: {  	[tilespmem:$0x86D0] =	vst v1  }
0x81: {  	[tilespmem:$0x86E0] =	vst v1  }
0x82: {  	[tilespmem:$0x86F0] =	vst v1  }
0x83: {  	[tilespmem:$0x8700] =	vst v1  }
0x84: {  	[tilespmem:$0x8710] =	vst v1  }
0x85: {  	[tilespmem:$0x8720] =	vst v1  }
0x86: {  	[tilespmem:$0x8730] =	vst v1  }
0x87: {  	[tilespmem:$0x8740] =	vst v1  }
0x88: {  	[tilespmem:$0x8750] =	vst v1  }
0x89: {  	[tilespmem:$0x8760] =	vst v1  }
0x8a: {  	[tilespmem:$0x8770] =	vst v1  }
0x8b: {  	[tilespmem:$0x8780] =	vst v1  }
0x8c: {  	[tilespmem:$0x8790] =	vst v1  }
0x8d: {  	[tilespmem:$0x87A0] =	vst v1  }
0x8e: {  	[tilespmem:$0x87B0] =	vst v1  }
0x8f: {  	[tilespmem:$0x87C0] =	vst v1  }
0x90: {  	[tilespmem:$0x87D0] =	vst v1  }
0x91: {  	[tilespmem:$0x87E0] =	vst v1  }
0x92: {  	[tilespmem:$0x87F0] =	vst v1  }
0x93: {  	[tilespmem:$0x8800] =	vst v1  }
0x94: {  	[tilespmem:$0x8810] =	vst v1  }
0x95: {  	[tilespmem:$0x8820] =	vst v1  }
0x96: {  	[tilespmem:$0x8830] =	vst v1  }
0x97: {  	[tilespmem:$0x8840] =	vst v1  }
0x98: {  	[tilespmem:$0x8850] =	vst v1  }
0x99: {  	[tilespmem:$0x8860] =	vst v1  }
0x9a: {  	[tilespmem:$0x8870] =	vst v1  }
0x9b: {  	[tilespmem:$0x8880] =	vst v1  }
0x9c: {  	[tilespmem:$0x8890] =	vst v1  }
0x9d: {  	[tilespmem:$0x88A0] =	vst v1  }
0x9e: {  	[tilespmem:$0x88B0] =	vst v1  }
0x9f: {  	[tilespmem:$0x88C0] =	vst v1  }
0xa0: {  	[tilespmem:$0x88D0] =	vst v1  }
0xa1: {  	[tilespmem:$0x88E0] =	vst v1  }
0xa2: {  	[tilespmem:$0x88F0] =	vst v1  }
0xa3: {  	[tilespmem:$0x8900] =	vst v1  }
0xa4: {  	[tilespmem:$0x8910] =	vst v1  }
0xa5: {  	[tilespmem:$0x8920] =	vst v1  }
0xa6: {  	[tilespmem:$0x8930] =	vst v1  }
0xa7: {  	[tilespmem:$0x8940] =	vst v1  }
0xa8: {  	[tilespmem:$0x8950] =	vst v1  }
0xa9: {  	[tilespmem:$0x8960] =	vst v1  }
0xaa: {  	[tilespmem:$0x8970] =	vst v1  }
0xab: {  	[spmem:s8] =	stream.linear.scatter [tilespmem:s10], [sflag:$0x3], $0x800, $0x38;
	[tilespmem:$0x129C0] =	vst v63  }
0xac: {  	_ =	swait.ge [sflag:s11], $0x800  }
0xad: {  	[sflag:s11] =	ssyncset.done $0x0  }
0xae: {  	s18 =	rddreg [dreg:$0x6];
	[sflag:s11] =	ssyncadd.s32 $0xFFFFF800  }
0xaf: {  	[spmem:s18] =	stream.linear.scatter [tilespmem:s10], [sflag:$0x3], $0x800, $0x38;
	[tilespmem:$0x129C0] =	vst v63  }
0xb0: {  	_ =	swait.ge [sflag:s11], $0x800  }
0xb1: {  	[sflag:s11] =	ssyncset.done $0x0  }
0xb2: {  	s21 =	rddreg [dreg:$0x7];
	[sflag:s11] =	ssyncadd.s32 $0xFFFFF800  }
0xb3: {  	[spmem:s21] =	stream.linear.scatter [tilespmem:s10], [sflag:$0x3], $0x800, $0x38;
	[tilespmem:$0x129C0] =	vst v63  }
0xb4: {  	_ =	swait.ge [sflag:s11], $0x800  }
0xb5: {  	[sflag:s11] =	ssyncset.done $0x0  }
0xb6: {  	s19 =	rddreg [dreg:$0x8];
	[sflag:s11] =	ssyncadd.s32 $0xFFFFF800  }
0xb7: {  	[spmem:s19] =	stream.linear.scatter [tilespmem:s10], [sflag:$0x3], $0x800, $0x38;
	[tilespmem:$0x129C0] =	vst v63  }
0xb8: {  	_ =	swait.ge [sflag:s11], $0x800  }
0xb9: {  	[sflag:s11] =	ssyncset.done $0x0  }
0xba: {  	s20 =	rddreg [dreg:$0x9];
	[sflag:s11] =	ssyncadd.s32 $0xFFFFF800  }
0xbb: {  	[spmem:s20] =	stream.linear.scatter [tilespmem:s10], [sflag:$0x3], $0x800, $0x38;
	[tilespmem:$0x129C0] =	vst v63  }
0xbc: {  	_ =	swait.ge [sflag:s11], $0x800  }
0xbd: {  	[sflag:s11] =	ssyncset.done $0x0  }
0xbe: {  	s21 =	rddreg [dreg:$0xa];
	[sflag:s11] =	ssyncadd.s32 $0xFFFFF800  }
0xbf: {  	[spmem:s21] =	stream.linear.scatter [tilespmem:s10], [sflag:$0x3], $0x800, $0x38;
	[tilespmem:$0x129C0] =	vst v63  }
0xc0: {  	_ =	swait.ge [sflag:s11], $0x800  }
0xc1: {  	[sflag:s11] =	ssyncset.done $0x0  }
0xc2: {  	s19 =	rddreg [dreg:$0xb];
	[sflag:s11] =	ssyncadd.s32 $0xFFFFF800  }
0xc3: {  	[spmem:s19] =	stream.linear.scatter [tilespmem:s10], [sflag:$0x3], $0x800, $0x38;
	[tilespmem:$0x129C0] =	vst v63  }
0xc4: {  	_ =	swait.ge [sflag:s11], $0x800  }
0xc5: {  	[sflag:s11] =	ssyncset.done $0x0  }
0xc6: {  	s20 =	rddreg [dreg:$0xc];
	[sflag:s11] =	ssyncadd.s32 $0xFFFFF800  }
0xc7: {  	[spmem:s20] =	stream.linear.scatter [tilespmem:s10], [sflag:$0x3], $0x800, $0x38;
	[tilespmem:$0x129C0] =	vst v63  }
0xc8: {  	_ =	swait.ge [sflag:s11], $0x800  }
0xc9: {  	[sflag:s11] =	ssyncset.done $0x0  }
0xca: {  	s21 =	rddreg [dreg:$0xd];
	[sflag:s11] =	ssyncadd.s32 $0xFFFFF800  }
0xcb: {  	[spmem:s21] =	stream.linear.scatter [tilespmem:s10], [sflag:$0x3], $0x800, $0x38;
	[tilespmem:$0x129C0] =	vst v63  }
0xcc: {  	_ =	swait.ge [sflag:s11], $0x800  }
0xcd: {  	[sflag:s11] =	ssyncset.done $0x0  }
0xce: {  	s19 =	rddreg [dreg:$0xe];
	[sflag:s11] =	ssyncadd.s32 $0xFFFFF800  }
0xcf: {  	[spmem:s19] =	stream.linear.scatter [tilespmem:s10], [sflag:$0x3], $0x800, $0x38;
	[tilespmem:$0x129C0] =	vst v63  }
0xd0: {  	_ =	swait.ge [sflag:s11], $0x800  }
0xd1: {  	[sflag:s11] =	ssyncset.done $0x0  }
0xd2: {  	s20 =	rddreg [dreg:$0xf];
	[sflag:s11] =	ssyncadd.s32 $0xFFFFF800  }
0xd3: {  	[spmem:s20] =	stream.linear.scatter [tilespmem:s10], [sflag:$0x3], $0x800, $0x38;
	[tilespmem:$0x129C0] =	vst v63  }
0xd4: {  	_ =	swait.ge [sflag:s11], $0x800  }
0xd5: {  	[sflag:s11] =	ssyncset.done $0x0  }
0xd6: {  	s21 =	rddreg [dreg:$0x10];
	[sflag:s11] =	ssyncadd.s32 $0xFFFFF800  }
0xd7: {  	[spmem:s21] =	stream.linear.scatter [tilespmem:s10], [sflag:$0x3], $0x800, $0x38;
	[tilespmem:$0x129C0] =	vst v63  }
0xd8: {  	_ =	swait.ge [sflag:s11], $0x800  }
0xd9: {  	[sflag:s11] =	ssyncset.done $0x0  }
0xda: {  	[sflag:s11] =	ssyncadd.s32 $0xFFFFF800  }
0xdb: {  	[spmem:s25] =	stream.linear.scatter [tilespmem:s10], [sflag:$0x3], $0x800, $0x38;
	[tilespmem:$0x129C0] =	vst v63  }
0xdc: {  	_ =	swait.ge [sflag:s11], $0x800  }
0xdd: {  	[sflag:s11] =	ssyncset.done $0x0  }
0xde: {  	[sflag:s11] =	ssyncadd.s32 $0xFFFFF800  }
0xdf: {  	[spmem:s26] =	stream.linear.scatter [tilespmem:s10], [sflag:$0x3], $0x800, $0x38;
	[tilespmem:$0x129C0] =	vst v63  }
0xe0: {  	_ =	swait.ge [sflag:s11], $0x800  }
0xe1: {  	[sflag:s11] =	ssyncset.done $0x0  }
0xe2: {  	[sflag:s11] =	ssyncadd.s32 $0xFFFFF800  }
0xe3: {  	[spmem:s28] =	stream.linear.scatter [tilespmem:s10], [sflag:$0x3], $0x800, $0x38;
	[tilespmem:$0x129C0] =	vst v63  }
0xe4: {  	_ =	swait.ge [sflag:s11], $0x800  }
0xe5: {  	[sflag:s11] =	ssyncset.done $0x0  }
0xe6: {  	[sflag:s11] =	ssyncadd.s32 $0xFFFFF800  }
0xe7: {  	[spmem:s29] =	stream.linear.scatter [tilespmem:s10], [sflag:$0x3], $0x800, $0x38;
	[tilespmem:$0x129C0] =	vst v63  }
0xe8: {  	_ =	swait.ge [sflag:s11], $0x800  }
0xe9: {  	[sflag:s11] =	ssyncset.done $0x0  }
0xea: {  	[sflag:s11] =	ssyncadd.s32 $0xFFFFF800  }
0xeb: {  	[spmem:s30] =	stream.linear.scatter [tilespmem:s10], [sflag:$0x3], $0x800, $0x38;
	[tilespmem:$0x129C0] =	vst v63  }
0xec: {  	_ =	swait.ge [sflag:s11], $0x800  }
0xed: {  	[sflag:s11] =	ssyncset.done $0x0  }
0xee: {  	[sflag:s11] =	ssyncadd.s32 $0xFFFFF800  }
0xef: {  	[spmem:s31] =	stream.linear.scatter [tilespmem:s10], [sflag:$0x3], $0x800, $0x38;
	[tilespmem:$0x129C0] =	vst v63  }
0xf0: {  	_ =	swait.ge [sflag:s11], $0x800  }
0xf1: {  	[sflag:s11] =	ssyncset.done $0x0  }
0xf2: {  	[sflag:s11] =	ssyncadd.s32 $0xFFFFF800  }
0xf3: {  	[spmem:s0] =	stream.linear.scatter [tilespmem:s10], [sflag:$0x3], $0x800, $0x38;
	[tilespmem:$0x129C0] =	vst v63  }
0xf4: {  	_ =	swait.ge [sflag:s11], $0x800  }
0xf5: {  	[sflag:s11] =	ssyncset.done $0x0  }
0xf6: {  	[sflag:s11] =	ssyncadd.s32 $0xFFFFF800  }
0xf7: {  	[spmem:s9] =	stream.linear.scatter [tilespmem:s10], [sflag:$0x3], $0x800, $0x38;
	[tilespmem:$0x129C0] =	vst v63  }
.Ltmp2:
0xf8: {  	_ =	swait.ge [sflag:s11], $0x800;
	(pc) =	sbr.rel .LBB2_2-.Ltmp2, $4  }
0xf9: {  	[sflag:s11] =	ssyncset.done $0x0  }
0xfa: {  	[sflag:s11] =	ssyncadd.s32 $0xFFFFF800  }
0xfb: {  	[bflag:$0x0] =	sbarrier.arrive $0xFFFF  }
0xfc: {  	s18 =	simm.s32 $0x0  }
.LBB2_6:
0xfd: {  	s18 =	sadd.s32 $0x1, s18  }
0xfe: {  	p1 =	sne.s32 s18, $0x9D  }
.Ltmp3:
0xff: {  	_ = 	snop;
	(pc) =	sbr.rel @!p1 .LBB2_7-.Ltmp3, $1  }
0x100: {  	_ =	sdelay $0x3  }
.LBB2_2:
0x101: {  	s19 =	sshll.u32 s18, $0x4  }
0x102: {  	s19 =	sor.u32 s3, s19  }
0x103: {  	p1 =	sgt.u32 s19, $0x9C3  }
.Ltmp4:
0x104: {  	_ = 	snop;
	(pc) =	sbr.rel @p1 .LBB2_6-.Ltmp4, $1  }
0x105: {  	_ =	sdelay $0x3  }
0x106: {  	s20 =	sshll.u32 s19, $0x4  }
0x107: {  	s21 =	sadd.s32 s5, s20  }
0x108: {  	[tilespmem:s22], [sflag:$0x1] =	stream.linear.gather [hbm4b:s21+s22], $0x80, $0x38;
	[tilespmem:$0x129C0] =	vst v63  }
0x109: {  	s20 =	sadd.s32 s6, s20;
	s21 =	sshll.u32 s19, $0xB  }
0x10a: {  	[tilespmem:s12], [sflag:$0x1] =	stream.linear.gather [hbm4b:s20+s22], $0x80, $0x38;
	[tilespmem:$0x129C0] =	vst v63  }
0x10b: {  	s19 =	sadd.s32 s7, s21  }
0x10c: {  	[tilespmem:s13], [sflag:$0x1] =	stream.linear.gather [hbm4b:s19+s22], $0x4000, $0x38;
	[tilespmem:$0x129C0] =	vst v63  }
0x10d: {  	_ =	swait.ge [sflag:s14], $0x80  }
0x10e: {  	[sflag:s14] =	ssyncset.done $0x0  }
0x10f: {  	[sflag:s14] =	ssyncadd.s32 $0xFFFFFF80  }
0x110: {  	[tilespmem:s15], [sflag:$0x2] =	stream.indirect.gather [hbm4b:s4+s12], $0x80, s22, s12, $0xb8;
	[tilespmem:$0x129C0] =	vst v63  }
0x111: {  	_ =	swait.ge [sflag:s14], $0x80  }
0x112: {  	[sflag:s14] =	ssyncset.done $0x0  }
0x113: {  	[sflag:s14] =	ssyncadd.s32 $0xFFFFFF80  }
0x114: {  	_ =	swait.ge [sflag:s14], $0x4000  }
0x115: {  	[sflag:s14] =	ssyncset.done $0x0  }
0x116: {  	[sflag:s14] =	ssyncadd.s32 $0xFFFFC000  }
0x117: {  	v2 =	vld [tilespmem:$0x80]  }
0x118: {  	v3 =	vld [tilespmem:$0x90]  }
0x119: {  	v4 =	vld [tilespmem:$0xA0]  }
0x11a: {  	v5 =	vld [tilespmem:$0xB0]  }
0x11b: {  	v6 =	vld [tilespmem:$0xC0]  }
0x11c: {  	v7 =	vld [tilespmem:$0xD0];
	v2 =	vsub.s32 v2, v0  }
0x11d: {  	v8 =	vld [tilespmem:$0xE0];
	v3 =	vsub.s32 v3, v0;
	vm0 =	vlt.u32 v2, $0x1388  }
0x11e: {  	v9 =	vld [tilespmem:$0xF0];
	v4 =	vsub.s32 v4, v0;
	vm9 =	vlt.u32 v3, $0x1388;
	v2 =	vnsel vm0, $0x1400, v2  }
0x11f: {  	vm10 =	vlt.u32 v4, $0x1388;
	[tilespmem:$0x100] =	vst v2;
	v2 =	vnsel vm9, $0x1400, v3;
	v3 =	vsub.s32 v5, v0  }
0x120: {  	[tilespmem:$0x110] =	vst v2;
	v2 =	vnsel vm10, $0x1400, v4;
	vm11 =	vlt.u32 v3, $0x1388;
	v4 =	vsub.s32 v6, v0  }
0x121: {  	[tilespmem:$0x120] =	vst v2;
	v2 =	vnsel vm11, $0x1400, v3;
	vm12 =	vlt.u32 v4, $0x1388;
	v3 =	vsub.s32 v7, v0  }
0x122: {  	[tilespmem:$0x130] =	vst v2;
	v2 =	vnsel vm12, $0x1400, v4;
	vm13 =	vlt.u32 v3, $0x1388;
	v4 =	vsub.s32 v8, v0  }
0x123: {  	[tilespmem:$0x140] =	vst v2;
	v2 =	vnsel vm13, $0x1400, v3;
	vm14 =	vlt.u32 v4, $0x1388;
	v3 =	vsub.s32 v9, v0  }
0x124: {  	[tilespmem:$0x150] =	vst v2;
	v2 =	vnsel vm14, $0x1400, v4;
	vm15 =	vlt.u32 v3, $0x1388  }
0x125: {  	[tilespmem:$0x160] =	vst v2;
	v2 =	vnsel vm15, $0x1400, v3  }
0x126: {  	[tilespmem:$0x170] =	vst v2  }
0x127: {  	_ =	swait.ge [sflag:s16], $0x4000  }
0x128: {  	[sflag:s16] =	ssyncset.done $0x0  }
0x129: {  	s19 =	simm.s32 $0x0;
	[sflag:s16] =	ssyncadd.s32 $0xFFFFC000  }
0x12a: {  	v2 =	vld [tilespmem:s19+$0x180]  }
0x12b: {  	v6 =	vld [tilespmem:s19+$0x4180]  }
0x12c: {  	v8 =	vld [tilespmem:s19+$0x4190]  }
0x12d: {  	v7 =	vld [tilespmem:s19+$0x41A0]  }
0x12e: {  	v5 =	vld [tilespmem:s19+$0x41B0]  }
0x12f: {  	v3 =	vld [tilespmem:s19+$0x41C0]  }
0x130: {  	v4 =	vld [tilespmem:s19+$0x41D0];
	v9 =	vmul.f32 v6, v2  }
0x131: {  	s20 =	simm.s32 $0x200;
	v8 =	vmul.f32 v8, v2;
	v6 =	vld [tilespmem:s19+$0x41E0]  }
.LBB2_4:
0x132: {  	s21 =	sshra.s32 s20, $0x2;
	p1 =	sne.s32 s20, $0xFE00;
	[tilespmem:s19+$0x4180] =	vst v9;
	v7 =	vmul.f32 v7, v2;
	v9 =	vld [tilespmem:s19+$0x41F0]  }
0x133: {  	v10 =	vld [tilespmem:s21+$0x180];
	[tilespmem:s19+$0x4190] =	vst v8;
	v5 =	vmul.f32 v5, v2  }
0x134: {  	v8 =	vld [tilespmem:s21+$0x4180];
	[tilespmem:s19+$0x41A0] =	vst v7;
	v3 =	vmul.f32 v3, v2  }
0x135: {  	v11 =	vld [tilespmem:s21+$0x4190];
	[tilespmem:s19+$0x41B0] =	vst v5;
	v4 =	vmul.f32 v4, v2  }
.Ltmp5:
0x136: {  	v7 =	vld [tilespmem:s21+$0x41A0];
	[tilespmem:s19+$0x41C0] =	vst v3;
	v6 =	vmul.f32 v6, v2;
	(pc) =	sbr.rel @p1 .LBB2_4-.Ltmp5, $4  }
0x137: {  	v5 =	vld [tilespmem:s21+$0x41B0];
	[tilespmem:s19+$0x41D0] =	vst v4;
	v12 =	vmul.f32 v9, v2  }
0x138: {  	v3 =	vld [tilespmem:s21+$0x41C0];
	[tilespmem:s19+$0x41E0] =	vst v6;
	v2 =	vmov v10  }
0x139: {  	v9 =	vmul.f32 v8, v2;
	v4 =	vld [tilespmem:s21+$0x41D0];
	[tilespmem:s19+$0x41F0] =	vst v12;
	s19 =	smov.u32 s21  }
0x13a: {  	s20 =	sadd.s32 $0x200, s20;
	v8 =	vmul.f32 v11, v2;
	v6 =	vld [tilespmem:s19+$0x41E0]  }
0x13b: {  	[tilespmem:s19+$0x4180] =	vst v9;
	v7 =	vmul.f32 v7, v2;
	v63 =	vld [tilespmem:s19+$0x41F0]  }
0x13c: {  	[tilespmem:s19+$0x4190] =	vst v8;
	v5 =	vmul.f32 v5, v2  }
0x13d: {  	[tilespmem:s19+$0x41A0] =	vst v7;
	v3 =	vmul.f32 v3, v2  }
0x13e: {  	[tilespmem:s19+$0x41B0] =	vst v5;
	v4 =	vmul.f32 v4, v2  }
0x13f: {  	[tilespmem:s19+$0x41C0] =	vst v3;
	v3 =	vmul.f32 v6, v2  }
0x140: {  	[tilespmem:s19+$0x41D0] =	vst v4;
	v2 =	vmul.f32 v63, v2  }
0x141: {  	[tilespmem:s19+$0x41E0] =	vst v3  }
.Ltmp6:
0x142: {  	[tilespmem:s19+$0x41F0] =	vst v2;
	(pc) =	sbr.rel .LBB2_6-.Ltmp6, $4  }
0x143: {  	[spmem:s1] =	stream.indirect.scatter.add.f32 [tilespmem:s15], [sflag:$0x3], $0x80, s17, s12, $0xb8;
	[tilespmem:$0x129C0] =	vst v63  }
0x144: {  	_ =	swait.ge [sflag:s11], $0x4000  }
0x145: {  	[sflag:s11] =	ssyncset.done $0x0  }
0x146: {  	[sflag:s11] =	ssyncadd.s32 $0xFFFFC000  }
.LBB2_8:
0x147: {  	_ =	sfence.sel $0x180000  }
0x148: {  	[bflag:$0x0] =	sbarrier.arrive $0xFFFF  }
0x149: {  	_ =	strace $0x90000047  }
0x14a: {  	[bflag:$0x2] =	sbarrier.arrive $0xFFFF  }
0x14b: {  	p0 =	sne.s32 s3, $0x0;
	s0 =	rddreg [dreg:$0x2]  }
0x14c: {  	s0 =	sadd.s32 @!p0 $0x100000, s0  }
0x14d: {  	[sflag:s0] =	ssyncadd.tile.s32 @!p0 $0x1;
	_ =	shalt  }
.Lfunc_end2:
_tile_overlayer_lowered:
.L_overlay_start_2:
0x14e: {  	(tag) =	ssettag $0x2  }
0x14f: {  	s0 =	rddreg [dreg:$0x0];
	s2 =	stileid.u32  }
0x150: {  	s1 =	rddreg [dreg:$0x1];
	p0 =	sne.s32 s2, $0x0  }
0x151: {  	s3 =	rddreg [dreg:$0x2];
	[bflag:$0x3] =	sbarrier.arrive $0xFFFF;
	s2 =	simm.s32 @!p0 $0x1C03  }
0x152: {  	[timem:s3], [sflag:s2] =	dma.local @!p0 [hbm:s0], s1  }
0x153: {  	s0 =	simm.s32 @!p0 $0x3  }
0x154: {  	_ =	swait.ge @!p0 [sflag:s0], s1  }
0x155: {  	s1 =	ssub.s32 @!p0 $0x0, s1;
	[sflag:s0] =	ssyncset.done @!p0 $0x0  }
0x156: {  	[sflag:s0] =	ssyncadd.s32 @!p0 s1  }
0x157: {  	[bflag:$0x3] =	sbarrier.arrive $0xFFFF  }
0x158: {  	_ =	shalt  }

</sc_bundles>
